<compile_context>
chip_gen: v7x
topology: tpu7x:2x2x1
jax: 0.10.2.dev20260603
libtpu: 0.0.44.dev20260713+nightly
codegen_flags: <defaults>
</compile_context>

<pallas_src>
import functools

import jax
import jax.numpy as jnp
from jax import lax
from jax.experimental import pallas as pl
from jax.experimental.pallas import tpu as pltpu
from jax.experimental.pallas import tpu_sc as plsc

B = 32
C = 4
N = 24
L = 8
LAT = 48
LON = 96
NE = LAT * LON
HID = 128
OUT_LEN = 24
NC = 2
NS = 16
NW = NC * NS
KV = NE // 16


def _sc_argmin_body(clat_hbm, clon_hbm, csta_hbm,
                    j_out, dlat_out, dlon_out,
                    clat_v, clon_v, csta_v, jv, latv, lonv):
    wid = lax.axis_index("s") * NC + lax.axis_index("c")

    @pl.when(wid < N)
    def _():
        pltpu.sync_copy(clat_hbm, clat_v)
        pltpu.sync_copy(clon_hbm, clon_v)
        pltpu.sync_copy(csta_hbm, csta_v)
        slat = plsc.load_gather(
            csta_v, [jnp.full((16,), 2 * wid, jnp.int32)])
        slon = plsc.load_gather(
            csta_v, [jnp.full((16,), 2 * wid + 1, jnp.int32)])

        def body(k, carry):
            best, bidx = carry
            for u in range(4):
                off = k * 64 + u * 16
                cl = clat_v[pl.ds(off, 16)]
                cn = clon_v[pl.ds(off, 16)]
                dl = cl - slat
                dn = cn - slon
                d = dl * dl + dn * dn
                idx = lax.iota(jnp.int32, 16) + off
                upd = d < best
                best = jnp.where(upd, d, best)
                bidx = jnp.where(upd, idx, bidx)
            return best, bidx

        best, bidx = lax.fori_loop(
            0, KV // 4, body,
            (jnp.full((16,), 1e30, jnp.float32),
             jnp.zeros((16,), jnp.int32)))
        m = jnp.min(best)
        jm = jnp.min(jnp.where(best == m, bidx, jnp.int32(1 << 30)))
        jsplat = jnp.full((16,), jm, jnp.int32)
        jv[...] = jsplat
        latv[...] = plsc.load_gather(clat_v, [jsplat]) - slat
        lonv[...] = plsc.load_gather(clon_v, [jsplat]) - slon
        pltpu.sync_copy(jv, j_out.at[pl.ds(wid * 16, 16)])
        pltpu.sync_copy(latv, dlat_out.at[pl.ds(wid * 16, 16)])
        pltpu.sync_copy(lonv, dlon_out.at[pl.ds(wid * 16, 16)])


def _make_sc_argmin():
    return functools.partial(
        pl.kernel,
        out_type=(jax.ShapeDtypeStruct((NW * 16,), jnp.int32),
                  jax.ShapeDtypeStruct((NW * 16,), jnp.float32),
                  jax.ShapeDtypeStruct((NW * 16,), jnp.float32)),
        mesh=plsc.VectorSubcoreMesh(
            core_axis_name="c", subcore_axis_name="s",
            num_cores=NC, num_subcores=NS),
        compiler_params=pltpu.CompilerParams(needs_layout_passes=False),
        scratch_types=[
            pltpu.VMEM((NE,), jnp.float32),
            pltpu.VMEM((NE,), jnp.float32),
            pltpu.VMEM((2 * N,), jnp.float32),
            pltpu.VMEM((16,), jnp.int32),
            pltpu.VMEM((16,), jnp.float32),
            pltpu.VMEM((16,), jnp.float32),
        ])(_sc_argmin_body)


def _mlp_body(era_hbm, pan_hbm, j_smem, dlat_smem, dlon_smem, csta_smem,
              obs_r,
              eW1_r, eb1_r, eW2_r, eb2_r,
              m1W1_r, m1b1_r, m1W2_r, m1b2_r, u1W1_r, u1b1_r, u1W2_r, u1b2_r,
              m2W1_r, m2b1_r, m2W2_r, m2b2_r, u2W1_r, u2b1_r, u2W2_r, u2b2_r,
              oW1_r, ob1_r, oW2t_r, ob2_r,
              out_ref, era_sc, pan_sc, sem):
    mm = lambda a, b: jnp.dot(a, b, preferred_element_type=jnp.float32)

    cps = []
    lons = []
    for n in range(N):
        j = j_smem[n * 16]
        lat = j // LON
        lons.append(j - lat * LON)
        cps.append(pltpu.async_copy(
            era_hbm.at[:, :, lat], era_sc.at[:, :, n], sem))
        cps.append(pltpu.async_copy(
            pan_hbm.at[:, :, lat], pan_sc.at[:, :, n], sem))

    def col24(vals, dtype):
        return jnp.concatenate(
            [jnp.full((1, 1), v, dtype) for v in vals], axis=0)

    def tile24(p):
        return jnp.broadcast_to(p[None], (B, N, HID)).reshape(B * N, HID)

    def row_of(W, r):
        oh = (lax.broadcasted_iota(jnp.int32, (1, W.shape[0]), 1)
              == r).astype(jnp.float32)
        return mm(oh, W)

    def psel(blk, cc):
        t = lax.broadcasted_iota(jnp.int32, (L, C * L), 0)
        r = lax.broadcasted_iota(jnp.int32, (L, C * L), 1)
        oh = (r == t * C + cc).astype(jnp.float32)
        return mm(oh, blk)

    clat = col24([csta_smem[n, 0] for n in range(N)], jnp.float32)
    clon = col24([csta_smem[n, 1] for n in range(N)], jnp.float32)
    dlat = col24([dlat_smem[n * 16] for n in range(N)], jnp.float32)
    dlon = col24([dlon_smem[n * 16] for n in range(N)], jnp.float32)

    obs4 = jnp.transpose(obs_r[...], (0, 1, 3, 2))
    obs = [obs4[:, cc].reshape(B * N, L) for cc in range(C)]

    eW1 = eW1_r[...]
    eblk = eW1[0:C * L]
    acc = mm(obs[0], psel(eblk, 0))
    for cc in range(1, C):
        acc = acc + mm(obs[cc], psel(eblk, cc))
    p_emb = clon * row_of(eW1, C * L) + clat * row_of(eW1, C * L + 1)
    x = jnp.tanh(acc + tile24(p_emb) + eb1_r[...].reshape(1, -1))
    x = jnp.tanh(mm(x, eW2_r[...]) + eb2_r[...].reshape(1, -1))

    for cp in cps:
        cp.wait()
    lonrow = jnp.concatenate(
        [jnp.full((1, 1), lo, jnp.int32) for lo in lons], axis=1)
    I24r = jnp.broadcast_to(
        (lax.broadcasted_iota(jnp.int32, (N, N), 0)
         == lax.broadcasted_iota(jnp.int32, (N, N), 1)
         ).astype(jnp.float32)[None, :, None, :],
        (B, N, 1, N)).reshape(B * N, 1, N)

    def pick(sc_ref, width, cc):
        ohT = (lax.broadcasted_iota(jnp.int32, (width, N), 0)
               == lonrow).astype(jnp.float32)
        g = mm(sc_ref[:, cc].reshape(B * N * L, width), ohT)
        return jnp.sum(g.reshape(B * N, L, N) * I24r, axis=-1)

    era = [pick(era_sc, LON + 1, cc) for cc in range(C)]
    pan = [pick(pan_sc, LON, cc) for cc in range(C)]

    for (mW1_r, mb1_r, mW2_r, mb2_r, uW1_r, ub1_r, uW2_r, ub2_r) in (
            (m1W1_r, m1b1_r, m1W2_r, m1b2_r, u1W1_r, u1b1_r, u1W2_r, u1b2_r),
            (m2W1_r, m2b1_r, m2W2_r, m2b2_r, u2W1_r, u2b1_r, u2W2_r, u2b2_r)):
        mW1 = mW1_r[...]
        eb = mW1[HID:HID + C * L]
        pb = mW1[HID + C * L:HID + 2 * C * L]
        acc = mm(x, mW1[0:HID])
        for cc in range(C):
            acc = acc + mm(era[cc], psel(eb, cc))
            acc = acc + mm(pan[cc], psel(pb, cc))
        p_pos = (dlon * row_of(mW1, HID + 2 * C * L)
                 + dlat * row_of(mW1, HID + 2 * C * L + 1))
        h = jnp.tanh(acc + tile24(p_pos) + mb1_r[...].reshape(1, -1))
        h = jnp.tanh(mm(h, mW2_r[...]) + mb2_r[...].reshape(1, -1))
        uW1 = uW1_r[...]
        o = jnp.tanh(mm(x, uW1[0:HID]) + mm(h, uW1[HID:2 * HID])
                     + ub1_r[...].reshape(1, -1))
        x = mm(o, uW2_r[...]) + ub2_r[...].reshape(1, -1)

    y = jnp.tanh(mm(x, oW1_r[...]) + ob1_r[...].reshape(1, -1))
    out = lax.dot_general(
        y, oW2t_r[...], (((1,), (1,)), ((), ())),
        preferred_element_type=jnp.float32) + ob2_r[...].reshape(1, -1)
    out_ref[...] = out.reshape(B, 1, N, OUT_LEN)


def kernel(obs_his, era_his, pan_fut, csta, cera, cpan,
           emb_W1, emb_b1, emb_W2, emb_b2,
           ex1_mW1, ex1_mb1, ex1_mW2, ex1_mb2,
           ex1_uW1, ex1_ub1, ex1_uW2, ex1_ub2,
           ex2_mW1, ex2_mb1, ex2_mW2, ex2_mb2,
           ex2_uW1, ex2_ub1, ex2_uW2, ex2_ub2,
           out_W1, out_b1, out_W2, out_b2):
    cand_lat = cera[:, :-1, 0].reshape(NE)
    cand_lon = cera[:, :-1, 1].reshape(NE)
    csta_flat = csta.reshape(2 * N)

    j_out, dlat_o, dlon_o = _make_sc_argmin()(cand_lat, cand_lon, csta_flat)

    era_t = jnp.swapaxes(era_his, 3, 4)
    pan_t = jnp.swapaxes(pan_fut, 3, 4)
    obs_t = jnp.swapaxes(obs_his, 2, 3)
    oW2t = out_W2.T

    hbm = pl.BlockSpec(memory_space=pltpu.HBM)
    smem = pl.BlockSpec(memory_space=pltpu.SMEM)
    vmem = pl.BlockSpec(memory_space=pltpu.VMEM)
    args = [era_t, pan_t, j_out, dlat_o, dlon_o, csta,
            obs_t,
            emb_W1, emb_b1, emb_W2, emb_b2,
            ex1_mW1, ex1_mb1, ex1_mW2, ex1_mb2,
            ex1_uW1, ex1_ub1, ex1_uW2, ex1_ub2,
            ex2_mW1, ex2_mb1, ex2_mW2, ex2_mb2,
            ex2_uW1, ex2_ub1, ex2_uW2, ex2_ub2,
            out_W1, out_b1, oW2t, out_b2]
    in_specs = [hbm, hbm, smem, smem, smem, smem] + [vmem] * (len(args) - 6)

    return pl.pallas_call(
        _mlp_body,
        out_shape=jax.ShapeDtypeStruct((B, 1, N, OUT_LEN), jnp.float32),
        in_specs=in_specs,
        out_specs=vmem,
        compiler_params=pltpu.CompilerParams(
            vmem_limit_bytes=56 * 1024 * 1024),
        scratch_shapes=[
            pltpu.VMEM((B, C, N, L, LON + 1), jnp.float32),
            pltpu.VMEM((B, C, N, L, LON), jnp.float32),
            pltpu.SemaphoreType.DMA,
        ],
    )(*args)

# --- scband reference (transcript-rebuilt; emitter-appended) ---
"""Pipeline reference for scband-model-25881472926495 (READ-ONLY COPY).

The authoritative reference and input builder live on the scoring server;
editing this copy changes nothing except your own understanding.
"""

import jax, jax.numpy as jnp
import numpy as np

B = 32; C = 4; N = 24; L = 8; LAT = 48; LON = 96; HID = 128; OUT_LEN = 24

def setup_inputs(seed: int = 0):
    key = jax.random.key(seed)
    ks = jax.random.split(key, 20)
    def lin(k, fi, fo):
        k1, k2 = jax.random.split(k)
        return (jax.random.normal(k1, (fi, fo), jnp.float32) * 0.05,
                jnp.zeros((fo,), jnp.float32))
    inp = {}
    inp['obs_his'] = jax.random.normal(ks[0], (B, C, N, L), jnp.float32)
    inp['era_his'] = jax.random.normal(ks[1], (B, C, LAT, LON + 1, L), jnp.float32)
    inp['pan_fut'] = jax.random.normal(ks[2], (B, C, LAT, LON, L), jnp.float32)
    inp['csta'] = jax.random.uniform(ks[3], (N, 2), dtype=jnp.float32)
    inp['cera'] = jax.random.uniform(ks[4], (LAT, LON + 1, 2), dtype=jnp.float32)
    inp['cpan'] = jax.random.uniform(ks[5], (LAT, LON, 2), dtype=jnp.float32)
    inp['emb_W1'], inp['emb_b1'] = lin(ks[6], C * L + 2, HID)
    inp['emb_W2'], inp['emb_b2'] = lin(ks[7], HID, HID)
    ex_in = 2 * C * L
    for i, p in enumerate(['ex1', 'ex2']):
        b = 8 + 4 * i
        inp[p + '_mW1'], inp[p + '_mb1'] = lin(ks[b], HID + ex_in + 2, HID)
        inp[p + '_mW2'], inp[p + '_mb2'] = lin(ks[b + 1], HID, HID)
        inp[p + '_uW1'], inp[p + '_ub1'] = lin(ks[b + 2], 2 * HID, HID)
        inp[p + '_uW2'], inp[p + '_ub2'] = lin(ks[b + 3], HID, HID)
    inp['out_W1'], inp['out_b1'] = lin(ks[16], HID, HID)
    inp['out_W2'], inp['out_b2'] = lin(ks[17], HID, OUT_LEN)
    return inp

def reference(obs_his, era_his, pan_fut, csta, cera, cpan,
              emb_W1, emb_b1, emb_W2, emb_b2,
              ex1_mW1, ex1_mb1, ex1_mW2, ex1_mb2, ex1_uW1, ex1_ub1, ex1_uW2, ex1_ub2,
              ex2_mW1, ex2_mb1, ex2_mW2, ex2_mb2, ex2_uW1, ex2_ub1, ex2_uW2, ex2_ub2,
              out_W1, out_b1, out_W2, out_b2):
    cera2 = cera[:, :-1, :]
    era = era_his[:, :, :, :-1, :]
    Bn, Cn, Nn, Ln = obs_his.shape
    lat, lon = pan_fut.shape[2], pan_fut.shape[3]
    n_e = lat * lon
    madis_x = jnp.transpose(obs_his, (0, 2, 3, 1)).reshape(Bn, Nn, Ln * Cn)
    madis_point = csta
    cand_point = cera2.reshape(-1, 2)
    madis_lon = jnp.tile(csta[None, :, 1:2], (Bn, 1, 1))
    madis_lat = jnp.tile(csta[None, :, 0:1], (Bn, 1, 1))
    ex_lon = jnp.tile(cera2[None, :, :, 1], (Bn, 1, 1)).reshape(Bn, -1)
    ex_lat = jnp.tile(cera2[None, :, :, 0], (Bn, 1, 1)).reshape(Bn, -1)
    ex_x_era = jnp.transpose(era, (0, 2, 3, 4, 1)).reshape(Bn, n_e, Ln, Cn)
    ex_x_pan = jnp.transpose(pan_fut, (0, 2, 3, 4, 1)).reshape(Bn, n_e, Ln, Cn)
    ex_x = jnp.concatenate([ex_x_era, ex_x_pan], axis=-2).reshape(Bn, n_e, -1)
    # BuildMadisNetwork: knn_graph among the 24 stations (k=5, no self loops).
    # Used only by the internal GNN layers, and n_passing == 0, so kept for fidelity.
    pos_m = jnp.concatenate([csta[:, 1:2], csta[:, 0:1]], axis=1)
    d_mm = jnp.sum((pos_m[:, None, :] - pos_m[None, :, :]) ** 2, axis=-1)
    d_mm = d_mm + jnp.eye(Nn, dtype=d_mm.dtype) * 1e10
    nn_idx = jnp.argsort(d_mm, axis=1)[:, :5]
    edge_m2m = jnp.stack([nn_idx.reshape(-1), jnp.repeat(jnp.arange(Nn), 5)], axis=0)
    # search_k_neighbors: nearest external grid point per station (k=1)
    dis = jnp.sum((madis_point[:, None, :] - cand_point[None, :, :]) ** 2, axis=-1)
    _neg, inds = jax.lax.top_k(-dis, 1)
    j_inds = inds.reshape(-1)
    i_inds = jnp.arange(Nn)
    # batched external graph (shift indices per batch element)
    ex_x_flat = ex_x.reshape(Bn * n_e, -1)
    ex_pos = jnp.stack([ex_lon, ex_lat], axis=-1).reshape(Bn * n_e, 2)
    src = (j_inds[None, :] + (jnp.arange(Bn) * n_e)[:, None]).reshape(-1)
    dst = (i_inds[None, :] + (jnp.arange(Bn) * Nn)[:, None]).reshape(-1)
    in_pos = jnp.concatenate([madis_lon, madis_lat], axis=2).reshape(Bn * Nn, 2)
    u = madis_x.reshape(Bn * Nn, -1)
    # embedding_mlp
    in_x = jnp.tanh(jnp.concatenate([u, in_pos], axis=-1) @ emb_W1 + emb_b1)
    in_x = jnp.tanh(in_x @ emb_W2 + emb_b2)
    def gnn_ex(h_in, mW1, mb1, mW2, mb2, uW1, ub1, uW2, ub2):
        m = jnp.concatenate([h_in[dst], ex_x_flat[src], ex_pos[src] - in_pos[dst]], axis=-1)
        h = jnp.tanh(m @ mW1 + mb1)
        h = jnp.tanh(h @ mW2 + mb2)
        agg = jnp.zeros((h_in.shape[0], h.shape[1]), h.dtype).at[dst].add(h)
        o = jnp.tanh(jnp.concatenate([h_in, agg], axis=-1) @ uW1 + ub1)
        return o @ uW2 + ub2
    in_x = gnn_ex(in_x, ex1_mW1, ex1_mb1, ex1_mW2, ex1_mb2, ex1_uW1, ex1_ub1, ex1_uW2, ex1_ub2)
    in_x = gnn_ex(in_x, ex2_mW1, ex2_mb1, ex2_mW2, ex2_mb2, ex2_uW1, ex2_ub1, ex2_uW2, ex2_ub2)
    out = jnp.tanh(in_x @ out_W1 + out_b1) @ out_W2 + out_b2
    out = out.reshape(Bn, Nn, OUT_LEN, 1)
    return jnp.transpose(out, (0, 3, 1, 2))

if __name__ == "__main__":
    import jax
    _d = setup_inputs()
    print(jax.jit(kernel)(*tuple(_d.values())))

</pallas_src>

<mosaic_0001>
#map = affine_map<(d0, d1) -> (0)>
module attributes {stable_mosaic.version = 14 : i64} {
  func.func @_sc_argmin_body(%arg0: i32, %arg1: i32, %arg2: memref<4608xf32, #tpu.memory_space<hbm>>, %arg3: memref<4608xf32, #tpu.memory_space<hbm>>, %arg4: memref<48xf32, #tpu.memory_space<hbm>>, %arg5: memref<512xi32, #tpu.memory_space<hbm>>, %arg6: memref<512xf32, #tpu.memory_space<hbm>>, %arg7: memref<512xf32, #tpu.memory_space<hbm>>, %arg8: memref<4608xf32, #tpu.memory_space<vmem>>, %arg9: memref<4608xf32, #tpu.memory_space<vmem>>, %arg10: memref<48xf32, #tpu.memory_space<vmem>>, %arg11: memref<16xi32, #tpu.memory_space<vmem>>, %arg12: memref<16xf32, #tpu.memory_space<vmem>>, %arg13: memref<16xf32, #tpu.memory_space<vmem>>) attributes {dimension_semantics = [#tpu.dimension_semantics<core_parallel>, #tpu.dimension_semantics<subcore_parallel>], iteration_bounds = array<i64: 2, 16>, scalar_prefetch = 0 : i64, scratch_operands = 6 : i64, tpu.core_type = #tpu.core_type<sc_vector_subcore>, window_params = [{transform_indices = #map}, {transform_indices = #map}, {transform_indices = #map}, {transform_indices = #map}, {transform_indices = #map}, {transform_indices = #map}]} {
    %mul3A = arith.constant 2 : i32
    %mul3A_0 = arith.muli %arg1, %mul3A : i32
    %add3A = arith.addi %mul3A_0, %arg0 : i32
    %lt3A = arith.constant 24 : i32
    %lt3A_1 = arith.cmpi slt, %add3A, %lt3A : i32
    %convert_element_type3A = arith.extui %lt3A_1 : i1 to i32
    %cond3A = arith.constant 0 : i32
    %cond3A_2 = arith.cmpi ne, %convert_element_type3A, %cond3A : i32
    scf.if %cond3A_2 {
      "tpu.region"() ({
        %run_scoped3A = tpu.sem_alloc : memref<!tpu.dma_semaphore, #tpu.memory_space<semaphore_mem>>
        tpu.enqueue_dma source(%arg2 : memref<4608xf32, #tpu.memory_space<hbm>>) target(%arg8 : memref<4608xf32, #tpu.memory_space<vmem>>) target_semaphore(%run_scoped3A : memref<!tpu.dma_semaphore, #tpu.memory_space<semaphore_mem>>)
        tpu.wait_dma2 semaphore(%run_scoped3A : memref<!tpu.dma_semaphore, #tpu.memory_space<semaphore_mem>>) src(%arg2 : memref<4608xf32, #tpu.memory_space<hbm>>) dst(%arg8 : memref<4608xf32, #tpu.memory_space<vmem>>)
        tpu.yield
      }) : () -> ()
      "tpu.region"() ({
        %run_scoped3A = tpu.sem_alloc : memref<!tpu.dma_semaphore, #tpu.memory_space<semaphore_mem>>
        tpu.enqueue_dma source(%arg3 : memref<4608xf32, #tpu.memory_space<hbm>>) target(%arg9 : memref<4608xf32, #tpu.memory_space<vmem>>) target_semaphore(%run_scoped3A : memref<!tpu.dma_semaphore, #tpu.memory_space<semaphore_mem>>)
        tpu.wait_dma2 semaphore(%run_scoped3A : memref<!tpu.dma_semaphore, #tpu.memory_space<semaphore_mem>>) src(%arg3 : memref<4608xf32, #tpu.memory_space<hbm>>) dst(%arg9 : memref<4608xf32, #tpu.memory_space<vmem>>)
        tpu.yield
      }) : () -> ()
      "tpu.region"() ({
        %run_scoped3A = tpu.sem_alloc : memref<!tpu.dma_semaphore, #tpu.memory_space<semaphore_mem>>
        tpu.enqueue_dma source(%arg4 : memref<48xf32, #tpu.memory_space<hbm>>) target(%arg10 : memref<48xf32, #tpu.memory_space<vmem>>) target_semaphore(%run_scoped3A : memref<!tpu.dma_semaphore, #tpu.memory_space<semaphore_mem>>)
        tpu.wait_dma2 semaphore(%run_scoped3A : memref<!tpu.dma_semaphore, #tpu.memory_space<semaphore_mem>>) src(%arg4 : memref<48xf32, #tpu.memory_space<hbm>>) dst(%arg10 : memref<48xf32, #tpu.memory_space<vmem>>)
        tpu.yield
      }) : () -> ()
      %mul3A_3 = arith.constant 2 : i32
      %mul3A_4 = arith.muli %mul3A_3, %add3A : i32
      %broadcast_in_dim3A = vector.broadcast %mul3A_4 : i32 to vector<16xi32>
      %gather3A = tpu.vector_load_idx %arg10[%broadcast_in_dim3A] : memref<48xf32, #tpu.memory_space<vmem>>[vector<16xi32>], vector<16xf32>,
      %mul3A_5 = arith.constant 2 : i32
      %mul3A_6 = arith.muli %mul3A_5, %add3A : i32
      %add3A_7 = arith.constant 1 : i32
      %add3A_8 = arith.addi %mul3A_6, %add3A_7 : i32
      %broadcast_in_dim3A_9 = vector.broadcast %add3A_8 : i32 to vector<16xi32>
      %gather3A_10 = tpu.vector_load_idx %arg10[%broadcast_in_dim3A_9] : memref<48xf32, #tpu.memory_space<vmem>>[vector<16xi32>], vector<16xf32>,
      %broadcast_in_dim3A_11 = arith.constant 1.000000e+30 : f32
      %broadcast_in_dim3A_12 = vector.broadcast %broadcast_in_dim3A_11 : f32 to vector<16xf32>
      %broadcast_in_dim3A_13 = arith.constant 0 : i32
      %broadcast_in_dim3A_14 = vector.broadcast %broadcast_in_dim3A_13 : i32 to vector<16xi32>
      %scan3A = arith.constant 0 : i32
      %scan3A_15 = arith.constant 72 : i32
      %scan3A_16 = arith.addi %scan3A, %scan3A_15 : i32
      %scan3A_17 = arith.constant 1 : i32
      %scan3A_18:2 = scf.for %scan3A_48 = %scan3A to %scan3A_16 step %scan3A_17 iter_args(%scan3A_49 = %broadcast_in_dim3A_12, %scan3A_50 = %broadcast_in_dim3A_14) -> (vector<16xf32>, vector<16xi32>)  : i32 {
        %mul3A_51 = arith.constant 64 : i32
        %mul3A_52 = arith.muli %scan3A_48, %mul3A_51 : i32
        %add3A_53 = arith.constant 0 : i32
        %add3A_54 = arith.addi %mul3A_52, %add3A_53 : i32
        %get3A = arith.index_cast %add3A_54 : i32 to index
        %get3A_55 = tpu.vector_load %arg8[%get3A] {strides = array<i32>} : memref<4608xf32, #tpu.memory_space<vmem>>, vector<16xf32>,
        %get3A_56 = arith.index_cast %add3A_54 : i32 to index
        %get3A_57 = tpu.vector_load %arg9[%get3A_56] {strides = array<i32>} : memref<4608xf32, #tpu.memory_space<vmem>>, vector<16xf32>,
        %sub3A_58 = arith.subf %get3A_55, %gather3A : vector<16xf32>
        %sub3A_59 = arith.subf %get3A_57, %gather3A_10 : vector<16xf32>
        %mul3A_60 = arith.mulf %sub3A_58, %sub3A_58 : vector<16xf32>
        %mul3A_61 = arith.mulf %sub3A_59, %sub3A_59 : vector<16xf32>
        %add3A_62 = arith.addf %mul3A_60, %mul3A_61 : vector<16xf32>
        %iota3A = tpu.iota {dimensions = array<i32: 0>} : vector<16xi32>
        %add3A_63 = vector.broadcast %add3A_54 : i32 to vector<16xi32>
        %add3A_64 = arith.addi %iota3A, %add3A_63 : vector<16xi32>
        %lt3A_65 = arith.cmpf olt, %add3A_62, %scan3A_49 : vector<16xf32>
        %select_n3A_66 = arith.select %lt3A_65, %add3A_62, %scan3A_49 : vector<16xi1>, vector<16xf32>
        %select_n3A_67 = arith.select %lt3A_65, %add3A_64, %scan3A_50 : vector<16xi1>, vector<16xi32>
        %mul3A_68 = arith.constant 64 : i32
        %mul3A_69 = arith.muli %scan3A_48, %mul3A_68 : i32
        %add3A_70 = arith.constant 16 : i32
        %add3A_71 = arith.addi %mul3A_69, %add3A_70 : i32
        %get3A_72 = arith.index_cast %add3A_71 : i32 to index
        %get3A_73 = tpu.vector_load %arg8[%get3A_72] {strides = array<i32>} : memref<4608xf32, #tpu.memory_space<vmem>>, vector<16xf32>,
        %get3A_74 = arith.index_cast %add3A_71 : i32 to index
        %get3A_75 = tpu.vector_load %arg9[%get3A_74] {strides = array<i32>} : memref<4608xf32, #tpu.memory_space<vmem>>, vector<16xf32>,
        %sub3A_76 = arith.subf %get3A_73, %gather3A : vector<16xf32>
        %sub3A_77 = arith.subf %get3A_75, %gather3A_10 : vector<16xf32>
        %mul3A_78 = arith.mulf %sub3A_76, %sub3A_76 : vector<16xf32>
        %mul3A_79 = arith.mulf %sub3A_77, %sub3A_77 : vector<16xf32>
        %add3A_80 = arith.addf %mul3A_78, %mul3A_79 : vector<16xf32>
        %iota3A_81 = tpu.iota {dimensions = array<i32: 0>} : vector<16xi32>
        %add3A_82 = vector.broadcast %add3A_71 : i32 to vector<16xi32>
        %add3A_83 = arith.addi %iota3A_81, %add3A_82 : vector<16xi32>
        %lt3A_84 = arith.cmpf olt, %add3A_80, %select_n3A_66 : vector<16xf32>
        %select_n3A_85 = arith.select %lt3A_84, %add3A_80, %select_n3A_66 : vector<16xi1>, vector<16xf32>
        %select_n3A_86 = arith.select %lt3A_84, %add3A_83, %select_n3A_67 : vector<16xi1>, vector<16xi32>
        %mul3A_87 = arith.constant 64 : i32
        %mul3A_88 = arith.muli %scan3A_48, %mul3A_87 : i32
        %add3A_89 = arith.constant 32 : i32
        %add3A_90 = arith.addi %mul3A_88, %add3A_89 : i32
        %get3A_91 = arith.index_cast %add3A_90 : i32 to index
        %get3A_92 = tpu.vector_load %arg8[%get3A_91] {strides = array<i32>} : memref<4608xf32, #tpu.memory_space<vmem>>, vector<16xf32>,
        %get3A_93 = arith.index_cast %add3A_90 : i32 to index
        %get3A_94 = tpu.vector_load %arg9[%get3A_93] {strides = array<i32>} : memref<4608xf32, #tpu.memory_space<vmem>>, vector<16xf32>,
        %sub3A_95 = arith.subf %get3A_92, %gather3A : vector<16xf32>
        %sub3A_96 = arith.subf %get3A_94, %gather3A_10 : vector<16xf32>
        %mul3A_97 = arith.mulf %sub3A_95, %sub3A_95 : vector<16xf32>
        %mul3A_98 = arith.mulf %sub3A_96, %sub3A_96 : vector<16xf32>
        %add3A_99 = arith.addf %mul3A_97, %mul3A_98 : vector<16xf32>
        %iota3A_100 = tpu.iota {dimensions = array<i32: 0>} : vector<16xi32>
        %add3A_101 = vector.broadcast %add3A_90 : i32 to vector<16xi32>
        %add3A_102 = arith.addi %iota3A_100, %add3A_101 : vector<16xi32>
        %lt3A_103 = arith.cmpf olt, %add3A_99, %select_n3A_85 : vector<16xf32>
        %select_n3A_104 = arith.select %lt3A_103, %add3A_99, %select_n3A_85 : vector<16xi1>, vector<16xf32>
        %select_n3A_105 = arith.select %lt3A_103, %add3A_102, %select_n3A_86 : vector<16xi1>, vector<16xi32>
        %mul3A_106 = arith.constant 64 : i32
        %mul3A_107 = arith.muli %scan3A_48, %mul3A_106 : i32
        %add3A_108 = arith.constant 48 : i32
        %add3A_109 = arith.addi %mul3A_107, %add3A_108 : i32
        %get3A_110 = arith.index_cast %add3A_109 : i32 to index
        %get3A_111 = tpu.vector_load %arg8[%get3A_110] {strides = array<i32>} : memref<4608xf32, #tpu.memory_space<vmem>>, vector<16xf32>,
        %get3A_112 = arith.index_cast %add3A_109 : i32 to index
        %get3A_113 = tpu.vector_load %arg9[%get3A_112] {strides = array<i32>} : memref<4608xf32, #tpu.memory_space<vmem>>, vector<16xf32>,
        %sub3A_114 = arith.subf %get3A_111, %gather3A : vector<16xf32>
        %sub3A_115 = arith.subf %get3A_113, %gather3A_10 : vector<16xf32>
        %mul3A_116 = arith.mulf %sub3A_114, %sub3A_114 : vector<16xf32>
        %mul3A_117 = arith.mulf %sub3A_115, %sub3A_115 : vector<16xf32>
        %add3A_118 = arith.addf %mul3A_116, %mul3A_117 : vector<16xf32>
        %iota3A_119 = tpu.iota {dimensions = array<i32: 0>} : vector<16xi32>
        %add3A_120 = vector.broadcast %add3A_109 : i32 to vector<16xi32>
        %add3A_121 = arith.addi %iota3A_119, %add3A_120 : vector<16xi32>
        %lt3A_122 = arith.cmpf olt, %add3A_118, %select_n3A_104 : vector<16xf32>
        %select_n3A_123 = arith.select %lt3A_122, %add3A_118, %select_n3A_104 : vector<16xi1>, vector<16xf32>
        %select_n3A_124 = arith.select %lt3A_122, %add3A_121, %select_n3A_105 : vector<16xi1>, vector<16xi32>
        scf.yield %select_n3A_123, %select_n3A_124 : vector<16xf32>, vector<16xi32>
      }
      %scan3A_19 = arith.constant 72 : i32
      %reduce_min3A = arith.constant true
      %reduce_min3A_20 = vector.broadcast %reduce_min3A : i1 to vector<16xi1>
      %reduce_min3A_21 = tpu.scan <min>, %scan3A_18#0 masked %reduce_min3A_20 : vector<16xf32>, vector<16xi1> -> vector<16xf32>
      %reduce_min3A_22 = vector.extract %reduce_min3A_21[15] : f32 from vector<16xf32>
      %eq3A = vector.broadcast %reduce_min3A_22 : f32 to vector<16xf32>
      %eq3A_23 = arith.cmpf oeq, %scan3A_18#0, %eq3A : vector<16xf32>
      %jit3A = arith.constant 1073741824 : i32
      %broadcast_in_dim3A_24 = vector.broadcast %jit3A : i32 to vector<16xi32>
      %select_n3A = arith.select %eq3A_23, %scan3A_18#1, %broadcast_in_dim3A_24 : vector<16xi1>, vector<16xi32>
      %reduce_min3A_25 = arith.constant true
      %reduce_min3A_26 = vector.broadcast %reduce_min3A_25 : i1 to vector<16xi1>
      %reduce_min3A_27 = arith.constant -2147483648 : i32
      %reduce_min3A_28 = vector.broadcast %reduce_min3A_27 : i32 to vector<16xi32>
      %reduce_min3A_29 = arith.xori %select_n3A, %reduce_min3A_28 : vector<16xi32>
      %reduce_min3A_30 = tpu.scan <min>, %reduce_min3A_29 masked %reduce_min3A_26 : vector<16xi32>, vector<16xi1> -> vector<16xi32>
      %reduce_min3A_31 = arith.xori %reduce_min3A_30, %reduce_min3A_28 : vector<16xi32>
      %reduce_min3A_32 = vector.extract %reduce_min3A_31[15] : i32 from vector<16xi32>
      %broadcast_in_dim3A_33 = vector.broadcast %reduce_min3A_32 : i32 to vector<16xi32>
      %swap3A = arith.constant 0 : index
      %swap3A_34 = tpu.vector_load %arg11[%swap3A] {strides = array<i32>} : memref<16xi32, #tpu.memory_space<vmem>>, vector<16xi32>,
      tpu.vector_store %arg11[%swap3A], %broadcast_in_dim3A_33 {strides = array<i32>} : memref<16xi32, #tpu.memory_space<vmem>>, vector<16xi32>,
      %gather3A_35 = tpu.vector_load_idx %arg8[%broadcast_in_dim3A_33] : memref<4608xf32, #tpu.memory_space<vmem>>[vector<16xi32>], vector<16xf32>,
      %sub3A = arith.subf %gather3A_35, %gather3A : vector<16xf32>
      %swap3A_36 = arith.constant 0 : index
      %swap3A_37 = tpu.vector_load %arg12[%swap3A_36] {strides = array<i32>} : memref<16xf32, #tpu.memory_space<vmem>>, vector<16xf32>,
      tpu.vector_store %arg12[%swap3A_36], %sub3A {strides = array<i32>} : memref<16xf32, #tpu.memory_space<vmem>>, vector<16xf32>,
      %gather3A_38 = tpu.vector_load_idx %arg9[%broadcast_in_dim3A_33] : memref<4608xf32, #tpu.memory_space<vmem>>[vector<16xi32>], vector<16xf32>,
      %sub3A_39 = arith.subf %gather3A_38, %gather3A_10 : vector<16xf32>
      %swap3A_40 = arith.constant 0 : index
      %swap3A_41 = tpu.vector_load %arg13[%swap3A_40] {strides = array<i32>} : memref<16xf32, #tpu.memory_space<vmem>>, vector<16xf32>,
      tpu.vector_store %arg13[%swap3A_40], %sub3A_39 {strides = array<i32>} : memref<16xf32, #tpu.memory_space<vmem>>, vector<16xf32>,
      %mul3A_42 = arith.constant 16 : i32
      %mul3A_43 = arith.muli %add3A, %mul3A_42 : i32
      "tpu.region"() ({
        %run_scoped3A = tpu.sem_alloc : memref<!tpu.dma_semaphore, #tpu.memory_space<semaphore_mem>>
        %dma_start3A = tpu.memref_slice %arg5[%mul3A_43] : memref<512xi32, #tpu.memory_space<hbm>> -> memref<16xi32, #tpu.memory_space<hbm>>
        %dma_start3A_48 = tpu.memref_slice %arg5[%mul3A_43] : memref<512xi32, #tpu.memory_space<hbm>> -> memref<16xi32, #tpu.memory_space<hbm>>
        tpu.enqueue_dma source(%arg11 : memref<16xi32, #tpu.memory_space<vmem>>) target(%dma_start3A_48 : memref<16xi32, #tpu.memory_space<hbm>>) target_semaphore(%run_scoped3A : memref<!tpu.dma_semaphore, #tpu.memory_space<semaphore_mem>>)
        %dma_wait3A = tpu.memref_slice %arg5[%mul3A_43] : memref<512xi32, #tpu.memory_space<hbm>> -> memref<16xi32, #tpu.memory_space<hbm>>
        %dma_wait3A_49 = tpu.memref_slice %arg5[%mul3A_43] : memref<512xi32, #tpu.memory_space<hbm>> -> memref<16xi32, #tpu.memory_space<hbm>>
        tpu.wait_dma2 semaphore(%run_scoped3A : memref<!tpu.dma_semaphore, #tpu.memory_space<semaphore_mem>>) src(%arg11 : memref<16xi32, #tpu.memory_space<vmem>>) dst(%dma_wait3A_49 : memref<16xi32, #tpu.memory_space<hbm>>)
        tpu.yield
      }) : () -> ()
      %mul3A_44 = arith.constant 16 : i32
      %mul3A_45 = arith.muli %add3A, %mul3A_44 : i32
      "tpu.region"() ({
        %run_scoped3A = tpu.sem_alloc : memref<!tpu.dma_semaphore, #tpu.memory_space<semaphore_mem>>
        %dma_start3A = tpu.memref_slice %arg6[%mul3A_45] : memref<512xf32, #tpu.memory_space<hbm>> -> memref<16xf32, #tpu.memory_space<hbm>>
        %dma_start3A_48 = tpu.memref_slice %arg6[%mul3A_45] : memref<512xf32, #tpu.memory_space<hbm>> -> memref<16xf32, #tpu.memory_space<hbm>>
        tpu.enqueue_dma source(%arg12 : memref<16xf32, #tpu.memory_space<vmem>>) target(%dma_start3A_48 : memref<16xf32, #tpu.memory_space<hbm>>) target_semaphore(%run_scoped3A : memref<!tpu.dma_semaphore, #tpu.memory_space<semaphore_mem>>)
        %dma_wait3A = tpu.memref_slice %arg6[%mul3A_45] : memref<512xf32, #tpu.memory_space<hbm>> -> memref<16xf32, #tpu.memory_space<hbm>>
        %dma_wait3A_49 = tpu.memref_slice %arg6[%mul3A_45] : memref<512xf32, #tpu.memory_space<hbm>> -> memref<16xf32, #tpu.memory_space<hbm>>
        tpu.wait_dma2 semaphore(%run_scoped3A : memref<!tpu.dma_semaphore, #tpu.memory_space<semaphore_mem>>) src(%arg12 : memref<16xf32, #tpu.memory_space<vmem>>) dst(%dma_wait3A_49 : memref<16xf32, #tpu.memory_space<hbm>>)
        tpu.yield
      }) : () -> ()
      %mul3A_46 = arith.constant 16 : i32
      %mul3A_47 = arith.muli %add3A, %mul3A_46 : i32
      "tpu.region"() ({
        %run_scoped3A = tpu.sem_alloc : memref<!tpu.dma_semaphore, #tpu.memory_space<semaphore_mem>>
        %dma_start3A = tpu.memref_slice %arg7[%mul3A_47] : memref<512xf32, #tpu.memory_space<hbm>> -> memref<16xf32, #tpu.memory_space<hbm>>
        %dma_start3A_48 = tpu.memref_slice %arg7[%mul3A_47] : memref<512xf32, #tpu.memory_space<hbm>> -> memref<16xf32, #tpu.memory_space<hbm>>
        tpu.enqueue_dma source(%arg13 : memref<16xf32, #tpu.memory_space<vmem>>) target(%dma_start3A_48 : memref<16xf32, #tpu.memory_space<hbm>>) target_semaphore(%run_scoped3A : memref<!tpu.dma_semaphore, #tpu.memory_space<semaphore_mem>>)
        %dma_wait3A = tpu.memref_slice %arg7[%mul3A_47] : memref<512xf32, #tpu.memory_space<hbm>> -> memref<16xf32, #tpu.memory_space<hbm>>
        %dma_wait3A_49 = tpu.memref_slice %arg7[%mul3A_47] : memref<512xf32, #tpu.memory_space<hbm>> -> memref<16xf32, #tpu.memory_space<hbm>>
        tpu.wait_dma2 semaphore(%run_scoped3A : memref<!tpu.dma_semaphore, #tpu.memory_space<semaphore_mem>>) src(%arg13 : memref<16xf32, #tpu.memory_space<vmem>>) dst(%dma_wait3A_49 : memref<16xf32, #tpu.memory_space<hbm>>)
        tpu.yield
      }) : () -> ()
    } else {
    }
    return
  }
}

module attributes {stable_mosaic.version = 14 : i64} {
  func.func @_mlp_body(%arg0: memref<32x4x48x8x97xf32, #tpu.memory_space<hbm>>, %arg1: memref<32x4x48x8x96xf32, #tpu.memory_space<hbm>>, %arg2: memref<512xi32, #tpu.memory_space<smem>>, %arg3: memref<512xf32, #tpu.memory_space<smem>>, %arg4: memref<512xf32, #tpu.memory_space<smem>>, %arg5: memref<24x2xf32, #tpu.memory_space<smem>>, %arg6: memref<32x4x8x24xf32, #tpu.memory_space<vmem>>, %arg7: memref<34x128xf32, #tpu.memory_space<vmem>>, %arg8: memref<128xf32, #tpu.memory_space<vmem>>, %arg9: memref<128x128xf32, #tpu.memory_space<vmem>>, %arg10: memref<128xf32, #tpu.memory_space<vmem>>, %arg11: memref<194x128xf32, #tpu.memory_space<vmem>>, %arg12: memref<128xf32, #tpu.memory_space<vmem>>, %arg13: memref<128x128xf32, #tpu.memory_space<vmem>>, %arg14: memref<128xf32, #tpu.memory_space<vmem>>, %arg15: memref<256x128xf32, #tpu.memory_space<vmem>>, %arg16: memref<128xf32, #tpu.memory_space<vmem>>, %arg17: memref<128x128xf32, #tpu.memory_space<vmem>>, %arg18: memref<128xf32, #tpu.memory_space<vmem>>, %arg19: memref<194x128xf32, #tpu.memory_space<vmem>>, %arg20: memref<128xf32, #tpu.memory_space<vmem>>, %arg21: memref<128x128xf32, #tpu.memory_space<vmem>>, %arg22: memref<128xf32, #tpu.memory_space<vmem>>, %arg23: memref<256x128xf32, #tpu.memory_space<vmem>>, %arg24: memref<128xf32, #tpu.memory_space<vmem>>, %arg25: memref<128x128xf32, #tpu.memory_space<vmem>>, %arg26: memref<128xf32, #tpu.memory_space<vmem>>, %arg27: memref<128x128xf32, #tpu.memory_space<vmem>>, %arg28: memref<128xf32, #tpu.memory_space<vmem>>, %arg29: memref<24x128xf32, #tpu.memory_space<vmem>>, %arg30: memref<24xf32, #tpu.memory_space<vmem>>, %arg31: memref<32x1x24x24xf32, #tpu.memory_space<vmem>>, %arg32: memref<32x4x24x8x97xf32, #tpu.memory_space<vmem>>, %arg33: memref<32x4x24x8x96xf32, #tpu.memory_space<vmem>>, %arg34: memref<!tpu.dma_semaphore, #tpu.memory_space<semaphore_mem>>) attributes {dimension_semantics = [], scalar_prefetch = 0 : i64, scratch_operands = 3 : i64, tpu.core_type = #tpu.core_type<tc>} {
    %get3A = arith.constant 0 : index
    %get3A_0 = memref.load %arg2[%get3A] : memref<512xi32, #tpu.memory_space<smem>>
    %jit3A = arith.constant 96 : i32
    %div3A = arith.divsi %get3A_0, %jit3A : i32
    %sign3A = arith.constant 0 : i32
    %sign3A_1 = arith.cmpi sgt, %get3A_0, %sign3A : i32
    %sign3A_2 = arith.extui %sign3A_1 : i1 to i32
    %sign3A_3 = arith.constant 0 : i32
    %sign3A_4 = arith.cmpi slt, %get3A_0, %sign3A_3 : i32
    %sign3A_5 = arith.extui %sign3A_4 : i1 to i32
    %sign3A_6 = arith.subi %sign3A_2, %sign3A_5 : i32
    %sign3A_7 = arith.constant 0 : i32
    %sign3A_8 = arith.cmpi sgt, %jit3A, %sign3A_7 : i32
    %sign3A_9 = arith.extui %sign3A_8 : i1 to i32
    %sign3A_10 = arith.constant 0 : i32
    %sign3A_11 = arith.cmpi slt, %jit3A, %sign3A_10 : i32
    %sign3A_12 = arith.extui %sign3A_11 : i1 to i32
    %sign3A_13 = arith.subi %sign3A_9, %sign3A_12 : i32
    %ne3A = arith.cmpi ne, %sign3A_6, %sign3A_13 : i32
    %rem3A = arith.remsi %get3A_0, %jit3A : i32
    %ne3A_14 = arith.constant 0 : i32
    %ne3A_15 = arith.cmpi ne, %rem3A, %ne3A_14 : i32
    %and3A = arith.andi %ne3A, %ne3A_15 : i1
    %sub3A = arith.constant 1 : i32
    %sub3A_16 = arith.subi %div3A, %sub3A : i32
    %select_n3A = arith.select %and3A, %sub3A_16, %div3A : i32
    %mul3A = arith.constant 96 : i32
    %mul3A_17 = arith.muli %select_n3A, %mul3A : i32
    %sub3A_18 = arith.subi %get3A_0, %mul3A_17 : i32
    %dma_start3A = arith.constant 0 : i32
    %dma_start3A_19 = arith.constant 0 : i32
    %dma_start3A_20 = arith.constant 0 : i32
    %dma_start3A_21 = arith.constant 0 : i32
    %dma_start3A_22 = arith.constant 0 : i32
    %dma_start3A_23 = tpu.memref_slice %arg32[%dma_start3A_19, %dma_start3A_20, %dma_start3A, %dma_start3A_21, %dma_start3A_22] : memref<32x4x24x8x97xf32, #tpu.memory_space<vmem>> -> memref<32x4x1x8x97xf32, #tpu.memory_space<vmem>>
    %dma_start3A_24 = tpu.memref_squeeze %dma_start3A_23 : memref<32x4x1x8x97xf32, #tpu.memory_space<vmem>> -> memref<32x4x8x97xf32, #tpu.memory_space<vmem>>
    %dma_start3A_25 = arith.constant 0 : i32
    %dma_start3A_26 = arith.constant 0 : i32
    %dma_start3A_27 = arith.constant 0 : i32
    %dma_start3A_28 = arith.constant 0 : i32
    %dma_start3A_29 = tpu.memref_slice %arg0[%dma_start3A_25, %dma_start3A_26, %select_n3A, %dma_start3A_27, %dma_start3A_28] : memref<32x4x48x8x97xf32, #tpu.memory_space<hbm>> -> memref<32x4x1x8x97xf32, #tpu.memory_space<hbm>>
    %dma_start3A_30 = tpu.memref_squeeze %dma_start3A_29 : memref<32x4x1x8x97xf32, #tpu.memory_space<hbm>> -> memref<32x4x8x97xf32, #tpu.memory_space<hbm>>
    tpu.enqueue_dma source(%dma_start3A_30 : memref<32x4x8x97xf32, #tpu.memory_space<hbm>>) target(%dma_start3A_24 : memref<32x4x8x97xf32, #tpu.memory_space<vmem>>) target_semaphore(%arg34 : memref<!tpu.dma_semaphore, #tpu.memory_space<semaphore_mem>>)
    %dma_start3A_31 = arith.constant 0 : i32
    %dma_start3A_32 = arith.constant 0 : i32
    %dma_start3A_33 = arith.constant 0 : i32
    %dma_start3A_34 = arith.constant 0 : i32
    %dma_start3A_35 = arith.constant 0 : i32
    %dma_start3A_36 = tpu.memref_slice %arg33[%dma_start3A_32, %dma_start3A_33, %dma_start3A_31, %dma_start3A_34, %dma_start3A_35] : memref<32x4x24x8x96xf32, #tpu.memory_space<vmem>> -> memref<32x4x1x8x96xf32, #tpu.memory_space<vmem>>
    %dma_start3A_37 = tpu.memref_squeeze %dma_start3A_36 : memref<32x4x1x8x96xf32, #tpu.memory_space<vmem>> -> memref<32x4x8x96xf32, #tpu.memory_space<vmem>>
    %dma_start3A_38 = arith.constant 0 : i32
    %dma_start3A_39 = arith.constant 0 : i32
    %dma_start3A_40 = arith.constant 0 : i32
    %dma_start3A_41 = arith.constant 0 : i32
    %dma_start3A_42 = tpu.memref_slice %arg1[%dma_start3A_38, %dma_start3A_39, %select_n3A, %dma_start3A_40, %dma_start3A_41] : memref<32x4x48x8x96xf32, #tpu.memory_space<hbm>> -> memref<32x4x1x8x96xf32, #tpu.memory_space<hbm>>
    %dma_start3A_43 = tpu.memref_squeeze %dma_start3A_42 : memref<32x4x1x8x96xf32, #tpu.memory_space<hbm>> -> memref<32x4x8x96xf32, #tpu.memory_space<hbm>>
    tpu.enqueue_dma source(%dma_start3A_43 : memref<32x4x8x96xf32, #tpu.memory_space<hbm>>) target(%dma_start3A_37 : memref<32x4x8x96xf32, #tpu.memory_space<vmem>>) target_semaphore(%arg34 : memref<!tpu.dma_semaphore, #tpu.memory_space<semaphore_mem>>)
    %get3A_44 = arith.constant 16 : index
    %get3A_45 = memref.load %arg2[%get3A_44] : memref<512xi32, #tpu.memory_space<smem>>
    %jit3A_46 = arith.constant 96 : i32
    %div3A_47 = arith.divsi %get3A_45, %jit3A_46 : i32
    %sign3A_48 = arith.constant 0 : i32
    %sign3A_49 = arith.cmpi sgt, %get3A_45, %sign3A_48 : i32
    %sign3A_50 = arith.extui %sign3A_49 : i1 to i32
    %sign3A_51 = arith.constant 0 : i32
    %sign3A_52 = arith.cmpi slt, %get3A_45, %sign3A_51 : i32
    %sign3A_53 = arith.extui %sign3A_52 : i1 to i32
    %sign3A_54 = arith.subi %sign3A_50, %sign3A_53 : i32
    %sign3A_55 = arith.constant 0 : i32
    %sign3A_56 = arith.cmpi sgt, %jit3A_46, %sign3A_55 : i32
    %sign3A_57 = arith.extui %sign3A_56 : i1 to i32
    %sign3A_58 = arith.constant 0 : i32
    %sign3A_59 = arith.cmpi slt, %jit3A_46, %sign3A_58 : i32
    %sign3A_60 = arith.extui %sign3A_59 : i1 to i32
    %sign3A_61 = arith.subi %sign3A_57, %sign3A_60 : i32
    %ne3A_62 = arith.cmpi ne, %sign3A_54, %sign3A_61 : i32
    %rem3A_63 = arith.remsi %get3A_45, %jit3A_46 : i32
    %ne3A_64 = arith.constant 0 : i32
    %ne3A_65 = arith.cmpi ne, %rem3A_63, %ne3A_64 : i32
    %and3A_66 = arith.andi %ne3A_62, %ne3A_65 : i1
    %sub3A_67 = arith.constant 1 : i32
    %sub3A_68 = arith.subi %div3A_47, %sub3A_67 : i32
    %select_n3A_69 = arith.select %and3A_66, %sub3A_68, %div3A_47 : i32
    %mul3A_70 = arith.constant 96 : i32
    %mul3A_71 = arith.muli %select_n3A_69, %mul3A_70 : i32
    %sub3A_72 = arith.subi %get3A_45, %mul3A_71 : i32
    %dma_start3A_73 = arith.constant 1 : i32
    %dma_start3A_74 = arith.constant 0 : i32
    %dma_start3A_75 = arith.constant 0 : i32
    %dma_start3A_76 = arith.constant 0 : i32
    %dma_start3A_77 = arith.constant 0 : i32
    %dma_start3A_78 = tpu.memref_slice %arg32[%dma_start3A_74, %dma_start3A_75, %dma_start3A_73, %dma_start3A_76, %dma_start3A_77] : memref<32x4x24x8x97xf32, #tpu.memory_space<vmem>> -> memref<32x4x1x8x97xf32, #tpu.memory_space<vmem>>
    %dma_start3A_79 = tpu.memref_squeeze %dma_start3A_78 : memref<32x4x1x8x97xf32, #tpu.memory_space<vmem>> -> memref<32x4x8x97xf32, #tpu.memory_space<vmem>>
    %dma_start3A_80 = arith.constant 0 : i32
    %dma_start3A_81 = arith.constant 0 : i32
    %dma_start3A_82 = arith.constant 0 : i32
    %dma_start3A_83 = arith.constant 0 : i32
    %dma_start3A_84 = tpu.memref_slice %arg0[%dma_start3A_80, %dma_start3A_81, %select_n3A_69, %dma_start3A_82, %dma_start3A_83] : memref<32x4x48x8x97xf32, #tpu.memory_space<hbm>> -> memref<32x4x1x8x97xf32, #tpu.memory_space<hbm>>
    %dma_start3A_85 = tpu.memref_squeeze %dma_start3A_84 : memref<32x4x1x8x97xf32, #tpu.memory_space<hbm>> -> memref<32x4x8x97xf32, #tpu.memory_space<hbm>>
    tpu.enqueue_dma source(%dma_start3A_85 : memref<32x4x8x97xf32, #tpu.memory_space<hbm>>) target(%dma_start3A_79 : memref<32x4x8x97xf32, #tpu.memory_space<vmem>>) target_semaphore(%arg34 : memref<!tpu.dma_semaphore, #tpu.memory_space<semaphore_mem>>)
    %dma_start3A_86 = arith.constant 1 : i32
    %dma_start3A_87 = arith.constant 0 : i32
    %dma_start3A_88 = arith.constant 0 : i32
    %dma_start3A_89 = arith.constant 0 : i32
    %dma_start3A_90 = arith.constant 0 : i32
    %dma_start3A_91 = tpu.memref_slice %arg33[%dma_start3A_87, %dma_start3A_88, %dma_start3A_86, %dma_start3A_89, %dma_start3A_90] : memref<32x4x24x8x96xf32, #tpu.memory_space<vmem>> -> memref<32x4x1x8x96xf32, #tpu.memory_space<vmem>>
    %dma_start3A_92 = tpu.memref_squeeze %dma_start3A_91 : memref<32x4x1x8x96xf32, #tpu.memory_space<vmem>> -> memref<32x4x8x96xf32, #tpu.memory_space<vmem>>
    %dma_start3A_93 = arith.constant 0 : i32
    %dma_start3A_94 = arith.constant 0 : i32
    %dma_start3A_95 = arith.constant 0 : i32
    %dma_start3A_96 = arith.constant 0 : i32
    %dma_start3A_97 = tpu.memref_slice %arg1[%dma_start3A_93, %dma_start3A_94, %select_n3A_69, %dma_start3A_95, %dma_start3A_96] : memref<32x4x48x8x96xf32, #tpu.memory_space<hbm>> -> memref<32x4x1x8x96xf32, #tpu.memory_space<hbm>>
    %dma_start3A_98 = tpu.memref_squeeze %dma_start3A_97 : memref<32x4x1x8x96xf32, #tpu.memory_space<hbm>> -> memref<32x4x8x96xf32, #tpu.memory_space<hbm>>
    tpu.enqueue_dma source(%dma_start3A_98 : memref<32x4x8x96xf32, #tpu.memory_space<hbm>>) target(%dma_start3A_92 : memref<32x4x8x96xf32, #tpu.memory_space<vmem>>) target_semaphore(%arg34 : memref<!tpu.dma_semaphore, #tpu.memory_space<semaphore_mem>>)
    %get3A_99 = arith.constant 32 : index
    %get3A_100 = memref.load %arg2[%get3A_99] : memref<512xi32, #tpu.memory_space<smem>>
    %jit3A_101 = arith.constant 96 : i32
    %div3A_102 = arith.divsi %get3A_100, %jit3A_101 : i32
    %sign3A_103 = arith.constant 0 : i32
    %sign3A_104 = arith.cmpi sgt, %get3A_100, %sign3A_103 : i32
    %sign3A_105 = arith.extui %sign3A_104 : i1 to i32
    %sign3A_106 = arith.constant 0 : i32
    %sign3A_107 = arith.cmpi slt, %get3A_100, %sign3A_106 : i32
    %sign3A_108 = arith.extui %sign3A_107 : i1 to i32
    %sign3A_109 = arith.subi %sign3A_105, %sign3A_108 : i32
    %sign3A_110 = arith.constant 0 : i32
    %sign3A_111 = arith.cmpi sgt, %jit3A_101, %sign3A_110 : i32
    %sign3A_112 = arith.extui %sign3A_111 : i1 to i32
    %sign3A_113 = arith.constant 0 : i32
    %sign3A_114 = arith.cmpi slt, %jit3A_101, %sign3A_113 : i32
    %sign3A_115 = arith.extui %sign3A_114 : i1 to i32
    %sign3A_116 = arith.subi %sign3A_112, %sign3A_115 : i32
    %ne3A_117 = arith.cmpi ne, %sign3A_109, %sign3A_116 : i32
    %rem3A_118 = arith.remsi %get3A_100, %jit3A_101 : i32
    %ne3A_119 = arith.constant 0 : i32
    %ne3A_120 = arith.cmpi ne, %rem3A_118, %ne3A_119 : i32
    %and3A_121 = arith.andi %ne3A_117, %ne3A_120 : i1
    %sub3A_122 = arith.constant 1 : i32
    %sub3A_123 = arith.subi %div3A_102, %sub3A_122 : i32
    %select_n3A_124 = arith.select %and3A_121, %sub3A_123, %div3A_102 : i32
    %mul3A_125 = arith.constant 96 : i32
    %mul3A_126 = arith.muli %select_n3A_124, %mul3A_125 : i32
    %sub3A_127 = arith.subi %get3A_100, %mul3A_126 : i32
    %dma_start3A_128 = arith.constant 2 : i32
    %dma_start3A_129 = arith.constant 0 : i32
    %dma_start3A_130 = arith.constant 0 : i32
    %dma_start3A_131 = arith.constant 0 : i32
    %dma_start3A_132 = arith.constant 0 : i32
    %dma_start3A_133 = tpu.memref_slice %arg32[%dma_start3A_129, %dma_start3A_130, %dma_start3A_128, %dma_start3A_131, %dma_start3A_132] : memref<32x4x24x8x97xf32, #tpu.memory_space<vmem>> -> memref<32x4x1x8x97xf32, #tpu.memory_space<vmem>>
    %dma_start3A_134 = tpu.memref_squeeze %dma_start3A_133 : memref<32x4x1x8x97xf32, #tpu.memory_space<vmem>> -> memref<32x4x8x97xf32, #tpu.memory_space<vmem>>
    %dma_start3A_135 = arith.constant 0 : i32
    %dma_start3A_136 = arith.constant 0 : i32
    %dma_start3A_137 = arith.constant 0 : i32
    %dma_start3A_138 = arith.constant 0 : i32
    %dma_start3A_139 = tpu.memref_slice %arg0[%dma_start3A_135, %dma_start3A_136, %select_n3A_124, %dma_start3A_137, %dma_start3A_138] : memref<32x4x48x8x97xf32, #tpu.memory_space<hbm>> -> memref<32x4x1x8x97xf32, #tpu.memory_space<hbm>>
    %dma_start3A_140 = tpu.memref_squeeze %dma_start3A_139 : memref<32x4x1x8x97xf32, #tpu.memory_space<hbm>> -> memref<32x4x8x97xf32, #tpu.memory_space<hbm>>
    tpu.enqueue_dma source(%dma_start3A_140 : memref<32x4x8x97xf32, #tpu.memory_space<hbm>>) target(%dma_start3A_134 : memref<32x4x8x97xf32, #tpu.memory_space<vmem>>) target_semaphore(%arg34 : memref<!tpu.dma_semaphore, #tpu.memory_space<semaphore_mem>>)
    %dma_start3A_141 = arith.constant 2 : i32
    %dma_start3A_142 = arith.constant 0 : i32
    %dma_start3A_143 = arith.constant 0 : i32
    %dma_start3A_144 = arith.constant 0 : i32
    %dma_start3A_145 = arith.constant 0 : i32
    %dma_start3A_146 = tpu.memref_slice %arg33[%dma_start3A_142, %dma_start3A_143, %dma_start3A_141, %dma_start3A_144, %dma_start3A_145] : memref<32x4x24x8x96xf32, #tpu.memory_space<vmem>> -> memref<32x4x1x8x96xf32, #tpu.memory_space<vmem>>
    %dma_start3A_147 = tpu.memref_squeeze %dma_start3A_146 : memref<32x4x1x8x96xf32, #tpu.memory_space<vmem>> -> memref<32x4x8x96xf32, #tpu.memory_space<vmem>>
    %dma_start3A_148 = arith.constant 0 : i32
    %dma_start3A_149 = arith.constant 0 : i32
    %dma_start3A_150 = arith.constant 0 : i32
    %dma_start3A_151 = arith.constant 0 : i32
    %dma_start3A_152 = tpu.memref_slice %arg1[%dma_start3A_148, %dma_start3A_149, %select_n3A_124, %dma_start3A_150, %dma_start3A_151] : memref<32x4x48x8x96xf32, #tpu.memory_space<hbm>> -> memref<32x4x1x8x96xf32, #tpu.memory_space<hbm>>
    %dma_start3A_153 = tpu.memref_squeeze %dma_start3A_152 : memref<32x4x1x8x96xf32, #tpu.memory_space<hbm>> -> memref<32x4x8x96xf32, #tpu.memory_space<hbm>>
    tpu.enqueue_dma source(%dma_start3A_153 : memref<32x4x8x96xf32, #tpu.memory_space<hbm>>) target(%dma_start3A_147 : memref<32x4x8x96xf32, #tpu.memory_space<vmem>>) target_semaphore(%arg34 : memref<!tpu.dma_semaphore, #tpu.memory_space<semaphore_mem>>)
    %get3A_154 = arith.constant 48 : index
    %get3A_155 = memref.load %arg2[%get3A_154] : memref<512xi32, #tpu.memory_space<smem>>
    %jit3A_156 = arith.constant 96 : i32
    %div3A_157 = arith.divsi %get3A_155, %jit3A_156 : i32
    %sign3A_158 = arith.constant 0 : i32
    %sign3A_159 = arith.cmpi sgt, %get3A_155, %sign3A_158 : i32
    %sign3A_160 = arith.extui %sign3A_159 : i1 to i32
    %sign3A_161 = arith.constant 0 : i32
    %sign3A_162 = arith.cmpi slt, %get3A_155, %sign3A_161 : i32
    %sign3A_163 = arith.extui %sign3A_162 : i1 to i32
    %sign3A_164 = arith.subi %sign3A_160, %sign3A_163 : i32
    %sign3A_165 = arith.constant 0 : i32
    %sign3A_166 = arith.cmpi sgt, %jit3A_156, %sign3A_165 : i32
    %sign3A_167 = arith.extui %sign3A_166 : i1 to i32
    %sign3A_168 = arith.constant 0 : i32
    %sign3A_169 = arith.cmpi slt, %jit3A_156, %sign3A_168 : i32
    %sign3A_170 = arith.extui %sign3A_169 : i1 to i32
    %sign3A_171 = arith.subi %sign3A_167, %sign3A_170 : i32
    %ne3A_172 = arith.cmpi ne, %sign3A_164, %sign3A_171 : i32
    %rem3A_173 = arith.remsi %get3A_155, %jit3A_156 : i32
    %ne3A_174 = arith.constant 0 : i32
    %ne3A_175 = arith.cmpi ne, %rem3A_173, %ne3A_174 : i32
    %and3A_176 = arith.andi %ne3A_172, %ne3A_175 : i1
    %sub3A_177 = arith.constant 1 : i32
    %sub3A_178 = arith.subi %div3A_157, %sub3A_177 : i32
    %select_n3A_179 = arith.select %and3A_176, %sub3A_178, %div3A_157 : i32
    %mul3A_180 = arith.constant 96 : i32
    %mul3A_181 = arith.muli %select_n3A_179, %mul3A_180 : i32
    %sub3A_182 = arith.subi %get3A_155, %mul3A_181 : i32
    %dma_start3A_183 = arith.constant 3 : i32
    %dma_start3A_184 = arith.constant 0 : i32
    %dma_start3A_185 = arith.constant 0 : i32
    %dma_start3A_186 = arith.constant 0 : i32
    %dma_start3A_187 = arith.constant 0 : i32
    %dma_start3A_188 = tpu.memref_slice %arg32[%dma_start3A_184, %dma_start3A_185, %dma_start3A_183, %dma_start3A_186, %dma_start3A_187] : memref<32x4x24x8x97xf32, #tpu.memory_space<vmem>> -> memref<32x4x1x8x97xf32, #tpu.memory_space<vmem>>
    %dma_start3A_189 = tpu.memref_squeeze %dma_start3A_188 : memref<32x4x1x8x97xf32, #tpu.memory_space<vmem>> -> memref<32x4x8x97xf32, #tpu.memory_space<vmem>>
    %dma_start3A_190 = arith.constant 0 : i32
    %dma_start3A_191 = arith.constant 0 : i32
    %dma_start3A_192 = arith.constant 0 : i32
    %dma_start3A_193 = arith.constant 0 : i32
    %dma_start3A_194 = tpu.memref_slice %arg0[%dma_start3A_190, %dma_start3A_191, %select_n3A_179, %dma_start3A_192, %dma_start3A_193] : memref<32x4x48x8x97xf32, #tpu.memory_space<hbm>> -> memref<32x4x1x8x97xf32, #tpu.memory_space<hbm>>
    %dma_start3A_195 = tpu.memref_squeeze %dma_start3A_194 : memref<32x4x1x8x97xf32, #tpu.memory_space<hbm>> -> memref<32x4x8x97xf32, #tpu.memory_space<hbm>>
    tpu.enqueue_dma source(%dma_start3A_195 : memref<32x4x8x97xf32, #tpu.memory_space<hbm>>) target(%dma_start3A_189 : memref<32x4x8x97xf32, #tpu.memory_space<vmem>>) target_semaphore(%arg34 : memref<!tpu.dma_semaphore, #tpu.memory_space<semaphore_mem>>)
    %dma_start3A_196 = arith.constant 3 : i32
    %dma_start3A_197 = arith.constant 0 : i32
    %dma_start3A_198 = arith.constant 0 : i32
    %dma_start3A_199 = arith.constant 0 : i32
    %dma_start3A_200 = arith.constant 0 : i32
    %dma_start3A_201 = tpu.memref_slice %arg33[%dma_start3A_197, %dma_start3A_198, %dma_start3A_196, %dma_start3A_199, %dma_start3A_200] : memref<32x4x24x8x96xf32, #tpu.memory_space<vmem>> -> memref<32x4x1x8x96xf32, #tpu.memory_space<vmem>>
    %dma_start3A_202 = tpu.memref_squeeze %dma_start3A_201 : memref<32x4x1x8x96xf32, #tpu.memory_space<vmem>> -> memref<32x4x8x96xf32, #tpu.memory_space<vmem>>
    %dma_start3A_203 = arith.constant 0 : i32
    %dma_start3A_204 = arith.constant 0 : i32
    %dma_start3A_205 = arith.constant 0 : i32
    %dma_start3A_206 = arith.constant 0 : i32
    %dma_start3A_207 = tpu.memref_slice %arg1[%dma_start3A_203, %dma_start3A_204, %select_n3A_179, %dma_start3A_205, %dma_start3A_206] : memref<32x4x48x8x96xf32, #tpu.memory_space<hbm>> -> memref<32x4x1x8x96xf32, #tpu.memory_space<hbm>>
    %dma_start3A_208 = tpu.memref_squeeze %dma_start3A_207 : memref<32x4x1x8x96xf32, #tpu.memory_space<hbm>> -> memref<32x4x8x96xf32, #tpu.memory_space<hbm>>
    tpu.enqueue_dma source(%dma_start3A_208 : memref<32x4x8x96xf32, #tpu.memory_space<hbm>>) target(%dma_start3A_202 : memref<32x4x8x96xf32, #tpu.memory_space<vmem>>) target_semaphore(%arg34 : memref<!tpu.dma_semaphore, #tpu.memory_space<semaphore_mem>>)
    %get3A_209 = arith.constant 64 : index
    %get3A_210 = memref.load %arg2[%get3A_209] : memref<512xi32, #tpu.memory_space<smem>>
    %jit3A_211 = arith.constant 96 : i32
    %div3A_212 = arith.divsi %get3A_210, %jit3A_211 : i32
    %sign3A_213 = arith.constant 0 : i32
    %sign3A_214 = arith.cmpi sgt, %get3A_210, %sign3A_213 : i32
    %sign3A_215 = arith.extui %sign3A_214 : i1 to i32
    %sign3A_216 = arith.constant 0 : i32
    %sign3A_217 = arith.cmpi slt, %get3A_210, %sign3A_216 : i32
    %sign3A_218 = arith.extui %sign3A_217 : i1 to i32
    %sign3A_219 = arith.subi %sign3A_215, %sign3A_218 : i32
    %sign3A_220 = arith.constant 0 : i32
    %sign3A_221 = arith.cmpi sgt, %jit3A_211, %sign3A_220 : i32
    %sign3A_222 = arith.extui %sign3A_221 : i1 to i32
    %sign3A_223 = arith.constant 0 : i32
    %sign3A_224 = arith.cmpi slt, %jit3A_211, %sign3A_223 : i32
    %sign3A_225 = arith.extui %sign3A_224 : i1 to i32
    %sign3A_226 = arith.subi %sign3A_222, %sign3A_225 : i32
    %ne3A_227 = arith.cmpi ne, %sign3A_219, %sign3A_226 : i32
    %rem3A_228 = arith.remsi %get3A_210, %jit3A_211 : i32
    %ne3A_229 = arith.constant 0 : i32
    %ne3A_230 = arith.cmpi ne, %rem3A_228, %ne3A_229 : i32
    %and3A_231 = arith.andi %ne3A_227, %ne3A_230 : i1
    %sub3A_232 = arith.constant 1 : i32
    %sub3A_233 = arith.subi %div3A_212, %sub3A_232 : i32
    %select_n3A_234 = arith.select %and3A_231, %sub3A_233, %div3A_212 : i32
    %mul3A_235 = arith.constant 96 : i32
    %mul3A_236 = arith.muli %select_n3A_234, %mul3A_235 : i32
    %sub3A_237 = arith.subi %get3A_210, %mul3A_236 : i32
    %dma_start3A_238 = arith.constant 4 : i32
    %dma_start3A_239 = arith.constant 0 : i32
    %dma_start3A_240 = arith.constant 0 : i32
    %dma_start3A_241 = arith.constant 0 : i32
    %dma_start3A_242 = arith.constant 0 : i32
    %dma_start3A_243 = tpu.memref_slice %arg32[%dma_start3A_239, %dma_start3A_240, %dma_start3A_238, %dma_start3A_241, %dma_start3A_242] : memref<32x4x24x8x97xf32, #tpu.memory_space<vmem>> -> memref<32x4x1x8x97xf32, #tpu.memory_space<vmem>>
    %dma_start3A_244 = tpu.memref_squeeze %dma_start3A_243 : memref<32x4x1x8x97xf32, #tpu.memory_space<vmem>> -> memref<32x4x8x97xf32, #tpu.memory_space<vmem>>
    %dma_start3A_245 = arith.constant 0 : i32
    %dma_start3A_246 = arith.constant 0 : i32
    %dma_start3A_247 = arith.constant 0 : i32
    %dma_start3A_248 = arith.constant 0 : i32
    %dma_start3A_249 = tpu.memref_slice %arg0[%dma_start3A_245, %dma_start3A_246, %select_n3A_234, %dma_start3A_247, %dma_start3A_248] : memref<32x4x48x8x97xf32, #tpu.memory_space<hbm>> -> memref<32x4x1x8x97xf32, #tpu.memory_space<hbm>>
    %dma_start3A_250 = tpu.memref_squeeze %dma_start3A_249 : memref<32x4x1x8x97xf32, #tpu.memory_space<hbm>> -> memref<32x4x8x97xf32, #tpu.memory_space<hbm>>
    tpu.enqueue_dma source(%dma_start3A_250 : memref<32x4x8x97xf32, #tpu.memory_space<hbm>>) target(%dma_start3A_244 : memref<32x4x8x97xf32, #tpu.memory_space<vmem>>) target_semaphore(%arg34 : memref<!tpu.dma_semaphore, #tpu.memory_space<semaphore_mem>>)
    %dma_start3A_251 = arith.constant 4 : i32
    %dma_start3A_252 = arith.constant 0 : i32
    %dma_start3A_253 = arith.constant 0 : i32
    %dma_start3A_254 = arith.constant 0 : i32
    %dma_start3A_255 = arith.constant 0 : i32
    %dma_start3A_256 = tpu.memref_slice %arg33[%dma_start3A_252, %dma_start3A_253, %dma_start3A_251, %dma_start3A_254, %dma_start3A_255] : memref<32x4x24x8x96xf32, #tpu.memory_space<vmem>> -> memref<32x4x1x8x96xf32, #tpu.memory_space<vmem>>
    %dma_start3A_257 = tpu.memref_squeeze %dma_start3A_256 : memref<32x4x1x8x96xf32, #tpu.memory_space<vmem>> -> memref<32x4x8x96xf32, #tpu.memory_space<vmem>>
    %dma_start3A_258 = arith.constant 0 : i32
    %dma_start3A_259 = arith.constant 0 : i32
    %dma_start3A_260 = arith.constant 0 : i32
    %dma_start3A_261 = arith.constant 0 : i32
    %dma_start3A_262 = tpu.memref_slice %arg1[%dma_start3A_258, %dma_start3A_259, %select_n3A_234, %dma_start3A_260, %dma_start3A_261] : memref<32x4x48x8x96xf32, #tpu.memory_space<hbm>> -> memref<32x4x1x8x96xf32, #tpu.memory_space<hbm>>
    %dma_start3A_263 = tpu.memref_squeeze %dma_start3A_262 : memref<32x4x1x8x96xf32, #tpu.memory_space<hbm>> -> memref<32x4x8x96xf32, #tpu.memory_space<hbm>>
    tpu.enqueue_dma source(%dma_start3A_263 : memref<32x4x8x96xf32, #tpu.memory_space<hbm>>) target(%dma_start3A_257 : memref<32x4x8x96xf32, #tpu.memory_space<vmem>>) target_semaphore(%arg34 : memref<!tpu.dma_semaphore, #tpu.memory_space<semaphore_mem>>)
    %get3A_264 = arith.constant 80 : index
    %get3A_265 = memref.load %arg2[%get3A_264] : memref<512xi32, #tpu.memory_space<smem>>
    %jit3A_266 = arith.constant 96 : i32
    %div3A_267 = arith.divsi %get3A_265, %jit3A_266 : i32
    %sign3A_268 = arith.constant 0 : i32
    %sign3A_269 = arith.cmpi sgt, %get3A_265, %sign3A_268 : i32
    %sign3A_270 = arith.extui %sign3A_269 : i1 to i32
    %sign3A_271 = arith.constant 0 : i32
    %sign3A_272 = arith.cmpi slt, %get3A_265, %sign3A_271 : i32
    %sign3A_273 = arith.extui %sign3A_272 : i1 to i32
    %sign3A_274 = arith.subi %sign3A_270, %sign3A_273 : i32
    %sign3A_275 = arith.constant 0 : i32
    %sign3A_276 = arith.cmpi sgt, %jit3A_266, %sign3A_275 : i32
    %sign3A_277 = arith.extui %sign3A_276 : i1 to i32
    %sign3A_278 = arith.constant 0 : i32
    %sign3A_279 = arith.cmpi slt, %jit3A_266, %sign3A_278 : i32
    %sign3A_280 = arith.extui %sign3A_279 : i1 to i32
    %sign3A_281 = arith.subi %sign3A_277, %sign3A_280 : i32
    %ne3A_282 = arith.cmpi ne, %sign3A_274, %sign3A_281 : i32
    %rem3A_283 = arith.remsi %get3A_265, %jit3A_266 : i32
    %ne3A_284 = arith.constant 0 : i32
    %ne3A_285 = arith.cmpi ne, %rem3A_283, %ne3A_284 : i32
    %and3A_286 = arith.andi %ne3A_282, %ne3A_285 : i1
    %sub3A_287 = arith.constant 1 : i32
    %sub3A_288 = arith.subi %div3A_267, %sub3A_287 : i32
    %select_n3A_289 = arith.select %and3A_286, %sub3A_288, %div3A_267 : i32
    %mul3A_290 = arith.constant 96 : i32
    %mul3A_291 = arith.muli %select_n3A_289, %mul3A_290 : i32
    %sub3A_292 = arith.subi %get3A_265, %mul3A_291 : i32
    %dma_start3A_293 = arith.constant 5 : i32
    %dma_start3A_294 = arith.constant 0 : i32
    %dma_start3A_295 = arith.constant 0 : i32
    %dma_start3A_296 = arith.constant 0 : i32
    %dma_start3A_297 = arith.constant 0 : i32
    %dma_start3A_298 = tpu.memref_slice %arg32[%dma_start3A_294, %dma_start3A_295, %dma_start3A_293, %dma_start3A_296, %dma_start3A_297] : memref<32x4x24x8x97xf32, #tpu.memory_space<vmem>> -> memref<32x4x1x8x97xf32, #tpu.memory_space<vmem>>
    %dma_start3A_299 = tpu.memref_squeeze %dma_start3A_298 : memref<32x4x1x8x97xf32, #tpu.memory_space<vmem>> -> memref<32x4x8x97xf32, #tpu.memory_space<vmem>>
    %dma_start3A_300 = arith.constant 0 : i32
    %dma_start3A_301 = arith.constant 0 : i32
    %dma_start3A_302 = arith.constant 0 : i32
    %dma_start3A_303 = arith.constant 0 : i32
    %dma_start3A_304 = tpu.memref_slice %arg0[%dma_start3A_300, %dma_start3A_301, %select_n3A_289, %dma_start3A_302, %dma_start3A_303] : memref<32x4x48x8x97xf32, #tpu.memory_space<hbm>> -> memref<32x4x1x8x97xf32, #tpu.memory_space<hbm>>
    %dma_start3A_305 = tpu.memref_squeeze %dma_start3A_304 : memref<32x4x1x8x97xf32, #tpu.memory_space<hbm>> -> memref<32x4x8x97xf32, #tpu.memory_space<hbm>>
    tpu.enqueue_dma source(%dma_start3A_305 : memref<32x4x8x97xf32, #tpu.memory_space<hbm>>) target(%dma_start3A_299 : memref<32x4x8x97xf32, #tpu.memory_space<vmem>>) target_semaphore(%arg34 : memref<!tpu.dma_semaphore, #tpu.memory_space<semaphore_mem>>)
    %dma_start3A_306 = arith.constant 5 : i32
    %dma_start3A_307 = arith.constant 0 : i32
    %dma_start3A_308 = arith.constant 0 : i32
    %dma_start3A_309 = arith.constant 0 : i32
    %dma_start3A_310 = arith.constant 0 : i32
    %dma_start3A_311 = tpu.memref_slice %arg33[%dma_start3A_307, %dma_start3A_308, %dma_start3A_306, %dma_start3A_309, %dma_start3A_310] : memref<32x4x24x8x96xf32, #tpu.memory_space<vmem>> -> memref<32x4x1x8x96xf32, #tpu.memory_space<vmem>>
    %dma_start3A_312 = tpu.memref_squeeze %dma_start3A_311 : memref<32x4x1x8x96xf32, #tpu.memory_space<vmem>> -> memref<32x4x8x96xf32, #tpu.memory_space<vmem>>
    %dma_start3A_313 = arith.constant 0 : i32
    %dma_start3A_314 = arith.constant 0 : i32
    %dma_start3A_315 = arith.constant 0 : i32
    %dma_start3A_316 = arith.constant 0 : i32
    %dma_start3A_317 = tpu.memref_slice %arg1[%dma_start3A_313, %dma_start3A_314, %select_n3A_289, %dma_start3A_315, %dma_start3A_316] : memref<32x4x48x8x96xf32, #tpu.memory_space<hbm>> -> memref<32x4x1x8x96xf32, #tpu.memory_space<hbm>>
    %dma_start3A_318 = tpu.memref_squeeze %dma_start3A_317 : memref<32x4x1x8x96xf32, #tpu.memory_space<hbm>> -> memref<32x4x8x96xf32, #tpu.memory_space<hbm>>
    tpu.enqueue_dma source(%dma_start3A_318 : memref<32x4x8x96xf32, #tpu.memory_space<hbm>>) target(%dma_start3A_312 : memref<32x4x8x96xf32, #tpu.memory_space<vmem>>) target_semaphore(%arg34 : memref<!tpu.dma_semaphore, #tpu.memory_space<semaphore_mem>>)
    %get3A_319 = arith.constant 96 : index
    %get3A_320 = memref.load %arg2[%get3A_319] : memref<512xi32, #tpu.memory_space<smem>>
    %jit3A_321 = arith.constant 96 : i32
    %div3A_322 = arith.divsi %get3A_320, %jit3A_321 : i32
    %sign3A_323 = arith.constant 0 : i32
    %sign3A_324 = arith.cmpi sgt, %get3A_320, %sign3A_323 : i32
    %sign3A_325 = arith.extui %sign3A_324 : i1 to i32
    %sign3A_326 = arith.constant 0 : i32
    %sign3A_327 = arith.cmpi slt, %get3A_320, %sign3A_326 : i32
    %sign3A_328 = arith.extui %sign3A_327 : i1 to i32
    %sign3A_329 = arith.subi %sign3A_325, %sign3A_328 : i32
    %sign3A_330 = arith.constant 0 : i32
    %sign3A_331 = arith.cmpi sgt, %jit3A_321, %sign3A_330 : i32
    %sign3A_332 = arith.extui %sign3A_331 : i1 to i32
    %sign3A_333 = arith.constant 0 : i32
    %sign3A_334 = arith.cmpi slt, %jit3A_321, %sign3A_333 : i32
    %sign3A_335 = arith.extui %sign3A_334 : i1 to i32
    %sign3A_336 = arith.subi %sign3A_332, %sign3A_335 : i32
    %ne3A_337 = arith.cmpi ne, %sign3A_329, %sign3A_336 : i32
    %rem3A_338 = arith.remsi %get3A_320, %jit3A_321 : i32
    %ne3A_339 = arith.constant 0 : i32
    %ne3A_340 = arith.cmpi ne, %rem3A_338, %ne3A_339 : i32
    %and3A_341 = arith.andi %ne3A_337, %ne3A_340 : i1
    %sub3A_342 = arith.constant 1 : i32
    %sub3A_343 = arith.subi %div3A_322, %sub3A_342 : i32
    %select_n3A_344 = arith.select %and3A_341, %sub3A_343, %div3A_322 : i32
    %mul3A_345 = arith.constant 96 : i32
    %mul3A_346 = arith.muli %select_n3A_344, %mul3A_345 : i32
    %sub3A_347 = arith.subi %get3A_320, %mul3A_346 : i32
    %dma_start3A_348 = arith.constant 6 : i32
    %dma_start3A_349 = arith.constant 0 : i32
    %dma_start3A_350 = arith.constant 0 : i32
    %dma_start3A_351 = arith.constant 0 : i32
    %dma_start3A_352 = arith.constant 0 : i32
    %dma_start3A_353 = tpu.memref_slice %arg32[%dma_start3A_349, %dma_start3A_350, %dma_start3A_348, %dma_start3A_351, %dma_start3A_352] : memref<32x4x24x8x97xf32, #tpu.memory_space<vmem>> -> memref<32x4x1x8x97xf32, #tpu.memory_space<vmem>>
    %dma_start3A_354 = tpu.memref_squeeze %dma_start3A_353 : memref<32x4x1x8x97xf32, #tpu.memory_space<vmem>> -> memref<32x4x8x97xf32, #tpu.memory_space<vmem>>
    %dma_start3A_355 = arith.constant 0 : i32
    %dma_start3A_356 = arith.constant 0 : i32
    %dma_start3A_357 = arith.constant 0 : i32
    %dma_start3A_358 = arith.constant 0 : i32
    %dma_start3A_359 = tpu.memref_slice %arg0[%dma_start3A_355, %dma_start3A_356, %select_n3A_344, %dma_start3A_357, %dma_start3A_358] : memref<32x4x48x8x97xf32, #tpu.memory_space<hbm>> -> memref<32x4x1x8x97xf32, #tpu.memory_space<hbm>>
    %dma_start3A_360 = tpu.memref_squeeze %dma_start3A_359 : memref<32x4x1x8x97xf32, #tpu.memory_space<hbm>> -> memref<32x4x8x97xf32, #tpu.memory_space<hbm>>
    tpu.enqueue_dma source(%dma_start3A_360 : memref<32x4x8x97xf32, #tpu.memory_space<hbm>>) target(%dma_start3A_354 : memref<32x4x8x97xf32, #tpu.memory_space<vmem>>) target_semaphore(%arg34 : memref<!tpu.dma_semaphore, #tpu.memory_space<semaphore_mem>>)
    %dma_start3A_361 = arith.constant 6 : i32
    %dma_start3A_362 = arith.constant 0 : i32
    %dma_start3A_363 = arith.constant 0 : i32
    %dma_start3A_364 = arith.constant 0 : i32
    %dma_start3A_365 = arith.constant 0 : i32
    %dma_start3A_366 = tpu.memref_slice %arg33[%dma_start3A_362, %dma_start3A_363, %dma_start3A_361, %dma_start3A_364, %dma_start3A_365] : memref<32x4x24x8x96xf32, #tpu.memory_space<vmem>> -> memref<32x4x1x8x96xf32, #tpu.memory_space<vmem>>
    %dma_start3A_367 = tpu.memref_squeeze %dma_start3A_366 : memref<32x4x1x8x96xf32, #tpu.memory_space<vmem>> -> memref<32x4x8x96xf32, #tpu.memory_space<vmem>>
    %dma_start3A_368 = arith.constant 0 : i32
    %dma_start3A_369 = arith.constant 0 : i32
    %dma_start3A_370 = arith.constant 0 : i32
    %dma_start3A_371 = arith.constant 0 : i32
    %dma_start3A_372 = tpu.memref_slice %arg1[%dma_start3A_368, %dma_start3A_369, %select_n3A_344, %dma_start3A_370, %dma_start3A_371] : memref<32x4x48x8x96xf32, #tpu.memory_space<hbm>> -> memref<32x4x1x8x96xf32, #tpu.memory_space<hbm>>
    %dma_start3A_373 = tpu.memref_squeeze %dma_start3A_372 : memref<32x4x1x8x96xf32, #tpu.memory_space<hbm>> -> memref<32x4x8x96xf32, #tpu.memory_space<hbm>>
    tpu.enqueue_dma source(%dma_start3A_373 : memref<32x4x8x96xf32, #tpu.memory_space<hbm>>) target(%dma_start3A_367 : memref<32x4x8x96xf32, #tpu.memory_space<vmem>>) target_semaphore(%arg34 : memref<!tpu.dma_semaphore, #tpu.memory_space<semaphore_mem>>)
    %get3A_374 = arith.constant 112 : index
    %get3A_375 = memref.load %arg2[%get3A_374] : memref<512xi32, #tpu.memory_space<smem>>
    %jit3A_376 = arith.constant 96 : i32
    %div3A_377 = arith.divsi %get3A_375, %jit3A_376 : i32
    %sign3A_378 = arith.constant 0 : i32
    %sign3A_379 = arith.cmpi sgt, %get3A_375, %sign3A_378 : i32
    %sign3A_380 = arith.extui %sign3A_379 : i1 to i32
    %sign3A_381 = arith.constant 0 : i32
    %sign3A_382 = arith.cmpi slt, %get3A_375, %sign3A_381 : i32
    %sign3A_383 = arith.extui %sign3A_382 : i1 to i32
    %sign3A_384 = arith.subi %sign3A_380, %sign3A_383 : i32
    %sign3A_385 = arith.constant 0 : i32
    %sign3A_386 = arith.cmpi sgt, %jit3A_376, %sign3A_385 : i32
    %sign3A_387 = arith.extui %sign3A_386 : i1 to i32
    %sign3A_388 = arith.constant 0 : i32
    %sign3A_389 = arith.cmpi slt, %jit3A_376, %sign3A_388 : i32
    %sign3A_390 = arith.extui %sign3A_389 : i1 to i32
    %sign3A_391 = arith.subi %sign3A_387, %sign3A_390 : i32
    %ne3A_392 = arith.cmpi ne, %sign3A_384, %sign3A_391 : i32
    %rem3A_393 = arith.remsi %get3A_375, %jit3A_376 : i32
    %ne3A_394 = arith.constant 0 : i32
    %ne3A_395 = arith.cmpi ne, %rem3A_393, %ne3A_394 : i32
    %and3A_396 = arith.andi %ne3A_392, %ne3A_395 : i1
    %sub3A_397 = arith.constant 1 : i32
    %sub3A_398 = arith.subi %div3A_377, %sub3A_397 : i32
    %select_n3A_399 = arith.select %and3A_396, %sub3A_398, %div3A_377 : i32
    %mul3A_400 = arith.constant 96 : i32
    %mul3A_401 = arith.muli %select_n3A_399, %mul3A_400 : i32
    %sub3A_402 = arith.subi %get3A_375, %mul3A_401 : i32
    %dma_start3A_403 = arith.constant 7 : i32
    %dma_start3A_404 = arith.constant 0 : i32
    %dma_start3A_405 = arith.constant 0 : i32
    %dma_start3A_406 = arith.constant 0 : i32
    %dma_start3A_407 = arith.constant 0 : i32
    %dma_start3A_408 = tpu.memref_slice %arg32[%dma_start3A_404, %dma_start3A_405, %dma_start3A_403, %dma_start3A_406, %dma_start3A_407] : memref<32x4x24x8x97xf32, #tpu.memory_space<vmem>> -> memref<32x4x1x8x97xf32, #tpu.memory_space<vmem>>
    %dma_start3A_409 = tpu.memref_squeeze %dma_start3A_408 : memref<32x4x1x8x97xf32, #tpu.memory_space<vmem>> -> memref<32x4x8x97xf32, #tpu.memory_space<vmem>>
    %dma_start3A_410 = arith.constant 0 : i32
    %dma_start3A_411 = arith.constant 0 : i32
    %dma_start3A_412 = arith.constant 0 : i32
    %dma_start3A_413 = arith.constant 0 : i32
    %dma_start3A_414 = tpu.memref_slice %arg0[%dma_start3A_410, %dma_start3A_411, %select_n3A_399, %dma_start3A_412, %dma_start3A_413] : memref<32x4x48x8x97xf32, #tpu.memory_space<hbm>> -> memref<32x4x1x8x97xf32, #tpu.memory_space<hbm>>
    %dma_start3A_415 = tpu.memref_squeeze %dma_start3A_414 : memref<32x4x1x8x97xf32, #tpu.memory_space<hbm>> -> memref<32x4x8x97xf32, #tpu.memory_space<hbm>>
    tpu.enqueue_dma source(%dma_start3A_415 : memref<32x4x8x97xf32, #tpu.memory_space<hbm>>) target(%dma_start3A_409 : memref<32x4x8x97xf32, #tpu.memory_space<vmem>>) target_semaphore(%arg34 : memref<!tpu.dma_semaphore, #tpu.memory_space<semaphore_mem>>)
    %dma_start3A_416 = arith.constant 7 : i32
    %dma_start3A_417 = arith.constant 0 : i32
    %dma_start3A_418 = arith.constant 0 : i32
    %dma_start3A_419 = arith.constant 0 : i32
    %dma_start3A_420 = arith.constant 0 : i32
    %dma_start3A_421 = tpu.memref_slice %arg33[%dma_start3A_417, %dma_start3A_418, %dma_start3A_416, %dma_start3A_419, %dma_start3A_420] : memref<32x4x24x8x96xf32, #tpu.memory_space<vmem>> -> memref<32x4x1x8x96xf32, #tpu.memory_space<vmem>>
    %dma_start3A_422 = tpu.memref_squeeze %dma_start3A_421 : memref<32x4x1x8x96xf32, #tpu.memory_space<vmem>> -> memref<32x4x8x96xf32, #tpu.memory_space<vmem>>
    %dma_start3A_423 = arith.constant 0 : i32
    %dma_start3A_424 = arith.constant 0 : i32
    %dma_start3A_425 = arith.constant 0 : i32
    %dma_start3A_426 = arith.constant 0 : i32
    %dma_start3A_427 = tpu.memref_slice %arg1[%dma_start3A_423, %dma_start3A_424, %select_n3A_399, %dma_start3A_425, %dma_start3A_426] : memref<32x4x48x8x96xf32, #tpu.memory_space<hbm>> -> memref<32x4x1x8x96xf32, #tpu.memory_space<hbm>>
    %dma_start3A_428 = tpu.memref_squeeze %dma_start3A_427 : memref<32x4x1x8x96xf32, #tpu.memory_space<hbm>> -> memref<32x4x8x96xf32, #tpu.memory_space<hbm>>
    tpu.enqueue_dma source(%dma_start3A_428 : memref<32x4x8x96xf32, #tpu.memory_space<hbm>>) target(%dma_start3A_422 : memref<32x4x8x96xf32, #tpu.memory_space<vmem>>) target_semaphore(%arg34 : memref<!tpu.dma_semaphore, #tpu.memory_space<semaphore_mem>>)
    %get3A_429 = arith.constant 128 : index
    %get3A_430 = memref.load %arg2[%get3A_429] : memref<512xi32, #tpu.memory_space<smem>>
    %jit3A_431 = arith.constant 96 : i32
    %div3A_432 = arith.divsi %get3A_430, %jit3A_431 : i32
    %sign3A_433 = arith.constant 0 : i32
    %sign3A_434 = arith.cmpi sgt, %get3A_430, %sign3A_433 : i32
    %sign3A_435 = arith.extui %sign3A_434 : i1 to i32
    %sign3A_436 = arith.constant 0 : i32
    %sign3A_437 = arith.cmpi slt, %get3A_430, %sign3A_436 : i32
    %sign3A_438 = arith.extui %sign3A_437 : i1 to i32
    %sign3A_439 = arith.subi %sign3A_435, %sign3A_438 : i32
    %sign3A_440 = arith.constant 0 : i32
    %sign3A_441 = arith.cmpi sgt, %jit3A_431, %sign3A_440 : i32
    %sign3A_442 = arith.extui %sign3A_441 : i1 to i32
    %sign3A_443 = arith.constant 0 : i32
    %sign3A_444 = arith.cmpi slt, %jit3A_431, %sign3A_443 : i32
    %sign3A_445 = arith.extui %sign3A_444 : i1 to i32
    %sign3A_446 = arith.subi %sign3A_442, %sign3A_445 : i32
    %ne3A_447 = arith.cmpi ne, %sign3A_439, %sign3A_446 : i32
    %rem3A_448 = arith.remsi %get3A_430, %jit3A_431 : i32
    %ne3A_449 = arith.constant 0 : i32
    %ne3A_450 = arith.cmpi ne, %rem3A_448, %ne3A_449 : i32
    %and3A_451 = arith.andi %ne3A_447, %ne3A_450 : i1
    %sub3A_452 = arith.constant 1 : i32
    %sub3A_453 = arith.subi %div3A_432, %sub3A_452 : i32
    %select_n3A_454 = arith.select %and3A_451, %sub3A_453, %div3A_432 : i32
    %mul3A_455 = arith.constant 96 : i32
    %mul3A_456 = arith.muli %select_n3A_454, %mul3A_455 : i32
    %sub3A_457 = arith.subi %get3A_430, %mul3A_456 : i32
    %dma_start3A_458 = arith.constant 8 : i32
    %dma_start3A_459 = arith.constant 0 : i32
    %dma_start3A_460 = arith.constant 0 : i32
    %dma_start3A_461 = arith.constant 0 : i32
    %dma_start3A_462 = arith.constant 0 : i32
    %dma_start3A_463 = tpu.memref_slice %arg32[%dma_start3A_459, %dma_start3A_460, %dma_start3A_458, %dma_start3A_461, %dma_start3A_462] : memref<32x4x24x8x97xf32, #tpu.memory_space<vmem>> -> memref<32x4x1x8x97xf32, #tpu.memory_space<vmem>>
    %dma_start3A_464 = tpu.memref_squeeze %dma_start3A_463 : memref<32x4x1x8x97xf32, #tpu.memory_space<vmem>> -> memref<32x4x8x97xf32, #tpu.memory_space<vmem>>
    %dma_start3A_465 = arith.constant 0 : i32
    %dma_start3A_466 = arith.constant 0 : i32
    %dma_start3A_467 = arith.constant 0 : i32
    %dma_start3A_468 = arith.constant 0 : i32
    %dma_start3A_469 = tpu.memref_slice %arg0[%dma_start3A_465, %dma_start3A_466, %select_n3A_454, %dma_start3A_467, %dma_start3A_468] : memref<32x4x48x8x97xf32, #tpu.memory_space<hbm>> -> memref<32x4x1x8x97xf32, #tpu.memory_space<hbm>>
    %dma_start3A_470 = tpu.memref_squeeze %dma_start3A_469 : memref<32x4x1x8x97xf32, #tpu.memory_space<hbm>> -> memref<32x4x8x97xf32, #tpu.memory_space<hbm>>
    tpu.enqueue_dma source(%dma_start3A_470 : memref<32x4x8x97xf32, #tpu.memory_space<hbm>>) target(%dma_start3A_464 : memref<32x4x8x97xf32, #tpu.memory_space<vmem>>) target_semaphore(%arg34 : memref<!tpu.dma_semaphore, #tpu.memory_space<semaphore_mem>>)
    %dma_start3A_471 = arith.constant 8 : i32
    %dma_start3A_472 = arith.constant 0 : i32
    %dma_start3A_473 = arith.constant 0 : i32
    %dma_start3A_474 = arith.constant 0 : i32
    %dma_start3A_475 = arith.constant 0 : i32
    %dma_start3A_476 = tpu.memref_slice %arg33[%dma_start3A_472, %dma_start3A_473, %dma_start3A_471, %dma_start3A_474, %dma_start3A_475] : memref<32x4x24x8x96xf32, #tpu.memory_space<vmem>> -> memref<32x4x1x8x96xf32, #tpu.memory_space<vmem>>
    %dma_start3A_477 = tpu.memref_squeeze %dma_start3A_476 : memref<32x4x1x8x96xf32, #tpu.memory_space<vmem>> -> memref<32x4x8x96xf32, #tpu.memory_space<vmem>>
    %dma_start3A_478 = arith.constant 0 : i32
    %dma_start3A_479 = arith.constant 0 : i32
    %dma_start3A_480 = arith.constant 0 : i32
    %dma_start3A_481 = arith.constant 0 : i32
    %dma_start3A_482 = tpu.memref_slice %arg1[%dma_start3A_478, %dma_start3A_479, %select_n3A_454, %dma_start3A_480, %dma_start3A_481] : memref<32x4x48x8x96xf32, #tpu.memory_space<hbm>> -> memref<32x4x1x8x96xf32, #tpu.memory_space<hbm>>
    %dma_start3A_483 = tpu.memref_squeeze %dma_start3A_482 : memref<32x4x1x8x96xf32, #tpu.memory_space<hbm>> -> memref<32x4x8x96xf32, #tpu.memory_space<hbm>>
    tpu.enqueue_dma source(%dma_start3A_483 : memref<32x4x8x96xf32, #tpu.memory_space<hbm>>) target(%dma_start3A_477 : memref<32x4x8x96xf32, #tpu.memory_space<vmem>>) target_semaphore(%arg34 : memref<!tpu.dma_semaphore, #tpu.memory_space<semaphore_mem>>)
    %get3A_484 = arith.constant 144 : index
    %get3A_485 = memref.load %arg2[%get3A_484] : memref<512xi32, #tpu.memory_space<smem>>
    %jit3A_486 = arith.constant 96 : i32
    %div3A_487 = arith.divsi %get3A_485, %jit3A_486 : i32
    %sign3A_488 = arith.constant 0 : i32
    %sign3A_489 = arith.cmpi sgt, %get3A_485, %sign3A_488 : i32
    %sign3A_490 = arith.extui %sign3A_489 : i1 to i32
    %sign3A_491 = arith.constant 0 : i32
    %sign3A_492 = arith.cmpi slt, %get3A_485, %sign3A_491 : i32
    %sign3A_493 = arith.extui %sign3A_492 : i1 to i32
    %sign3A_494 = arith.subi %sign3A_490, %sign3A_493 : i32
    %sign3A_495 = arith.constant 0 : i32
    %sign3A_496 = arith.cmpi sgt, %jit3A_486, %sign3A_495 : i32
    %sign3A_497 = arith.extui %sign3A_496 : i1 to i32
    %sign3A_498 = arith.constant 0 : i32
    %sign3A_499 = arith.cmpi slt, %jit3A_486, %sign3A_498 : i32
    %sign3A_500 = arith.extui %sign3A_499 : i1 to i32
    %sign3A_501 = arith.subi %sign3A_497, %sign3A_500 : i32
    %ne3A_502 = arith.cmpi ne, %sign3A_494, %sign3A_501 : i32
    %rem3A_503 = arith.remsi %get3A_485, %jit3A_486 : i32
    %ne3A_504 = arith.constant 0 : i32
    %ne3A_505 = arith.cmpi ne, %rem3A_503, %ne3A_504 : i32
    %and3A_506 = arith.andi %ne3A_502, %ne3A_505 : i1
    %sub3A_507 = arith.constant 1 : i32
    %sub3A_508 = arith.subi %div3A_487, %sub3A_507 : i32
    %select_n3A_509 = arith.select %and3A_506, %sub3A_508, %div3A_487 : i32
    %mul3A_510 = arith.constant 96 : i32
    %mul3A_511 = arith.muli %select_n3A_509, %mul3A_510 : i32
    %sub3A_512 = arith.subi %get3A_485, %mul3A_511 : i32
    %dma_start3A_513 = arith.constant 9 : i32
    %dma_start3A_514 = arith.constant 0 : i32
    %dma_start3A_515 = arith.constant 0 : i32
    %dma_start3A_516 = arith.constant 0 : i32
    %dma_start3A_517 = arith.constant 0 : i32
    %dma_start3A_518 = tpu.memref_slice %arg32[%dma_start3A_514, %dma_start3A_515, %dma_start3A_513, %dma_start3A_516, %dma_start3A_517] : memref<32x4x24x8x97xf32, #tpu.memory_space<vmem>> -> memref<32x4x1x8x97xf32, #tpu.memory_space<vmem>>
    %dma_start3A_519 = tpu.memref_squeeze %dma_start3A_518 : memref<32x4x1x8x97xf32, #tpu.memory_space<vmem>> -> memref<32x4x8x97xf32, #tpu.memory_space<vmem>>
    %dma_start3A_520 = arith.constant 0 : i32
    %dma_start3A_521 = arith.constant 0 : i32
    %dma_start3A_522 = arith.constant 0 : i32
    %dma_start3A_523 = arith.constant 0 : i32
    %dma_start3A_524 = tpu.memref_slice %arg0[%dma_start3A_520, %dma_start3A_521, %select_n3A_509, %dma_start3A_522, %dma_start3A_523] : memref<32x4x48x8x97xf32, #tpu.memory_space<hbm>> -> memref<32x4x1x8x97xf32, #tpu.memory_space<hbm>>
    %dma_start3A_525 = tpu.memref_squeeze %dma_start3A_524 : memref<32x4x1x8x97xf32, #tpu.memory_space<hbm>> -> memref<32x4x8x97xf32, #tpu.memory_space<hbm>>
    tpu.enqueue_dma source(%dma_start3A_525 : memref<32x4x8x97xf32, #tpu.memory_space<hbm>>) target(%dma_start3A_519 : memref<32x4x8x97xf32, #tpu.memory_space<vmem>>) target_semaphore(%arg34 : memref<!tpu.dma_semaphore, #tpu.memory_space<semaphore_mem>>)
    %dma_start3A_526 = arith.constant 9 : i32
    %dma_start3A_527 = arith.constant 0 : i32
    %dma_start3A_528 = arith.constant 0 : i32
    %dma_start3A_529 = arith.constant 0 : i32
    %dma_start3A_530 = arith.constant 0 : i32
    %dma_start3A_531 = tpu.memref_slice %arg33[%dma_start3A_527, %dma_start3A_528, %dma_start3A_526, %dma_start3A_529, %dma_start3A_530] : memref<32x4x24x8x96xf32, #tpu.memory_space<vmem>> -> memref<32x4x1x8x96xf32, #tpu.memory_space<vmem>>
    %dma_start3A_532 = tpu.memref_squeeze %dma_start3A_531 : memref<32x4x1x8x96xf32, #tpu.memory_space<vmem>> -> memref<32x4x8x96xf32, #tpu.memory_space<vmem>>
    %dma_start3A_533 = arith.constant 0 : i32
    %dma_start3A_534 = arith.constant 0 : i32
    %dma_start3A_535 = arith.constant 0 : i32
    %dma_start3A_536 = arith.constant 0 : i32
    %dma_start3A_537 = tpu.memref_slice %arg1[%dma_start3A_533, %dma_start3A_534, %select_n3A_509, %dma_start3A_535, %dma_start3A_536] : memref<32x4x48x8x96xf32, #tpu.memory_space<hbm>> -> memref<32x4x1x8x96xf32, #tpu.memory_space<hbm>>
    %dma_start3A_538 = tpu.memref_squeeze %dma_start3A_537 : memref<32x4x1x8x96xf32, #tpu.memory_space<hbm>> -> memref<32x4x8x96xf32, #tpu.memory_space<hbm>>
    tpu.enqueue_dma source(%dma_start3A_538 : memref<32x4x8x96xf32, #tpu.memory_space<hbm>>) target(%dma_start3A_532 : memref<32x4x8x96xf32, #tpu.memory_space<vmem>>) target_semaphore(%arg34 : memref<!tpu.dma_semaphore, #tpu.memory_space<semaphore_mem>>)
    %get3A_539 = arith.constant 160 : index
    %get3A_540 = memref.load %arg2[%get3A_539] : memref<512xi32, #tpu.memory_space<smem>>
    %jit3A_541 = arith.constant 96 : i32
    %div3A_542 = arith.divsi %get3A_540, %jit3A_541 : i32
    %sign3A_543 = arith.constant 0 : i32
    %sign3A_544 = arith.cmpi sgt, %get3A_540, %sign3A_543 : i32
    %sign3A_545 = arith.extui %sign3A_544 : i1 to i32
    %sign3A_546 = arith.constant 0 : i32
    %sign3A_547 = arith.cmpi slt, %get3A_540, %sign3A_546 : i32
    %sign3A_548 = arith.extui %sign3A_547 : i1 to i32
    %sign3A_549 = arith.subi %sign3A_545, %sign3A_548 : i32
    %sign3A_550 = arith.constant 0 : i32
    %sign3A_551 = arith.cmpi sgt, %jit3A_541, %sign3A_550 : i32
    %sign3A_552 = arith.extui %sign3A_551 : i1 to i32
    %sign3A_553 = arith.constant 0 : i32
    %sign3A_554 = arith.cmpi slt, %jit3A_541, %sign3A_553 : i32
    %sign3A_555 = arith.extui %sign3A_554 : i1 to i32
    %sign3A_556 = arith.subi %sign3A_552, %sign3A_555 : i32
    %ne3A_557 = arith.cmpi ne, %sign3A_549, %sign3A_556 : i32
    %rem3A_558 = arith.remsi %get3A_540, %jit3A_541 : i32
    %ne3A_559 = arith.constant 0 : i32
    %ne3A_560 = arith.cmpi ne, %rem3A_558, %ne3A_559 : i32
    %and3A_561 = arith.andi %ne3A_557, %ne3A_560 : i1
    %sub3A_562 = arith.constant 1 : i32
    %sub3A_563 = arith.subi %div3A_542, %sub3A_562 : i32
    %select_n3A_564 = arith.select %and3A_561, %sub3A_563, %div3A_542 : i32
    %mul3A_565 = arith.constant 96 : i32
    %mul3A_566 = arith.muli %select_n3A_564, %mul3A_565 : i32
    %sub3A_567 = arith.subi %get3A_540, %mul3A_566 : i32
    %dma_start3A_568 = arith.constant 10 : i32
    %dma_start3A_569 = arith.constant 0 : i32
    %dma_start3A_570 = arith.constant 0 : i32
    %dma_start3A_571 = arith.constant 0 : i32
    %dma_start3A_572 = arith.constant 0 : i32
    %dma_start3A_573 = tpu.memref_slice %arg32[%dma_start3A_569, %dma_start3A_570, %dma_start3A_568, %dma_start3A_571, %dma_start3A_572] : memref<32x4x24x8x97xf32, #tpu.memory_space<vmem>> -> memref<32x4x1x8x97xf32, #tpu.memory_space<vmem>>
    %dma_start3A_574 = tpu.memref_squeeze %dma_start3A_573 : memref<32x4x1x8x97xf32, #tpu.memory_space<vmem>> -> memref<32x4x8x97xf32, #tpu.memory_space<vmem>>
    %dma_start3A_575 = arith.constant 0 : i32
    %dma_start3A_576 = arith.constant 0 : i32
    %dma_start3A_577 = arith.constant 0 : i32
    %dma_start3A_578 = arith.constant 0 : i32
    %dma_start3A_579 = tpu.memref_slice %arg0[%dma_start3A_575, %dma_start3A_576, %select_n3A_564, %dma_start3A_577, %dma_start3A_578] : memref<32x4x48x8x97xf32, #tpu.memory_space<hbm>> -> memref<32x4x1x8x97xf32, #tpu.memory_space<hbm>>
    %dma_start3A_580 = tpu.memref_squeeze %dma_start3A_579 : memref<32x4x1x8x97xf32, #tpu.memory_space<hbm>> -> memref<32x4x8x97xf32, #tpu.memory_space<hbm>>
    tpu.enqueue_dma source(%dma_start3A_580 : memref<32x4x8x97xf32, #tpu.memory_space<hbm>>) target(%dma_start3A_574 : memref<32x4x8x97xf32, #tpu.memory_space<vmem>>) target_semaphore(%arg34 : memref<!tpu.dma_semaphore, #tpu.memory_space<semaphore_mem>>)
    %dma_start3A_581 = arith.constant 10 : i32
    %dma_start3A_582 = arith.constant 0 : i32
    %dma_start3A_583 = arith.constant 0 : i32
    %dma_start3A_584 = arith.constant 0 : i32
    %dma_start3A_585 = arith.constant 0 : i32
    %dma_start3A_586 = tpu.memref_slice %arg33[%dma_start3A_582, %dma_start3A_583, %dma_start3A_581, %dma_start3A_584, %dma_start3A_585] : memref<32x4x24x8x96xf32, #tpu.memory_space<vmem>> -> memref<32x4x1x8x96xf32, #tpu.memory_space<vmem>>
    %dma_start3A_587 = tpu.memref_squeeze %dma_start3A_586 : memref<32x4x1x8x96xf32, #tpu.memory_space<vmem>> -> memref<32x4x8x96xf32, #tpu.memory_space<vmem>>
    %dma_start3A_588 = arith.constant 0 : i32
    %dma_start3A_589 = arith.constant 0 : i32
    %dma_start3A_590 = arith.constant 0 : i32
    %dma_start3A_591 = arith.constant 0 : i32
    %dma_start3A_592 = tpu.memref_slice %arg1[%dma_start3A_588, %dma_start3A_589, %select_n3A_564, %dma_start3A_590, %dma_start3A_591] : memref<32x4x48x8x96xf32, #tpu.memory_space<hbm>> -> memref<32x4x1x8x96xf32, #tpu.memory_space<hbm>>
    %dma_start3A_593 = tpu.memref_squeeze %dma_start3A_592 : memref<32x4x1x8x96xf32, #tpu.memory_space<hbm>> -> memref<32x4x8x96xf32, #tpu.memory_space<hbm>>
    tpu.enqueue_dma source(%dma_start3A_593 : memref<32x4x8x96xf32, #tpu.memory_space<hbm>>) target(%dma_start3A_587 : memref<32x4x8x96xf32, #tpu.memory_space<vmem>>) target_semaphore(%arg34 : memref<!tpu.dma_semaphore, #tpu.memory_space<semaphore_mem>>)
    %get3A_594 = arith.constant 176 : index
    %get3A_595 = memref.load %arg2[%get3A_594] : memref<512xi32, #tpu.memory_space<smem>>
    %jit3A_596 = arith.constant 96 : i32
    %div3A_597 = arith.divsi %get3A_595, %jit3A_596 : i32
    %sign3A_598 = arith.constant 0 : i32
    %sign3A_599 = arith.cmpi sgt, %get3A_595, %sign3A_598 : i32
    %sign3A_600 = arith.extui %sign3A_599 : i1 to i32
    %sign3A_601 = arith.constant 0 : i32
    %sign3A_602 = arith.cmpi slt, %get3A_595, %sign3A_601 : i32
    %sign3A_603 = arith.extui %sign3A_602 : i1 to i32
    %sign3A_604 = arith.subi %sign3A_600, %sign3A_603 : i32
    %sign3A_605 = arith.constant 0 : i32
    %sign3A_606 = arith.cmpi sgt, %jit3A_596, %sign3A_605 : i32
    %sign3A_607 = arith.extui %sign3A_606 : i1 to i32
    %sign3A_608 = arith.constant 0 : i32
    %sign3A_609 = arith.cmpi slt, %jit3A_596, %sign3A_608 : i32
    %sign3A_610 = arith.extui %sign3A_609 : i1 to i32
    %sign3A_611 = arith.subi %sign3A_607, %sign3A_610 : i32
    %ne3A_612 = arith.cmpi ne, %sign3A_604, %sign3A_611 : i32
    %rem3A_613 = arith.remsi %get3A_595, %jit3A_596 : i32
    %ne3A_614 = arith.constant 0 : i32
    %ne3A_615 = arith.cmpi ne, %rem3A_613, %ne3A_614 : i32
    %and3A_616 = arith.andi %ne3A_612, %ne3A_615 : i1
    %sub3A_617 = arith.constant 1 : i32
    %sub3A_618 = arith.subi %div3A_597, %sub3A_617 : i32
    %select_n3A_619 = arith.select %and3A_616, %sub3A_618, %div3A_597 : i32
    %mul3A_620 = arith.constant 96 : i32
    %mul3A_621 = arith.muli %select_n3A_619, %mul3A_620 : i32
    %sub3A_622 = arith.subi %get3A_595, %mul3A_621 : i32
    %dma_start3A_623 = arith.constant 11 : i32
    %dma_start3A_624 = arith.constant 0 : i32
    %dma_start3A_625 = arith.constant 0 : i32
    %dma_start3A_626 = arith.constant 0 : i32
    %dma_start3A_627 = arith.constant 0 : i32
    %dma_start3A_628 = tpu.memref_slice %arg32[%dma_start3A_624, %dma_start3A_625, %dma_start3A_623, %dma_start3A_626, %dma_start3A_627] : memref<32x4x24x8x97xf32, #tpu.memory_space<vmem>> -> memref<32x4x1x8x97xf32, #tpu.memory_space<vmem>>
    %dma_start3A_629 = tpu.memref_squeeze %dma_start3A_628 : memref<32x4x1x8x97xf32, #tpu.memory_space<vmem>> -> memref<32x4x8x97xf32, #tpu.memory_space<vmem>>
    %dma_start3A_630 = arith.constant 0 : i32
    %dma_start3A_631 = arith.constant 0 : i32
    %dma_start3A_632 = arith.constant 0 : i32
    %dma_start3A_633 = arith.constant 0 : i32
    %dma_start3A_634 = tpu.memref_slice %arg0[%dma_start3A_630, %dma_start3A_631, %select_n3A_619, %dma_start3A_632, %dma_start3A_633] : memref<32x4x48x8x97xf32, #tpu.memory_space<hbm>> -> memref<32x4x1x8x97xf32, #tpu.memory_space<hbm>>
    %dma_start3A_635 = tpu.memref_squeeze %dma_start3A_634 : memref<32x4x1x8x97xf32, #tpu.memory_space<hbm>> -> memref<32x4x8x97xf32, #tpu.memory_space<hbm>>
    tpu.enqueue_dma source(%dma_start3A_635 : memref<32x4x8x97xf32, #tpu.memory_space<hbm>>) target(%dma_start3A_629 : memref<32x4x8x97xf32, #tpu.memory_space<vmem>>) target_semaphore(%arg34 : memref<!tpu.dma_semaphore, #tpu.memory_space<semaphore_mem>>)
    %dma_start3A_636 = arith.constant 11 : i32
    %dma_start3A_637 = arith.constant 0 : i32
    %dma_start3A_638 = arith.constant 0 : i32
    %dma_start3A_639 = arith.constant 0 : i32
    %dma_start3A_640 = arith.constant 0 : i32
    %dma_start3A_641 = tpu.memref_slice %arg33[%dma_start3A_637, %dma_start3A_638, %dma_start3A_636, %dma_start3A_639, %dma_start3A_640] : memref<32x4x24x8x96xf32, #tpu.memory_space<vmem>> -> memref<32x4x1x8x96xf32, #tpu.memory_space<vmem>>
    %dma_start3A_642 = tpu.memref_squeeze %dma_start3A_641 : memref<32x4x1x8x96xf32, #tpu.memory_space<vmem>> -> memref<32x4x8x96xf32, #tpu.memory_space<vmem>>
    %dma_start3A_643 = arith.constant 0 : i32
    %dma_start3A_644 = arith.constant 0 : i32
    %dma_start3A_645 = arith.constant 0 : i32
    %dma_start3A_646 = arith.constant 0 : i32
    %dma_start3A_647 = tpu.memref_slice %arg1[%dma_start3A_643, %dma_start3A_644, %select_n3A_619, %dma_start3A_645, %dma_start3A_646] : memref<32x4x48x8x96xf32, #tpu.memory_space<hbm>> -> memref<32x4x1x8x96xf32, #tpu.memory_space<hbm>>
    %dma_start3A_648 = tpu.memref_squeeze %dma_start3A_647 : memref<32x4x1x8x96xf32, #tpu.memory_space<hbm>> -> memref<32x4x8x96xf32, #tpu.memory_space<hbm>>
    tpu.enqueue_dma source(%dma_start3A_648 : memref<32x4x8x96xf32, #tpu.memory_space<hbm>>) target(%dma_start3A_642 : memref<32x4x8x96xf32, #tpu.memory_space<vmem>>) target_semaphore(%arg34 : memref<!tpu.dma_semaphore, #tpu.memory_space<semaphore_mem>>)
    %get3A_649 = arith.constant 192 : index
    %get3A_650 = memref.load %arg2[%get3A_649] : memref<512xi32, #tpu.memory_space<smem>>
    %jit3A_651 = arith.constant 96 : i32
    %div3A_652 = arith.divsi %get3A_650, %jit3A_651 : i32
    %sign3A_653 = arith.constant 0 : i32
    %sign3A_654 = arith.cmpi sgt, %get3A_650, %sign3A_653 : i32
    %sign3A_655 = arith.extui %sign3A_654 : i1 to i32
    %sign3A_656 = arith.constant 0 : i32
    %sign3A_657 = arith.cmpi slt, %get3A_650, %sign3A_656 : i32
    %sign3A_658 = arith.extui %sign3A_657 : i1 to i32
    %sign3A_659 = arith.subi %sign3A_655, %sign3A_658 : i32
    %sign3A_660 = arith.constant 0 : i32
    %sign3A_661 = arith.cmpi sgt, %jit3A_651, %sign3A_660 : i32
    %sign3A_662 = arith.extui %sign3A_661 : i1 to i32
    %sign3A_663 = arith.constant 0 : i32
    %sign3A_664 = arith.cmpi slt, %jit3A_651, %sign3A_663 : i32
    %sign3A_665 = arith.extui %sign3A_664 : i1 to i32
    %sign3A_666 = arith.subi %sign3A_662, %sign3A_665 : i32
    %ne3A_667 = arith.cmpi ne, %sign3A_659, %sign3A_666 : i32
    %rem3A_668 = arith.remsi %get3A_650, %jit3A_651 : i32
    %ne3A_669 = arith.constant 0 : i32
    %ne3A_670 = arith.cmpi ne, %rem3A_668, %ne3A_669 : i32
    %and3A_671 = arith.andi %ne3A_667, %ne3A_670 : i1
    %sub3A_672 = arith.constant 1 : i32
    %sub3A_673 = arith.subi %div3A_652, %sub3A_672 : i32
    %select_n3A_674 = arith.select %and3A_671, %sub3A_673, %div3A_652 : i32
    %mul3A_675 = arith.constant 96 : i32
    %mul3A_676 = arith.muli %select_n3A_674, %mul3A_675 : i32
    %sub3A_677 = arith.subi %get3A_650, %mul3A_676 : i32
    %dma_start3A_678 = arith.constant 12 : i32
    %dma_start3A_679 = arith.constant 0 : i32
    %dma_start3A_680 = arith.constant 0 : i32
    %dma_start3A_681 = arith.constant 0 : i32
    %dma_start3A_682 = arith.constant 0 : i32
    %dma_start3A_683 = tpu.memref_slice %arg32[%dma_start3A_679, %dma_start3A_680, %dma_start3A_678, %dma_start3A_681, %dma_start3A_682] : memref<32x4x24x8x97xf32, #tpu.memory_space<vmem>> -> memref<32x4x1x8x97xf32, #tpu.memory_space<vmem>>
    %dma_start3A_684 = tpu.memref_squeeze %dma_start3A_683 : memref<32x4x1x8x97xf32, #tpu.memory_space<vmem>> -> memref<32x4x8x97xf32, #tpu.memory_space<vmem>>
    %dma_start3A_685 = arith.constant 0 : i32
    %dma_start3A_686 = arith.constant 0 : i32
    %dma_start3A_687 = arith.constant 0 : i32
    %dma_start3A_688 = arith.constant 0 : i32
    %dma_start3A_689 = tpu.memref_slice %arg0[%dma_start3A_685, %dma_start3A_686, %select_n3A_674, %dma_start3A_687, %dma_start3A_688] : memref<32x4x48x8x97xf32, #tpu.memory_space<hbm>> -> memref<32x4x1x8x97xf32, #tpu.memory_space<hbm>>
    %dma_start3A_690 = tpu.memref_squeeze %dma_start3A_689 : memref<32x4x1x8x97xf32, #tpu.memory_space<hbm>> -> memref<32x4x8x97xf32, #tpu.memory_space<hbm>>
    tpu.enqueue_dma source(%dma_start3A_690 : memref<32x4x8x97xf32, #tpu.memory_space<hbm>>) target(%dma_start3A_684 : memref<32x4x8x97xf32, #tpu.memory_space<vmem>>) target_semaphore(%arg34 : memref<!tpu.dma_semaphore, #tpu.memory_space<semaphore_mem>>)
    %dma_start3A_691 = arith.constant 12 : i32
    %dma_start3A_692 = arith.constant 0 : i32
    %dma_start3A_693 = arith.constant 0 : i32
    %dma_start3A_694 = arith.constant 0 : i32
    %dma_start3A_695 = arith.constant 0 : i32
    %dma_start3A_696 = tpu.memref_slice %arg33[%dma_start3A_692, %dma_start3A_693, %dma_start3A_691, %dma_start3A_694, %dma_start3A_695] : memref<32x4x24x8x96xf32, #tpu.memory_space<vmem>> -> memref<32x4x1x8x96xf32, #tpu.memory_space<vmem>>
    %dma_start3A_697 = tpu.memref_squeeze %dma_start3A_696 : memref<32x4x1x8x96xf32, #tpu.memory_space<vmem>> -> memref<32x4x8x96xf32, #tpu.memory_space<vmem>>
    %dma_start3A_698 = arith.constant 0 : i32
    %dma_start3A_699 = arith.constant 0 : i32
    %dma_start3A_700 = arith.constant 0 : i32
    %dma_start3A_701 = arith.constant 0 : i32
    %dma_start3A_702 = tpu.memref_slice %arg1[%dma_start3A_698, %dma_start3A_699, %select_n3A_674, %dma_start3A_700, %dma_start3A_701] : memref<32x4x48x8x96xf32, #tpu.memory_space<hbm>> -> memref<32x4x1x8x96xf32, #tpu.memory_space<hbm>>
    %dma_start3A_703 = tpu.memref_squeeze %dma_start3A_702 : memref<32x4x1x8x96xf32, #tpu.memory_space<hbm>> -> memref<32x4x8x96xf32, #tpu.memory_space<hbm>>
    tpu.enqueue_dma source(%dma_start3A_703 : memref<32x4x8x96xf32, #tpu.memory_space<hbm>>) target(%dma_start3A_697 : memref<32x4x8x96xf32, #tpu.memory_space<vmem>>) target_semaphore(%arg34 : memref<!tpu.dma_semaphore, #tpu.memory_space<semaphore_mem>>)
    %get3A_704 = arith.constant 208 : index
    %get3A_705 = memref.load %arg2[%get3A_704] : memref<512xi32, #tpu.memory_space<smem>>
    %jit3A_706 = arith.constant 96 : i32
    %div3A_707 = arith.divsi %get3A_705, %jit3A_706 : i32
    %sign3A_708 = arith.constant 0 : i32
    %sign3A_709 = arith.cmpi sgt, %get3A_705, %sign3A_708 : i32
    %sign3A_710 = arith.extui %sign3A_709 : i1 to i32
    %sign3A_711 = arith.constant 0 : i32
    %sign3A_712 = arith.cmpi slt, %get3A_705, %sign3A_711 : i32
    %sign3A_713 = arith.extui %sign3A_712 : i1 to i32
    %sign3A_714 = arith.subi %sign3A_710, %sign3A_713 : i32
    %sign3A_715 = arith.constant 0 : i32
    %sign3A_716 = arith.cmpi sgt, %jit3A_706, %sign3A_715 : i32
    %sign3A_717 = arith.extui %sign3A_716 : i1 to i32
    %sign3A_718 = arith.constant 0 : i32
    %sign3A_719 = arith.cmpi slt, %jit3A_706, %sign3A_718 : i32
    %sign3A_720 = arith.extui %sign3A_719 : i1 to i32
    %sign3A_721 = arith.subi %sign3A_717, %sign3A_720 : i32
    %ne3A_722 = arith.cmpi ne, %sign3A_714, %sign3A_721 : i32
    %rem3A_723 = arith.remsi %get3A_705, %jit3A_706 : i32
    %ne3A_724 = arith.constant 0 : i32
    %ne3A_725 = arith.cmpi ne, %rem3A_723, %ne3A_724 : i32
    %and3A_726 = arith.andi %ne3A_722, %ne3A_725 : i1
    %sub3A_727 = arith.constant 1 : i32
    %sub3A_728 = arith.subi %div3A_707, %sub3A_727 : i32
    %select_n3A_729 = arith.select %and3A_726, %sub3A_728, %div3A_707 : i32
    %mul3A_730 = arith.constant 96 : i32
    %mul3A_731 = arith.muli %select_n3A_729, %mul3A_730 : i32
    %sub3A_732 = arith.subi %get3A_705, %mul3A_731 : i32
    %dma_start3A_733 = arith.constant 13 : i32
    %dma_start3A_734 = arith.constant 0 : i32
    %dma_start3A_735 = arith.constant 0 : i32
    %dma_start3A_736 = arith.constant 0 : i32
    %dma_start3A_737 = arith.constant 0 : i32
    %dma_start3A_738 = tpu.memref_slice %arg32[%dma_start3A_734, %dma_start3A_735, %dma_start3A_733, %dma_start3A_736, %dma_start3A_737] : memref<32x4x24x8x97xf32, #tpu.memory_space<vmem>> -> memref<32x4x1x8x97xf32, #tpu.memory_space<vmem>>
    %dma_start3A_739 = tpu.memref_squeeze %dma_start3A_738 : memref<32x4x1x8x97xf32, #tpu.memory_space<vmem>> -> memref<32x4x8x97xf32, #tpu.memory_space<vmem>>
    %dma_start3A_740 = arith.constant 0 : i32
    %dma_start3A_741 = arith.constant 0 : i32
    %dma_start3A_742 = arith.constant 0 : i32
    %dma_start3A_743 = arith.constant 0 : i32
    %dma_start3A_744 = tpu.memref_slice %arg0[%dma_start3A_740, %dma_start3A_741, %select_n3A_729, %dma_start3A_742, %dma_start3A_743] : memref<32x4x48x8x97xf32, #tpu.memory_space<hbm>> -> memref<32x4x1x8x97xf32, #tpu.memory_space<hbm>>
    %dma_start3A_745 = tpu.memref_squeeze %dma_start3A_744 : memref<32x4x1x8x97xf32, #tpu.memory_space<hbm>> -> memref<32x4x8x97xf32, #tpu.memory_space<hbm>>
    tpu.enqueue_dma source(%dma_start3A_745 : memref<32x4x8x97xf32, #tpu.memory_space<hbm>>) target(%dma_start3A_739 : memref<32x4x8x97xf32, #tpu.memory_space<vmem>>) target_semaphore(%arg34 : memref<!tpu.dma_semaphore, #tpu.memory_space<semaphore_mem>>)
    %dma_start3A_746 = arith.constant 13 : i32
    %dma_start3A_747 = arith.constant 0 : i32
    %dma_start3A_748 = arith.constant 0 : i32
    %dma_start3A_749 = arith.constant 0 : i32
    %dma_start3A_750 = arith.constant 0 : i32
    %dma_start3A_751 = tpu.memref_slice %arg33[%dma_start3A_747, %dma_start3A_748, %dma_start3A_746, %dma_start3A_749, %dma_start3A_750] : memref<32x4x24x8x96xf32, #tpu.memory_space<vmem>> -> memref<32x4x1x8x96xf32, #tpu.memory_space<vmem>>
    %dma_start3A_752 = tpu.memref_squeeze %dma_start3A_751 : memref<32x4x1x8x96xf32, #tpu.memory_space<vmem>> -> memref<32x4x8x96xf32, #tpu.memory_space<vmem>>
    %dma_start3A_753 = arith.constant 0 : i32
    %dma_start3A_754 = arith.constant 0 : i32
    %dma_start3A_755 = arith.constant 0 : i32
    %dma_start3A_756 = arith.constant 0 : i32
    %dma_start3A_757 = tpu.memref_slice %arg1[%dma_start3A_753, %dma_start3A_754, %select_n3A_729, %dma_start3A_755, %dma_start3A_756] : memref<32x4x48x8x96xf32, #tpu.memory_space<hbm>> -> memref<32x4x1x8x96xf32, #tpu.memory_space<hbm>>
    %dma_start3A_758 = tpu.memref_squeeze %dma_start3A_757 : memref<32x4x1x8x96xf32, #tpu.memory_space<hbm>> -> memref<32x4x8x96xf32, #tpu.memory_space<hbm>>
    tpu.enqueue_dma source(%dma_start3A_758 : memref<32x4x8x96xf32, #tpu.memory_space<hbm>>) target(%dma_start3A_752 : memref<32x4x8x96xf32, #tpu.memory_space<vmem>>) target_semaphore(%arg34 : memref<!tpu.dma_semaphore, #tpu.memory_space<semaphore_mem>>)
    %get3A_759 = arith.constant 224 : index
    %get3A_760 = memref.load %arg2[%get3A_759] : memref<512xi32, #tpu.memory_space<smem>>
    %jit3A_761 = arith.constant 96 : i32
    %div3A_762 = arith.divsi %get3A_760, %jit3A_761 : i32
    %sign3A_763 = arith.constant 0 : i32
    %sign3A_764 = arith.cmpi sgt, %get3A_760, %sign3A_763 : i32
    %sign3A_765 = arith.extui %sign3A_764 : i1 to i32
    %sign3A_766 = arith.constant 0 : i32
    %sign3A_767 = arith.cmpi slt, %get3A_760, %sign3A_766 : i32
    %sign3A_768 = arith.extui %sign3A_767 : i1 to i32
    %sign3A_769 = arith.subi %sign3A_765, %sign3A_768 : i32
    %sign3A_770 = arith.constant 0 : i32
    %sign3A_771 = arith.cmpi sgt, %jit3A_761, %sign3A_770 : i32
    %sign3A_772 = arith.extui %sign3A_771 : i1 to i32
    %sign3A_773 = arith.constant 0 : i32
    %sign3A_774 = arith.cmpi slt, %jit3A_761, %sign3A_773 : i32
    %sign3A_775 = arith.extui %sign3A_774 : i1 to i32
    %sign3A_776 = arith.subi %sign3A_772, %sign3A_775 : i32
    %ne3A_777 = arith.cmpi ne, %sign3A_769, %sign3A_776 : i32
    %rem3A_778 = arith.remsi %get3A_760, %jit3A_761 : i32
    %ne3A_779 = arith.constant 0 : i32
    %ne3A_780 = arith.cmpi ne, %rem3A_778, %ne3A_779 : i32
    %and3A_781 = arith.andi %ne3A_777, %ne3A_780 : i1
    %sub3A_782 = arith.constant 1 : i32
    %sub3A_783 = arith.subi %div3A_762, %sub3A_782 : i32
    %select_n3A_784 = arith.select %and3A_781, %sub3A_783, %div3A_762 : i32
    %mul3A_785 = arith.constant 96 : i32
    %mul3A_786 = arith.muli %select_n3A_784, %mul3A_785 : i32
    %sub3A_787 = arith.subi %get3A_760, %mul3A_786 : i32
    %dma_start3A_788 = arith.constant 14 : i32
    %dma_start3A_789 = arith.constant 0 : i32
    %dma_start3A_790 = arith.constant 0 : i32
    %dma_start3A_791 = arith.constant 0 : i32
    %dma_start3A_792 = arith.constant 0 : i32
    %dma_start3A_793 = tpu.memref_slice %arg32[%dma_start3A_789, %dma_start3A_790, %dma_start3A_788, %dma_start3A_791, %dma_start3A_792] : memref<32x4x24x8x97xf32, #tpu.memory_space<vmem>> -> memref<32x4x1x8x97xf32, #tpu.memory_space<vmem>>
    %dma_start3A_794 = tpu.memref_squeeze %dma_start3A_793 : memref<32x4x1x8x97xf32, #tpu.memory_space<vmem>> -> memref<32x4x8x97xf32, #tpu.memory_space<vmem>>
    %dma_start3A_795 = arith.constant 0 : i32
    %dma_start3A_796 = arith.constant 0 : i32
    %dma_start3A_797 = arith.constant 0 : i32
    %dma_start3A_798 = arith.constant 0 : i32
    %dma_start3A_799 = tpu.memref_slice %arg0[%dma_start3A_795, %dma_start3A_796, %select_n3A_784, %dma_start3A_797, %dma_start3A_798] : memref<32x4x48x8x97xf32, #tpu.memory_space<hbm>> -> memref<32x4x1x8x97xf32, #tpu.memory_space<hbm>>
    %dma_start3A_800 = tpu.memref_squeeze %dma_start3A_799 : memref<32x4x1x8x97xf32, #tpu.memory_space<hbm>> -> memref<32x4x8x97xf32, #tpu.memory_space<hbm>>
    tpu.enqueue_dma source(%dma_start3A_800 : memref<32x4x8x97xf32, #tpu.memory_space<hbm>>) target(%dma_start3A_794 : memref<32x4x8x97xf32, #tpu.memory_space<vmem>>) target_semaphore(%arg34 : memref<!tpu.dma_semaphore, #tpu.memory_space<semaphore_mem>>)
    %dma_start3A_801 = arith.constant 14 : i32
    %dma_start3A_802 = arith.constant 0 : i32
    %dma_start3A_803 = arith.constant 0 : i32
    %dma_start3A_804 = arith.constant 0 : i32
    %dma_start3A_805 = arith.constant 0 : i32
    %dma_start3A_806 = tpu.memref_slice %arg33[%dma_start3A_802, %dma_start3A_803, %dma_start3A_801, %dma_start3A_804, %dma_start3A_805] : memref<32x4x24x8x96xf32, #tpu.memory_space<vmem>> -> memref<32x4x1x8x96xf32, #tpu.memory_space<vmem>>
    %dma_start3A_807 = tpu.memref_squeeze %dma_start3A_806 : memref<32x4x1x8x96xf32, #tpu.memory_space<vmem>> -> memref<32x4x8x96xf32, #tpu.memory_space<vmem>>
    %dma_start3A_808 = arith.constant 0 : i32
    %dma_start3A_809 = arith.constant 0 : i32
    %dma_start3A_810 = arith.constant 0 : i32
    %dma_start3A_811 = arith.constant 0 : i32
    %dma_start3A_812 = tpu.memref_slice %arg1[%dma_start3A_808, %dma_start3A_809, %select_n3A_784, %dma_start3A_810, %dma_start3A_811] : memref<32x4x48x8x96xf32, #tpu.memory_space<hbm>> -> memref<32x4x1x8x96xf32, #tpu.memory_space<hbm>>
    %dma_start3A_813 = tpu.memref_squeeze %dma_start3A_812 : memref<32x4x1x8x96xf32, #tpu.memory_space<hbm>> -> memref<32x4x8x96xf32, #tpu.memory_space<hbm>>
    tpu.enqueue_dma source(%dma_start3A_813 : memref<32x4x8x96xf32, #tpu.memory_space<hbm>>) target(%dma_start3A_807 : memref<32x4x8x96xf32, #tpu.memory_space<vmem>>) target_semaphore(%arg34 : memref<!tpu.dma_semaphore, #tpu.memory_space<semaphore_mem>>)
    %get3A_814 = arith.constant 240 : index
    %get3A_815 = memref.load %arg2[%get3A_814] : memref<512xi32, #tpu.memory_space<smem>>
    %jit3A_816 = arith.constant 96 : i32
    %div3A_817 = arith.divsi %get3A_815, %jit3A_816 : i32
    %sign3A_818 = arith.constant 0 : i32
    %sign3A_819 = arith.cmpi sgt, %get3A_815, %sign3A_818 : i32
    %sign3A_820 = arith.extui %sign3A_819 : i1 to i32
    %sign3A_821 = arith.constant 0 : i32
    %sign3A_822 = arith.cmpi slt, %get3A_815, %sign3A_821 : i32
    %sign3A_823 = arith.extui %sign3A_822 : i1 to i32
    %sign3A_824 = arith.subi %sign3A_820, %sign3A_823 : i32
    %sign3A_825 = arith.constant 0 : i32
    %sign3A_826 = arith.cmpi sgt, %jit3A_816, %sign3A_825 : i32
    %sign3A_827 = arith.extui %sign3A_826 : i1 to i32
    %sign3A_828 = arith.constant 0 : i32
    %sign3A_829 = arith.cmpi slt, %jit3A_816, %sign3A_828 : i32
    %sign3A_830 = arith.extui %sign3A_829 : i1 to i32
    %sign3A_831 = arith.subi %sign3A_827, %sign3A_830 : i32
    %ne3A_832 = arith.cmpi ne, %sign3A_824, %sign3A_831 : i32
    %rem3A_833 = arith.remsi %get3A_815, %jit3A_816 : i32
    %ne3A_834 = arith.constant 0 : i32
    %ne3A_835 = arith.cmpi ne, %rem3A_833, %ne3A_834 : i32
    %and3A_836 = arith.andi %ne3A_832, %ne3A_835 : i1
    %sub3A_837 = arith.constant 1 : i32
    %sub3A_838 = arith.subi %div3A_817, %sub3A_837 : i32
    %select_n3A_839 = arith.select %and3A_836, %sub3A_838, %div3A_817 : i32
    %mul3A_840 = arith.constant 96 : i32
    %mul3A_841 = arith.muli %select_n3A_839, %mul3A_840 : i32
    %sub3A_842 = arith.subi %get3A_815, %mul3A_841 : i32
    %dma_start3A_843 = arith.constant 15 : i32
    %dma_start3A_844 = arith.constant 0 : i32
    %dma_start3A_845 = arith.constant 0 : i32
    %dma_start3A_846 = arith.constant 0 : i32
    %dma_start3A_847 = arith.constant 0 : i32
    %dma_start3A_848 = tpu.memref_slice %arg32[%dma_start3A_844, %dma_start3A_845, %dma_start3A_843, %dma_start3A_846, %dma_start3A_847] : memref<32x4x24x8x97xf32, #tpu.memory_space<vmem>> -> memref<32x4x1x8x97xf32, #tpu.memory_space<vmem>>
    %dma_start3A_849 = tpu.memref_squeeze %dma_start3A_848 : memref<32x4x1x8x97xf32, #tpu.memory_space<vmem>> -> memref<32x4x8x97xf32, #tpu.memory_space<vmem>>
    %dma_start3A_850 = arith.constant 0 : i32
    %dma_start3A_851 = arith.constant 0 : i32
    %dma_start3A_852 = arith.constant 0 : i32
    %dma_start3A_853 = arith.constant 0 : i32
    %dma_start3A_854 = tpu.memref_slice %arg0[%dma_start3A_850, %dma_start3A_851, %select_n3A_839, %dma_start3A_852, %dma_start3A_853] : memref<32x4x48x8x97xf32, #tpu.memory_space<hbm>> -> memref<32x4x1x8x97xf32, #tpu.memory_space<hbm>>
    %dma_start3A_855 = tpu.memref_squeeze %dma_start3A_854 : memref<32x4x1x8x97xf32, #tpu.memory_space<hbm>> -> memref<32x4x8x97xf32, #tpu.memory_space<hbm>>
    tpu.enqueue_dma source(%dma_start3A_855 : memref<32x4x8x97xf32, #tpu.memory_space<hbm>>) target(%dma_start3A_849 : memref<32x4x8x97xf32, #tpu.memory_space<vmem>>) target_semaphore(%arg34 : memref<!tpu.dma_semaphore, #tpu.memory_space<semaphore_mem>>)
    %dma_start3A_856 = arith.constant 15 : i32
    %dma_start3A_857 = arith.constant 0 : i32
    %dma_start3A_858 = arith.constant 0 : i32
    %dma_start3A_859 = arith.constant 0 : i32
    %dma_start3A_860 = arith.constant 0 : i32
    %dma_start3A_861 = tpu.memref_slice %arg33[%dma_start3A_857, %dma_start3A_858, %dma_start3A_856, %dma_start3A_859, %dma_start3A_860] : memref<32x4x24x8x96xf32, #tpu.memory_space<vmem>> -> memref<32x4x1x8x96xf32, #tpu.memory_space<vmem>>
    %dma_start3A_862 = tpu.memref_squeeze %dma_start3A_861 : memref<32x4x1x8x96xf32, #tpu.memory_space<vmem>> -> memref<32x4x8x96xf32, #tpu.memory_space<vmem>>
    %dma_start3A_863 = arith.constant 0 : i32
    %dma_start3A_864 = arith.constant 0 : i32
    %dma_start3A_865 = arith.constant 0 : i32
    %dma_start3A_866 = arith.constant 0 : i32
    %dma_start3A_867 = tpu.memref_slice %arg1[%dma_start3A_863, %dma_start3A_864, %select_n3A_839, %dma_start3A_865, %dma_start3A_866] : memref<32x4x48x8x96xf32, #tpu.memory_space<hbm>> -> memref<32x4x1x8x96xf32, #tpu.memory_space<hbm>>
    %dma_start3A_868 = tpu.memref_squeeze %dma_start3A_867 : memref<32x4x1x8x96xf32, #tpu.memory_space<hbm>> -> memref<32x4x8x96xf32, #tpu.memory_space<hbm>>
    tpu.enqueue_dma source(%dma_start3A_868 : memref<32x4x8x96xf32, #tpu.memory_space<hbm>>) target(%dma_start3A_862 : memref<32x4x8x96xf32, #tpu.memory_space<vmem>>) target_semaphore(%arg34 : memref<!tpu.dma_semaphore, #tpu.memory_space<semaphore_mem>>)
    %get3A_869 = arith.constant 256 : index
    %get3A_870 = memref.load %arg2[%get3A_869] : memref<512xi32, #tpu.memory_space<smem>>
    %jit3A_871 = arith.constant 96 : i32
    %div3A_872 = arith.divsi %get3A_870, %jit3A_871 : i32
    %sign3A_873 = arith.constant 0 : i32
    %sign3A_874 = arith.cmpi sgt, %get3A_870, %sign3A_873 : i32
    %sign3A_875 = arith.extui %sign3A_874 : i1 to i32
    %sign3A_876 = arith.constant 0 : i32
    %sign3A_877 = arith.cmpi slt, %get3A_870, %sign3A_876 : i32
    %sign3A_878 = arith.extui %sign3A_877 : i1 to i32
    %sign3A_879 = arith.subi %sign3A_875, %sign3A_878 : i32
    %sign3A_880 = arith.constant 0 : i32
    %sign3A_881 = arith.cmpi sgt, %jit3A_871, %sign3A_880 : i32
    %sign3A_882 = arith.extui %sign3A_881 : i1 to i32
    %sign3A_883 = arith.constant 0 : i32
    %sign3A_884 = arith.cmpi slt, %jit3A_871, %sign3A_883 : i32
    %sign3A_885 = arith.extui %sign3A_884 : i1 to i32
    %sign3A_886 = arith.subi %sign3A_882, %sign3A_885 : i32
    %ne3A_887 = arith.cmpi ne, %sign3A_879, %sign3A_886 : i32
    %rem3A_888 = arith.remsi %get3A_870, %jit3A_871 : i32
    %ne3A_889 = arith.constant 0 : i32
    %ne3A_890 = arith.cmpi ne, %rem3A_888, %ne3A_889 : i32
    %and3A_891 = arith.andi %ne3A_887, %ne3A_890 : i1
    %sub3A_892 = arith.constant 1 : i32
    %sub3A_893 = arith.subi %div3A_872, %sub3A_892 : i32
    %select_n3A_894 = arith.select %and3A_891, %sub3A_893, %div3A_872 : i32
    %mul3A_895 = arith.constant 96 : i32
    %mul3A_896 = arith.muli %select_n3A_894, %mul3A_895 : i32
    %sub3A_897 = arith.subi %get3A_870, %mul3A_896 : i32
    %dma_start3A_898 = arith.constant 16 : i32
    %dma_start3A_899 = arith.constant 0 : i32
    %dma_start3A_900 = arith.constant 0 : i32
    %dma_start3A_901 = arith.constant 0 : i32
    %dma_start3A_902 = arith.constant 0 : i32
    %dma_start3A_903 = tpu.memref_slice %arg32[%dma_start3A_899, %dma_start3A_900, %dma_start3A_898, %dma_start3A_901, %dma_start3A_902] : memref<32x4x24x8x97xf32, #tpu.memory_space<vmem>> -> memref<32x4x1x8x97xf32, #tpu.memory_space<vmem>>
    %dma_start3A_904 = tpu.memref_squeeze %dma_start3A_903 : memref<32x4x1x8x97xf32, #tpu.memory_space<vmem>> -> memref<32x4x8x97xf32, #tpu.memory_space<vmem>>
    %dma_start3A_905 = arith.constant 0 : i32
    %dma_start3A_906 = arith.constant 0 : i32
    %dma_start3A_907 = arith.constant 0 : i32
    %dma_start3A_908 = arith.constant 0 : i32
    %dma_start3A_909 = tpu.memref_slice %arg0[%dma_start3A_905, %dma_start3A_906, %select_n3A_894, %dma_start3A_907, %dma_start3A_908] : memref<32x4x48x8x97xf32, #tpu.memory_space<hbm>> -> memref<32x4x1x8x97xf32, #tpu.memory_space<hbm>>
    %dma_start3A_910 = tpu.memref_squeeze %dma_start3A_909 : memref<32x4x1x8x97xf32, #tpu.memory_space<hbm>> -> memref<32x4x8x97xf32, #tpu.memory_space<hbm>>
    tpu.enqueue_dma source(%dma_start3A_910 : memref<32x4x8x97xf32, #tpu.memory_space<hbm>>) target(%dma_start3A_904 : memref<32x4x8x97xf32, #tpu.memory_space<vmem>>) target_semaphore(%arg34 : memref<!tpu.dma_semaphore, #tpu.memory_space<semaphore_mem>>)
    %dma_start3A_911 = arith.constant 16 : i32
    %dma_start3A_912 = arith.constant 0 : i32
    %dma_start3A_913 = arith.constant 0 : i32
    %dma_start3A_914 = arith.constant 0 : i32
    %dma_start3A_915 = arith.constant 0 : i32
    %dma_start3A_916 = tpu.memref_slice %arg33[%dma_start3A_912, %dma_start3A_913, %dma_start3A_911, %dma_start3A_914, %dma_start3A_915] : memref<32x4x24x8x96xf32, #tpu.memory_space<vmem>> -> memref<32x4x1x8x96xf32, #tpu.memory_space<vmem>>
    %dma_start3A_917 = tpu.memref_squeeze %dma_start3A_916 : memref<32x4x1x8x96xf32, #tpu.memory_space<vmem>> -> memref<32x4x8x96xf32, #tpu.memory_space<vmem>>
    %dma_start3A_918 = arith.constant 0 : i32
    %dma_start3A_919 = arith.constant 0 : i32
    %dma_start3A_920 = arith.constant 0 : i32
    %dma_start3A_921 = arith.constant 0 : i32
    %dma_start3A_922 = tpu.memref_slice %arg1[%dma_start3A_918, %dma_start3A_919, %select_n3A_894, %dma_start3A_920, %dma_start3A_921] : memref<32x4x48x8x96xf32, #tpu.memory_space<hbm>> -> memref<32x4x1x8x96xf32, #tpu.memory_space<hbm>>
    %dma_start3A_923 = tpu.memref_squeeze %dma_start3A_922 : memref<32x4x1x8x96xf32, #tpu.memory_space<hbm>> -> memref<32x4x8x96xf32, #tpu.memory_space<hbm>>
    tpu.enqueue_dma source(%dma_start3A_923 : memref<32x4x8x96xf32, #tpu.memory_space<hbm>>) target(%dma_start3A_917 : memref<32x4x8x96xf32, #tpu.memory_space<vmem>>) target_semaphore(%arg34 : memref<!tpu.dma_semaphore, #tpu.memory_space<semaphore_mem>>)
    %get3A_924 = arith.constant 272 : index
    %get3A_925 = memref.load %arg2[%get3A_924] : memref<512xi32, #tpu.memory_space<smem>>
    %jit3A_926 = arith.constant 96 : i32
    %div3A_927 = arith.divsi %get3A_925, %jit3A_926 : i32
    %sign3A_928 = arith.constant 0 : i32
    %sign3A_929 = arith.cmpi sgt, %get3A_925, %sign3A_928 : i32
    %sign3A_930 = arith.extui %sign3A_929 : i1 to i32
    %sign3A_931 = arith.constant 0 : i32
    %sign3A_932 = arith.cmpi slt, %get3A_925, %sign3A_931 : i32
    %sign3A_933 = arith.extui %sign3A_932 : i1 to i32
    %sign3A_934 = arith.subi %sign3A_930, %sign3A_933 : i32
    %sign3A_935 = arith.constant 0 : i32
    %sign3A_936 = arith.cmpi sgt, %jit3A_926, %sign3A_935 : i32
    %sign3A_937 = arith.extui %sign3A_936 : i1 to i32
    %sign3A_938 = arith.constant 0 : i32
    %sign3A_939 = arith.cmpi slt, %jit3A_926, %sign3A_938 : i32
    %sign3A_940 = arith.extui %sign3A_939 : i1 to i32
    %sign3A_941 = arith.subi %sign3A_937, %sign3A_940 : i32
    %ne3A_942 = arith.cmpi ne, %sign3A_934, %sign3A_941 : i32
    %rem3A_943 = arith.remsi %get3A_925, %jit3A_926 : i32
    %ne3A_944 = arith.constant 0 : i32
    %ne3A_945 = arith.cmpi ne, %rem3A_943, %ne3A_944 : i32
    %and3A_946 = arith.andi %ne3A_942, %ne3A_945 : i1
    %sub3A_947 = arith.constant 1 : i32
    %sub3A_948 = arith.subi %div3A_927, %sub3A_947 : i32
    %select_n3A_949 = arith.select %and3A_946, %sub3A_948, %div3A_927 : i32
    %mul3A_950 = arith.constant 96 : i32
    %mul3A_951 = arith.muli %select_n3A_949, %mul3A_950 : i32
    %sub3A_952 = arith.subi %get3A_925, %mul3A_951 : i32
    %dma_start3A_953 = arith.constant 17 : i32
    %dma_start3A_954 = arith.constant 0 : i32
    %dma_start3A_955 = arith.constant 0 : i32
    %dma_start3A_956 = arith.constant 0 : i32
    %dma_start3A_957 = arith.constant 0 : i32
    %dma_start3A_958 = tpu.memref_slice %arg32[%dma_start3A_954, %dma_start3A_955, %dma_start3A_953, %dma_start3A_956, %dma_start3A_957] : memref<32x4x24x8x97xf32, #tpu.memory_space<vmem>> -> memref<32x4x1x8x97xf32, #tpu.memory_space<vmem>>
    %dma_start3A_959 = tpu.memref_squeeze %dma_start3A_958 : memref<32x4x1x8x97xf32, #tpu.memory_space<vmem>> -> memref<32x4x8x97xf32, #tpu.memory_space<vmem>>
    %dma_start3A_960 = arith.constant 0 : i32
    %dma_start3A_961 = arith.constant 0 : i32
    %dma_start3A_962 = arith.constant 0 : i32
    %dma_start3A_963 = arith.constant 0 : i32
    %dma_start3A_964 = tpu.memref_slice %arg0[%dma_start3A_960, %dma_start3A_961, %select_n3A_949, %dma_start3A_962, %dma_start3A_963] : memref<32x4x48x8x97xf32, #tpu.memory_space<hbm>> -> memref<32x4x1x8x97xf32, #tpu.memory_space<hbm>>
    %dma_start3A_965 = tpu.memref_squeeze %dma_start3A_964 : memref<32x4x1x8x97xf32, #tpu.memory_space<hbm>> -> memref<32x4x8x97xf32, #tpu.memory_space<hbm>>
    tpu.enqueue_dma source(%dma_start3A_965 : memref<32x4x8x97xf32, #tpu.memory_space<hbm>>) target(%dma_start3A_959 : memref<32x4x8x97xf32, #tpu.memory_space<vmem>>) target_semaphore(%arg34 : memref<!tpu.dma_semaphore, #tpu.memory_space<semaphore_mem>>)
    %dma_start3A_966 = arith.constant 17 : i32
    %dma_start3A_967 = arith.constant 0 : i32
    %dma_start3A_968 = arith.constant 0 : i32
    %dma_start3A_969 = arith.constant 0 : i32
    %dma_start3A_970 = arith.constant 0 : i32
    %dma_start3A_971 = tpu.memref_slice %arg33[%dma_start3A_967, %dma_start3A_968, %dma_start3A_966, %dma_start3A_969, %dma_start3A_970] : memref<32x4x24x8x96xf32, #tpu.memory_space<vmem>> -> memref<32x4x1x8x96xf32, #tpu.memory_space<vmem>>
    %dma_start3A_972 = tpu.memref_squeeze %dma_start3A_971 : memref<32x4x1x8x96xf32, #tpu.memory_space<vmem>> -> memref<32x4x8x96xf32, #tpu.memory_space<vmem>>
    %dma_start3A_973 = arith.constant 0 : i32
    %dma_start3A_974 = arith.constant 0 : i32
    %dma_start3A_975 = arith.constant 0 : i32
    %dma_start3A_976 = arith.constant 0 : i32
    %dma_start3A_977 = tpu.memref_slice %arg1[%dma_start3A_973, %dma_start3A_974, %select_n3A_949, %dma_start3A_975, %dma_start3A_976] : memref<32x4x48x8x96xf32, #tpu.memory_space<hbm>> -> memref<32x4x1x8x96xf32, #tpu.memory_space<hbm>>
    %dma_start3A_978 = tpu.memref_squeeze %dma_start3A_977 : memref<32x4x1x8x96xf32, #tpu.memory_space<hbm>> -> memref<32x4x8x96xf32, #tpu.memory_space<hbm>>
    tpu.enqueue_dma source(%dma_start3A_978 : memref<32x4x8x96xf32, #tpu.memory_space<hbm>>) target(%dma_start3A_972 : memref<32x4x8x96xf32, #tpu.memory_space<vmem>>) target_semaphore(%arg34 : memref<!tpu.dma_semaphore, #tpu.memory_space<semaphore_mem>>)
    %get3A_979 = arith.constant 288 : index
    %get3A_980 = memref.load %arg2[%get3A_979] : memref<512xi32, #tpu.memory_space<smem>>
    %jit3A_981 = arith.constant 96 : i32
    %div3A_982 = arith.divsi %get3A_980, %jit3A_981 : i32
    %sign3A_983 = arith.constant 0 : i32
    %sign3A_984 = arith.cmpi sgt, %get3A_980, %sign3A_983 : i32
    %sign3A_985 = arith.extui %sign3A_984 : i1 to i32
    %sign3A_986 = arith.constant 0 : i32
    %sign3A_987 = arith.cmpi slt, %get3A_980, %sign3A_986 : i32
    %sign3A_988 = arith.extui %sign3A_987 : i1 to i32
    %sign3A_989 = arith.subi %sign3A_985, %sign3A_988 : i32
    %sign3A_990 = arith.constant 0 : i32
    %sign3A_991 = arith.cmpi sgt, %jit3A_981, %sign3A_990 : i32
    %sign3A_992 = arith.extui %sign3A_991 : i1 to i32
    %sign3A_993 = arith.constant 0 : i32
    %sign3A_994 = arith.cmpi slt, %jit3A_981, %sign3A_993 : i32
    %sign3A_995 = arith.extui %sign3A_994 : i1 to i32
    %sign3A_996 = arith.subi %sign3A_992, %sign3A_995 : i32
    %ne3A_997 = arith.cmpi ne, %sign3A_989, %sign3A_996 : i32
    %rem3A_998 = arith.remsi %get3A_980, %jit3A_981 : i32
    %ne3A_999 = arith.constant 0 : i32
    %ne3A_1000 = arith.cmpi ne, %rem3A_998, %ne3A_999 : i32
    %and3A_1001 = arith.andi %ne3A_997, %ne3A_1000 : i1
    %sub3A_1002 = arith.constant 1 : i32
    %sub3A_1003 = arith.subi %div3A_982, %sub3A_1002 : i32
    %select_n3A_1004 = arith.select %and3A_1001, %sub3A_1003, %div3A_982 : i32
    %mul3A_1005 = arith.constant 96 : i32
    %mul3A_1006 = arith.muli %select_n3A_1004, %mul3A_1005 : i32
    %sub3A_1007 = arith.subi %get3A_980, %mul3A_1006 : i32
    %dma_start3A_1008 = arith.constant 18 : i32
    %dma_start3A_1009 = arith.constant 0 : i32
    %dma_start3A_1010 = arith.constant 0 : i32
    %dma_start3A_1011 = arith.constant 0 : i32
    %dma_start3A_1012 = arith.constant 0 : i32
    %dma_start3A_1013 = tpu.memref_slice %arg32[%dma_start3A_1009, %dma_start3A_1010, %dma_start3A_1008, %dma_start3A_1011, %dma_start3A_1012] : memref<32x4x24x8x97xf32, #tpu.memory_space<vmem>> -> memref<32x4x1x8x97xf32, #tpu.memory_space<vmem>>
    %dma_start3A_1014 = tpu.memref_squeeze %dma_start3A_1013 : memref<32x4x1x8x97xf32, #tpu.memory_space<vmem>> -> memref<32x4x8x97xf32, #tpu.memory_space<vmem>>
    %dma_start3A_1015 = arith.constant 0 : i32
    %dma_start3A_1016 = arith.constant 0 : i32
    %dma_start3A_1017 = arith.constant 0 : i32
    %dma_start3A_1018 = arith.constant 0 : i32
    %dma_start3A_1019 = tpu.memref_slice %arg0[%dma_start3A_1015, %dma_start3A_1016, %select_n3A_1004, %dma_start3A_1017, %dma_start3A_1018] : memref<32x4x48x8x97xf32, #tpu.memory_space<hbm>> -> memref<32x4x1x8x97xf32, #tpu.memory_space<hbm>>
    %dma_start3A_1020 = tpu.memref_squeeze %dma_start3A_1019 : memref<32x4x1x8x97xf32, #tpu.memory_space<hbm>> -> memref<32x4x8x97xf32, #tpu.memory_space<hbm>>
    tpu.enqueue_dma source(%dma_start3A_1020 : memref<32x4x8x97xf32, #tpu.memory_space<hbm>>) target(%dma_start3A_1014 : memref<32x4x8x97xf32, #tpu.memory_space<vmem>>) target_semaphore(%arg34 : memref<!tpu.dma_semaphore, #tpu.memory_space<semaphore_mem>>)
    %dma_start3A_1021 = arith.constant 18 : i32
    %dma_start3A_1022 = arith.constant 0 : i32
    %dma_start3A_1023 = arith.constant 0 : i32
    %dma_start3A_1024 = arith.constant 0 : i32
    %dma_start3A_1025 = arith.constant 0 : i32
    %dma_start3A_1026 = tpu.memref_slice %arg33[%dma_start3A_1022, %dma_start3A_1023, %dma_start3A_1021, %dma_start3A_1024, %dma_start3A_1025] : memref<32x4x24x8x96xf32, #tpu.memory_space<vmem>> -> memref<32x4x1x8x96xf32, #tpu.memory_space<vmem>>
    %dma_start3A_1027 = tpu.memref_squeeze %dma_start3A_1026 : memref<32x4x1x8x96xf32, #tpu.memory_space<vmem>> -> memref<32x4x8x96xf32, #tpu.memory_space<vmem>>
    %dma_start3A_1028 = arith.constant 0 : i32
    %dma_start3A_1029 = arith.constant 0 : i32
    %dma_start3A_1030 = arith.constant 0 : i32
    %dma_start3A_1031 = arith.constant 0 : i32
    %dma_start3A_1032 = tpu.memref_slice %arg1[%dma_start3A_1028, %dma_start3A_1029, %select_n3A_1004, %dma_start3A_1030, %dma_start3A_1031] : memref<32x4x48x8x96xf32, #tpu.memory_space<hbm>> -> memref<32x4x1x8x96xf32, #tpu.memory_space<hbm>>
    %dma_start3A_1033 = tpu.memref_squeeze %dma_start3A_1032 : memref<32x4x1x8x96xf32, #tpu.memory_space<hbm>> -> memref<32x4x8x96xf32, #tpu.memory_space<hbm>>
    tpu.enqueue_dma source(%dma_start3A_1033 : memref<32x4x8x96xf32, #tpu.memory_space<hbm>>) target(%dma_start3A_1027 : memref<32x4x8x96xf32, #tpu.memory_space<vmem>>) target_semaphore(%arg34 : memref<!tpu.dma_semaphore, #tpu.memory_space<semaphore_mem>>)
    %get3A_1034 = arith.constant 304 : index
    %get3A_1035 = memref.load %arg2[%get3A_1034] : memref<512xi32, #tpu.memory_space<smem>>
    %jit3A_1036 = arith.constant 96 : i32
    %div3A_1037 = arith.divsi %get3A_1035, %jit3A_1036 : i32
    %sign3A_1038 = arith.constant 0 : i32
    %sign3A_1039 = arith.cmpi sgt, %get3A_1035, %sign3A_1038 : i32
    %sign3A_1040 = arith.extui %sign3A_1039 : i1 to i32
    %sign3A_1041 = arith.constant 0 : i32
    %sign3A_1042 = arith.cmpi slt, %get3A_1035, %sign3A_1041 : i32
    %sign3A_1043 = arith.extui %sign3A_1042 : i1 to i32
    %sign3A_1044 = arith.subi %sign3A_1040, %sign3A_1043 : i32
    %sign3A_1045 = arith.constant 0 : i32
    %sign3A_1046 = arith.cmpi sgt, %jit3A_1036, %sign3A_1045 : i32
    %sign3A_1047 = arith.extui %sign3A_1046 : i1 to i32
    %sign3A_1048 = arith.constant 0 : i32
    %sign3A_1049 = arith.cmpi slt, %jit3A_1036, %sign3A_1048 : i32
    %sign3A_1050 = arith.extui %sign3A_1049 : i1 to i32
    %sign3A_1051 = arith.subi %sign3A_1047, %sign3A_1050 : i32
    %ne3A_1052 = arith.cmpi ne, %sign3A_1044, %sign3A_1051 : i32
    %rem3A_1053 = arith.remsi %get3A_1035, %jit3A_1036 : i32
    %ne3A_1054 = arith.constant 0 : i32
    %ne3A_1055 = arith.cmpi ne, %rem3A_1053, %ne3A_1054 : i32
    %and3A_1056 = arith.andi %ne3A_1052, %ne3A_1055 : i1
    %sub3A_1057 = arith.constant 1 : i32
    %sub3A_1058 = arith.subi %div3A_1037, %sub3A_1057 : i32
    %select_n3A_1059 = arith.select %and3A_1056, %sub3A_1058, %div3A_1037 : i32
    %mul3A_1060 = arith.constant 96 : i32
    %mul3A_1061 = arith.muli %select_n3A_1059, %mul3A_1060 : i32
    %sub3A_1062 = arith.subi %get3A_1035, %mul3A_1061 : i32
    %dma_start3A_1063 = arith.constant 19 : i32
    %dma_start3A_1064 = arith.constant 0 : i32
    %dma_start3A_1065 = arith.constant 0 : i32
    %dma_start3A_1066 = arith.constant 0 : i32
    %dma_start3A_1067 = arith.constant 0 : i32
    %dma_start3A_1068 = tpu.memref_slice %arg32[%dma_start3A_1064, %dma_start3A_1065, %dma_start3A_1063, %dma_start3A_1066, %dma_start3A_1067] : memref<32x4x24x8x97xf32, #tpu.memory_space<vmem>> -> memref<32x4x1x8x97xf32, #tpu.memory_space<vmem>>
    %dma_start3A_1069 = tpu.memref_squeeze %dma_start3A_1068 : memref<32x4x1x8x97xf32, #tpu.memory_space<vmem>> -> memref<32x4x8x97xf32, #tpu.memory_space<vmem>>
    %dma_start3A_1070 = arith.constant 0 : i32
    %dma_start3A_1071 = arith.constant 0 : i32
    %dma_start3A_1072 = arith.constant 0 : i32
    %dma_start3A_1073 = arith.constant 0 : i32
    %dma_start3A_1074 = tpu.memref_slice %arg0[%dma_start3A_1070, %dma_start3A_1071, %select_n3A_1059, %dma_start3A_1072, %dma_start3A_1073] : memref<32x4x48x8x97xf32, #tpu.memory_space<hbm>> -> memref<32x4x1x8x97xf32, #tpu.memory_space<hbm>>
    %dma_start3A_1075 = tpu.memref_squeeze %dma_start3A_1074 : memref<32x4x1x8x97xf32, #tpu.memory_space<hbm>> -> memref<32x4x8x97xf32, #tpu.memory_space<hbm>>
    tpu.enqueue_dma source(%dma_start3A_1075 : memref<32x4x8x97xf32, #tpu.memory_space<hbm>>) target(%dma_start3A_1069 : memref<32x4x8x97xf32, #tpu.memory_space<vmem>>) target_semaphore(%arg34 : memref<!tpu.dma_semaphore, #tpu.memory_space<semaphore_mem>>)
    %dma_start3A_1076 = arith.constant 19 : i32
    %dma_start3A_1077 = arith.constant 0 : i32
    %dma_start3A_1078 = arith.constant 0 : i32
    %dma_start3A_1079 = arith.constant 0 : i32
    %dma_start3A_1080 = arith.constant 0 : i32
    %dma_start3A_1081 = tpu.memref_slice %arg33[%dma_start3A_1077, %dma_start3A_1078, %dma_start3A_1076, %dma_start3A_1079, %dma_start3A_1080] : memref<32x4x24x8x96xf32, #tpu.memory_space<vmem>> -> memref<32x4x1x8x96xf32, #tpu.memory_space<vmem>>
    %dma_start3A_1082 = tpu.memref_squeeze %dma_start3A_1081 : memref<32x4x1x8x96xf32, #tpu.memory_space<vmem>> -> memref<32x4x8x96xf32, #tpu.memory_space<vmem>>
    %dma_start3A_1083 = arith.constant 0 : i32
    %dma_start3A_1084 = arith.constant 0 : i32
    %dma_start3A_1085 = arith.constant 0 : i32
    %dma_start3A_1086 = arith.constant 0 : i32
    %dma_start3A_1087 = tpu.memref_slice %arg1[%dma_start3A_1083, %dma_start3A_1084, %select_n3A_1059, %dma_start3A_1085, %dma_start3A_1086] : memref<32x4x48x8x96xf32, #tpu.memory_space<hbm>> -> memref<32x4x1x8x96xf32, #tpu.memory_space<hbm>>
    %dma_start3A_1088 = tpu.memref_squeeze %dma_start3A_1087 : memref<32x4x1x8x96xf32, #tpu.memory_space<hbm>> -> memref<32x4x8x96xf32, #tpu.memory_space<hbm>>
    tpu.enqueue_dma source(%dma_start3A_1088 : memref<32x4x8x96xf32, #tpu.memory_space<hbm>>) target(%dma_start3A_1082 : memref<32x4x8x96xf32, #tpu.memory_space<vmem>>) target_semaphore(%arg34 : memref<!tpu.dma_semaphore, #tpu.memory_space<semaphore_mem>>)
    %get3A_1089 = arith.constant 320 : index
    %get3A_1090 = memref.load %arg2[%get3A_1089] : memref<512xi32, #tpu.memory_space<smem>>
    %jit3A_1091 = arith.constant 96 : i32
    %div3A_1092 = arith.divsi %get3A_1090, %jit3A_1091 : i32
    %sign3A_1093 = arith.constant 0 : i32
    %sign3A_1094 = arith.cmpi sgt, %get3A_1090, %sign3A_1093 : i32
    %sign3A_1095 = arith.extui %sign3A_1094 : i1 to i32
    %sign3A_1096 = arith.constant 0 : i32
    %sign3A_1097 = arith.cmpi slt, %get3A_1090, %sign3A_1096 : i32
    %sign3A_1098 = arith.extui %sign3A_1097 : i1 to i32
    %sign3A_1099 = arith.subi %sign3A_1095, %sign3A_1098 : i32
    %sign3A_1100 = arith.constant 0 : i32
    %sign3A_1101 = arith.cmpi sgt, %jit3A_1091, %sign3A_1100 : i32
    %sign3A_1102 = arith.extui %sign3A_1101 : i1 to i32
    %sign3A_1103 = arith.constant 0 : i32
    %sign3A_1104 = arith.cmpi slt, %jit3A_1091, %sign3A_1103 : i32
    %sign3A_1105 = arith.extui %sign3A_1104 : i1 to i32
    %sign3A_1106 = arith.subi %sign3A_1102, %sign3A_1105 : i32
    %ne3A_1107 = arith.cmpi ne, %sign3A_1099, %sign3A_1106 : i32
    %rem3A_1108 = arith.remsi %get3A_1090, %jit3A_1091 : i32
    %ne3A_1109 = arith.constant 0 : i32
    %ne3A_1110 = arith.cmpi ne, %rem3A_1108, %ne3A_1109 : i32
    %and3A_1111 = arith.andi %ne3A_1107, %ne3A_1110 : i1
    %sub3A_1112 = arith.constant 1 : i32
    %sub3A_1113 = arith.subi %div3A_1092, %sub3A_1112 : i32
    %select_n3A_1114 = arith.select %and3A_1111, %sub3A_1113, %div3A_1092 : i32
    %mul3A_1115 = arith.constant 96 : i32
    %mul3A_1116 = arith.muli %select_n3A_1114, %mul3A_1115 : i32
    %sub3A_1117 = arith.subi %get3A_1090, %mul3A_1116 : i32
    %dma_start3A_1118 = arith.constant 20 : i32
    %dma_start3A_1119 = arith.constant 0 : i32
    %dma_start3A_1120 = arith.constant 0 : i32
    %dma_start3A_1121 = arith.constant 0 : i32
    %dma_start3A_1122 = arith.constant 0 : i32
    %dma_start3A_1123 = tpu.memref_slice %arg32[%dma_start3A_1119, %dma_start3A_1120, %dma_start3A_1118, %dma_start3A_1121, %dma_start3A_1122] : memref<32x4x24x8x97xf32, #tpu.memory_space<vmem>> -> memref<32x4x1x8x97xf32, #tpu.memory_space<vmem>>
    %dma_start3A_1124 = tpu.memref_squeeze %dma_start3A_1123 : memref<32x4x1x8x97xf32, #tpu.memory_space<vmem>> -> memref<32x4x8x97xf32, #tpu.memory_space<vmem>>
    %dma_start3A_1125 = arith.constant 0 : i32
    %dma_start3A_1126 = arith.constant 0 : i32
    %dma_start3A_1127 = arith.constant 0 : i32
    %dma_start3A_1128 = arith.constant 0 : i32
    %dma_start3A_1129 = tpu.memref_slice %arg0[%dma_start3A_1125, %dma_start3A_1126, %select_n3A_1114, %dma_start3A_1127, %dma_start3A_1128] : memref<32x4x48x8x97xf32, #tpu.memory_space<hbm>> -> memref<32x4x1x8x97xf32, #tpu.memory_space<hbm>>
    %dma_start3A_1130 = tpu.memref_squeeze %dma_start3A_1129 : memref<32x4x1x8x97xf32, #tpu.memory_space<hbm>> -> memref<32x4x8x97xf32, #tpu.memory_space<hbm>>
    tpu.enqueue_dma source(%dma_start3A_1130 : memref<32x4x8x97xf32, #tpu.memory_space<hbm>>) target(%dma_start3A_1124 : memref<32x4x8x97xf32, #tpu.memory_space<vmem>>) target_semaphore(%arg34 : memref<!tpu.dma_semaphore, #tpu.memory_space<semaphore_mem>>)
    %dma_start3A_1131 = arith.constant 20 : i32
    %dma_start3A_1132 = arith.constant 0 : i32
    %dma_start3A_1133 = arith.constant 0 : i32
    %dma_start3A_1134 = arith.constant 0 : i32
    %dma_start3A_1135 = arith.constant 0 : i32
    %dma_start3A_1136 = tpu.memref_slice %arg33[%dma_start3A_1132, %dma_start3A_1133, %dma_start3A_1131, %dma_start3A_1134, %dma_start3A_1135] : memref<32x4x24x8x96xf32, #tpu.memory_space<vmem>> -> memref<32x4x1x8x96xf32, #tpu.memory_space<vmem>>
    %dma_start3A_1137 = tpu.memref_squeeze %dma_start3A_1136 : memref<32x4x1x8x96xf32, #tpu.memory_space<vmem>> -> memref<32x4x8x96xf32, #tpu.memory_space<vmem>>
    %dma_start3A_1138 = arith.constant 0 : i32
    %dma_start3A_1139 = arith.constant 0 : i32
    %dma_start3A_1140 = arith.constant 0 : i32
    %dma_start3A_1141 = arith.constant 0 : i32
    %dma_start3A_1142 = tpu.memref_slice %arg1[%dma_start3A_1138, %dma_start3A_1139, %select_n3A_1114, %dma_start3A_1140, %dma_start3A_1141] : memref<32x4x48x8x96xf32, #tpu.memory_space<hbm>> -> memref<32x4x1x8x96xf32, #tpu.memory_space<hbm>>
    %dma_start3A_1143 = tpu.memref_squeeze %dma_start3A_1142 : memref<32x4x1x8x96xf32, #tpu.memory_space<hbm>> -> memref<32x4x8x96xf32, #tpu.memory_space<hbm>>
    tpu.enqueue_dma source(%dma_start3A_1143 : memref<32x4x8x96xf32, #tpu.memory_space<hbm>>) target(%dma_start3A_1137 : memref<32x4x8x96xf32, #tpu.memory_space<vmem>>) target_semaphore(%arg34 : memref<!tpu.dma_semaphore, #tpu.memory_space<semaphore_mem>>)
    %get3A_1144 = arith.constant 336 : index
    %get3A_1145 = memref.load %arg2[%get3A_1144] : memref<512xi32, #tpu.memory_space<smem>>
    %jit3A_1146 = arith.constant 96 : i32
    %div3A_1147 = arith.divsi %get3A_1145, %jit3A_1146 : i32
    %sign3A_1148 = arith.constant 0 : i32
    %sign3A_1149 = arith.cmpi sgt, %get3A_1145, %sign3A_1148 : i32
    %sign3A_1150 = arith.extui %sign3A_1149 : i1 to i32
    %sign3A_1151 = arith.constant 0 : i32
    %sign3A_1152 = arith.cmpi slt, %get3A_1145, %sign3A_1151 : i32
    %sign3A_1153 = arith.extui %sign3A_1152 : i1 to i32
    %sign3A_1154 = arith.subi %sign3A_1150, %sign3A_1153 : i32
    %sign3A_1155 = arith.constant 0 : i32
    %sign3A_1156 = arith.cmpi sgt, %jit3A_1146, %sign3A_1155 : i32
    %sign3A_1157 = arith.extui %sign3A_1156 : i1 to i32
    %sign3A_1158 = arith.constant 0 : i32
    %sign3A_1159 = arith.cmpi slt, %jit3A_1146, %sign3A_1158 : i32
    %sign3A_1160 = arith.extui %sign3A_1159 : i1 to i32
    %sign3A_1161 = arith.subi %sign3A_1157, %sign3A_1160 : i32
    %ne3A_1162 = arith.cmpi ne, %sign3A_1154, %sign3A_1161 : i32
    %rem3A_1163 = arith.remsi %get3A_1145, %jit3A_1146 : i32
    %ne3A_1164 = arith.constant 0 : i32
    %ne3A_1165 = arith.cmpi ne, %rem3A_1163, %ne3A_1164 : i32
    %and3A_1166 = arith.andi %ne3A_1162, %ne3A_1165 : i1
    %sub3A_1167 = arith.constant 1 : i32
    %sub3A_1168 = arith.subi %div3A_1147, %sub3A_1167 : i32
    %select_n3A_1169 = arith.select %and3A_1166, %sub3A_1168, %div3A_1147 : i32
    %mul3A_1170 = arith.constant 96 : i32
    %mul3A_1171 = arith.muli %select_n3A_1169, %mul3A_1170 : i32
    %sub3A_1172 = arith.subi %get3A_1145, %mul3A_1171 : i32
    %dma_start3A_1173 = arith.constant 21 : i32
    %dma_start3A_1174 = arith.constant 0 : i32
    %dma_start3A_1175 = arith.constant 0 : i32
    %dma_start3A_1176 = arith.constant 0 : i32
    %dma_start3A_1177 = arith.constant 0 : i32
    %dma_start3A_1178 = tpu.memref_slice %arg32[%dma_start3A_1174, %dma_start3A_1175, %dma_start3A_1173, %dma_start3A_1176, %dma_start3A_1177] : memref<32x4x24x8x97xf32, #tpu.memory_space<vmem>> -> memref<32x4x1x8x97xf32, #tpu.memory_space<vmem>>
    %dma_start3A_1179 = tpu.memref_squeeze %dma_start3A_1178 : memref<32x4x1x8x97xf32, #tpu.memory_space<vmem>> -> memref<32x4x8x97xf32, #tpu.memory_space<vmem>>
    %dma_start3A_1180 = arith.constant 0 : i32
    %dma_start3A_1181 = arith.constant 0 : i32
    %dma_start3A_1182 = arith.constant 0 : i32
    %dma_start3A_1183 = arith.constant 0 : i32
    %dma_start3A_1184 = tpu.memref_slice %arg0[%dma_start3A_1180, %dma_start3A_1181, %select_n3A_1169, %dma_start3A_1182, %dma_start3A_1183] : memref<32x4x48x8x97xf32, #tpu.memory_space<hbm>> -> memref<32x4x1x8x97xf32, #tpu.memory_space<hbm>>
    %dma_start3A_1185 = tpu.memref_squeeze %dma_start3A_1184 : memref<32x4x1x8x97xf32, #tpu.memory_space<hbm>> -> memref<32x4x8x97xf32, #tpu.memory_space<hbm>>
    tpu.enqueue_dma source(%dma_start3A_1185 : memref<32x4x8x97xf32, #tpu.memory_space<hbm>>) target(%dma_start3A_1179 : memref<32x4x8x97xf32, #tpu.memory_space<vmem>>) target_semaphore(%arg34 : memref<!tpu.dma_semaphore, #tpu.memory_space<semaphore_mem>>)
    %dma_start3A_1186 = arith.constant 21 : i32
    %dma_start3A_1187 = arith.constant 0 : i32
    %dma_start3A_1188 = arith.constant 0 : i32
    %dma_start3A_1189 = arith.constant 0 : i32
    %dma_start3A_1190 = arith.constant 0 : i32
    %dma_start3A_1191 = tpu.memref_slice %arg33[%dma_start3A_1187, %dma_start3A_1188, %dma_start3A_1186, %dma_start3A_1189, %dma_start3A_1190] : memref<32x4x24x8x96xf32, #tpu.memory_space<vmem>> -> memref<32x4x1x8x96xf32, #tpu.memory_space<vmem>>
    %dma_start3A_1192 = tpu.memref_squeeze %dma_start3A_1191 : memref<32x4x1x8x96xf32, #tpu.memory_space<vmem>> -> memref<32x4x8x96xf32, #tpu.memory_space<vmem>>
    %dma_start3A_1193 = arith.constant 0 : i32
    %dma_start3A_1194 = arith.constant 0 : i32
    %dma_start3A_1195 = arith.constant 0 : i32
    %dma_start3A_1196 = arith.constant 0 : i32
    %dma_start3A_1197 = tpu.memref_slice %arg1[%dma_start3A_1193, %dma_start3A_1194, %select_n3A_1169, %dma_start3A_1195, %dma_start3A_1196] : memref<32x4x48x8x96xf32, #tpu.memory_space<hbm>> -> memref<32x4x1x8x96xf32, #tpu.memory_space<hbm>>
    %dma_start3A_1198 = tpu.memref_squeeze %dma_start3A_1197 : memref<32x4x1x8x96xf32, #tpu.memory_space<hbm>> -> memref<32x4x8x96xf32, #tpu.memory_space<hbm>>
    tpu.enqueue_dma source(%dma_start3A_1198 : memref<32x4x8x96xf32, #tpu.memory_space<hbm>>) target(%dma_start3A_1192 : memref<32x4x8x96xf32, #tpu.memory_space<vmem>>) target_semaphore(%arg34 : memref<!tpu.dma_semaphore, #tpu.memory_space<semaphore_mem>>)
    %get3A_1199 = arith.constant 352 : index
    %get3A_1200 = memref.load %arg2[%get3A_1199] : memref<512xi32, #tpu.memory_space<smem>>
    %jit3A_1201 = arith.constant 96 : i32
    %div3A_1202 = arith.divsi %get3A_1200, %jit3A_1201 : i32
    %sign3A_1203 = arith.constant 0 : i32
    %sign3A_1204 = arith.cmpi sgt, %get3A_1200, %sign3A_1203 : i32
    %sign3A_1205 = arith.extui %sign3A_1204 : i1 to i32
    %sign3A_1206 = arith.constant 0 : i32
    %sign3A_1207 = arith.cmpi slt, %get3A_1200, %sign3A_1206 : i32
    %sign3A_1208 = arith.extui %sign3A_1207 : i1 to i32
    %sign3A_1209 = arith.subi %sign3A_1205, %sign3A_1208 : i32
    %sign3A_1210 = arith.constant 0 : i32
    %sign3A_1211 = arith.cmpi sgt, %jit3A_1201, %sign3A_1210 : i32
    %sign3A_1212 = arith.extui %sign3A_1211 : i1 to i32
    %sign3A_1213 = arith.constant 0 : i32
    %sign3A_1214 = arith.cmpi slt, %jit3A_1201, %sign3A_1213 : i32
    %sign3A_1215 = arith.extui %sign3A_1214 : i1 to i32
    %sign3A_1216 = arith.subi %sign3A_1212, %sign3A_1215 : i32
    %ne3A_1217 = arith.cmpi ne, %sign3A_1209, %sign3A_1216 : i32
    %rem3A_1218 = arith.remsi %get3A_1200, %jit3A_1201 : i32
    %ne3A_1219 = arith.constant 0 : i32
    %ne3A_1220 = arith.cmpi ne, %rem3A_1218, %ne3A_1219 : i32
    %and3A_1221 = arith.andi %ne3A_1217, %ne3A_1220 : i1
    %sub3A_1222 = arith.constant 1 : i32
    %sub3A_1223 = arith.subi %div3A_1202, %sub3A_1222 : i32
    %select_n3A_1224 = arith.select %and3A_1221, %sub3A_1223, %div3A_1202 : i32
    %mul3A_1225 = arith.constant 96 : i32
    %mul3A_1226 = arith.muli %select_n3A_1224, %mul3A_1225 : i32
    %sub3A_1227 = arith.subi %get3A_1200, %mul3A_1226 : i32
    %dma_start3A_1228 = arith.constant 22 : i32
    %dma_start3A_1229 = arith.constant 0 : i32
    %dma_start3A_1230 = arith.constant 0 : i32
    %dma_start3A_1231 = arith.constant 0 : i32
    %dma_start3A_1232 = arith.constant 0 : i32
    %dma_start3A_1233 = tpu.memref_slice %arg32[%dma_start3A_1229, %dma_start3A_1230, %dma_start3A_1228, %dma_start3A_1231, %dma_start3A_1232] : memref<32x4x24x8x97xf32, #tpu.memory_space<vmem>> -> memref<32x4x1x8x97xf32, #tpu.memory_space<vmem>>
    %dma_start3A_1234 = tpu.memref_squeeze %dma_start3A_1233 : memref<32x4x1x8x97xf32, #tpu.memory_space<vmem>> -> memref<32x4x8x97xf32, #tpu.memory_space<vmem>>
    %dma_start3A_1235 = arith.constant 0 : i32
    %dma_start3A_1236 = arith.constant 0 : i32
    %dma_start3A_1237 = arith.constant 0 : i32
    %dma_start3A_1238 = arith.constant 0 : i32
    %dma_start3A_1239 = tpu.memref_slice %arg0[%dma_start3A_1235, %dma_start3A_1236, %select_n3A_1224, %dma_start3A_1237, %dma_start3A_1238] : memref<32x4x48x8x97xf32, #tpu.memory_space<hbm>> -> memref<32x4x1x8x97xf32, #tpu.memory_space<hbm>>
    %dma_start3A_1240 = tpu.memref_squeeze %dma_start3A_1239 : memref<32x4x1x8x97xf32, #tpu.memory_space<hbm>> -> memref<32x4x8x97xf32, #tpu.memory_space<hbm>>
    tpu.enqueue_dma source(%dma_start3A_1240 : memref<32x4x8x97xf32, #tpu.memory_space<hbm>>) target(%dma_start3A_1234 : memref<32x4x8x97xf32, #tpu.memory_space<vmem>>) target_semaphore(%arg34 : memref<!tpu.dma_semaphore, #tpu.memory_space<semaphore_mem>>)
    %dma_start3A_1241 = arith.constant 22 : i32
    %dma_start3A_1242 = arith.constant 0 : i32
    %dma_start3A_1243 = arith.constant 0 : i32
    %dma_start3A_1244 = arith.constant 0 : i32
    %dma_start3A_1245 = arith.constant 0 : i32
    %dma_start3A_1246 = tpu.memref_slice %arg33[%dma_start3A_1242, %dma_start3A_1243, %dma_start3A_1241, %dma_start3A_1244, %dma_start3A_1245] : memref<32x4x24x8x96xf32, #tpu.memory_space<vmem>> -> memref<32x4x1x8x96xf32, #tpu.memory_space<vmem>>
    %dma_start3A_1247 = tpu.memref_squeeze %dma_start3A_1246 : memref<32x4x1x8x96xf32, #tpu.memory_space<vmem>> -> memref<32x4x8x96xf32, #tpu.memory_space<vmem>>
    %dma_start3A_1248 = arith.constant 0 : i32
    %dma_start3A_1249 = arith.constant 0 : i32
    %dma_start3A_1250 = arith.constant 0 : i32
    %dma_start3A_1251 = arith.constant 0 : i32
    %dma_start3A_1252 = tpu.memref_slice %arg1[%dma_start3A_1248, %dma_start3A_1249, %select_n3A_1224, %dma_start3A_1250, %dma_start3A_1251] : memref<32x4x48x8x96xf32, #tpu.memory_space<hbm>> -> memref<32x4x1x8x96xf32, #tpu.memory_space<hbm>>
    %dma_start3A_1253 = tpu.memref_squeeze %dma_start3A_1252 : memref<32x4x1x8x96xf32, #tpu.memory_space<hbm>> -> memref<32x4x8x96xf32, #tpu.memory_space<hbm>>
    tpu.enqueue_dma source(%dma_start3A_1253 : memref<32x4x8x96xf32, #tpu.memory_space<hbm>>) target(%dma_start3A_1247 : memref<32x4x8x96xf32, #tpu.memory_space<vmem>>) target_semaphore(%arg34 : memref<!tpu.dma_semaphore, #tpu.memory_space<semaphore_mem>>)
    %get3A_1254 = arith.constant 368 : index
    %get3A_1255 = memref.load %arg2[%get3A_1254] : memref<512xi32, #tpu.memory_space<smem>>
    %jit3A_1256 = arith.constant 96 : i32
    %div3A_1257 = arith.divsi %get3A_1255, %jit3A_1256 : i32
    %sign3A_1258 = arith.constant 0 : i32
    %sign3A_1259 = arith.cmpi sgt, %get3A_1255, %sign3A_1258 : i32
    %sign3A_1260 = arith.extui %sign3A_1259 : i1 to i32
    %sign3A_1261 = arith.constant 0 : i32
    %sign3A_1262 = arith.cmpi slt, %get3A_1255, %sign3A_1261 : i32
    %sign3A_1263 = arith.extui %sign3A_1262 : i1 to i32
    %sign3A_1264 = arith.subi %sign3A_1260, %sign3A_1263 : i32
    %sign3A_1265 = arith.constant 0 : i32
    %sign3A_1266 = arith.cmpi sgt, %jit3A_1256, %sign3A_1265 : i32
    %sign3A_1267 = arith.extui %sign3A_1266 : i1 to i32
    %sign3A_1268 = arith.constant 0 : i32
    %sign3A_1269 = arith.cmpi slt, %jit3A_1256, %sign3A_1268 : i32
    %sign3A_1270 = arith.extui %sign3A_1269 : i1 to i32
    %sign3A_1271 = arith.subi %sign3A_1267, %sign3A_1270 : i32
    %ne3A_1272 = arith.cmpi ne, %sign3A_1264, %sign3A_1271 : i32
    %rem3A_1273 = arith.remsi %get3A_1255, %jit3A_1256 : i32
    %ne3A_1274 = arith.constant 0 : i32
    %ne3A_1275 = arith.cmpi ne, %rem3A_1273, %ne3A_1274 : i32
    %and3A_1276 = arith.andi %ne3A_1272, %ne3A_1275 : i1
    %sub3A_1277 = arith.constant 1 : i32
    %sub3A_1278 = arith.subi %div3A_1257, %sub3A_1277 : i32
    %select_n3A_1279 = arith.select %and3A_1276, %sub3A_1278, %div3A_1257 : i32
    %mul3A_1280 = arith.constant 96 : i32
    %mul3A_1281 = arith.muli %select_n3A_1279, %mul3A_1280 : i32
    %sub3A_1282 = arith.subi %get3A_1255, %mul3A_1281 : i32
    %dma_start3A_1283 = arith.constant 23 : i32
    %dma_start3A_1284 = arith.constant 0 : i32
    %dma_start3A_1285 = arith.constant 0 : i32
    %dma_start3A_1286 = arith.constant 0 : i32
    %dma_start3A_1287 = arith.constant 0 : i32
    %dma_start3A_1288 = tpu.memref_slice %arg32[%dma_start3A_1284, %dma_start3A_1285, %dma_start3A_1283, %dma_start3A_1286, %dma_start3A_1287] : memref<32x4x24x8x97xf32, #tpu.memory_space<vmem>> -> memref<32x4x1x8x97xf32, #tpu.memory_space<vmem>>
    %dma_start3A_1289 = tpu.memref_squeeze %dma_start3A_1288 : memref<32x4x1x8x97xf32, #tpu.memory_space<vmem>> -> memref<32x4x8x97xf32, #tpu.memory_space<vmem>>
    %dma_start3A_1290 = arith.constant 0 : i32
    %dma_start3A_1291 = arith.constant 0 : i32
    %dma_start3A_1292 = arith.constant 0 : i32
    %dma_start3A_1293 = arith.constant 0 : i32
    %dma_start3A_1294 = tpu.memref_slice %arg0[%dma_start3A_1290, %dma_start3A_1291, %select_n3A_1279, %dma_start3A_1292, %dma_start3A_1293] : memref<32x4x48x8x97xf32, #tpu.memory_space<hbm>> -> memref<32x4x1x8x97xf32, #tpu.memory_space<hbm>>
    %dma_start3A_1295 = tpu.memref_squeeze %dma_start3A_1294 : memref<32x4x1x8x97xf32, #tpu.memory_space<hbm>> -> memref<32x4x8x97xf32, #tpu.memory_space<hbm>>
    tpu.enqueue_dma source(%dma_start3A_1295 : memref<32x4x8x97xf32, #tpu.memory_space<hbm>>) target(%dma_start3A_1289 : memref<32x4x8x97xf32, #tpu.memory_space<vmem>>) target_semaphore(%arg34 : memref<!tpu.dma_semaphore, #tpu.memory_space<semaphore_mem>>)
    %dma_start3A_1296 = arith.constant 23 : i32
    %dma_start3A_1297 = arith.constant 0 : i32
    %dma_start3A_1298 = arith.constant 0 : i32
    %dma_start3A_1299 = arith.constant 0 : i32
    %dma_start3A_1300 = arith.constant 0 : i32
    %dma_start3A_1301 = tpu.memref_slice %arg33[%dma_start3A_1297, %dma_start3A_1298, %dma_start3A_1296, %dma_start3A_1299, %dma_start3A_1300] : memref<32x4x24x8x96xf32, #tpu.memory_space<vmem>> -> memref<32x4x1x8x96xf32, #tpu.memory_space<vmem>>
    %dma_start3A_1302 = tpu.memref_squeeze %dma_start3A_1301 : memref<32x4x1x8x96xf32, #tpu.memory_space<vmem>> -> memref<32x4x8x96xf32, #tpu.memory_space<vmem>>
    %dma_start3A_1303 = arith.constant 0 : i32
    %dma_start3A_1304 = arith.constant 0 : i32
    %dma_start3A_1305 = arith.constant 0 : i32
    %dma_start3A_1306 = arith.constant 0 : i32
    %dma_start3A_1307 = tpu.memref_slice %arg1[%dma_start3A_1303, %dma_start3A_1304, %select_n3A_1279, %dma_start3A_1305, %dma_start3A_1306] : memref<32x4x48x8x96xf32, #tpu.memory_space<hbm>> -> memref<32x4x1x8x96xf32, #tpu.memory_space<hbm>>
    %dma_start3A_1308 = tpu.memref_squeeze %dma_start3A_1307 : memref<32x4x1x8x96xf32, #tpu.memory_space<hbm>> -> memref<32x4x8x96xf32, #tpu.memory_space<hbm>>
    tpu.enqueue_dma source(%dma_start3A_1308 : memref<32x4x8x96xf32, #tpu.memory_space<hbm>>) target(%dma_start3A_1302 : memref<32x4x8x96xf32, #tpu.memory_space<vmem>>) target_semaphore(%arg34 : memref<!tpu.dma_semaphore, #tpu.memory_space<semaphore_mem>>)
    %get3A_1309 = arith.constant 0 : index
    %get3A_1310 = arith.constant 0 : index
    %get3A_1311 = memref.load %arg5[%get3A_1309, %get3A_1310] : memref<24x2xf32, #tpu.memory_space<smem>>
    %get3A_1312 = arith.constant 1 : index
    %get3A_1313 = arith.constant 0 : index
    %get3A_1314 = memref.load %arg5[%get3A_1312, %get3A_1313] : memref<24x2xf32, #tpu.memory_space<smem>>
    %get3A_1315 = arith.constant 2 : index
    %get3A_1316 = arith.constant 0 : index
    %get3A_1317 = memref.load %arg5[%get3A_1315, %get3A_1316] : memref<24x2xf32, #tpu.memory_space<smem>>
    %get3A_1318 = arith.constant 3 : index
    %get3A_1319 = arith.constant 0 : index
    %get3A_1320 = memref.load %arg5[%get3A_1318, %get3A_1319] : memref<24x2xf32, #tpu.memory_space<smem>>
    %get3A_1321 = arith.constant 4 : index
    %get3A_1322 = arith.constant 0 : index
    %get3A_1323 = memref.load %arg5[%get3A_1321, %get3A_1322] : memref<24x2xf32, #tpu.memory_space<smem>>
    %get3A_1324 = arith.constant 5 : index
    %get3A_1325 = arith.constant 0 : index
    %get3A_1326 = memref.load %arg5[%get3A_1324, %get3A_1325] : memref<24x2xf32, #tpu.memory_space<smem>>
    %get3A_1327 = arith.constant 6 : index
    %get3A_1328 = arith.constant 0 : index
    %get3A_1329 = memref.load %arg5[%get3A_1327, %get3A_1328] : memref<24x2xf32, #tpu.memory_space<smem>>
    %get3A_1330 = arith.constant 7 : index
    %get3A_1331 = arith.constant 0 : index
    %get3A_1332 = memref.load %arg5[%get3A_1330, %get3A_1331] : memref<24x2xf32, #tpu.memory_space<smem>>
    %get3A_1333 = arith.constant 8 : index
    %get3A_1334 = arith.constant 0 : index
    %get3A_1335 = memref.load %arg5[%get3A_1333, %get3A_1334] : memref<24x2xf32, #tpu.memory_space<smem>>
    %get3A_1336 = arith.constant 9 : index
    %get3A_1337 = arith.constant 0 : index
    %get3A_1338 = memref.load %arg5[%get3A_1336, %get3A_1337] : memref<24x2xf32, #tpu.memory_space<smem>>
    %get3A_1339 = arith.constant 10 : index
    %get3A_1340 = arith.constant 0 : index
    %get3A_1341 = memref.load %arg5[%get3A_1339, %get3A_1340] : memref<24x2xf32, #tpu.memory_space<smem>>
    %get3A_1342 = arith.constant 11 : index
    %get3A_1343 = arith.constant 0 : index
    %get3A_1344 = memref.load %arg5[%get3A_1342, %get3A_1343] : memref<24x2xf32, #tpu.memory_space<smem>>
    %get3A_1345 = arith.constant 12 : index
    %get3A_1346 = arith.constant 0 : index
    %get3A_1347 = memref.load %arg5[%get3A_1345, %get3A_1346] : memref<24x2xf32, #tpu.memory_space<smem>>
    %get3A_1348 = arith.constant 13 : index
    %get3A_1349 = arith.constant 0 : index
    %get3A_1350 = memref.load %arg5[%get3A_1348, %get3A_1349] : memref<24x2xf32, #tpu.memory_space<smem>>
    %get3A_1351 = arith.constant 14 : index
    %get3A_1352 = arith.constant 0 : index
    %get3A_1353 = memref.load %arg5[%get3A_1351, %get3A_1352] : memref<24x2xf32, #tpu.memory_space<smem>>
    %get3A_1354 = arith.constant 15 : index
    %get3A_1355 = arith.constant 0 : index
    %get3A_1356 = memref.load %arg5[%get3A_1354, %get3A_1355] : memref<24x2xf32, #tpu.memory_space<smem>>
    %get3A_1357 = arith.constant 16 : index
    %get3A_1358 = arith.constant 0 : index
    %get3A_1359 = memref.load %arg5[%get3A_1357, %get3A_1358] : memref<24x2xf32, #tpu.memory_space<smem>>
    %get3A_1360 = arith.constant 17 : index
    %get3A_1361 = arith.constant 0 : index
    %get3A_1362 = memref.load %arg5[%get3A_1360, %get3A_1361] : memref<24x2xf32, #tpu.memory_space<smem>>
    %get3A_1363 = arith.constant 18 : index
    %get3A_1364 = arith.constant 0 : index
    %get3A_1365 = memref.load %arg5[%get3A_1363, %get3A_1364] : memref<24x2xf32, #tpu.memory_space<smem>>
    %get3A_1366 = arith.constant 19 : index
    %get3A_1367 = arith.constant 0 : index
    %get3A_1368 = memref.load %arg5[%get3A_1366, %get3A_1367] : memref<24x2xf32, #tpu.memory_space<smem>>
    %get3A_1369 = arith.constant 20 : index
    %get3A_1370 = arith.constant 0 : index
    %get3A_1371 = memref.load %arg5[%get3A_1369, %get3A_1370] : memref<24x2xf32, #tpu.memory_space<smem>>
    %get3A_1372 = arith.constant 21 : index
    %get3A_1373 = arith.constant 0 : index
    %get3A_1374 = memref.load %arg5[%get3A_1372, %get3A_1373] : memref<24x2xf32, #tpu.memory_space<smem>>
    %get3A_1375 = arith.constant 22 : index
    %get3A_1376 = arith.constant 0 : index
    %get3A_1377 = memref.load %arg5[%get3A_1375, %get3A_1376] : memref<24x2xf32, #tpu.memory_space<smem>>
    %get3A_1378 = arith.constant 23 : index
    %get3A_1379 = arith.constant 0 : index
    %get3A_1380 = memref.load %arg5[%get3A_1378, %get3A_1379] : memref<24x2xf32, #tpu.memory_space<smem>>
    %broadcast_in_dim3A = vector.broadcast %get3A_1311 : f32 to vector<1x1xf32>
    %broadcast_in_dim3A_1381 = vector.broadcast %get3A_1314 : f32 to vector<1x1xf32>
    %broadcast_in_dim3A_1382 = vector.broadcast %get3A_1317 : f32 to vector<1x1xf32>
    %broadcast_in_dim3A_1383 = vector.broadcast %get3A_1320 : f32 to vector<1x1xf32>
    %broadcast_in_dim3A_1384 = vector.broadcast %get3A_1323 : f32 to vector<1x1xf32>
    %broadcast_in_dim3A_1385 = vector.broadcast %get3A_1326 : f32 to vector<1x1xf32>
    %broadcast_in_dim3A_1386 = vector.broadcast %get3A_1329 : f32 to vector<1x1xf32>
    %broadcast_in_dim3A_1387 = vector.broadcast %get3A_1332 : f32 to vector<1x1xf32>
    %broadcast_in_dim3A_1388 = vector.broadcast %get3A_1335 : f32 to vector<1x1xf32>
    %broadcast_in_dim3A_1389 = vector.broadcast %get3A_1338 : f32 to vector<1x1xf32>
    %broadcast_in_dim3A_1390 = vector.broadcast %get3A_1341 : f32 to vector<1x1xf32>
    %broadcast_in_dim3A_1391 = vector.broadcast %get3A_1344 : f32 to vector<1x1xf32>
    %broadcast_in_dim3A_1392 = vector.broadcast %get3A_1347 : f32 to vector<1x1xf32>
    %broadcast_in_dim3A_1393 = vector.broadcast %get3A_1350 : f32 to vector<1x1xf32>
    %broadcast_in_dim3A_1394 = vector.broadcast %get3A_1353 : f32 to vector<1x1xf32>
    %broadcast_in_dim3A_1395 = vector.broadcast %get3A_1356 : f32 to vector<1x1xf32>
    %broadcast_in_dim3A_1396 = vector.broadcast %get3A_1359 : f32 to vector<1x1xf32>
    %broadcast_in_dim3A_1397 = vector.broadcast %get3A_1362 : f32 to vector<1x1xf32>
    %broadcast_in_dim3A_1398 = vector.broadcast %get3A_1365 : f32 to vector<1x1xf32>
    %broadcast_in_dim3A_1399 = vector.broadcast %get3A_1368 : f32 to vector<1x1xf32>
    %broadcast_in_dim3A_1400 = vector.broadcast %get3A_1371 : f32 to vector<1x1xf32>
    %broadcast_in_dim3A_1401 = vector.broadcast %get3A_1374 : f32 to vector<1x1xf32>
    %broadcast_in_dim3A_1402 = vector.broadcast %get3A_1377 : f32 to vector<1x1xf32>
    %broadcast_in_dim3A_1403 = vector.broadcast %get3A_1380 : f32 to vector<1x1xf32>
    %concatenate3A = tpu.concatenate %broadcast_in_dim3A, %broadcast_in_dim3A_1381, %broadcast_in_dim3A_1382, %broadcast_in_dim3A_1383, %broadcast_in_dim3A_1384, %broadcast_in_dim3A_1385, %broadcast_in_dim3A_1386, %broadcast_in_dim3A_1387, %broadcast_in_dim3A_1388, %broadcast_in_dim3A_1389, %broadcast_in_dim3A_1390, %broadcast_in_dim3A_1391, %broadcast_in_dim3A_1392, %broadcast_in_dim3A_1393, %broadcast_in_dim3A_1394, %broadcast_in_dim3A_1395, %broadcast_in_dim3A_1396, %broadcast_in_dim3A_1397, %broadcast_in_dim3A_1398, %broadcast_in_dim3A_1399, %broadcast_in_dim3A_1400, %broadcast_in_dim3A_1401, %broadcast_in_dim3A_1402, %broadcast_in_dim3A_1403 in 0 : vector<1x1xf32>, vector<1x1xf32>, vector<1x1xf32>, vector<1x1xf32>, vector<1x1xf32>, vector<1x1xf32>, vector<1x1xf32>, vector<1x1xf32>, vector<1x1xf32>, vector<1x1xf32>, vector<1x1xf32>, vector<1x1xf32>, vector<1x1xf32>, vector<1x1xf32>, vector<1x1xf32>, vector<1x1xf32>, vector<1x1xf32>, vector<1x1xf32>, vector<1x1xf32>, vector<1x1xf32>, vector<1x1xf32>, vector<1x1xf32>, vector<1x1xf32>, vector<1x1xf32> -> vector<24x1xf32>
    %get3A_1404 = arith.constant 0 : index
    %get3A_1405 = arith.constant 1 : index
    %get3A_1406 = memref.load %arg5[%get3A_1404, %get3A_1405] : memref<24x2xf32, #tpu.memory_space<smem>>
    %get3A_1407 = arith.constant 1 : index
    %get3A_1408 = arith.constant 1 : index
    %get3A_1409 = memref.load %arg5[%get3A_1407, %get3A_1408] : memref<24x2xf32, #tpu.memory_space<smem>>
    %get3A_1410 = arith.constant 2 : index
    %get3A_1411 = arith.constant 1 : index
    %get3A_1412 = memref.load %arg5[%get3A_1410, %get3A_1411] : memref<24x2xf32, #tpu.memory_space<smem>>
    %get3A_1413 = arith.constant 3 : index
    %get3A_1414 = arith.constant 1 : index
    %get3A_1415 = memref.load %arg5[%get3A_1413, %get3A_1414] : memref<24x2xf32, #tpu.memory_space<smem>>
    %get3A_1416 = arith.constant 4 : index
    %get3A_1417 = arith.constant 1 : index
    %get3A_1418 = memref.load %arg5[%get3A_1416, %get3A_1417] : memref<24x2xf32, #tpu.memory_space<smem>>
    %get3A_1419 = arith.constant 5 : index
    %get3A_1420 = arith.constant 1 : index
    %get3A_1421 = memref.load %arg5[%get3A_1419, %get3A_1420] : memref<24x2xf32, #tpu.memory_space<smem>>
    %get3A_1422 = arith.constant 6 : index
    %get3A_1423 = arith.constant 1 : index
    %get3A_1424 = memref.load %arg5[%get3A_1422, %get3A_1423] : memref<24x2xf32, #tpu.memory_space<smem>>
    %get3A_1425 = arith.constant 7 : index
    %get3A_1426 = arith.constant 1 : index
    %get3A_1427 = memref.load %arg5[%get3A_1425, %get3A_1426] : memref<24x2xf32, #tpu.memory_space<smem>>
    %get3A_1428 = arith.constant 8 : index
    %get3A_1429 = arith.constant 1 : index
    %get3A_1430 = memref.load %arg5[%get3A_1428, %get3A_1429] : memref<24x2xf32, #tpu.memory_space<smem>>
    %get3A_1431 = arith.constant 9 : index
    %get3A_1432 = arith.constant 1 : index
    %get3A_1433 = memref.load %arg5[%get3A_1431, %get3A_1432] : memref<24x2xf32, #tpu.memory_space<smem>>
    %get3A_1434 = arith.constant 10 : index
    %get3A_1435 = arith.constant 1 : index
    %get3A_1436 = memref.load %arg5[%get3A_1434, %get3A_1435] : memref<24x2xf32, #tpu.memory_space<smem>>
    %get3A_1437 = arith.constant 11 : index
    %get3A_1438 = arith.constant 1 : index
    %get3A_1439 = memref.load %arg5[%get3A_1437, %get3A_1438] : memref<24x2xf32, #tpu.memory_space<smem>>
    %get3A_1440 = arith.constant 12 : index
    %get3A_1441 = arith.constant 1 : index
    %get3A_1442 = memref.load %arg5[%get3A_1440, %get3A_1441] : memref<24x2xf32, #tpu.memory_space<smem>>
    %get3A_1443 = arith.constant 13 : index
    %get3A_1444 = arith.constant 1 : index
    %get3A_1445 = memref.load %arg5[%get3A_1443, %get3A_1444] : memref<24x2xf32, #tpu.memory_space<smem>>
    %get3A_1446 = arith.constant 14 : index
    %get3A_1447 = arith.constant 1 : index
    %get3A_1448 = memref.load %arg5[%get3A_1446, %get3A_1447] : memref<24x2xf32, #tpu.memory_space<smem>>
    %get3A_1449 = arith.constant 15 : index
    %get3A_1450 = arith.constant 1 : index
    %get3A_1451 = memref.load %arg5[%get3A_1449, %get3A_1450] : memref<24x2xf32, #tpu.memory_space<smem>>
    %get3A_1452 = arith.constant 16 : index
    %get3A_1453 = arith.constant 1 : index
    %get3A_1454 = memref.load %arg5[%get3A_1452, %get3A_1453] : memref<24x2xf32, #tpu.memory_space<smem>>
    %get3A_1455 = arith.constant 17 : index
    %get3A_1456 = arith.constant 1 : index
    %get3A_1457 = memref.load %arg5[%get3A_1455, %get3A_1456] : memref<24x2xf32, #tpu.memory_space<smem>>
    %get3A_1458 = arith.constant 18 : index
    %get3A_1459 = arith.constant 1 : index
    %get3A_1460 = memref.load %arg5[%get3A_1458, %get3A_1459] : memref<24x2xf32, #tpu.memory_space<smem>>
    %get3A_1461 = arith.constant 19 : index
    %get3A_1462 = arith.constant 1 : index
    %get3A_1463 = memref.load %arg5[%get3A_1461, %get3A_1462] : memref<24x2xf32, #tpu.memory_space<smem>>
    %get3A_1464 = arith.constant 20 : index
    %get3A_1465 = arith.constant 1 : index
    %get3A_1466 = memref.load %arg5[%get3A_1464, %get3A_1465] : memref<24x2xf32, #tpu.memory_space<smem>>
    %get3A_1467 = arith.constant 21 : index
    %get3A_1468 = arith.constant 1 : index
    %get3A_1469 = memref.load %arg5[%get3A_1467, %get3A_1468] : memref<24x2xf32, #tpu.memory_space<smem>>
    %get3A_1470 = arith.constant 22 : index
    %get3A_1471 = arith.constant 1 : index
    %get3A_1472 = memref.load %arg5[%get3A_1470, %get3A_1471] : memref<24x2xf32, #tpu.memory_space<smem>>
    %get3A_1473 = arith.constant 23 : index
    %get3A_1474 = arith.constant 1 : index
    %get3A_1475 = memref.load %arg5[%get3A_1473, %get3A_1474] : memref<24x2xf32, #tpu.memory_space<smem>>
    %broadcast_in_dim3A_1476 = vector.broadcast %get3A_1406 : f32 to vector<1x1xf32>
    %broadcast_in_dim3A_1477 = vector.broadcast %get3A_1409 : f32 to vector<1x1xf32>
    %broadcast_in_dim3A_1478 = vector.broadcast %get3A_1412 : f32 to vector<1x1xf32>
    %broadcast_in_dim3A_1479 = vector.broadcast %get3A_1415 : f32 to vector<1x1xf32>
    %broadcast_in_dim3A_1480 = vector.broadcast %get3A_1418 : f32 to vector<1x1xf32>
    %broadcast_in_dim3A_1481 = vector.broadcast %get3A_1421 : f32 to vector<1x1xf32>
    %broadcast_in_dim3A_1482 = vector.broadcast %get3A_1424 : f32 to vector<1x1xf32>
    %broadcast_in_dim3A_1483 = vector.broadcast %get3A_1427 : f32 to vector<1x1xf32>
    %broadcast_in_dim3A_1484 = vector.broadcast %get3A_1430 : f32 to vector<1x1xf32>
    %broadcast_in_dim3A_1485 = vector.broadcast %get3A_1433 : f32 to vector<1x1xf32>
    %broadcast_in_dim3A_1486 = vector.broadcast %get3A_1436 : f32 to vector<1x1xf32>
    %broadcast_in_dim3A_1487 = vector.broadcast %get3A_1439 : f32 to vector<1x1xf32>
    %broadcast_in_dim3A_1488 = vector.broadcast %get3A_1442 : f32 to vector<1x1xf32>
    %broadcast_in_dim3A_1489 = vector.broadcast %get3A_1445 : f32 to vector<1x1xf32>
    %broadcast_in_dim3A_1490 = vector.broadcast %get3A_1448 : f32 to vector<1x1xf32>
    %broadcast_in_dim3A_1491 = vector.broadcast %get3A_1451 : f32 to vector<1x1xf32>
    %broadcast_in_dim3A_1492 = vector.broadcast %get3A_1454 : f32 to vector<1x1xf32>
    %broadcast_in_dim3A_1493 = vector.broadcast %get3A_1457 : f32 to vector<1x1xf32>
    %broadcast_in_dim3A_1494 = vector.broadcast %get3A_1460 : f32 to vector<1x1xf32>
    %broadcast_in_dim3A_1495 = vector.broadcast %get3A_1463 : f32 to vector<1x1xf32>
    %broadcast_in_dim3A_1496 = vector.broadcast %get3A_1466 : f32 to vector<1x1xf32>
    %broadcast_in_dim3A_1497 = vector.broadcast %get3A_1469 : f32 to vector<1x1xf32>
    %broadcast_in_dim3A_1498 = vector.broadcast %get3A_1472 : f32 to vector<1x1xf32>
    %broadcast_in_dim3A_1499 = vector.broadcast %get3A_1475 : f32 to vector<1x1xf32>
    %concatenate3A_1500 = tpu.concatenate %broadcast_in_dim3A_1476, %broadcast_in_dim3A_1477, %broadcast_in_dim3A_1478, %broadcast_in_dim3A_1479, %broadcast_in_dim3A_1480, %broadcast_in_dim3A_1481, %broadcast_in_dim3A_1482, %broadcast_in_dim3A_1483, %broadcast_in_dim3A_1484, %broadcast_in_dim3A_1485, %broadcast_in_dim3A_1486, %broadcast_in_dim3A_1487, %broadcast_in_dim3A_1488, %broadcast_in_dim3A_1489, %broadcast_in_dim3A_1490, %broadcast_in_dim3A_1491, %broadcast_in_dim3A_1492, %broadcast_in_dim3A_1493, %broadcast_in_dim3A_1494, %broadcast_in_dim3A_1495, %broadcast_in_dim3A_1496, %broadcast_in_dim3A_1497, %broadcast_in_dim3A_1498, %broadcast_in_dim3A_1499 in 0 : vector<1x1xf32>, vector<1x1xf32>, vector<1x1xf32>, vector<1x1xf32>, vector<1x1xf32>, vector<1x1xf32>, vector<1x1xf32>, vector<1x1xf32>, vector<1x1xf32>, vector<1x1xf32>, vector<1x1xf32>, vector<1x1xf32>, vector<1x1xf32>, vector<1x1xf32>, vector<1x1xf32>, vector<1x1xf32>, vector<1x1xf32>, vector<1x1xf32>, vector<1x1xf32>, vector<1x1xf32>, vector<1x1xf32>, vector<1x1xf32>, vector<1x1xf32>, vector<1x1xf32> -> vector<24x1xf32>
    %get3A_1501 = arith.constant 0 : index
    %get3A_1502 = memref.load %arg3[%get3A_1501] : memref<512xf32, #tpu.memory_space<smem>>
    %get3A_1503 = arith.constant 16 : index
    %get3A_1504 = memref.load %arg3[%get3A_1503] : memref<512xf32, #tpu.memory_space<smem>>
    %get3A_1505 = arith.constant 32 : index
    %get3A_1506 = memref.load %arg3[%get3A_1505] : memref<512xf32, #tpu.memory_space<smem>>
    %get3A_1507 = arith.constant 48 : index
    %get3A_1508 = memref.load %arg3[%get3A_1507] : memref<512xf32, #tpu.memory_space<smem>>
    %get3A_1509 = arith.constant 64 : index
    %get3A_1510 = memref.load %arg3[%get3A_1509] : memref<512xf32, #tpu.memory_space<smem>>
    %get3A_1511 = arith.constant 80 : index
    %get3A_1512 = memref.load %arg3[%get3A_1511] : memref<512xf32, #tpu.memory_space<smem>>
    %get3A_1513 = arith.constant 96 : index
    %get3A_1514 = memref.load %arg3[%get3A_1513] : memref<512xf32, #tpu.memory_space<smem>>
    %get3A_1515 = arith.constant 112 : index
    %get3A_1516 = memref.load %arg3[%get3A_1515] : memref<512xf32, #tpu.memory_space<smem>>
    %get3A_1517 = arith.constant 128 : index
    %get3A_1518 = memref.load %arg3[%get3A_1517] : memref<512xf32, #tpu.memory_space<smem>>
    %get3A_1519 = arith.constant 144 : index
    %get3A_1520 = memref.load %arg3[%get3A_1519] : memref<512xf32, #tpu.memory_space<smem>>
    %get3A_1521 = arith.constant 160 : index
    %get3A_1522 = memref.load %arg3[%get3A_1521] : memref<512xf32, #tpu.memory_space<smem>>
    %get3A_1523 = arith.constant 176 : index
    %get3A_1524 = memref.load %arg3[%get3A_1523] : memref<512xf32, #tpu.memory_space<smem>>
    %get3A_1525 = arith.constant 192 : index
    %get3A_1526 = memref.load %arg3[%get3A_1525] : memref<512xf32, #tpu.memory_space<smem>>
    %get3A_1527 = arith.constant 208 : index
    %get3A_1528 = memref.load %arg3[%get3A_1527] : memref<512xf32, #tpu.memory_space<smem>>
    %get3A_1529 = arith.constant 224 : index
    %get3A_1530 = memref.load %arg3[%get3A_1529] : memref<512xf32, #tpu.memory_space<smem>>
    %get3A_1531 = arith.constant 240 : index
    %get3A_1532 = memref.load %arg3[%get3A_1531] : memref<512xf32, #tpu.memory_space<smem>>
    %get3A_1533 = arith.constant 256 : index
    %get3A_1534 = memref.load %arg3[%get3A_1533] : memref<512xf32, #tpu.memory_space<smem>>
    %get3A_1535 = arith.constant 272 : index
    %get3A_1536 = memref.load %arg3[%get3A_1535] : memref<512xf32, #tpu.memory_space<smem>>
    %get3A_1537 = arith.constant 288 : index
    %get3A_1538 = memref.load %arg3[%get3A_1537] : memref<512xf32, #tpu.memory_space<smem>>
    %get3A_1539 = arith.constant 304 : index
    %get3A_1540 = memref.load %arg3[%get3A_1539] : memref<512xf32, #tpu.memory_space<smem>>
    %get3A_1541 = arith.constant 320 : index
    %get3A_1542 = memref.load %arg3[%get3A_1541] : memref<512xf32, #tpu.memory_space<smem>>
    %get3A_1543 = arith.constant 336 : index
    %get3A_1544 = memref.load %arg3[%get3A_1543] : memref<512xf32, #tpu.memory_space<smem>>
    %get3A_1545 = arith.constant 352 : index
    %get3A_1546 = memref.load %arg3[%get3A_1545] : memref<512xf32, #tpu.memory_space<smem>>
    %get3A_1547 = arith.constant 368 : index
    %get3A_1548 = memref.load %arg3[%get3A_1547] : memref<512xf32, #tpu.memory_space<smem>>
    %broadcast_in_dim3A_1549 = vector.broadcast %get3A_1502 : f32 to vector<1x1xf32>
    %broadcast_in_dim3A_1550 = vector.broadcast %get3A_1504 : f32 to vector<1x1xf32>
    %broadcast_in_dim3A_1551 = vector.broadcast %get3A_1506 : f32 to vector<1x1xf32>
    %broadcast_in_dim3A_1552 = vector.broadcast %get3A_1508 : f32 to vector<1x1xf32>
    %broadcast_in_dim3A_1553 = vector.broadcast %get3A_1510 : f32 to vector<1x1xf32>
    %broadcast_in_dim3A_1554 = vector.broadcast %get3A_1512 : f32 to vector<1x1xf32>
    %broadcast_in_dim3A_1555 = vector.broadcast %get3A_1514 : f32 to vector<1x1xf32>
    %broadcast_in_dim3A_1556 = vector.broadcast %get3A_1516 : f32 to vector<1x1xf32>
    %broadcast_in_dim3A_1557 = vector.broadcast %get3A_1518 : f32 to vector<1x1xf32>
    %broadcast_in_dim3A_1558 = vector.broadcast %get3A_1520 : f32 to vector<1x1xf32>
    %broadcast_in_dim3A_1559 = vector.broadcast %get3A_1522 : f32 to vector<1x1xf32>
    %broadcast_in_dim3A_1560 = vector.broadcast %get3A_1524 : f32 to vector<1x1xf32>
    %broadcast_in_dim3A_1561 = vector.broadcast %get3A_1526 : f32 to vector<1x1xf32>
    %broadcast_in_dim3A_1562 = vector.broadcast %get3A_1528 : f32 to vector<1x1xf32>
    %broadcast_in_dim3A_1563 = vector.broadcast %get3A_1530 : f32 to vector<1x1xf32>
    %broadcast_in_dim3A_1564 = vector.broadcast %get3A_1532 : f32 to vector<1x1xf32>
    %broadcast_in_dim3A_1565 = vector.broadcast %get3A_1534 : f32 to vector<1x1xf32>
    %broadcast_in_dim3A_1566 = vector.broadcast %get3A_1536 : f32 to vector<1x1xf32>
    %broadcast_in_dim3A_1567 = vector.broadcast %get3A_1538 : f32 to vector<1x1xf32>
    %broadcast_in_dim3A_1568 = vector.broadcast %get3A_1540 : f32 to vector<1x1xf32>
    %broadcast_in_dim3A_1569 = vector.broadcast %get3A_1542 : f32 to vector<1x1xf32>
    %broadcast_in_dim3A_1570 = vector.broadcast %get3A_1544 : f32 to vector<1x1xf32>
    %broadcast_in_dim3A_1571 = vector.broadcast %get3A_1546 : f32 to vector<1x1xf32>
    %broadcast_in_dim3A_1572 = vector.broadcast %get3A_1548 : f32 to vector<1x1xf32>
    %concatenate3A_1573 = tpu.concatenate %broadcast_in_dim3A_1549, %broadcast_in_dim3A_1550, %broadcast_in_dim3A_1551, %broadcast_in_dim3A_1552, %broadcast_in_dim3A_1553, %broadcast_in_dim3A_1554, %broadcast_in_dim3A_1555, %broadcast_in_dim3A_1556, %broadcast_in_dim3A_1557, %broadcast_in_dim3A_1558, %broadcast_in_dim3A_1559, %broadcast_in_dim3A_1560, %broadcast_in_dim3A_1561, %broadcast_in_dim3A_1562, %broadcast_in_dim3A_1563, %broadcast_in_dim3A_1564, %broadcast_in_dim3A_1565, %broadcast_in_dim3A_1566, %broadcast_in_dim3A_1567, %broadcast_in_dim3A_1568, %broadcast_in_dim3A_1569, %broadcast_in_dim3A_1570, %broadcast_in_dim3A_1571, %broadcast_in_dim3A_1572 in 0 : vector<1x1xf32>, vector<1x1xf32>, vector<1x1xf32>, vector<1x1xf32>, vector<1x1xf32>, vector<1x1xf32>, vector<1x1xf32>, vector<1x1xf32>, vector<1x1xf32>, vector<1x1xf32>, vector<1x1xf32>, vector<1x1xf32>, vector<1x1xf32>, vector<1x1xf32>, vector<1x1xf32>, vector<1x1xf32>, vector<1x1xf32>, vector<1x1xf32>, vector<1x1xf32>, vector<1x1xf32>, vector<1x1xf32>, vector<1x1xf32>, vector<1x1xf32>, vector<1x1xf32> -> vector<24x1xf32>
    %get3A_1574 = arith.constant 0 : index
    %get3A_1575 = memref.load %arg4[%get3A_1574] : memref<512xf32, #tpu.memory_space<smem>>
    %get3A_1576 = arith.constant 16 : index
    %get3A_1577 = memref.load %arg4[%get3A_1576] : memref<512xf32, #tpu.memory_space<smem>>
    %get3A_1578 = arith.constant 32 : index
    %get3A_1579 = memref.load %arg4[%get3A_1578] : memref<512xf32, #tpu.memory_space<smem>>
    %get3A_1580 = arith.constant 48 : index
    %get3A_1581 = memref.load %arg4[%get3A_1580] : memref<512xf32, #tpu.memory_space<smem>>
    %get3A_1582 = arith.constant 64 : index
    %get3A_1583 = memref.load %arg4[%get3A_1582] : memref<512xf32, #tpu.memory_space<smem>>
    %get3A_1584 = arith.constant 80 : index
    %get3A_1585 = memref.load %arg4[%get3A_1584] : memref<512xf32, #tpu.memory_space<smem>>
    %get3A_1586 = arith.constant 96 : index
    %get3A_1587 = memref.load %arg4[%get3A_1586] : memref<512xf32, #tpu.memory_space<smem>>
    %get3A_1588 = arith.constant 112 : index
    %get3A_1589 = memref.load %arg4[%get3A_1588] : memref<512xf32, #tpu.memory_space<smem>>
    %get3A_1590 = arith.constant 128 : index
    %get3A_1591 = memref.load %arg4[%get3A_1590] : memref<512xf32, #tpu.memory_space<smem>>
    %get3A_1592 = arith.constant 144 : index
    %get3A_1593 = memref.load %arg4[%get3A_1592] : memref<512xf32, #tpu.memory_space<smem>>
    %get3A_1594 = arith.constant 160 : index
    %get3A_1595 = memref.load %arg4[%get3A_1594] : memref<512xf32, #tpu.memory_space<smem>>
    %get3A_1596 = arith.constant 176 : index
    %get3A_1597 = memref.load %arg4[%get3A_1596] : memref<512xf32, #tpu.memory_space<smem>>
    %get3A_1598 = arith.constant 192 : index
    %get3A_1599 = memref.load %arg4[%get3A_1598] : memref<512xf32, #tpu.memory_space<smem>>
    %get3A_1600 = arith.constant 208 : index
    %get3A_1601 = memref.load %arg4[%get3A_1600] : memref<512xf32, #tpu.memory_space<smem>>
    %get3A_1602 = arith.constant 224 : index
    %get3A_1603 = memref.load %arg4[%get3A_1602] : memref<512xf32, #tpu.memory_space<smem>>
    %get3A_1604 = arith.constant 240 : index
    %get3A_1605 = memref.load %arg4[%get3A_1604] : memref<512xf32, #tpu.memory_space<smem>>
    %get3A_1606 = arith.constant 256 : index
    %get3A_1607 = memref.load %arg4[%get3A_1606] : memref<512xf32, #tpu.memory_space<smem>>
    %get3A_1608 = arith.constant 272 : index
    %get3A_1609 = memref.load %arg4[%get3A_1608] : memref<512xf32, #tpu.memory_space<smem>>
    %get3A_1610 = arith.constant 288 : index
    %get3A_1611 = memref.load %arg4[%get3A_1610] : memref<512xf32, #tpu.memory_space<smem>>
    %get3A_1612 = arith.constant 304 : index
    %get3A_1613 = memref.load %arg4[%get3A_1612] : memref<512xf32, #tpu.memory_space<smem>>
    %get3A_1614 = arith.constant 320 : index
    %get3A_1615 = memref.load %arg4[%get3A_1614] : memref<512xf32, #tpu.memory_space<smem>>
    %get3A_1616 = arith.constant 336 : index
    %get3A_1617 = memref.load %arg4[%get3A_1616] : memref<512xf32, #tpu.memory_space<smem>>
    %get3A_1618 = arith.constant 352 : index
    %get3A_1619 = memref.load %arg4[%get3A_1618] : memref<512xf32, #tpu.memory_space<smem>>
    %get3A_1620 = arith.constant 368 : index
    %get3A_1621 = memref.load %arg4[%get3A_1620] : memref<512xf32, #tpu.memory_space<smem>>
    %broadcast_in_dim3A_1622 = vector.broadcast %get3A_1575 : f32 to vector<1x1xf32>
    %broadcast_in_dim3A_1623 = vector.broadcast %get3A_1577 : f32 to vector<1x1xf32>
    %broadcast_in_dim3A_1624 = vector.broadcast %get3A_1579 : f32 to vector<1x1xf32>
    %broadcast_in_dim3A_1625 = vector.broadcast %get3A_1581 : f32 to vector<1x1xf32>
    %broadcast_in_dim3A_1626 = vector.broadcast %get3A_1583 : f32 to vector<1x1xf32>
    %broadcast_in_dim3A_1627 = vector.broadcast %get3A_1585 : f32 to vector<1x1xf32>
    %broadcast_in_dim3A_1628 = vector.broadcast %get3A_1587 : f32 to vector<1x1xf32>
    %broadcast_in_dim3A_1629 = vector.broadcast %get3A_1589 : f32 to vector<1x1xf32>
    %broadcast_in_dim3A_1630 = vector.broadcast %get3A_1591 : f32 to vector<1x1xf32>
    %broadcast_in_dim3A_1631 = vector.broadcast %get3A_1593 : f32 to vector<1x1xf32>
    %broadcast_in_dim3A_1632 = vector.broadcast %get3A_1595 : f32 to vector<1x1xf32>
    %broadcast_in_dim3A_1633 = vector.broadcast %get3A_1597 : f32 to vector<1x1xf32>
    %broadcast_in_dim3A_1634 = vector.broadcast %get3A_1599 : f32 to vector<1x1xf32>
    %broadcast_in_dim3A_1635 = vector.broadcast %get3A_1601 : f32 to vector<1x1xf32>
    %broadcast_in_dim3A_1636 = vector.broadcast %get3A_1603 : f32 to vector<1x1xf32>
    %broadcast_in_dim3A_1637 = vector.broadcast %get3A_1605 : f32 to vector<1x1xf32>
    %broadcast_in_dim3A_1638 = vector.broadcast %get3A_1607 : f32 to vector<1x1xf32>
    %broadcast_in_dim3A_1639 = vector.broadcast %get3A_1609 : f32 to vector<1x1xf32>
    %broadcast_in_dim3A_1640 = vector.broadcast %get3A_1611 : f32 to vector<1x1xf32>
    %broadcast_in_dim3A_1641 = vector.broadcast %get3A_1613 : f32 to vector<1x1xf32>
    %broadcast_in_dim3A_1642 = vector.broadcast %get3A_1615 : f32 to vector<1x1xf32>
    %broadcast_in_dim3A_1643 = vector.broadcast %get3A_1617 : f32 to vector<1x1xf32>
    %broadcast_in_dim3A_1644 = vector.broadcast %get3A_1619 : f32 to vector<1x1xf32>
    %broadcast_in_dim3A_1645 = vector.broadcast %get3A_1621 : f32 to vector<1x1xf32>
    %concatenate3A_1646 = tpu.concatenate %broadcast_in_dim3A_1622, %broadcast_in_dim3A_1623, %broadcast_in_dim3A_1624, %broadcast_in_dim3A_1625, %broadcast_in_dim3A_1626, %broadcast_in_dim3A_1627, %broadcast_in_dim3A_1628, %broadcast_in_dim3A_1629, %broadcast_in_dim3A_1630, %broadcast_in_dim3A_1631, %broadcast_in_dim3A_1632, %broadcast_in_dim3A_1633, %broadcast_in_dim3A_1634, %broadcast_in_dim3A_1635, %broadcast_in_dim3A_1636, %broadcast_in_dim3A_1637, %broadcast_in_dim3A_1638, %broadcast_in_dim3A_1639, %broadcast_in_dim3A_1640, %broadcast_in_dim3A_1641, %broadcast_in_dim3A_1642, %broadcast_in_dim3A_1643, %broadcast_in_dim3A_1644, %broadcast_in_dim3A_1645 in 0 : vector<1x1xf32>, vector<1x1xf32>, vector<1x1xf32>, vector<1x1xf32>, vector<1x1xf32>, vector<1x1xf32>, vector<1x1xf32>, vector<1x1xf32>, vector<1x1xf32>, vector<1x1xf32>, vector<1x1xf32>, vector<1x1xf32>, vector<1x1xf32>, vector<1x1xf32>, vector<1x1xf32>, vector<1x1xf32>, vector<1x1xf32>, vector<1x1xf32>, vector<1x1xf32>, vector<1x1xf32>, vector<1x1xf32>, vector<1x1xf32>, vector<1x1xf32>, vector<1x1xf32> -> vector<24x1xf32>
    %get3A_1647 = arith.constant 0 : index
    %get3A_1648 = arith.constant 0 : index
    %get3A_1649 = arith.constant 0 : index
    %get3A_1650 = arith.constant 0 : index
    %get3A_1651 = vector.load %arg6[%get3A_1647, %get3A_1648, %get3A_1649, %get3A_1650] : memref<32x4x8x24xf32, #tpu.memory_space<vmem>>, vector<32x4x8x24xf32>
    %transpose3A = tpu.transpose %get3A_1651, [0, 1, 3, 2] : vector<32x4x8x24xf32> -> vector<32x4x24x8xf32>
    %slice3A = vector.extract_strided_slice %transpose3A {offsets = [0, 0, 0, 0], sizes = [32, 1, 24, 8], strides = [1, 1, 1, 1]} : vector<32x4x24x8xf32> to vector<32x1x24x8xf32>
    %squeeze3A = vector.shape_cast %slice3A : vector<32x1x24x8xf32> to vector<32x24x8xf32>
    %reshape3A = vector.shape_cast %squeeze3A : vector<32x24x8xf32> to vector<768x8xf32>
    %slice3A_1652 = vector.extract_strided_slice %transpose3A {offsets = [0, 1, 0, 0], sizes = [32, 1, 24, 8], strides = [1, 1, 1, 1]} : vector<32x4x24x8xf32> to vector<32x1x24x8xf32>
    %squeeze3A_1653 = vector.shape_cast %slice3A_1652 : vector<32x1x24x8xf32> to vector<32x24x8xf32>
    %reshape3A_1654 = vector.shape_cast %squeeze3A_1653 : vector<32x24x8xf32> to vector<768x8xf32>
    %slice3A_1655 = vector.extract_strided_slice %transpose3A {offsets = [0, 2, 0, 0], sizes = [32, 1, 24, 8], strides = [1, 1, 1, 1]} : vector<32x4x24x8xf32> to vector<32x1x24x8xf32>
    %squeeze3A_1656 = vector.shape_cast %slice3A_1655 : vector<32x1x24x8xf32> to vector<32x24x8xf32>
    %reshape3A_1657 = vector.shape_cast %squeeze3A_1656 : vector<32x24x8xf32> to vector<768x8xf32>
    %slice3A_1658 = vector.extract_strided_slice %transpose3A {offsets = [0, 3, 0, 0], sizes = [32, 1, 24, 8], strides = [1, 1, 1, 1]} : vector<32x4x24x8xf32> to vector<32x1x24x8xf32>
    %squeeze3A_1659 = vector.shape_cast %slice3A_1658 : vector<32x1x24x8xf32> to vector<32x24x8xf32>
    %reshape3A_1660 = vector.shape_cast %squeeze3A_1659 : vector<32x24x8xf32> to vector<768x8xf32>
    %get3A_1661 = arith.constant 0 : index
    %get3A_1662 = arith.constant 0 : index
    %get3A_1663 = vector.load %arg7[%get3A_1661, %get3A_1662] : memref<34x128xf32, #tpu.memory_space<vmem>>, vector<34x128xf32>
    %slice3A_1664 = vector.extract_strided_slice %get3A_1663 {offsets = [0, 0], sizes = [32, 128], strides = [1, 1]} : vector<34x128xf32> to vector<32x128xf32>
    %iota3A = tpu.iota {dimensions = array<i32: 0>} : vector<8x32xi32>
    %iota3A_1665 = tpu.iota {dimensions = array<i32: 1>} : vector<8x32xi32>
    %mul3A_1666 = arith.constant 4 : i32
    %mul3A_1667 = vector.broadcast %mul3A_1666 : i32 to vector<8x32xi32>
    %mul3A_1668 = arith.muli %iota3A, %mul3A_1667 : vector<8x32xi32>
    %add3A = arith.constant 0 : i32
    %add3A_1669 = vector.broadcast %add3A : i32 to vector<8x32xi32>
    %add3A_1670 = arith.addi %mul3A_1668, %add3A_1669 : vector<8x32xi32>
    %eq3A = arith.cmpi eq, %iota3A_1665, %add3A_1670 : vector<8x32xi32>
    %convert_element_type3A = arith.extui %eq3A : vector<8x32xi1> to vector<8x32xi32>
    %convert_element_type3A_1671 = arith.sitofp %convert_element_type3A : vector<8x32xi32> to vector<8x32xf32>
    %dot_general3A = arith.constant dense<0.000000e+00> : vector<8x128xf32>
    %dot_general3A_1672 = tpu.matmul %convert_element_type3A_1671, %slice3A_1664, %dot_general3A {dimension_numbers = #tpu.dot_dimension_numbers<[1], [0], [0], [1], [0, 0, 1, 1], [], []>, transpose_lhs_hint = false} : vector<8x32xf32>, vector<32x128xf32>, vector<8x128xf32> -> vector<8x128xf32>
    %dot_general3A_1673 = arith.constant dense<0.000000e+00> : vector<768x128xf32>
    %dot_general3A_1674 = tpu.matmul %reshape3A, %dot_general3A_1672, %dot_general3A_1673 {dimension_numbers = #tpu.dot_dimension_numbers<[1], [0], [0], [1], [0, 0, 1, 1], [], []>, transpose_lhs_hint = false} : vector<768x8xf32>, vector<8x128xf32>, vector<768x128xf32> -> vector<768x128xf32>
    %iota3A_1675 = tpu.iota {dimensions = array<i32: 0>} : vector<8x32xi32>
    %iota3A_1676 = tpu.iota {dimensions = array<i32: 1>} : vector<8x32xi32>
    %mul3A_1677 = arith.constant 4 : i32
    %mul3A_1678 = vector.broadcast %mul3A_1677 : i32 to vector<8x32xi32>
    %mul3A_1679 = arith.muli %iota3A_1675, %mul3A_1678 : vector<8x32xi32>
    %add3A_1680 = arith.constant 1 : i32
    %add3A_1681 = vector.broadcast %add3A_1680 : i32 to vector<8x32xi32>
    %add3A_1682 = arith.addi %mul3A_1679, %add3A_1681 : vector<8x32xi32>
    %eq3A_1683 = arith.cmpi eq, %iota3A_1676, %add3A_1682 : vector<8x32xi32>
    %convert_element_type3A_1684 = arith.extui %eq3A_1683 : vector<8x32xi1> to vector<8x32xi32>
    %convert_element_type3A_1685 = arith.sitofp %convert_element_type3A_1684 : vector<8x32xi32> to vector<8x32xf32>
    %dot_general3A_1686 = arith.constant dense<0.000000e+00> : vector<8x128xf32>
    %dot_general3A_1687 = tpu.matmul %convert_element_type3A_1685, %slice3A_1664, %dot_general3A_1686 {dimension_numbers = #tpu.dot_dimension_numbers<[1], [0], [0], [1], [0, 0, 1, 1], [], []>, transpose_lhs_hint = false} : vector<8x32xf32>, vector<32x128xf32>, vector<8x128xf32> -> vector<8x128xf32>
    %dot_general3A_1688 = arith.constant dense<0.000000e+00> : vector<768x128xf32>
    %dot_general3A_1689 = tpu.matmul %reshape3A_1654, %dot_general3A_1687, %dot_general3A_1688 {dimension_numbers = #tpu.dot_dimension_numbers<[1], [0], [0], [1], [0, 0, 1, 1], [], []>, transpose_lhs_hint = false} : vector<768x8xf32>, vector<8x128xf32>, vector<768x128xf32> -> vector<768x128xf32>
    %add3A_1690 = arith.addf %dot_general3A_1674, %dot_general3A_1689 : vector<768x128xf32>
    %iota3A_1691 = tpu.iota {dimensions = array<i32: 0>} : vector<8x32xi32>
    %iota3A_1692 = tpu.iota {dimensions = array<i32: 1>} : vector<8x32xi32>
    %mul3A_1693 = arith.constant 4 : i32
    %mul3A_1694 = vector.broadcast %mul3A_1693 : i32 to vector<8x32xi32>
    %mul3A_1695 = arith.muli %iota3A_1691, %mul3A_1694 : vector<8x32xi32>
    %add3A_1696 = arith.constant 2 : i32
    %add3A_1697 = vector.broadcast %add3A_1696 : i32 to vector<8x32xi32>
    %add3A_1698 = arith.addi %mul3A_1695, %add3A_1697 : vector<8x32xi32>
    %eq3A_1699 = arith.cmpi eq, %iota3A_1692, %add3A_1698 : vector<8x32xi32>
    %convert_element_type3A_1700 = arith.extui %eq3A_1699 : vector<8x32xi1> to vector<8x32xi32>
    %convert_element_type3A_1701 = arith.sitofp %convert_element_type3A_1700 : vector<8x32xi32> to vector<8x32xf32>
    %dot_general3A_1702 = arith.constant dense<0.000000e+00> : vector<8x128xf32>
    %dot_general3A_1703 = tpu.matmul %convert_element_type3A_1701, %slice3A_1664, %dot_general3A_1702 {dimension_numbers = #tpu.dot_dimension_numbers<[1], [0], [0], [1], [0, 0, 1, 1], [], []>, transpose_lhs_hint = false} : vector<8x32xf32>, vector<32x128xf32>, vector<8x128xf32> -> vector<8x128xf32>
    %dot_general3A_1704 = arith.constant dense<0.000000e+00> : vector<768x128xf32>
    %dot_general3A_1705 = tpu.matmul %reshape3A_1657, %dot_general3A_1703, %dot_general3A_1704 {dimension_numbers = #tpu.dot_dimension_numbers<[1], [0], [0], [1], [0, 0, 1, 1], [], []>, transpose_lhs_hint = false} : vector<768x8xf32>, vector<8x128xf32>, vector<768x128xf32> -> vector<768x128xf32>
    %add3A_1706 = arith.addf %add3A_1690, %dot_general3A_1705 : vector<768x128xf32>
    %iota3A_1707 = tpu.iota {dimensions = array<i32: 0>} : vector<8x32xi32>
    %iota3A_1708 = tpu.iota {dimensions = array<i32: 1>} : vector<8x32xi32>
    %mul3A_1709 = arith.constant 4 : i32
    %mul3A_1710 = vector.broadcast %mul3A_1709 : i32 to vector<8x32xi32>
    %mul3A_1711 = arith.muli %iota3A_1707, %mul3A_1710 : vector<8x32xi32>
    %add3A_1712 = arith.constant 3 : i32
    %add3A_1713 = vector.broadcast %add3A_1712 : i32 to vector<8x32xi32>
    %add3A_1714 = arith.addi %mul3A_1711, %add3A_1713 : vector<8x32xi32>
    %eq3A_1715 = arith.cmpi eq, %iota3A_1708, %add3A_1714 : vector<8x32xi32>
    %convert_element_type3A_1716 = arith.extui %eq3A_1715 : vector<8x32xi1> to vector<8x32xi32>
    %convert_element_type3A_1717 = arith.sitofp %convert_element_type3A_1716 : vector<8x32xi32> to vector<8x32xf32>
    %dot_general3A_1718 = arith.constant dense<0.000000e+00> : vector<8x128xf32>
    %dot_general3A_1719 = tpu.matmul %convert_element_type3A_1717, %slice3A_1664, %dot_general3A_1718 {dimension_numbers = #tpu.dot_dimension_numbers<[1], [0], [0], [1], [0, 0, 1, 1], [], []>, transpose_lhs_hint = false} : vector<8x32xf32>, vector<32x128xf32>, vector<8x128xf32> -> vector<8x128xf32>
    %dot_general3A_1720 = arith.constant dense<0.000000e+00> : vector<768x128xf32>
    %dot_general3A_1721 = tpu.matmul %reshape3A_1660, %dot_general3A_1719, %dot_general3A_1720 {dimension_numbers = #tpu.dot_dimension_numbers<[1], [0], [0], [1], [0, 0, 1, 1], [], []>, transpose_lhs_hint = false} : vector<768x8xf32>, vector<8x128xf32>, vector<768x128xf32> -> vector<768x128xf32>
    %add3A_1722 = arith.addf %add3A_1706, %dot_general3A_1721 : vector<768x128xf32>
    %iota3A_1723 = tpu.iota {dimensions = array<i32: 1>} : vector<1x34xi32>
    %eq3A_1724 = arith.constant 32 : i32
    %eq3A_1725 = vector.broadcast %eq3A_1724 : i32 to vector<1x34xi32>
    %eq3A_1726 = arith.cmpi eq, %iota3A_1723, %eq3A_1725 : vector<1x34xi32>
    %convert_element_type3A_1727 = arith.extui %eq3A_1726 : vector<1x34xi1> to vector<1x34xi32>
    %convert_element_type3A_1728 = arith.sitofp %convert_element_type3A_1727 : vector<1x34xi32> to vector<1x34xf32>
    %dot_general3A_1729 = arith.constant dense<0.000000e+00> : vector<1x128xf32>
    %dot_general3A_1730 = tpu.matmul %convert_element_type3A_1728, %get3A_1663, %dot_general3A_1729 {dimension_numbers = #tpu.dot_dimension_numbers<[1], [0], [0], [1], [0, 0, 1, 1], [], []>, transpose_lhs_hint = false} : vector<1x34xf32>, vector<34x128xf32>, vector<1x128xf32> -> vector<1x128xf32>
    %mul3A_1731 = vector.broadcast %concatenate3A_1500 : vector<24x1xf32> to vector<24x128xf32>
    %mul3A_1732 = vector.broadcast %dot_general3A_1730 : vector<1x128xf32> to vector<24x128xf32>
    %mul3A_1733 = arith.mulf %mul3A_1731, %mul3A_1732 : vector<24x128xf32>
    %iota3A_1734 = tpu.iota {dimensions = array<i32: 1>} : vector<1x34xi32>
    %eq3A_1735 = arith.constant 33 : i32
    %eq3A_1736 = vector.broadcast %eq3A_1735 : i32 to vector<1x34xi32>
    %eq3A_1737 = arith.cmpi eq, %iota3A_1734, %eq3A_1736 : vector<1x34xi32>
    %convert_element_type3A_1738 = arith.extui %eq3A_1737 : vector<1x34xi1> to vector<1x34xi32>
    %convert_element_type3A_1739 = arith.sitofp %convert_element_type3A_1738 : vector<1x34xi32> to vector<1x34xf32>
    %dot_general3A_1740 = arith.constant dense<0.000000e+00> : vector<1x128xf32>
    %dot_general3A_1741 = tpu.matmul %convert_element_type3A_1739, %get3A_1663, %dot_general3A_1740 {dimension_numbers = #tpu.dot_dimension_numbers<[1], [0], [0], [1], [0, 0, 1, 1], [], []>, transpose_lhs_hint = false} : vector<1x34xf32>, vector<34x128xf32>, vector<1x128xf32> -> vector<1x128xf32>
    %mul3A_1742 = vector.broadcast %concatenate3A : vector<24x1xf32> to vector<24x128xf32>
    %mul3A_1743 = vector.broadcast %dot_general3A_1741 : vector<1x128xf32> to vector<24x128xf32>
    %mul3A_1744 = arith.mulf %mul3A_1742, %mul3A_1743 : vector<24x128xf32>
    %add3A_1745 = arith.addf %mul3A_1733, %mul3A_1744 : vector<24x128xf32>
    %broadcast_in_dim3A_1746 = vector.shape_cast %add3A_1745 : vector<24x128xf32> to vector<1x24x128xf32>
    %broadcast_in_dim3A_1747 = vector.shape_cast %broadcast_in_dim3A_1746 : vector<1x24x128xf32> to vector<1x24x128xf32>
    %broadcast_in_dim3A_1748 = vector.broadcast %broadcast_in_dim3A_1747 : vector<1x24x128xf32> to vector<32x24x128xf32>
    %reshape3A_1749 = vector.shape_cast %broadcast_in_dim3A_1748 : vector<32x24x128xf32> to vector<768x128xf32>
    %add3A_1750 = arith.addf %add3A_1722, %reshape3A_1749 : vector<768x128xf32>
    %get3A_1751 = arith.constant 0 : index
    %get3A_1752 = vector.load %arg8[%get3A_1751] : memref<128xf32, #tpu.memory_space<vmem>>, vector<128xf32>
    %reshape3A_1753 = vector.shape_cast %get3A_1752 : vector<128xf32> to vector<1x128xf32>
    %add3A_1754 = vector.broadcast %reshape3A_1753 : vector<1x128xf32> to vector<768x128xf32>
    %add3A_1755 = arith.addf %add3A_1750, %add3A_1754 : vector<768x128xf32>
    %tanh3A = math.tanh %add3A_1755 : vector<768x128xf32>
    %get3A_1756 = arith.constant 0 : index
    %get3A_1757 = arith.constant 0 : index
    %get3A_1758 = vector.load %arg9[%get3A_1756, %get3A_1757] : memref<128x128xf32, #tpu.memory_space<vmem>>, vector<128x128xf32>
    %dot_general3A_1759 = arith.constant dense<0.000000e+00> : vector<768x128xf32>
    %dot_general3A_1760 = tpu.matmul %tanh3A, %get3A_1758, %dot_general3A_1759 {dimension_numbers = #tpu.dot_dimension_numbers<[1], [0], [0], [1], [0, 0, 1, 1], [], []>, transpose_lhs_hint = false} : vector<768x128xf32>, vector<128x128xf32>, vector<768x128xf32> -> vector<768x128xf32>
    %get3A_1761 = arith.constant 0 : index
    %get3A_1762 = vector.load %arg10[%get3A_1761] : memref<128xf32, #tpu.memory_space<vmem>>, vector<128xf32>
    %reshape3A_1763 = vector.shape_cast %get3A_1762 : vector<128xf32> to vector<1x128xf32>
    %add3A_1764 = vector.broadcast %reshape3A_1763 : vector<1x128xf32> to vector<768x128xf32>
    %add3A_1765 = arith.addf %dot_general3A_1760, %add3A_1764 : vector<768x128xf32>
    %tanh3A_1766 = math.tanh %add3A_1765 : vector<768x128xf32>
    %dma_wait3A = arith.constant 0 : i32
    %dma_wait3A_1767 = arith.constant 0 : i32
    %dma_wait3A_1768 = arith.constant 0 : i32
    %dma_wait3A_1769 = arith.constant 0 : i32
    %dma_wait3A_1770 = arith.constant 0 : i32
    %dma_wait3A_1771 = tpu.memref_slice %arg32[%dma_wait3A_1767, %dma_wait3A_1768, %dma_wait3A, %dma_wait3A_1769, %dma_wait3A_1770] : memref<32x4x24x8x97xf32, #tpu.memory_space<vmem>> -> memref<32x4x1x8x97xf32, #tpu.memory_space<vmem>>
    %dma_wait3A_1772 = tpu.memref_squeeze %dma_wait3A_1771 : memref<32x4x1x8x97xf32, #tpu.memory_space<vmem>> -> memref<32x4x8x97xf32, #tpu.memory_space<vmem>>
    %dma_wait3A_1773 = arith.constant 0 : i32
    %dma_wait3A_1774 = arith.constant 0 : i32
    %dma_wait3A_1775 = arith.constant 0 : i32
    %dma_wait3A_1776 = arith.constant 0 : i32
    %dma_wait3A_1777 = tpu.memref_slice %arg0[%dma_wait3A_1773, %dma_wait3A_1774, %select_n3A, %dma_wait3A_1775, %dma_wait3A_1776] : memref<32x4x48x8x97xf32, #tpu.memory_space<hbm>> -> memref<32x4x1x8x97xf32, #tpu.memory_space<hbm>>
    %dma_wait3A_1778 = tpu.memref_squeeze %dma_wait3A_1777 : memref<32x4x1x8x97xf32, #tpu.memory_space<hbm>> -> memref<32x4x8x97xf32, #tpu.memory_space<hbm>>
    tpu.wait_dma2 semaphore(%arg34 : memref<!tpu.dma_semaphore, #tpu.memory_space<semaphore_mem>>) src(%dma_wait3A_1778 : memref<32x4x8x97xf32, #tpu.memory_space<hbm>>) dst(%dma_wait3A_1772 : memref<32x4x8x97xf32, #tpu.memory_space<vmem>>)
    %dma_wait3A_1779 = arith.constant 0 : i32
    %dma_wait3A_1780 = arith.constant 0 : i32
    %dma_wait3A_1781 = arith.constant 0 : i32
    %dma_wait3A_1782 = arith.constant 0 : i32
    %dma_wait3A_1783 = arith.constant 0 : i32
    %dma_wait3A_1784 = tpu.memref_slice %arg33[%dma_wait3A_1780, %dma_wait3A_1781, %dma_wait3A_1779, %dma_wait3A_1782, %dma_wait3A_1783] : memref<32x4x24x8x96xf32, #tpu.memory_space<vmem>> -> memref<32x4x1x8x96xf32, #tpu.memory_space<vmem>>
    %dma_wait3A_1785 = tpu.memref_squeeze %dma_wait3A_1784 : memref<32x4x1x8x96xf32, #tpu.memory_space<vmem>> -> memref<32x4x8x96xf32, #tpu.memory_space<vmem>>
    %dma_wait3A_1786 = arith.constant 0 : i32
    %dma_wait3A_1787 = arith.constant 0 : i32
    %dma_wait3A_1788 = arith.constant 0 : i32
    %dma_wait3A_1789 = arith.constant 0 : i32
    %dma_wait3A_1790 = tpu.memref_slice %arg1[%dma_wait3A_1786, %dma_wait3A_1787, %select_n3A, %dma_wait3A_1788, %dma_wait3A_1789] : memref<32x4x48x8x96xf32, #tpu.memory_space<hbm>> -> memref<32x4x1x8x96xf32, #tpu.memory_space<hbm>>
    %dma_wait3A_1791 = tpu.memref_squeeze %dma_wait3A_1790 : memref<32x4x1x8x96xf32, #tpu.memory_space<hbm>> -> memref<32x4x8x96xf32, #tpu.memory_space<hbm>>
    tpu.wait_dma2 semaphore(%arg34 : memref<!tpu.dma_semaphore, #tpu.memory_space<semaphore_mem>>) src(%dma_wait3A_1791 : memref<32x4x8x96xf32, #tpu.memory_space<hbm>>) dst(%dma_wait3A_1785 : memref<32x4x8x96xf32, #tpu.memory_space<vmem>>)
    %dma_wait3A_1792 = arith.constant 1 : i32
    %dma_wait3A_1793 = arith.constant 0 : i32
    %dma_wait3A_1794 = arith.constant 0 : i32
    %dma_wait3A_1795 = arith.constant 0 : i32
    %dma_wait3A_1796 = arith.constant 0 : i32
    %dma_wait3A_1797 = tpu.memref_slice %arg32[%dma_wait3A_1793, %dma_wait3A_1794, %dma_wait3A_1792, %dma_wait3A_1795, %dma_wait3A_1796] : memref<32x4x24x8x97xf32, #tpu.memory_space<vmem>> -> memref<32x4x1x8x97xf32, #tpu.memory_space<vmem>>
    %dma_wait3A_1798 = tpu.memref_squeeze %dma_wait3A_1797 : memref<32x4x1x8x97xf32, #tpu.memory_space<vmem>> -> memref<32x4x8x97xf32, #tpu.memory_space<vmem>>
    %dma_wait3A_1799 = arith.constant 0 : i32
    %dma_wait3A_1800 = arith.constant 0 : i32
    %dma_wait3A_1801 = arith.constant 0 : i32
    %dma_wait3A_1802 = arith.constant 0 : i32
    %dma_wait3A_1803 = tpu.memref_slice %arg0[%dma_wait3A_1799, %dma_wait3A_1800, %select_n3A_69, %dma_wait3A_1801, %dma_wait3A_1802] : memref<32x4x48x8x97xf32, #tpu.memory_space<hbm>> -> memref<32x4x1x8x97xf32, #tpu.memory_space<hbm>>
    %dma_wait3A_1804 = tpu.memref_squeeze %dma_wait3A_1803 : memref<32x4x1x8x97xf32, #tpu.memory_space<hbm>> -> memref<32x4x8x97xf32, #tpu.memory_space<hbm>>
    tpu.wait_dma2 semaphore(%arg34 : memref<!tpu.dma_semaphore, #tpu.memory_space<semaphore_mem>>) src(%dma_wait3A_1804 : memref<32x4x8x97xf32, #tpu.memory_space<hbm>>) dst(%dma_wait3A_1798 : memref<32x4x8x97xf32, #tpu.memory_space<vmem>>)
    %dma_wait3A_1805 = arith.constant 1 : i32
    %dma_wait3A_1806 = arith.constant 0 : i32
    %dma_wait3A_1807 = arith.constant 0 : i32
    %dma_wait3A_1808 = arith.constant 0 : i32
    %dma_wait3A_1809 = arith.constant 0 : i32
    %dma_wait3A_1810 = tpu.memref_slice %arg33[%dma_wait3A_1806, %dma_wait3A_1807, %dma_wait3A_1805, %dma_wait3A_1808, %dma_wait3A_1809] : memref<32x4x24x8x96xf32, #tpu.memory_space<vmem>> -> memref<32x4x1x8x96xf32, #tpu.memory_space<vmem>>
    %dma_wait3A_1811 = tpu.memref_squeeze %dma_wait3A_1810 : memref<32x4x1x8x96xf32, #tpu.memory_space<vmem>> -> memref<32x4x8x96xf32, #tpu.memory_space<vmem>>
    %dma_wait3A_1812 = arith.constant 0 : i32
    %dma_wait3A_1813 = arith.constant 0 : i32
    %dma_wait3A_1814 = arith.constant 0 : i32
    %dma_wait3A_1815 = arith.constant 0 : i32
    %dma_wait3A_1816 = tpu.memref_slice %arg1[%dma_wait3A_1812, %dma_wait3A_1813, %select_n3A_69, %dma_wait3A_1814, %dma_wait3A_1815] : memref<32x4x48x8x96xf32, #tpu.memory_space<hbm>> -> memref<32x4x1x8x96xf32, #tpu.memory_space<hbm>>
    %dma_wait3A_1817 = tpu.memref_squeeze %dma_wait3A_1816 : memref<32x4x1x8x96xf32, #tpu.memory_space<hbm>> -> memref<32x4x8x96xf32, #tpu.memory_space<hbm>>
    tpu.wait_dma2 semaphore(%arg34 : memref<!tpu.dma_semaphore, #tpu.memory_space<semaphore_mem>>) src(%dma_wait3A_1817 : memref<32x4x8x96xf32, #tpu.memory_space<hbm>>) dst(%dma_wait3A_1811 : memref<32x4x8x96xf32, #tpu.memory_space<vmem>>)
    %dma_wait3A_1818 = arith.constant 2 : i32
    %dma_wait3A_1819 = arith.constant 0 : i32
    %dma_wait3A_1820 = arith.constant 0 : i32
    %dma_wait3A_1821 = arith.constant 0 : i32
    %dma_wait3A_1822 = arith.constant 0 : i32
    %dma_wait3A_1823 = tpu.memref_slice %arg32[%dma_wait3A_1819, %dma_wait3A_1820, %dma_wait3A_1818, %dma_wait3A_1821, %dma_wait3A_1822] : memref<32x4x24x8x97xf32, #tpu.memory_space<vmem>> -> memref<32x4x1x8x97xf32, #tpu.memory_space<vmem>>
    %dma_wait3A_1824 = tpu.memref_squeeze %dma_wait3A_1823 : memref<32x4x1x8x97xf32, #tpu.memory_space<vmem>> -> memref<32x4x8x97xf32, #tpu.memory_space<vmem>>
    %dma_wait3A_1825 = arith.constant 0 : i32
    %dma_wait3A_1826 = arith.constant 0 : i32
    %dma_wait3A_1827 = arith.constant 0 : i32
    %dma_wait3A_1828 = arith.constant 0 : i32
    %dma_wait3A_1829 = tpu.memref_slice %arg0[%dma_wait3A_1825, %dma_wait3A_1826, %select_n3A_124, %dma_wait3A_1827, %dma_wait3A_1828] : memref<32x4x48x8x97xf32, #tpu.memory_space<hbm>> -> memref<32x4x1x8x97xf32, #tpu.memory_space<hbm>>
    %dma_wait3A_1830 = tpu.memref_squeeze %dma_wait3A_1829 : memref<32x4x1x8x97xf32, #tpu.memory_space<hbm>> -> memref<32x4x8x97xf32, #tpu.memory_space<hbm>>
    tpu.wait_dma2 semaphore(%arg34 : memref<!tpu.dma_semaphore, #tpu.memory_space<semaphore_mem>>) src(%dma_wait3A_1830 : memref<32x4x8x97xf32, #tpu.memory_space<hbm>>) dst(%dma_wait3A_1824 : memref<32x4x8x97xf32, #tpu.memory_space<vmem>>)
    %dma_wait3A_1831 = arith.constant 2 : i32
    %dma_wait3A_1832 = arith.constant 0 : i32
    %dma_wait3A_1833 = arith.constant 0 : i32
    %dma_wait3A_1834 = arith.constant 0 : i32
    %dma_wait3A_1835 = arith.constant 0 : i32
    %dma_wait3A_1836 = tpu.memref_slice %arg33[%dma_wait3A_1832, %dma_wait3A_1833, %dma_wait3A_1831, %dma_wait3A_1834, %dma_wait3A_1835] : memref<32x4x24x8x96xf32, #tpu.memory_space<vmem>> -> memref<32x4x1x8x96xf32, #tpu.memory_space<vmem>>
    %dma_wait3A_1837 = tpu.memref_squeeze %dma_wait3A_1836 : memref<32x4x1x8x96xf32, #tpu.memory_space<vmem>> -> memref<32x4x8x96xf32, #tpu.memory_space<vmem>>
    %dma_wait3A_1838 = arith.constant 0 : i32
    %dma_wait3A_1839 = arith.constant 0 : i32
    %dma_wait3A_1840 = arith.constant 0 : i32
    %dma_wait3A_1841 = arith.constant 0 : i32
    %dma_wait3A_1842 = tpu.memref_slice %arg1[%dma_wait3A_1838, %dma_wait3A_1839, %select_n3A_124, %dma_wait3A_1840, %dma_wait3A_1841] : memref<32x4x48x8x96xf32, #tpu.memory_space<hbm>> -> memref<32x4x1x8x96xf32, #tpu.memory_space<hbm>>
    %dma_wait3A_1843 = tpu.memref_squeeze %dma_wait3A_1842 : memref<32x4x1x8x96xf32, #tpu.memory_space<hbm>> -> memref<32x4x8x96xf32, #tpu.memory_space<hbm>>
    tpu.wait_dma2 semaphore(%arg34 : memref<!tpu.dma_semaphore, #tpu.memory_space<semaphore_mem>>) src(%dma_wait3A_1843 : memref<32x4x8x96xf32, #tpu.memory_space<hbm>>) dst(%dma_wait3A_1837 : memref<32x4x8x96xf32, #tpu.memory_space<vmem>>)
    %dma_wait3A_1844 = arith.constant 3 : i32
    %dma_wait3A_1845 = arith.constant 0 : i32
    %dma_wait3A_1846 = arith.constant 0 : i32
    %dma_wait3A_1847 = arith.constant 0 : i32
    %dma_wait3A_1848 = arith.constant 0 : i32
    %dma_wait3A_1849 = tpu.memref_slice %arg32[%dma_wait3A_1845, %dma_wait3A_1846, %dma_wait3A_1844, %dma_wait3A_1847, %dma_wait3A_1848] : memref<32x4x24x8x97xf32, #tpu.memory_space<vmem>> -> memref<32x4x1x8x97xf32, #tpu.memory_space<vmem>>
    %dma_wait3A_1850 = tpu.memref_squeeze %dma_wait3A_1849 : memref<32x4x1x8x97xf32, #tpu.memory_space<vmem>> -> memref<32x4x8x97xf32, #tpu.memory_space<vmem>>
    %dma_wait3A_1851 = arith.constant 0 : i32
    %dma_wait3A_1852 = arith.constant 0 : i32
    %dma_wait3A_1853 = arith.constant 0 : i32
    %dma_wait3A_1854 = arith.constant 0 : i32
    %dma_wait3A_1855 = tpu.memref_slice %arg0[%dma_wait3A_1851, %dma_wait3A_1852, %select_n3A_179, %dma_wait3A_1853, %dma_wait3A_1854] : memref<32x4x48x8x97xf32, #tpu.memory_space<hbm>> -> memref<32x4x1x8x97xf32, #tpu.memory_space<hbm>>
    %dma_wait3A_1856 = tpu.memref_squeeze %dma_wait3A_1855 : memref<32x4x1x8x97xf32, #tpu.memory_space<hbm>> -> memref<32x4x8x97xf32, #tpu.memory_space<hbm>>
    tpu.wait_dma2 semaphore(%arg34 : memref<!tpu.dma_semaphore, #tpu.memory_space<semaphore_mem>>) src(%dma_wait3A_1856 : memref<32x4x8x97xf32, #tpu.memory_space<hbm>>) dst(%dma_wait3A_1850 : memref<32x4x8x97xf32, #tpu.memory_space<vmem>>)
    %dma_wait3A_1857 = arith.constant 3 : i32
    %dma_wait3A_1858 = arith.constant 0 : i32
    %dma_wait3A_1859 = arith.constant 0 : i32
    %dma_wait3A_1860 = arith.constant 0 : i32
    %dma_wait3A_1861 = arith.constant 0 : i32
    %dma_wait3A_1862 = tpu.memref_slice %arg33[%dma_wait3A_1858, %dma_wait3A_1859, %dma_wait3A_1857, %dma_wait3A_1860, %dma_wait3A_1861] : memref<32x4x24x8x96xf32, #tpu.memory_space<vmem>> -> memref<32x4x1x8x96xf32, #tpu.memory_space<vmem>>
    %dma_wait3A_1863 = tpu.memref_squeeze %dma_wait3A_1862 : memref<32x4x1x8x96xf32, #tpu.memory_space<vmem>> -> memref<32x4x8x96xf32, #tpu.memory_space<vmem>>
    %dma_wait3A_1864 = arith.constant 0 : i32
    %dma_wait3A_1865 = arith.constant 0 : i32
    %dma_wait3A_1866 = arith.constant 0 : i32
    %dma_wait3A_1867 = arith.constant 0 : i32
    %dma_wait3A_1868 = tpu.memref_slice %arg1[%dma_wait3A_1864, %dma_wait3A_1865, %select_n3A_179, %dma_wait3A_1866, %dma_wait3A_1867] : memref<32x4x48x8x96xf32, #tpu.memory_space<hbm>> -> memref<32x4x1x8x96xf32, #tpu.memory_space<hbm>>
    %dma_wait3A_1869 = tpu.memref_squeeze %dma_wait3A_1868 : memref<32x4x1x8x96xf32, #tpu.memory_space<hbm>> -> memref<32x4x8x96xf32, #tpu.memory_space<hbm>>
    tpu.wait_dma2 semaphore(%arg34 : memref<!tpu.dma_semaphore, #tpu.memory_space<semaphore_mem>>) src(%dma_wait3A_1869 : memref<32x4x8x96xf32, #tpu.memory_space<hbm>>) dst(%dma_wait3A_1863 : memref<32x4x8x96xf32, #tpu.memory_space<vmem>>)
    %dma_wait3A_1870 = arith.constant 4 : i32
    %dma_wait3A_1871 = arith.constant 0 : i32
    %dma_wait3A_1872 = arith.constant 0 : i32
    %dma_wait3A_1873 = arith.constant 0 : i32
    %dma_wait3A_1874 = arith.constant 0 : i32
    %dma_wait3A_1875 = tpu.memref_slice %arg32[%dma_wait3A_1871, %dma_wait3A_1872, %dma_wait3A_1870, %dma_wait3A_1873, %dma_wait3A_1874] : memref<32x4x24x8x97xf32, #tpu.memory_space<vmem>> -> memref<32x4x1x8x97xf32, #tpu.memory_space<vmem>>
    %dma_wait3A_1876 = tpu.memref_squeeze %dma_wait3A_1875 : memref<32x4x1x8x97xf32, #tpu.memory_space<vmem>> -> memref<32x4x8x97xf32, #tpu.memory_space<vmem>>
    %dma_wait3A_1877 = arith.constant 0 : i32
    %dma_wait3A_1878 = arith.constant 0 : i32
    %dma_wait3A_1879 = arith.constant 0 : i32
    %dma_wait3A_1880 = arith.constant 0 : i32
    %dma_wait3A_1881 = tpu.memref_slice %arg0[%dma_wait3A_1877, %dma_wait3A_1878, %select_n3A_234, %dma_wait3A_1879, %dma_wait3A_1880] : memref<32x4x48x8x97xf32, #tpu.memory_space<hbm>> -> memref<32x4x1x8x97xf32, #tpu.memory_space<hbm>>
    %dma_wait3A_1882 = tpu.memref_squeeze %dma_wait3A_1881 : memref<32x4x1x8x97xf32, #tpu.memory_space<hbm>> -> memref<32x4x8x97xf32, #tpu.memory_space<hbm>>
    tpu.wait_dma2 semaphore(%arg34 : memref<!tpu.dma_semaphore, #tpu.memory_space<semaphore_mem>>) src(%dma_wait3A_1882 : memref<32x4x8x97xf32, #tpu.memory_space<hbm>>) dst(%dma_wait3A_1876 : memref<32x4x8x97xf32, #tpu.memory_space<vmem>>)
    %dma_wait3A_1883 = arith.constant 4 : i32
    %dma_wait3A_1884 = arith.constant 0 : i32
    %dma_wait3A_1885 = arith.constant 0 : i32
    %dma_wait3A_1886 = arith.constant 0 : i32
    %dma_wait3A_1887 = arith.constant 0 : i32
    %dma_wait3A_1888 = tpu.memref_slice %arg33[%dma_wait3A_1884, %dma_wait3A_1885, %dma_wait3A_1883, %dma_wait3A_1886, %dma_wait3A_1887] : memref<32x4x24x8x96xf32, #tpu.memory_space<vmem>> -> memref<32x4x1x8x96xf32, #tpu.memory_space<vmem>>
    %dma_wait3A_1889 = tpu.memref_squeeze %dma_wait3A_1888 : memref<32x4x1x8x96xf32, #tpu.memory_space<vmem>> -> memref<32x4x8x96xf32, #tpu.memory_space<vmem>>
    %dma_wait3A_1890 = arith.constant 0 : i32
    %dma_wait3A_1891 = arith.constant 0 : i32
    %dma_wait3A_1892 = arith.constant 0 : i32
    %dma_wait3A_1893 = arith.constant 0 : i32
    %dma_wait3A_1894 = tpu.memref_slice %arg1[%dma_wait3A_1890, %dma_wait3A_1891, %select_n3A_234, %dma_wait3A_1892, %dma_wait3A_1893] : memref<32x4x48x8x96xf32, #tpu.memory_space<hbm>> -> memref<32x4x1x8x96xf32, #tpu.memory_space<hbm>>
    %dma_wait3A_1895 = tpu.memref_squeeze %dma_wait3A_1894 : memref<32x4x1x8x96xf32, #tpu.memory_space<hbm>> -> memref<32x4x8x96xf32, #tpu.memory_space<hbm>>
    tpu.wait_dma2 semaphore(%arg34 : memref<!tpu.dma_semaphore, #tpu.memory_space<semaphore_mem>>) src(%dma_wait3A_1895 : memref<32x4x8x96xf32, #tpu.memory_space<hbm>>) dst(%dma_wait3A_1889 : memref<32x4x8x96xf32, #tpu.memory_space<vmem>>)
    %dma_wait3A_1896 = arith.constant 5 : i32
    %dma_wait3A_1897 = arith.constant 0 : i32
    %dma_wait3A_1898 = arith.constant 0 : i32
    %dma_wait3A_1899 = arith.constant 0 : i32
    %dma_wait3A_1900 = arith.constant 0 : i32
    %dma_wait3A_1901 = tpu.memref_slice %arg32[%dma_wait3A_1897, %dma_wait3A_1898, %dma_wait3A_1896, %dma_wait3A_1899, %dma_wait3A_1900] : memref<32x4x24x8x97xf32, #tpu.memory_space<vmem>> -> memref<32x4x1x8x97xf32, #tpu.memory_space<vmem>>
    %dma_wait3A_1902 = tpu.memref_squeeze %dma_wait3A_1901 : memref<32x4x1x8x97xf32, #tpu.memory_space<vmem>> -> memref<32x4x8x97xf32, #tpu.memory_space<vmem>>
    %dma_wait3A_1903 = arith.constant 0 : i32
    %dma_wait3A_1904 = arith.constant 0 : i32
    %dma_wait3A_1905 = arith.constant 0 : i32
    %dma_wait3A_1906 = arith.constant 0 : i32
    %dma_wait3A_1907 = tpu.memref_slice %arg0[%dma_wait3A_1903, %dma_wait3A_1904, %select_n3A_289, %dma_wait3A_1905, %dma_wait3A_1906] : memref<32x4x48x8x97xf32, #tpu.memory_space<hbm>> -> memref<32x4x1x8x97xf32, #tpu.memory_space<hbm>>
    %dma_wait3A_1908 = tpu.memref_squeeze %dma_wait3A_1907 : memref<32x4x1x8x97xf32, #tpu.memory_space<hbm>> -> memref<32x4x8x97xf32, #tpu.memory_space<hbm>>
    tpu.wait_dma2 semaphore(%arg34 : memref<!tpu.dma_semaphore, #tpu.memory_space<semaphore_mem>>) src(%dma_wait3A_1908 : memref<32x4x8x97xf32, #tpu.memory_space<hbm>>) dst(%dma_wait3A_1902 : memref<32x4x8x97xf32, #tpu.memory_space<vmem>>)
    %dma_wait3A_1909 = arith.constant 5 : i32
    %dma_wait3A_1910 = arith.constant 0 : i32
    %dma_wait3A_1911 = arith.constant 0 : i32
    %dma_wait3A_1912 = arith.constant 0 : i32
    %dma_wait3A_1913 = arith.constant 0 : i32
    %dma_wait3A_1914 = tpu.memref_slice %arg33[%dma_wait3A_1910, %dma_wait3A_1911, %dma_wait3A_1909, %dma_wait3A_1912, %dma_wait3A_1913] : memref<32x4x24x8x96xf32, #tpu.memory_space<vmem>> -> memref<32x4x1x8x96xf32, #tpu.memory_space<vmem>>
    %dma_wait3A_1915 = tpu.memref_squeeze %dma_wait3A_1914 : memref<32x4x1x8x96xf32, #tpu.memory_space<vmem>> -> memref<32x4x8x96xf32, #tpu.memory_space<vmem>>
    %dma_wait3A_1916 = arith.constant 0 : i32
    %dma_wait3A_1917 = arith.constant 0 : i32
    %dma_wait3A_1918 = arith.constant 0 : i32
    %dma_wait3A_1919 = arith.constant 0 : i32
    %dma_wait3A_1920 = tpu.memref_slice %arg1[%dma_wait3A_1916, %dma_wait3A_1917, %select_n3A_289, %dma_wait3A_1918, %dma_wait3A_1919] : memref<32x4x48x8x96xf32, #tpu.memory_space<hbm>> -> memref<32x4x1x8x96xf32, #tpu.memory_space<hbm>>
    %dma_wait3A_1921 = tpu.memref_squeeze %dma_wait3A_1920 : memref<32x4x1x8x96xf32, #tpu.memory_space<hbm>> -> memref<32x4x8x96xf32, #tpu.memory_space<hbm>>
    tpu.wait_dma2 semaphore(%arg34 : memref<!tpu.dma_semaphore, #tpu.memory_space<semaphore_mem>>) src(%dma_wait3A_1921 : memref<32x4x8x96xf32, #tpu.memory_space<hbm>>) dst(%dma_wait3A_1915 : memref<32x4x8x96xf32, #tpu.memory_space<vmem>>)
    %dma_wait3A_1922 = arith.constant 6 : i32
    %dma_wait3A_1923 = arith.constant 0 : i32
    %dma_wait3A_1924 = arith.constant 0 : i32
    %dma_wait3A_1925 = arith.constant 0 : i32
    %dma_wait3A_1926 = arith.constant 0 : i32
    %dma_wait3A_1927 = tpu.memref_slice %arg32[%dma_wait3A_1923, %dma_wait3A_1924, %dma_wait3A_1922, %dma_wait3A_1925, %dma_wait3A_1926] : memref<32x4x24x8x97xf32, #tpu.memory_space<vmem>> -> memref<32x4x1x8x97xf32, #tpu.memory_space<vmem>>
    %dma_wait3A_1928 = tpu.memref_squeeze %dma_wait3A_1927 : memref<32x4x1x8x97xf32, #tpu.memory_space<vmem>> -> memref<32x4x8x97xf32, #tpu.memory_space<vmem>>
    %dma_wait3A_1929 = arith.constant 0 : i32
    %dma_wait3A_1930 = arith.constant 0 : i32
    %dma_wait3A_1931 = arith.constant 0 : i32
    %dma_wait3A_1932 = arith.constant 0 : i32
    %dma_wait3A_1933 = tpu.memref_slice %arg0[%dma_wait3A_1929, %dma_wait3A_1930, %select_n3A_344, %dma_wait3A_1931, %dma_wait3A_1932] : memref<32x4x48x8x97xf32, #tpu.memory_space<hbm>> -> memref<32x4x1x8x97xf32, #tpu.memory_space<hbm>>
    %dma_wait3A_1934 = tpu.memref_squeeze %dma_wait3A_1933 : memref<32x4x1x8x97xf32, #tpu.memory_space<hbm>> -> memref<32x4x8x97xf32, #tpu.memory_space<hbm>>
    tpu.wait_dma2 semaphore(%arg34 : memref<!tpu.dma_semaphore, #tpu.memory_space<semaphore_mem>>) src(%dma_wait3A_1934 : memref<32x4x8x97xf32, #tpu.memory_space<hbm>>) dst(%dma_wait3A_1928 : memref<32x4x8x97xf32, #tpu.memory_space<vmem>>)
    %dma_wait3A_1935 = arith.constant 6 : i32
    %dma_wait3A_1936 = arith.constant 0 : i32
    %dma_wait3A_1937 = arith.constant 0 : i32
    %dma_wait3A_1938 = arith.constant 0 : i32
    %dma_wait3A_1939 = arith.constant 0 : i32
    %dma_wait3A_1940 = tpu.memref_slice %arg33[%dma_wait3A_1936, %dma_wait3A_1937, %dma_wait3A_1935, %dma_wait3A_1938, %dma_wait3A_1939] : memref<32x4x24x8x96xf32, #tpu.memory_space<vmem>> -> memref<32x4x1x8x96xf32, #tpu.memory_space<vmem>>
    %dma_wait3A_1941 = tpu.memref_squeeze %dma_wait3A_1940 : memref<32x4x1x8x96xf32, #tpu.memory_space<vmem>> -> memref<32x4x8x96xf32, #tpu.memory_space<vmem>>
    %dma_wait3A_1942 = arith.constant 0 : i32
    %dma_wait3A_1943 = arith.constant 0 : i32
    %dma_wait3A_1944 = arith.constant 0 : i32
    %dma_wait3A_1945 = arith.constant 0 : i32
    %dma_wait3A_1946 = tpu.memref_slice %arg1[%dma_wait3A_1942, %dma_wait3A_1943, %select_n3A_344, %dma_wait3A_1944, %dma_wait3A_1945] : memref<32x4x48x8x96xf32, #tpu.memory_space<hbm>> -> memref<32x4x1x8x96xf32, #tpu.memory_space<hbm>>
    %dma_wait3A_1947 = tpu.memref_squeeze %dma_wait3A_1946 : memref<32x4x1x8x96xf32, #tpu.memory_space<hbm>> -> memref<32x4x8x96xf32, #tpu.memory_space<hbm>>
    tpu.wait_dma2 semaphore(%arg34 : memref<!tpu.dma_semaphore, #tpu.memory_space<semaphore_mem>>) src(%dma_wait3A_1947 : memref<32x4x8x96xf32, #tpu.memory_space<hbm>>) dst(%dma_wait3A_1941 : memref<32x4x8x96xf32, #tpu.memory_space<vmem>>)
    %dma_wait3A_1948 = arith.constant 7 : i32
    %dma_wait3A_1949 = arith.constant 0 : i32
    %dma_wait3A_1950 = arith.constant 0 : i32
    %dma_wait3A_1951 = arith.constant 0 : i32
    %dma_wait3A_1952 = arith.constant 0 : i32
    %dma_wait3A_1953 = tpu.memref_slice %arg32[%dma_wait3A_1949, %dma_wait3A_1950, %dma_wait3A_1948, %dma_wait3A_1951, %dma_wait3A_1952] : memref<32x4x24x8x97xf32, #tpu.memory_space<vmem>> -> memref<32x4x1x8x97xf32, #tpu.memory_space<vmem>>
    %dma_wait3A_1954 = tpu.memref_squeeze %dma_wait3A_1953 : memref<32x4x1x8x97xf32, #tpu.memory_space<vmem>> -> memref<32x4x8x97xf32, #tpu.memory_space<vmem>>
    %dma_wait3A_1955 = arith.constant 0 : i32
    %dma_wait3A_1956 = arith.constant 0 : i32
    %dma_wait3A_1957 = arith.constant 0 : i32
    %dma_wait3A_1958 = arith.constant 0 : i32
    %dma_wait3A_1959 = tpu.memref_slice %arg0[%dma_wait3A_1955, %dma_wait3A_1956, %select_n3A_399, %dma_wait3A_1957, %dma_wait3A_1958] : memref<32x4x48x8x97xf32, #tpu.memory_space<hbm>> -> memref<32x4x1x8x97xf32, #tpu.memory_space<hbm>>
    %dma_wait3A_1960 = tpu.memref_squeeze %dma_wait3A_1959 : memref<32x4x1x8x97xf32, #tpu.memory_space<hbm>> -> memref<32x4x8x97xf32, #tpu.memory_space<hbm>>
    tpu.wait_dma2 semaphore(%arg34 : memref<!tpu.dma_semaphore, #tpu.memory_space<semaphore_mem>>) src(%dma_wait3A_1960 : memref<32x4x8x97xf32, #tpu.memory_space<hbm>>) dst(%dma_wait3A_1954 : memref<32x4x8x97xf32, #tpu.memory_space<vmem>>)
    %dma_wait3A_1961 = arith.constant 7 : i32
    %dma_wait3A_1962 = arith.constant 0 : i32
    %dma_wait3A_1963 = arith.constant 0 : i32
    %dma_wait3A_1964 = arith.constant 0 : i32
    %dma_wait3A_1965 = arith.constant 0 : i32
    %dma_wait3A_1966 = tpu.memref_slice %arg33[%dma_wait3A_1962, %dma_wait3A_1963, %dma_wait3A_1961, %dma_wait3A_1964, %dma_wait3A_1965] : memref<32x4x24x8x96xf32, #tpu.memory_space<vmem>> -> memref<32x4x1x8x96xf32, #tpu.memory_space<vmem>>
    %dma_wait3A_1967 = tpu.memref_squeeze %dma_wait3A_1966 : memref<32x4x1x8x96xf32, #tpu.memory_space<vmem>> -> memref<32x4x8x96xf32, #tpu.memory_space<vmem>>
    %dma_wait3A_1968 = arith.constant 0 : i32
    %dma_wait3A_1969 = arith.constant 0 : i32
    %dma_wait3A_1970 = arith.constant 0 : i32
    %dma_wait3A_1971 = arith.constant 0 : i32
    %dma_wait3A_1972 = tpu.memref_slice %arg1[%dma_wait3A_1968, %dma_wait3A_1969, %select_n3A_399, %dma_wait3A_1970, %dma_wait3A_1971] : memref<32x4x48x8x96xf32, #tpu.memory_space<hbm>> -> memref<32x4x1x8x96xf32, #tpu.memory_space<hbm>>
    %dma_wait3A_1973 = tpu.memref_squeeze %dma_wait3A_1972 : memref<32x4x1x8x96xf32, #tpu.memory_space<hbm>> -> memref<32x4x8x96xf32, #tpu.memory_space<hbm>>
    tpu.wait_dma2 semaphore(%arg34 : memref<!tpu.dma_semaphore, #tpu.memory_space<semaphore_mem>>) src(%dma_wait3A_1973 : memref<32x4x8x96xf32, #tpu.memory_space<hbm>>) dst(%dma_wait3A_1967 : memref<32x4x8x96xf32, #tpu.memory_space<vmem>>)
    %dma_wait3A_1974 = arith.constant 8 : i32
    %dma_wait3A_1975 = arith.constant 0 : i32
    %dma_wait3A_1976 = arith.constant 0 : i32
    %dma_wait3A_1977 = arith.constant 0 : i32
    %dma_wait3A_1978 = arith.constant 0 : i32
    %dma_wait3A_1979 = tpu.memref_slice %arg32[%dma_wait3A_1975, %dma_wait3A_1976, %dma_wait3A_1974, %dma_wait3A_1977, %dma_wait3A_1978] : memref<32x4x24x8x97xf32, #tpu.memory_space<vmem>> -> memref<32x4x1x8x97xf32, #tpu.memory_space<vmem>>
    %dma_wait3A_1980 = tpu.memref_squeeze %dma_wait3A_1979 : memref<32x4x1x8x97xf32, #tpu.memory_space<vmem>> -> memref<32x4x8x97xf32, #tpu.memory_space<vmem>>
    %dma_wait3A_1981 = arith.constant 0 : i32
    %dma_wait3A_1982 = arith.constant 0 : i32
    %dma_wait3A_1983 = arith.constant 0 : i32
    %dma_wait3A_1984 = arith.constant 0 : i32
    %dma_wait3A_1985 = tpu.memref_slice %arg0[%dma_wait3A_1981, %dma_wait3A_1982, %select_n3A_454, %dma_wait3A_1983, %dma_wait3A_1984] : memref<32x4x48x8x97xf32, #tpu.memory_space<hbm>> -> memref<32x4x1x8x97xf32, #tpu.memory_space<hbm>>
    %dma_wait3A_1986 = tpu.memref_squeeze %dma_wait3A_1985 : memref<32x4x1x8x97xf32, #tpu.memory_space<hbm>> -> memref<32x4x8x97xf32, #tpu.memory_space<hbm>>
    tpu.wait_dma2 semaphore(%arg34 : memref<!tpu.dma_semaphore, #tpu.memory_space<semaphore_mem>>) src(%dma_wait3A_1986 : memref<32x4x8x97xf32, #tpu.memory_space<hbm>>) dst(%dma_wait3A_1980 : memref<32x4x8x97xf32, #tpu.memory_space<vmem>>)
    %dma_wait3A_1987 = arith.constant 8 : i32
    %dma_wait3A_1988 = arith.constant 0 : i32
    %dma_wait3A_1989 = arith.constant 0 : i32
    %dma_wait3A_1990 = arith.constant 0 : i32
    %dma_wait3A_1991 = arith.constant 0 : i32
    %dma_wait3A_1992 = tpu.memref_slice %arg33[%dma_wait3A_1988, %dma_wait3A_1989, %dma_wait3A_1987, %dma_wait3A_1990, %dma_wait3A_1991] : memref<32x4x24x8x96xf32, #tpu.memory_space<vmem>> -> memref<32x4x1x8x96xf32, #tpu.memory_space<vmem>>
    %dma_wait3A_1993 = tpu.memref_squeeze %dma_wait3A_1992 : memref<32x4x1x8x96xf32, #tpu.memory_space<vmem>> -> memref<32x4x8x96xf32, #tpu.memory_space<vmem>>
    %dma_wait3A_1994 = arith.constant 0 : i32
    %dma_wait3A_1995 = arith.constant 0 : i32
    %dma_wait3A_1996 = arith.constant 0 : i32
    %dma_wait3A_1997 = arith.constant 0 : i32
    %dma_wait3A_1998 = tpu.memref_slice %arg1[%dma_wait3A_1994, %dma_wait3A_1995, %select_n3A_454, %dma_wait3A_1996, %dma_wait3A_1997] : memref<32x4x48x8x96xf32, #tpu.memory_space<hbm>> -> memref<32x4x1x8x96xf32, #tpu.memory_space<hbm>>
    %dma_wait3A_1999 = tpu.memref_squeeze %dma_wait3A_1998 : memref<32x4x1x8x96xf32, #tpu.memory_space<hbm>> -> memref<32x4x8x96xf32, #tpu.memory_space<hbm>>
    tpu.wait_dma2 semaphore(%arg34 : memref<!tpu.dma_semaphore, #tpu.memory_space<semaphore_mem>>) src(%dma_wait3A_1999 : memref<32x4x8x96xf32, #tpu.memory_space<hbm>>) dst(%dma_wait3A_1993 : memref<32x4x8x96xf32, #tpu.memory_space<vmem>>)
    %dma_wait3A_2000 = arith.constant 9 : i32
    %dma_wait3A_2001 = arith.constant 0 : i32
    %dma_wait3A_2002 = arith.constant 0 : i32
    %dma_wait3A_2003 = arith.constant 0 : i32
    %dma_wait3A_2004 = arith.constant 0 : i32
    %dma_wait3A_2005 = tpu.memref_slice %arg32[%dma_wait3A_2001, %dma_wait3A_2002, %dma_wait3A_2000, %dma_wait3A_2003, %dma_wait3A_2004] : memref<32x4x24x8x97xf32, #tpu.memory_space<vmem>> -> memref<32x4x1x8x97xf32, #tpu.memory_space<vmem>>
    %dma_wait3A_2006 = tpu.memref_squeeze %dma_wait3A_2005 : memref<32x4x1x8x97xf32, #tpu.memory_space<vmem>> -> memref<32x4x8x97xf32, #tpu.memory_space<vmem>>
    %dma_wait3A_2007 = arith.constant 0 : i32
    %dma_wait3A_2008 = arith.constant 0 : i32
    %dma_wait3A_2009 = arith.constant 0 : i32
    %dma_wait3A_2010 = arith.constant 0 : i32
    %dma_wait3A_2011 = tpu.memref_slice %arg0[%dma_wait3A_2007, %dma_wait3A_2008, %select_n3A_509, %dma_wait3A_2009, %dma_wait3A_2010] : memref<32x4x48x8x97xf32, #tpu.memory_space<hbm>> -> memref<32x4x1x8x97xf32, #tpu.memory_space<hbm>>
    %dma_wait3A_2012 = tpu.memref_squeeze %dma_wait3A_2011 : memref<32x4x1x8x97xf32, #tpu.memory_space<hbm>> -> memref<32x4x8x97xf32, #tpu.memory_space<hbm>>
    tpu.wait_dma2 semaphore(%arg34 : memref<!tpu.dma_semaphore, #tpu.memory_space<semaphore_mem>>) src(%dma_wait3A_2012 : memref<32x4x8x97xf32, #tpu.memory_space<hbm>>) dst(%dma_wait3A_2006 : memref<32x4x8x97xf32, #tpu.memory_space<vmem>>)
    %dma_wait3A_2013 = arith.constant 9 : i32
    %dma_wait3A_2014 = arith.constant 0 : i32
    %dma_wait3A_2015 = arith.constant 0 : i32
    %dma_wait3A_2016 = arith.constant 0 : i32
    %dma_wait3A_2017 = arith.constant 0 : i32
    %dma_wait3A_2018 = tpu.memref_slice %arg33[%dma_wait3A_2014, %dma_wait3A_2015, %dma_wait3A_2013, %dma_wait3A_2016, %dma_wait3A_2017] : memref<32x4x24x8x96xf32, #tpu.memory_space<vmem>> -> memref<32x4x1x8x96xf32, #tpu.memory_space<vmem>>
    %dma_wait3A_2019 = tpu.memref_squeeze %dma_wait3A_2018 : memref<32x4x1x8x96xf32, #tpu.memory_space<vmem>> -> memref<32x4x8x96xf32, #tpu.memory_space<vmem>>
    %dma_wait3A_2020 = arith.constant 0 : i32
    %dma_wait3A_2021 = arith.constant 0 : i32
    %dma_wait3A_2022 = arith.constant 0 : i32
    %dma_wait3A_2023 = arith.constant 0 : i32
    %dma_wait3A_2024 = tpu.memref_slice %arg1[%dma_wait3A_2020, %dma_wait3A_2021, %select_n3A_509, %dma_wait3A_2022, %dma_wait3A_2023] : memref<32x4x48x8x96xf32, #tpu.memory_space<hbm>> -> memref<32x4x1x8x96xf32, #tpu.memory_space<hbm>>
    %dma_wait3A_2025 = tpu.memref_squeeze %dma_wait3A_2024 : memref<32x4x1x8x96xf32, #tpu.memory_space<hbm>> -> memref<32x4x8x96xf32, #tpu.memory_space<hbm>>
    tpu.wait_dma2 semaphore(%arg34 : memref<!tpu.dma_semaphore, #tpu.memory_space<semaphore_mem>>) src(%dma_wait3A_2025 : memref<32x4x8x96xf32, #tpu.memory_space<hbm>>) dst(%dma_wait3A_2019 : memref<32x4x8x96xf32, #tpu.memory_space<vmem>>)
    %dma_wait3A_2026 = arith.constant 10 : i32
    %dma_wait3A_2027 = arith.constant 0 : i32
    %dma_wait3A_2028 = arith.constant 0 : i32
    %dma_wait3A_2029 = arith.constant 0 : i32
    %dma_wait3A_2030 = arith.constant 0 : i32
    %dma_wait3A_2031 = tpu.memref_slice %arg32[%dma_wait3A_2027, %dma_wait3A_2028, %dma_wait3A_2026, %dma_wait3A_2029, %dma_wait3A_2030] : memref<32x4x24x8x97xf32, #tpu.memory_space<vmem>> -> memref<32x4x1x8x97xf32, #tpu.memory_space<vmem>>
    %dma_wait3A_2032 = tpu.memref_squeeze %dma_wait3A_2031 : memref<32x4x1x8x97xf32, #tpu.memory_space<vmem>> -> memref<32x4x8x97xf32, #tpu.memory_space<vmem>>
    %dma_wait3A_2033 = arith.constant 0 : i32
    %dma_wait3A_2034 = arith.constant 0 : i32
    %dma_wait3A_2035 = arith.constant 0 : i32
    %dma_wait3A_2036 = arith.constant 0 : i32
    %dma_wait3A_2037 = tpu.memref_slice %arg0[%dma_wait3A_2033, %dma_wait3A_2034, %select_n3A_564, %dma_wait3A_2035, %dma_wait3A_2036] : memref<32x4x48x8x97xf32, #tpu.memory_space<hbm>> -> memref<32x4x1x8x97xf32, #tpu.memory_space<hbm>>
    %dma_wait3A_2038 = tpu.memref_squeeze %dma_wait3A_2037 : memref<32x4x1x8x97xf32, #tpu.memory_space<hbm>> -> memref<32x4x8x97xf32, #tpu.memory_space<hbm>>
    tpu.wait_dma2 semaphore(%arg34 : memref<!tpu.dma_semaphore, #tpu.memory_space<semaphore_mem>>) src(%dma_wait3A_2038 : memref<32x4x8x97xf32, #tpu.memory_space<hbm>>) dst(%dma_wait3A_2032 : memref<32x4x8x97xf32, #tpu.memory_space<vmem>>)
    %dma_wait3A_2039 = arith.constant 10 : i32
    %dma_wait3A_2040 = arith.constant 0 : i32
    %dma_wait3A_2041 = arith.constant 0 : i32
    %dma_wait3A_2042 = arith.constant 0 : i32
    %dma_wait3A_2043 = arith.constant 0 : i32
    %dma_wait3A_2044 = tpu.memref_slice %arg33[%dma_wait3A_2040, %dma_wait3A_2041, %dma_wait3A_2039, %dma_wait3A_2042, %dma_wait3A_2043] : memref<32x4x24x8x96xf32, #tpu.memory_space<vmem>> -> memref<32x4x1x8x96xf32, #tpu.memory_space<vmem>>
    %dma_wait3A_2045 = tpu.memref_squeeze %dma_wait3A_2044 : memref<32x4x1x8x96xf32, #tpu.memory_space<vmem>> -> memref<32x4x8x96xf32, #tpu.memory_space<vmem>>
    %dma_wait3A_2046 = arith.constant 0 : i32
    %dma_wait3A_2047 = arith.constant 0 : i32
    %dma_wait3A_2048 = arith.constant 0 : i32
    %dma_wait3A_2049 = arith.constant 0 : i32
    %dma_wait3A_2050 = tpu.memref_slice %arg1[%dma_wait3A_2046, %dma_wait3A_2047, %select_n3A_564, %dma_wait3A_2048, %dma_wait3A_2049] : memref<32x4x48x8x96xf32, #tpu.memory_space<hbm>> -> memref<32x4x1x8x96xf32, #tpu.memory_space<hbm>>
    %dma_wait3A_2051 = tpu.memref_squeeze %dma_wait3A_2050 : memref<32x4x1x8x96xf32, #tpu.memory_space<hbm>> -> memref<32x4x8x96xf32, #tpu.memory_space<hbm>>
    tpu.wait_dma2 semaphore(%arg34 : memref<!tpu.dma_semaphore, #tpu.memory_space<semaphore_mem>>) src(%dma_wait3A_2051 : memref<32x4x8x96xf32, #tpu.memory_space<hbm>>) dst(%dma_wait3A_2045 : memref<32x4x8x96xf32, #tpu.memory_space<vmem>>)
    %dma_wait3A_2052 = arith.constant 11 : i32
    %dma_wait3A_2053 = arith.constant 0 : i32
    %dma_wait3A_2054 = arith.constant 0 : i32
    %dma_wait3A_2055 = arith.constant 0 : i32
    %dma_wait3A_2056 = arith.constant 0 : i32
    %dma_wait3A_2057 = tpu.memref_slice %arg32[%dma_wait3A_2053, %dma_wait3A_2054, %dma_wait3A_2052, %dma_wait3A_2055, %dma_wait3A_2056] : memref<32x4x24x8x97xf32, #tpu.memory_space<vmem>> -> memref<32x4x1x8x97xf32, #tpu.memory_space<vmem>>
    %dma_wait3A_2058 = tpu.memref_squeeze %dma_wait3A_2057 : memref<32x4x1x8x97xf32, #tpu.memory_space<vmem>> -> memref<32x4x8x97xf32, #tpu.memory_space<vmem>>
    %dma_wait3A_2059 = arith.constant 0 : i32
    %dma_wait3A_2060 = arith.constant 0 : i32
    %dma_wait3A_2061 = arith.constant 0 : i32
    %dma_wait3A_2062 = arith.constant 0 : i32
    %dma_wait3A_2063 = tpu.memref_slice %arg0[%dma_wait3A_2059, %dma_wait3A_2060, %select_n3A_619, %dma_wait3A_2061, %dma_wait3A_2062] : memref<32x4x48x8x97xf32, #tpu.memory_space<hbm>> -> memref<32x4x1x8x97xf32, #tpu.memory_space<hbm>>
    %dma_wait3A_2064 = tpu.memref_squeeze %dma_wait3A_2063 : memref<32x4x1x8x97xf32, #tpu.memory_space<hbm>> -> memref<32x4x8x97xf32, #tpu.memory_space<hbm>>
    tpu.wait_dma2 semaphore(%arg34 : memref<!tpu.dma_semaphore, #tpu.memory_space<semaphore_mem>>) src(%dma_wait3A_2064 : memref<32x4x8x97xf32, #tpu.memory_space<hbm>>) dst(%dma_wait3A_2058 : memref<32x4x8x97xf32, #tpu.memory_space<vmem>>)
    %dma_wait3A_2065 = arith.constant 11 : i32
    %dma_wait3A_2066 = arith.constant 0 : i32
    %dma_wait3A_2067 = arith.constant 0 : i32
    %dma_wait3A_2068 = arith.constant 0 : i32
    %dma_wait3A_2069 = arith.constant 0 : i32
    %dma_wait3A_2070 = tpu.memref_slice %arg33[%dma_wait3A_2066, %dma_wait3A_2067, %dma_wait3A_2065, %dma_wait3A_2068, %dma_wait3A_2069] : memref<32x4x24x8x96xf32, #tpu.memory_space<vmem>> -> memref<32x4x1x8x96xf32, #tpu.memory_space<vmem>>
    %dma_wait3A_2071 = tpu.memref_squeeze %dma_wait3A_2070 : memref<32x4x1x8x96xf32, #tpu.memory_space<vmem>> -> memref<32x4x8x96xf32, #tpu.memory_space<vmem>>
    %dma_wait3A_2072 = arith.constant 0 : i32
    %dma_wait3A_2073 = arith.constant 0 : i32
    %dma_wait3A_2074 = arith.constant 0 : i32
    %dma_wait3A_2075 = arith.constant 0 : i32
    %dma_wait3A_2076 = tpu.memref_slice %arg1[%dma_wait3A_2072, %dma_wait3A_2073, %select_n3A_619, %dma_wait3A_2074, %dma_wait3A_2075] : memref<32x4x48x8x96xf32, #tpu.memory_space<hbm>> -> memref<32x4x1x8x96xf32, #tpu.memory_space<hbm>>
    %dma_wait3A_2077 = tpu.memref_squeeze %dma_wait3A_2076 : memref<32x4x1x8x96xf32, #tpu.memory_space<hbm>> -> memref<32x4x8x96xf32, #tpu.memory_space<hbm>>
    tpu.wait_dma2 semaphore(%arg34 : memref<!tpu.dma_semaphore, #tpu.memory_space<semaphore_mem>>) src(%dma_wait3A_2077 : memref<32x4x8x96xf32, #tpu.memory_space<hbm>>) dst(%dma_wait3A_2071 : memref<32x4x8x96xf32, #tpu.memory_space<vmem>>)
    %dma_wait3A_2078 = arith.constant 12 : i32
    %dma_wait3A_2079 = arith.constant 0 : i32
    %dma_wait3A_2080 = arith.constant 0 : i32
    %dma_wait3A_2081 = arith.constant 0 : i32
    %dma_wait3A_2082 = arith.constant 0 : i32
    %dma_wait3A_2083 = tpu.memref_slice %arg32[%dma_wait3A_2079, %dma_wait3A_2080, %dma_wait3A_2078, %dma_wait3A_2081, %dma_wait3A_2082] : memref<32x4x24x8x97xf32, #tpu.memory_space<vmem>> -> memref<32x4x1x8x97xf32, #tpu.memory_space<vmem>>
    %dma_wait3A_2084 = tpu.memref_squeeze %dma_wait3A_2083 : memref<32x4x1x8x97xf32, #tpu.memory_space<vmem>> -> memref<32x4x8x97xf32, #tpu.memory_space<vmem>>
    %dma_wait3A_2085 = arith.constant 0 : i32
    %dma_wait3A_2086 = arith.constant 0 : i32
    %dma_wait3A_2087 = arith.constant 0 : i32
    %dma_wait3A_2088 = arith.constant 0 : i32
    %dma_wait3A_2089 = tpu.memref_slice %arg0[%dma_wait3A_2085, %dma_wait3A_2086, %select_n3A_674, %dma_wait3A_2087, %dma_wait3A_2088] : memref<32x4x48x8x97xf32, #tpu.memory_space<hbm>> -> memref<32x4x1x8x97xf32, #tpu.memory_space<hbm>>
    %dma_wait3A_2090 = tpu.memref_squeeze %dma_wait3A_2089 : memref<32x4x1x8x97xf32, #tpu.memory_space<hbm>> -> memref<32x4x8x97xf32, #tpu.memory_space<hbm>>
    tpu.wait_dma2 semaphore(%arg34 : memref<!tpu.dma_semaphore, #tpu.memory_space<semaphore_mem>>) src(%dma_wait3A_2090 : memref<32x4x8x97xf32, #tpu.memory_space<hbm>>) dst(%dma_wait3A_2084 : memref<32x4x8x97xf32, #tpu.memory_space<vmem>>)
    %dma_wait3A_2091 = arith.constant 12 : i32
    %dma_wait3A_2092 = arith.constant 0 : i32
    %dma_wait3A_2093 = arith.constant 0 : i32
    %dma_wait3A_2094 = arith.constant 0 : i32
    %dma_wait3A_2095 = arith.constant 0 : i32
    %dma_wait3A_2096 = tpu.memref_slice %arg33[%dma_wait3A_2092, %dma_wait3A_2093, %dma_wait3A_2091, %dma_wait3A_2094, %dma_wait3A_2095] : memref<32x4x24x8x96xf32, #tpu.memory_space<vmem>> -> memref<32x4x1x8x96xf32, #tpu.memory_space<vmem>>
    %dma_wait3A_2097 = tpu.memref_squeeze %dma_wait3A_2096 : memref<32x4x1x8x96xf32, #tpu.memory_space<vmem>> -> memref<32x4x8x96xf32, #tpu.memory_space<vmem>>
    %dma_wait3A_2098 = arith.constant 0 : i32
    %dma_wait3A_2099 = arith.constant 0 : i32
    %dma_wait3A_2100 = arith.constant 0 : i32
    %dma_wait3A_2101 = arith.constant 0 : i32
    %dma_wait3A_2102 = tpu.memref_slice %arg1[%dma_wait3A_2098, %dma_wait3A_2099, %select_n3A_674, %dma_wait3A_2100, %dma_wait3A_2101] : memref<32x4x48x8x96xf32, #tpu.memory_space<hbm>> -> memref<32x4x1x8x96xf32, #tpu.memory_space<hbm>>
    %dma_wait3A_2103 = tpu.memref_squeeze %dma_wait3A_2102 : memref<32x4x1x8x96xf32, #tpu.memory_space<hbm>> -> memref<32x4x8x96xf32, #tpu.memory_space<hbm>>
    tpu.wait_dma2 semaphore(%arg34 : memref<!tpu.dma_semaphore, #tpu.memory_space<semaphore_mem>>) src(%dma_wait3A_2103 : memref<32x4x8x96xf32, #tpu.memory_space<hbm>>) dst(%dma_wait3A_2097 : memref<32x4x8x96xf32, #tpu.memory_space<vmem>>)
    %dma_wait3A_2104 = arith.constant 13 : i32
    %dma_wait3A_2105 = arith.constant 0 : i32
    %dma_wait3A_2106 = arith.constant 0 : i32
    %dma_wait3A_2107 = arith.constant 0 : i32
    %dma_wait3A_2108 = arith.constant 0 : i32
    %dma_wait3A_2109 = tpu.memref_slice %arg32[%dma_wait3A_2105, %dma_wait3A_2106, %dma_wait3A_2104, %dma_wait3A_2107, %dma_wait3A_2108] : memref<32x4x24x8x97xf32, #tpu.memory_space<vmem>> -> memref<32x4x1x8x97xf32, #tpu.memory_space<vmem>>
    %dma_wait3A_2110 = tpu.memref_squeeze %dma_wait3A_2109 : memref<32x4x1x8x97xf32, #tpu.memory_space<vmem>> -> memref<32x4x8x97xf32, #tpu.memory_space<vmem>>
    %dma_wait3A_2111 = arith.constant 0 : i32
    %dma_wait3A_2112 = arith.constant 0 : i32
    %dma_wait3A_2113 = arith.constant 0 : i32
    %dma_wait3A_2114 = arith.constant 0 : i32
    %dma_wait3A_2115 = tpu.memref_slice %arg0[%dma_wait3A_2111, %dma_wait3A_2112, %select_n3A_729, %dma_wait3A_2113, %dma_wait3A_2114] : memref<32x4x48x8x97xf32, #tpu.memory_space<hbm>> -> memref<32x4x1x8x97xf32, #tpu.memory_space<hbm>>
    %dma_wait3A_2116 = tpu.memref_squeeze %dma_wait3A_2115 : memref<32x4x1x8x97xf32, #tpu.memory_space<hbm>> -> memref<32x4x8x97xf32, #tpu.memory_space<hbm>>
    tpu.wait_dma2 semaphore(%arg34 : memref<!tpu.dma_semaphore, #tpu.memory_space<semaphore_mem>>) src(%dma_wait3A_2116 : memref<32x4x8x97xf32, #tpu.memory_space<hbm>>) dst(%dma_wait3A_2110 : memref<32x4x8x97xf32, #tpu.memory_space<vmem>>)
    %dma_wait3A_2117 = arith.constant 13 : i32
    %dma_wait3A_2118 = arith.constant 0 : i32
    %dma_wait3A_2119 = arith.constant 0 : i32
    %dma_wait3A_2120 = arith.constant 0 : i32
    %dma_wait3A_2121 = arith.constant 0 : i32
    %dma_wait3A_2122 = tpu.memref_slice %arg33[%dma_wait3A_2118, %dma_wait3A_2119, %dma_wait3A_2117, %dma_wait3A_2120, %dma_wait3A_2121] : memref<32x4x24x8x96xf32, #tpu.memory_space<vmem>> -> memref<32x4x1x8x96xf32, #tpu.memory_space<vmem>>
    %dma_wait3A_2123 = tpu.memref_squeeze %dma_wait3A_2122 : memref<32x4x1x8x96xf32, #tpu.memory_space<vmem>> -> memref<32x4x8x96xf32, #tpu.memory_space<vmem>>
    %dma_wait3A_2124 = arith.constant 0 : i32
    %dma_wait3A_2125 = arith.constant 0 : i32
    %dma_wait3A_2126 = arith.constant 0 : i32
    %dma_wait3A_2127 = arith.constant 0 : i32
    %dma_wait3A_2128 = tpu.memref_slice %arg1[%dma_wait3A_2124, %dma_wait3A_2125, %select_n3A_729, %dma_wait3A_2126, %dma_wait3A_2127] : memref<32x4x48x8x96xf32, #tpu.memory_space<hbm>> -> memref<32x4x1x8x96xf32, #tpu.memory_space<hbm>>
    %dma_wait3A_2129 = tpu.memref_squeeze %dma_wait3A_2128 : memref<32x4x1x8x96xf32, #tpu.memory_space<hbm>> -> memref<32x4x8x96xf32, #tpu.memory_space<hbm>>
    tpu.wait_dma2 semaphore(%arg34 : memref<!tpu.dma_semaphore, #tpu.memory_space<semaphore_mem>>) src(%dma_wait3A_2129 : memref<32x4x8x96xf32, #tpu.memory_space<hbm>>) dst(%dma_wait3A_2123 : memref<32x4x8x96xf32, #tpu.memory_space<vmem>>)
    %dma_wait3A_2130 = arith.constant 14 : i32
    %dma_wait3A_2131 = arith.constant 0 : i32
    %dma_wait3A_2132 = arith.constant 0 : i32
    %dma_wait3A_2133 = arith.constant 0 : i32
    %dma_wait3A_2134 = arith.constant 0 : i32
    %dma_wait3A_2135 = tpu.memref_slice %arg32[%dma_wait3A_2131, %dma_wait3A_2132, %dma_wait3A_2130, %dma_wait3A_2133, %dma_wait3A_2134] : memref<32x4x24x8x97xf32, #tpu.memory_space<vmem>> -> memref<32x4x1x8x97xf32, #tpu.memory_space<vmem>>
    %dma_wait3A_2136 = tpu.memref_squeeze %dma_wait3A_2135 : memref<32x4x1x8x97xf32, #tpu.memory_space<vmem>> -> memref<32x4x8x97xf32, #tpu.memory_space<vmem>>
    %dma_wait3A_2137 = arith.constant 0 : i32
    %dma_wait3A_2138 = arith.constant 0 : i32
    %dma_wait3A_2139 = arith.constant 0 : i32
    %dma_wait3A_2140 = arith.constant 0 : i32
    %dma_wait3A_2141 = tpu.memref_slice %arg0[%dma_wait3A_2137, %dma_wait3A_2138, %select_n3A_784, %dma_wait3A_2139, %dma_wait3A_2140] : memref<32x4x48x8x97xf32, #tpu.memory_space<hbm>> -> memref<32x4x1x8x97xf32, #tpu.memory_space<hbm>>
    %dma_wait3A_2142 = tpu.memref_squeeze %dma_wait3A_2141 : memref<32x4x1x8x97xf32, #tpu.memory_space<hbm>> -> memref<32x4x8x97xf32, #tpu.memory_space<hbm>>
    tpu.wait_dma2 semaphore(%arg34 : memref<!tpu.dma_semaphore, #tpu.memory_space<semaphore_mem>>) src(%dma_wait3A_2142 : memref<32x4x8x97xf32, #tpu.memory_space<hbm>>) dst(%dma_wait3A_2136 : memref<32x4x8x97xf32, #tpu.memory_space<vmem>>)
    %dma_wait3A_2143 = arith.constant 14 : i32
    %dma_wait3A_2144 = arith.constant 0 : i32
    %dma_wait3A_2145 = arith.constant 0 : i32
    %dma_wait3A_2146 = arith.constant 0 : i32
    %dma_wait3A_2147 = arith.constant 0 : i32
    %dma_wait3A_2148 = tpu.memref_slice %arg33[%dma_wait3A_2144, %dma_wait3A_2145, %dma_wait3A_2143, %dma_wait3A_2146, %dma_wait3A_2147] : memref<32x4x24x8x96xf32, #tpu.memory_space<vmem>> -> memref<32x4x1x8x96xf32, #tpu.memory_space<vmem>>
    %dma_wait3A_2149 = tpu.memref_squeeze %dma_wait3A_2148 : memref<32x4x1x8x96xf32, #tpu.memory_space<vmem>> -> memref<32x4x8x96xf32, #tpu.memory_space<vmem>>
    %dma_wait3A_2150 = arith.constant 0 : i32
    %dma_wait3A_2151 = arith.constant 0 : i32
    %dma_wait3A_2152 = arith.constant 0 : i32
    %dma_wait3A_2153 = arith.constant 0 : i32
    %dma_wait3A_2154 = tpu.memref_slice %arg1[%dma_wait3A_2150, %dma_wait3A_2151, %select_n3A_784, %dma_wait3A_2152, %dma_wait3A_2153] : memref<32x4x48x8x96xf32, #tpu.memory_space<hbm>> -> memref<32x4x1x8x96xf32, #tpu.memory_space<hbm>>
    %dma_wait3A_2155 = tpu.memref_squeeze %dma_wait3A_2154 : memref<32x4x1x8x96xf32, #tpu.memory_space<hbm>> -> memref<32x4x8x96xf32, #tpu.memory_space<hbm>>
    tpu.wait_dma2 semaphore(%arg34 : memref<!tpu.dma_semaphore, #tpu.memory_space<semaphore_mem>>) src(%dma_wait3A_2155 : memref<32x4x8x96xf32, #tpu.memory_space<hbm>>) dst(%dma_wait3A_2149 : memref<32x4x8x96xf32, #tpu.memory_space<vmem>>)
    %dma_wait3A_2156 = arith.constant 15 : i32
    %dma_wait3A_2157 = arith.constant 0 : i32
    %dma_wait3A_2158 = arith.constant 0 : i32
    %dma_wait3A_2159 = arith.constant 0 : i32
    %dma_wait3A_2160 = arith.constant 0 : i32
    %dma_wait3A_2161 = tpu.memref_slice %arg32[%dma_wait3A_2157, %dma_wait3A_2158, %dma_wait3A_2156, %dma_wait3A_2159, %dma_wait3A_2160] : memref<32x4x24x8x97xf32, #tpu.memory_space<vmem>> -> memref<32x4x1x8x97xf32, #tpu.memory_space<vmem>>
    %dma_wait3A_2162 = tpu.memref_squeeze %dma_wait3A_2161 : memref<32x4x1x8x97xf32, #tpu.memory_space<vmem>> -> memref<32x4x8x97xf32, #tpu.memory_space<vmem>>
    %dma_wait3A_2163 = arith.constant 0 : i32
    %dma_wait3A_2164 = arith.constant 0 : i32
    %dma_wait3A_2165 = arith.constant 0 : i32
    %dma_wait3A_2166 = arith.constant 0 : i32
    %dma_wait3A_2167 = tpu.memref_slice %arg0[%dma_wait3A_2163, %dma_wait3A_2164, %select_n3A_839, %dma_wait3A_2165, %dma_wait3A_2166] : memref<32x4x48x8x97xf32, #tpu.memory_space<hbm>> -> memref<32x4x1x8x97xf32, #tpu.memory_space<hbm>>
    %dma_wait3A_2168 = tpu.memref_squeeze %dma_wait3A_2167 : memref<32x4x1x8x97xf32, #tpu.memory_space<hbm>> -> memref<32x4x8x97xf32, #tpu.memory_space<hbm>>
    tpu.wait_dma2 semaphore(%arg34 : memref<!tpu.dma_semaphore, #tpu.memory_space<semaphore_mem>>) src(%dma_wait3A_2168 : memref<32x4x8x97xf32, #tpu.memory_space<hbm>>) dst(%dma_wait3A_2162 : memref<32x4x8x97xf32, #tpu.memory_space<vmem>>)
    %dma_wait3A_2169 = arith.constant 15 : i32
    %dma_wait3A_2170 = arith.constant 0 : i32
    %dma_wait3A_2171 = arith.constant 0 : i32
    %dma_wait3A_2172 = arith.constant 0 : i32
    %dma_wait3A_2173 = arith.constant 0 : i32
    %dma_wait3A_2174 = tpu.memref_slice %arg33[%dma_wait3A_2170, %dma_wait3A_2171, %dma_wait3A_2169, %dma_wait3A_2172, %dma_wait3A_2173] : memref<32x4x24x8x96xf32, #tpu.memory_space<vmem>> -> memref<32x4x1x8x96xf32, #tpu.memory_space<vmem>>
    %dma_wait3A_2175 = tpu.memref_squeeze %dma_wait3A_2174 : memref<32x4x1x8x96xf32, #tpu.memory_space<vmem>> -> memref<32x4x8x96xf32, #tpu.memory_space<vmem>>
    %dma_wait3A_2176 = arith.constant 0 : i32
    %dma_wait3A_2177 = arith.constant 0 : i32
    %dma_wait3A_2178 = arith.constant 0 : i32
    %dma_wait3A_2179 = arith.constant 0 : i32
    %dma_wait3A_2180 = tpu.memref_slice %arg1[%dma_wait3A_2176, %dma_wait3A_2177, %select_n3A_839, %dma_wait3A_2178, %dma_wait3A_2179] : memref<32x4x48x8x96xf32, #tpu.memory_space<hbm>> -> memref<32x4x1x8x96xf32, #tpu.memory_space<hbm>>
    %dma_wait3A_2181 = tpu.memref_squeeze %dma_wait3A_2180 : memref<32x4x1x8x96xf32, #tpu.memory_space<hbm>> -> memref<32x4x8x96xf32, #tpu.memory_space<hbm>>
    tpu.wait_dma2 semaphore(%arg34 : memref<!tpu.dma_semaphore, #tpu.memory_space<semaphore_mem>>) src(%dma_wait3A_2181 : memref<32x4x8x96xf32, #tpu.memory_space<hbm>>) dst(%dma_wait3A_2175 : memref<32x4x8x96xf32, #tpu.memory_space<vmem>>)
    %dma_wait3A_2182 = arith.constant 16 : i32
    %dma_wait3A_2183 = arith.constant 0 : i32
    %dma_wait3A_2184 = arith.constant 0 : i32
    %dma_wait3A_2185 = arith.constant 0 : i32
    %dma_wait3A_2186 = arith.constant 0 : i32
    %dma_wait3A_2187 = tpu.memref_slice %arg32[%dma_wait3A_2183, %dma_wait3A_2184, %dma_wait3A_2182, %dma_wait3A_2185, %dma_wait3A_2186] : memref<32x4x24x8x97xf32, #tpu.memory_space<vmem>> -> memref<32x4x1x8x97xf32, #tpu.memory_space<vmem>>
    %dma_wait3A_2188 = tpu.memref_squeeze %dma_wait3A_2187 : memref<32x4x1x8x97xf32, #tpu.memory_space<vmem>> -> memref<32x4x8x97xf32, #tpu.memory_space<vmem>>
    %dma_wait3A_2189 = arith.constant 0 : i32
    %dma_wait3A_2190 = arith.constant 0 : i32
    %dma_wait3A_2191 = arith.constant 0 : i32
    %dma_wait3A_2192 = arith.constant 0 : i32
    %dma_wait3A_2193 = tpu.memref_slice %arg0[%dma_wait3A_2189, %dma_wait3A_2190, %select_n3A_894, %dma_wait3A_2191, %dma_wait3A_2192] : memref<32x4x48x8x97xf32, #tpu.memory_space<hbm>> -> memref<32x4x1x8x97xf32, #tpu.memory_space<hbm>>
    %dma_wait3A_2194 = tpu.memref_squeeze %dma_wait3A_2193 : memref<32x4x1x8x97xf32, #tpu.memory_space<hbm>> -> memref<32x4x8x97xf32, #tpu.memory_space<hbm>>
    tpu.wait_dma2 semaphore(%arg34 : memref<!tpu.dma_semaphore, #tpu.memory_space<semaphore_mem>>) src(%dma_wait3A_2194 : memref<32x4x8x97xf32, #tpu.memory_space<hbm>>) dst(%dma_wait3A_2188 : memref<32x4x8x97xf32, #tpu.memory_space<vmem>>)
    %dma_wait3A_2195 = arith.constant 16 : i32
    %dma_wait3A_2196 = arith.constant 0 : i32
    %dma_wait3A_2197 = arith.constant 0 : i32
    %dma_wait3A_2198 = arith.constant 0 : i32
    %dma_wait3A_2199 = arith.constant 0 : i32
    %dma_wait3A_2200 = tpu.memref_slice %arg33[%dma_wait3A_2196, %dma_wait3A_2197, %dma_wait3A_2195, %dma_wait3A_2198, %dma_wait3A_2199] : memref<32x4x24x8x96xf32, #tpu.memory_space<vmem>> -> memref<32x4x1x8x96xf32, #tpu.memory_space<vmem>>
    %dma_wait3A_2201 = tpu.memref_squeeze %dma_wait3A_2200 : memref<32x4x1x8x96xf32, #tpu.memory_space<vmem>> -> memref<32x4x8x96xf32, #tpu.memory_space<vmem>>
    %dma_wait3A_2202 = arith.constant 0 : i32
    %dma_wait3A_2203 = arith.constant 0 : i32
    %dma_wait3A_2204 = arith.constant 0 : i32
    %dma_wait3A_2205 = arith.constant 0 : i32
    %dma_wait3A_2206 = tpu.memref_slice %arg1[%dma_wait3A_2202, %dma_wait3A_2203, %select_n3A_894, %dma_wait3A_2204, %dma_wait3A_2205] : memref<32x4x48x8x96xf32, #tpu.memory_space<hbm>> -> memref<32x4x1x8x96xf32, #tpu.memory_space<hbm>>
    %dma_wait3A_2207 = tpu.memref_squeeze %dma_wait3A_2206 : memref<32x4x1x8x96xf32, #tpu.memory_space<hbm>> -> memref<32x4x8x96xf32, #tpu.memory_space<hbm>>
    tpu.wait_dma2 semaphore(%arg34 : memref<!tpu.dma_semaphore, #tpu.memory_space<semaphore_mem>>) src(%dma_wait3A_2207 : memref<32x4x8x96xf32, #tpu.memory_space<hbm>>) dst(%dma_wait3A_2201 : memref<32x4x8x96xf32, #tpu.memory_space<vmem>>)
    %dma_wait3A_2208 = arith.constant 17 : i32
    %dma_wait3A_2209 = arith.constant 0 : i32
    %dma_wait3A_2210 = arith.constant 0 : i32
    %dma_wait3A_2211 = arith.constant 0 : i32
    %dma_wait3A_2212 = arith.constant 0 : i32
    %dma_wait3A_2213 = tpu.memref_slice %arg32[%dma_wait3A_2209, %dma_wait3A_2210, %dma_wait3A_2208, %dma_wait3A_2211, %dma_wait3A_2212] : memref<32x4x24x8x97xf32, #tpu.memory_space<vmem>> -> memref<32x4x1x8x97xf32, #tpu.memory_space<vmem>>
    %dma_wait3A_2214 = tpu.memref_squeeze %dma_wait3A_2213 : memref<32x4x1x8x97xf32, #tpu.memory_space<vmem>> -> memref<32x4x8x97xf32, #tpu.memory_space<vmem>>
    %dma_wait3A_2215 = arith.constant 0 : i32
    %dma_wait3A_2216 = arith.constant 0 : i32
    %dma_wait3A_2217 = arith.constant 0 : i32
    %dma_wait3A_2218 = arith.constant 0 : i32
    %dma_wait3A_2219 = tpu.memref_slice %arg0[%dma_wait3A_2215, %dma_wait3A_2216, %select_n3A_949, %dma_wait3A_2217, %dma_wait3A_2218] : memref<32x4x48x8x97xf32, #tpu.memory_space<hbm>> -> memref<32x4x1x8x97xf32, #tpu.memory_space<hbm>>
    %dma_wait3A_2220 = tpu.memref_squeeze %dma_wait3A_2219 : memref<32x4x1x8x97xf32, #tpu.memory_space<hbm>> -> memref<32x4x8x97xf32, #tpu.memory_space<hbm>>
    tpu.wait_dma2 semaphore(%arg34 : memref<!tpu.dma_semaphore, #tpu.memory_space<semaphore_mem>>) src(%dma_wait3A_2220 : memref<32x4x8x97xf32, #tpu.memory_space<hbm>>) dst(%dma_wait3A_2214 : memref<32x4x8x97xf32, #tpu.memory_space<vmem>>)
    %dma_wait3A_2221 = arith.constant 17 : i32
    %dma_wait3A_2222 = arith.constant 0 : i32
    %dma_wait3A_2223 = arith.constant 0 : i32
    %dma_wait3A_2224 = arith.constant 0 : i32
    %dma_wait3A_2225 = arith.constant 0 : i32
    %dma_wait3A_2226 = tpu.memref_slice %arg33[%dma_wait3A_2222, %dma_wait3A_2223, %dma_wait3A_2221, %dma_wait3A_2224, %dma_wait3A_2225] : memref<32x4x24x8x96xf32, #tpu.memory_space<vmem>> -> memref<32x4x1x8x96xf32, #tpu.memory_space<vmem>>
    %dma_wait3A_2227 = tpu.memref_squeeze %dma_wait3A_2226 : memref<32x4x1x8x96xf32, #tpu.memory_space<vmem>> -> memref<32x4x8x96xf32, #tpu.memory_space<vmem>>
    %dma_wait3A_2228 = arith.constant 0 : i32
    %dma_wait3A_2229 = arith.constant 0 : i32
    %dma_wait3A_2230 = arith.constant 0 : i32
    %dma_wait3A_2231 = arith.constant 0 : i32
    %dma_wait3A_2232 = tpu.memref_slice %arg1[%dma_wait3A_2228, %dma_wait3A_2229, %select_n3A_949, %dma_wait3A_2230, %dma_wait3A_2231] : memref<32x4x48x8x96xf32, #tpu.memory_space<hbm>> -> memref<32x4x1x8x96xf32, #tpu.memory_space<hbm>>
    %dma_wait3A_2233 = tpu.memref_squeeze %dma_wait3A_2232 : memref<32x4x1x8x96xf32, #tpu.memory_space<hbm>> -> memref<32x4x8x96xf32, #tpu.memory_space<hbm>>
    tpu.wait_dma2 semaphore(%arg34 : memref<!tpu.dma_semaphore, #tpu.memory_space<semaphore_mem>>) src(%dma_wait3A_2233 : memref<32x4x8x96xf32, #tpu.memory_space<hbm>>) dst(%dma_wait3A_2227 : memref<32x4x8x96xf32, #tpu.memory_space<vmem>>)
    %dma_wait3A_2234 = arith.constant 18 : i32
    %dma_wait3A_2235 = arith.constant 0 : i32
    %dma_wait3A_2236 = arith.constant 0 : i32
    %dma_wait3A_2237 = arith.constant 0 : i32
    %dma_wait3A_2238 = arith.constant 0 : i32
    %dma_wait3A_2239 = tpu.memref_slice %arg32[%dma_wait3A_2235, %dma_wait3A_2236, %dma_wait3A_2234, %dma_wait3A_2237, %dma_wait3A_2238] : memref<32x4x24x8x97xf32, #tpu.memory_space<vmem>> -> memref<32x4x1x8x97xf32, #tpu.memory_space<vmem>>
    %dma_wait3A_2240 = tpu.memref_squeeze %dma_wait3A_2239 : memref<32x4x1x8x97xf32, #tpu.memory_space<vmem>> -> memref<32x4x8x97xf32, #tpu.memory_space<vmem>>
    %dma_wait3A_2241 = arith.constant 0 : i32
    %dma_wait3A_2242 = arith.constant 0 : i32
    %dma_wait3A_2243 = arith.constant 0 : i32
    %dma_wait3A_2244 = arith.constant 0 : i32
    %dma_wait3A_2245 = tpu.memref_slice %arg0[%dma_wait3A_2241, %dma_wait3A_2242, %select_n3A_1004, %dma_wait3A_2243, %dma_wait3A_2244] : memref<32x4x48x8x97xf32, #tpu.memory_space<hbm>> -> memref<32x4x1x8x97xf32, #tpu.memory_space<hbm>>
    %dma_wait3A_2246 = tpu.memref_squeeze %dma_wait3A_2245 : memref<32x4x1x8x97xf32, #tpu.memory_space<hbm>> -> memref<32x4x8x97xf32, #tpu.memory_space<hbm>>
    tpu.wait_dma2 semaphore(%arg34 : memref<!tpu.dma_semaphore, #tpu.memory_space<semaphore_mem>>) src(%dma_wait3A_2246 : memref<32x4x8x97xf32, #tpu.memory_space<hbm>>) dst(%dma_wait3A_2240 : memref<32x4x8x97xf32, #tpu.memory_space<vmem>>)
    %dma_wait3A_2247 = arith.constant 18 : i32
    %dma_wait3A_2248 = arith.constant 0 : i32
    %dma_wait3A_2249 = arith.constant 0 : i32
    %dma_wait3A_2250 = arith.constant 0 : i32
    %dma_wait3A_2251 = arith.constant 0 : i32
    %dma_wait3A_2252 = tpu.memref_slice %arg33[%dma_wait3A_2248, %dma_wait3A_2249, %dma_wait3A_2247, %dma_wait3A_2250, %dma_wait3A_2251] : memref<32x4x24x8x96xf32, #tpu.memory_space<vmem>> -> memref<32x4x1x8x96xf32, #tpu.memory_space<vmem>>
    %dma_wait3A_2253 = tpu.memref_squeeze %dma_wait3A_2252 : memref<32x4x1x8x96xf32, #tpu.memory_space<vmem>> -> memref<32x4x8x96xf32, #tpu.memory_space<vmem>>
    %dma_wait3A_2254 = arith.constant 0 : i32
    %dma_wait3A_2255 = arith.constant 0 : i32
    %dma_wait3A_2256 = arith.constant 0 : i32
    %dma_wait3A_2257 = arith.constant 0 : i32
    %dma_wait3A_2258 = tpu.memref_slice %arg1[%dma_wait3A_2254, %dma_wait3A_2255, %select_n3A_1004, %dma_wait3A_2256, %dma_wait3A_2257] : memref<32x4x48x8x96xf32, #tpu.memory_space<hbm>> -> memref<32x4x1x8x96xf32, #tpu.memory_space<hbm>>
    %dma_wait3A_2259 = tpu.memref_squeeze %dma_wait3A_2258 : memref<32x4x1x8x96xf32, #tpu.memory_space<hbm>> -> memref<32x4x8x96xf32, #tpu.memory_space<hbm>>
    tpu.wait_dma2 semaphore(%arg34 : memref<!tpu.dma_semaphore, #tpu.memory_space<semaphore_mem>>) src(%dma_wait3A_2259 : memref<32x4x8x96xf32, #tpu.memory_space<hbm>>) dst(%dma_wait3A_2253 : memref<32x4x8x96xf32, #tpu.memory_space<vmem>>)
    %dma_wait3A_2260 = arith.constant 19 : i32
    %dma_wait3A_2261 = arith.constant 0 : i32
    %dma_wait3A_2262 = arith.constant 0 : i32
    %dma_wait3A_2263 = arith.constant 0 : i32
    %dma_wait3A_2264 = arith.constant 0 : i32
    %dma_wait3A_2265 = tpu.memref_slice %arg32[%dma_wait3A_2261, %dma_wait3A_2262, %dma_wait3A_2260, %dma_wait3A_2263, %dma_wait3A_2264] : memref<32x4x24x8x97xf32, #tpu.memory_space<vmem>> -> memref<32x4x1x8x97xf32, #tpu.memory_space<vmem>>
    %dma_wait3A_2266 = tpu.memref_squeeze %dma_wait3A_2265 : memref<32x4x1x8x97xf32, #tpu.memory_space<vmem>> -> memref<32x4x8x97xf32, #tpu.memory_space<vmem>>
    %dma_wait3A_2267 = arith.constant 0 : i32
    %dma_wait3A_2268 = arith.constant 0 : i32
    %dma_wait3A_2269 = arith.constant 0 : i32
    %dma_wait3A_2270 = arith.constant 0 : i32
    %dma_wait3A_2271 = tpu.memref_slice %arg0[%dma_wait3A_2267, %dma_wait3A_2268, %select_n3A_1059, %dma_wait3A_2269, %dma_wait3A_2270] : memref<32x4x48x8x97xf32, #tpu.memory_space<hbm>> -> memref<32x4x1x8x97xf32, #tpu.memory_space<hbm>>
    %dma_wait3A_2272 = tpu.memref_squeeze %dma_wait3A_2271 : memref<32x4x1x8x97xf32, #tpu.memory_space<hbm>> -> memref<32x4x8x97xf32, #tpu.memory_space<hbm>>
    tpu.wait_dma2 semaphore(%arg34 : memref<!tpu.dma_semaphore, #tpu.memory_space<semaphore_mem>>) src(%dma_wait3A_2272 : memref<32x4x8x97xf32, #tpu.memory_space<hbm>>) dst(%dma_wait3A_2266 : memref<32x4x8x97xf32, #tpu.memory_space<vmem>>)
    %dma_wait3A_2273 = arith.constant 19 : i32
    %dma_wait3A_2274 = arith.constant 0 : i32
    %dma_wait3A_2275 = arith.constant 0 : i32
    %dma_wait3A_2276 = arith.constant 0 : i32
    %dma_wait3A_2277 = arith.constant 0 : i32
    %dma_wait3A_2278 = tpu.memref_slice %arg33[%dma_wait3A_2274, %dma_wait3A_2275, %dma_wait3A_2273, %dma_wait3A_2276, %dma_wait3A_2277] : memref<32x4x24x8x96xf32, #tpu.memory_space<vmem>> -> memref<32x4x1x8x96xf32, #tpu.memory_space<vmem>>
    %dma_wait3A_2279 = tpu.memref_squeeze %dma_wait3A_2278 : memref<32x4x1x8x96xf32, #tpu.memory_space<vmem>> -> memref<32x4x8x96xf32, #tpu.memory_space<vmem>>
    %dma_wait3A_2280 = arith.constant 0 : i32
    %dma_wait3A_2281 = arith.constant 0 : i32
    %dma_wait3A_2282 = arith.constant 0 : i32
    %dma_wait3A_2283 = arith.constant 0 : i32
    %dma_wait3A_2284 = tpu.memref_slice %arg1[%dma_wait3A_2280, %dma_wait3A_2281, %select_n3A_1059, %dma_wait3A_2282, %dma_wait3A_2283] : memref<32x4x48x8x96xf32, #tpu.memory_space<hbm>> -> memref<32x4x1x8x96xf32, #tpu.memory_space<hbm>>
    %dma_wait3A_2285 = tpu.memref_squeeze %dma_wait3A_2284 : memref<32x4x1x8x96xf32, #tpu.memory_space<hbm>> -> memref<32x4x8x96xf32, #tpu.memory_space<hbm>>
    tpu.wait_dma2 semaphore(%arg34 : memref<!tpu.dma_semaphore, #tpu.memory_space<semaphore_mem>>) src(%dma_wait3A_2285 : memref<32x4x8x96xf32, #tpu.memory_space<hbm>>) dst(%dma_wait3A_2279 : memref<32x4x8x96xf32, #tpu.memory_space<vmem>>)
    %dma_wait3A_2286 = arith.constant 20 : i32
    %dma_wait3A_2287 = arith.constant 0 : i32
    %dma_wait3A_2288 = arith.constant 0 : i32
    %dma_wait3A_2289 = arith.constant 0 : i32
    %dma_wait3A_2290 = arith.constant 0 : i32
    %dma_wait3A_2291 = tpu.memref_slice %arg32[%dma_wait3A_2287, %dma_wait3A_2288, %dma_wait3A_2286, %dma_wait3A_2289, %dma_wait3A_2290] : memref<32x4x24x8x97xf32, #tpu.memory_space<vmem>> -> memref<32x4x1x8x97xf32, #tpu.memory_space<vmem>>
    %dma_wait3A_2292 = tpu.memref_squeeze %dma_wait3A_2291 : memref<32x4x1x8x97xf32, #tpu.memory_space<vmem>> -> memref<32x4x8x97xf32, #tpu.memory_space<vmem>>
    %dma_wait3A_2293 = arith.constant 0 : i32
    %dma_wait3A_2294 = arith.constant 0 : i32
    %dma_wait3A_2295 = arith.constant 0 : i32
    %dma_wait3A_2296 = arith.constant 0 : i32
    %dma_wait3A_2297 = tpu.memref_slice %arg0[%dma_wait3A_2293, %dma_wait3A_2294, %select_n3A_1114, %dma_wait3A_2295, %dma_wait3A_2296] : memref<32x4x48x8x97xf32, #tpu.memory_space<hbm>> -> memref<32x4x1x8x97xf32, #tpu.memory_space<hbm>>
    %dma_wait3A_2298 = tpu.memref_squeeze %dma_wait3A_2297 : memref<32x4x1x8x97xf32, #tpu.memory_space<hbm>> -> memref<32x4x8x97xf32, #tpu.memory_space<hbm>>
    tpu.wait_dma2 semaphore(%arg34 : memref<!tpu.dma_semaphore, #tpu.memory_space<semaphore_mem>>) src(%dma_wait3A_2298 : memref<32x4x8x97xf32, #tpu.memory_space<hbm>>) dst(%dma_wait3A_2292 : memref<32x4x8x97xf32, #tpu.memory_space<vmem>>)
    %dma_wait3A_2299 = arith.constant 20 : i32
    %dma_wait3A_2300 = arith.constant 0 : i32
    %dma_wait3A_2301 = arith.constant 0 : i32
    %dma_wait3A_2302 = arith.constant 0 : i32
    %dma_wait3A_2303 = arith.constant 0 : i32
    %dma_wait3A_2304 = tpu.memref_slice %arg33[%dma_wait3A_2300, %dma_wait3A_2301, %dma_wait3A_2299, %dma_wait3A_2302, %dma_wait3A_2303] : memref<32x4x24x8x96xf32, #tpu.memory_space<vmem>> -> memref<32x4x1x8x96xf32, #tpu.memory_space<vmem>>
    %dma_wait3A_2305 = tpu.memref_squeeze %dma_wait3A_2304 : memref<32x4x1x8x96xf32, #tpu.memory_space<vmem>> -> memref<32x4x8x96xf32, #tpu.memory_space<vmem>>
    %dma_wait3A_2306 = arith.constant 0 : i32
    %dma_wait3A_2307 = arith.constant 0 : i32
    %dma_wait3A_2308 = arith.constant 0 : i32
    %dma_wait3A_2309 = arith.constant 0 : i32
    %dma_wait3A_2310 = tpu.memref_slice %arg1[%dma_wait3A_2306, %dma_wait3A_2307, %select_n3A_1114, %dma_wait3A_2308, %dma_wait3A_2309] : memref<32x4x48x8x96xf32, #tpu.memory_space<hbm>> -> memref<32x4x1x8x96xf32, #tpu.memory_space<hbm>>
    %dma_wait3A_2311 = tpu.memref_squeeze %dma_wait3A_2310 : memref<32x4x1x8x96xf32, #tpu.memory_space<hbm>> -> memref<32x4x8x96xf32, #tpu.memory_space<hbm>>
    tpu.wait_dma2 semaphore(%arg34 : memref<!tpu.dma_semaphore, #tpu.memory_space<semaphore_mem>>) src(%dma_wait3A_2311 : memref<32x4x8x96xf32, #tpu.memory_space<hbm>>) dst(%dma_wait3A_2305 : memref<32x4x8x96xf32, #tpu.memory_space<vmem>>)
    %dma_wait3A_2312 = arith.constant 21 : i32
    %dma_wait3A_2313 = arith.constant 0 : i32
    %dma_wait3A_2314 = arith.constant 0 : i32
    %dma_wait3A_2315 = arith.constant 0 : i32
    %dma_wait3A_2316 = arith.constant 0 : i32
    %dma_wait3A_2317 = tpu.memref_slice %arg32[%dma_wait3A_2313, %dma_wait3A_2314, %dma_wait3A_2312, %dma_wait3A_2315, %dma_wait3A_2316] : memref<32x4x24x8x97xf32, #tpu.memory_space<vmem>> -> memref<32x4x1x8x97xf32, #tpu.memory_space<vmem>>
    %dma_wait3A_2318 = tpu.memref_squeeze %dma_wait3A_2317 : memref<32x4x1x8x97xf32, #tpu.memory_space<vmem>> -> memref<32x4x8x97xf32, #tpu.memory_space<vmem>>
    %dma_wait3A_2319 = arith.constant 0 : i32
    %dma_wait3A_2320 = arith.constant 0 : i32
    %dma_wait3A_2321 = arith.constant 0 : i32
    %dma_wait3A_2322 = arith.constant 0 : i32
    %dma_wait3A_2323 = tpu.memref_slice %arg0[%dma_wait3A_2319, %dma_wait3A_2320, %select_n3A_1169, %dma_wait3A_2321, %dma_wait3A_2322] : memref<32x4x48x8x97xf32, #tpu.memory_space<hbm>> -> memref<32x4x1x8x97xf32, #tpu.memory_space<hbm>>
    %dma_wait3A_2324 = tpu.memref_squeeze %dma_wait3A_2323 : memref<32x4x1x8x97xf32, #tpu.memory_space<hbm>> -> memref<32x4x8x97xf32, #tpu.memory_space<hbm>>
    tpu.wait_dma2 semaphore(%arg34 : memref<!tpu.dma_semaphore, #tpu.memory_space<semaphore_mem>>) src(%dma_wait3A_2324 : memref<32x4x8x97xf32, #tpu.memory_space<hbm>>) dst(%dma_wait3A_2318 : memref<32x4x8x97xf32, #tpu.memory_space<vmem>>)
    %dma_wait3A_2325 = arith.constant 21 : i32
    %dma_wait3A_2326 = arith.constant 0 : i32
    %dma_wait3A_2327 = arith.constant 0 : i32
    %dma_wait3A_2328 = arith.constant 0 : i32
    %dma_wait3A_2329 = arith.constant 0 : i32
    %dma_wait3A_2330 = tpu.memref_slice %arg33[%dma_wait3A_2326, %dma_wait3A_2327, %dma_wait3A_2325, %dma_wait3A_2328, %dma_wait3A_2329] : memref<32x4x24x8x96xf32, #tpu.memory_space<vmem>> -> memref<32x4x1x8x96xf32, #tpu.memory_space<vmem>>
    %dma_wait3A_2331 = tpu.memref_squeeze %dma_wait3A_2330 : memref<32x4x1x8x96xf32, #tpu.memory_space<vmem>> -> memref<32x4x8x96xf32, #tpu.memory_space<vmem>>
    %dma_wait3A_2332 = arith.constant 0 : i32
    %dma_wait3A_2333 = arith.constant 0 : i32
    %dma_wait3A_2334 = arith.constant 0 : i32
    %dma_wait3A_2335 = arith.constant 0 : i32
    %dma_wait3A_2336 = tpu.memref_slice %arg1[%dma_wait3A_2332, %dma_wait3A_2333, %select_n3A_1169, %dma_wait3A_2334, %dma_wait3A_2335] : memref<32x4x48x8x96xf32, #tpu.memory_space<hbm>> -> memref<32x4x1x8x96xf32, #tpu.memory_space<hbm>>
    %dma_wait3A_2337 = tpu.memref_squeeze %dma_wait3A_2336 : memref<32x4x1x8x96xf32, #tpu.memory_space<hbm>> -> memref<32x4x8x96xf32, #tpu.memory_space<hbm>>
    tpu.wait_dma2 semaphore(%arg34 : memref<!tpu.dma_semaphore, #tpu.memory_space<semaphore_mem>>) src(%dma_wait3A_2337 : memref<32x4x8x96xf32, #tpu.memory_space<hbm>>) dst(%dma_wait3A_2331 : memref<32x4x8x96xf32, #tpu.memory_space<vmem>>)
    %dma_wait3A_2338 = arith.constant 22 : i32
    %dma_wait3A_2339 = arith.constant 0 : i32
    %dma_wait3A_2340 = arith.constant 0 : i32
    %dma_wait3A_2341 = arith.constant 0 : i32
    %dma_wait3A_2342 = arith.constant 0 : i32
    %dma_wait3A_2343 = tpu.memref_slice %arg32[%dma_wait3A_2339, %dma_wait3A_2340, %dma_wait3A_2338, %dma_wait3A_2341, %dma_wait3A_2342] : memref<32x4x24x8x97xf32, #tpu.memory_space<vmem>> -> memref<32x4x1x8x97xf32, #tpu.memory_space<vmem>>
    %dma_wait3A_2344 = tpu.memref_squeeze %dma_wait3A_2343 : memref<32x4x1x8x97xf32, #tpu.memory_space<vmem>> -> memref<32x4x8x97xf32, #tpu.memory_space<vmem>>
    %dma_wait3A_2345 = arith.constant 0 : i32
    %dma_wait3A_2346 = arith.constant 0 : i32
    %dma_wait3A_2347 = arith.constant 0 : i32
    %dma_wait3A_2348 = arith.constant 0 : i32
    %dma_wait3A_2349 = tpu.memref_slice %arg0[%dma_wait3A_2345, %dma_wait3A_2346, %select_n3A_1224, %dma_wait3A_2347, %dma_wait3A_2348] : memref<32x4x48x8x97xf32, #tpu.memory_space<hbm>> -> memref<32x4x1x8x97xf32, #tpu.memory_space<hbm>>
    %dma_wait3A_2350 = tpu.memref_squeeze %dma_wait3A_2349 : memref<32x4x1x8x97xf32, #tpu.memory_space<hbm>> -> memref<32x4x8x97xf32, #tpu.memory_space<hbm>>
    tpu.wait_dma2 semaphore(%arg34 : memref<!tpu.dma_semaphore, #tpu.memory_space<semaphore_mem>>) src(%dma_wait3A_2350 : memref<32x4x8x97xf32, #tpu.memory_space<hbm>>) dst(%dma_wait3A_2344 : memref<32x4x8x97xf32, #tpu.memory_space<vmem>>)
    %dma_wait3A_2351 = arith.constant 22 : i32
    %dma_wait3A_2352 = arith.constant 0 : i32
    %dma_wait3A_2353 = arith.constant 0 : i32
    %dma_wait3A_2354 = arith.constant 0 : i32
    %dma_wait3A_2355 = arith.constant 0 : i32
    %dma_wait3A_2356 = tpu.memref_slice %arg33[%dma_wait3A_2352, %dma_wait3A_2353, %dma_wait3A_2351, %dma_wait3A_2354, %dma_wait3A_2355] : memref<32x4x24x8x96xf32, #tpu.memory_space<vmem>> -> memref<32x4x1x8x96xf32, #tpu.memory_space<vmem>>
    %dma_wait3A_2357 = tpu.memref_squeeze %dma_wait3A_2356 : memref<32x4x1x8x96xf32, #tpu.memory_space<vmem>> -> memref<32x4x8x96xf32, #tpu.memory_space<vmem>>
    %dma_wait3A_2358 = arith.constant 0 : i32
    %dma_wait3A_2359 = arith.constant 0 : i32
    %dma_wait3A_2360 = arith.constant 0 : i32
    %dma_wait3A_2361 = arith.constant 0 : i32
    %dma_wait3A_2362 = tpu.memref_slice %arg1[%dma_wait3A_2358, %dma_wait3A_2359, %select_n3A_1224, %dma_wait3A_2360, %dma_wait3A_2361] : memref<32x4x48x8x96xf32, #tpu.memory_space<hbm>> -> memref<32x4x1x8x96xf32, #tpu.memory_space<hbm>>
    %dma_wait3A_2363 = tpu.memref_squeeze %dma_wait3A_2362 : memref<32x4x1x8x96xf32, #tpu.memory_space<hbm>> -> memref<32x4x8x96xf32, #tpu.memory_space<hbm>>
    tpu.wait_dma2 semaphore(%arg34 : memref<!tpu.dma_semaphore, #tpu.memory_space<semaphore_mem>>) src(%dma_wait3A_2363 : memref<32x4x8x96xf32, #tpu.memory_space<hbm>>) dst(%dma_wait3A_2357 : memref<32x4x8x96xf32, #tpu.memory_space<vmem>>)
    %dma_wait3A_2364 = arith.constant 23 : i32
    %dma_wait3A_2365 = arith.constant 0 : i32
    %dma_wait3A_2366 = arith.constant 0 : i32
    %dma_wait3A_2367 = arith.constant 0 : i32
    %dma_wait3A_2368 = arith.constant 0 : i32
    %dma_wait3A_2369 = tpu.memref_slice %arg32[%dma_wait3A_2365, %dma_wait3A_2366, %dma_wait3A_2364, %dma_wait3A_2367, %dma_wait3A_2368] : memref<32x4x24x8x97xf32, #tpu.memory_space<vmem>> -> memref<32x4x1x8x97xf32, #tpu.memory_space<vmem>>
    %dma_wait3A_2370 = tpu.memref_squeeze %dma_wait3A_2369 : memref<32x4x1x8x97xf32, #tpu.memory_space<vmem>> -> memref<32x4x8x97xf32, #tpu.memory_space<vmem>>
    %dma_wait3A_2371 = arith.constant 0 : i32
    %dma_wait3A_2372 = arith.constant 0 : i32
    %dma_wait3A_2373 = arith.constant 0 : i32
    %dma_wait3A_2374 = arith.constant 0 : i32
    %dma_wait3A_2375 = tpu.memref_slice %arg0[%dma_wait3A_2371, %dma_wait3A_2372, %select_n3A_1279, %dma_wait3A_2373, %dma_wait3A_2374] : memref<32x4x48x8x97xf32, #tpu.memory_space<hbm>> -> memref<32x4x1x8x97xf32, #tpu.memory_space<hbm>>
    %dma_wait3A_2376 = tpu.memref_squeeze %dma_wait3A_2375 : memref<32x4x1x8x97xf32, #tpu.memory_space<hbm>> -> memref<32x4x8x97xf32, #tpu.memory_space<hbm>>
    tpu.wait_dma2 semaphore(%arg34 : memref<!tpu.dma_semaphore, #tpu.memory_space<semaphore_mem>>) src(%dma_wait3A_2376 : memref<32x4x8x97xf32, #tpu.memory_space<hbm>>) dst(%dma_wait3A_2370 : memref<32x4x8x97xf32, #tpu.memory_space<vmem>>)
    %dma_wait3A_2377 = arith.constant 23 : i32
    %dma_wait3A_2378 = arith.constant 0 : i32
    %dma_wait3A_2379 = arith.constant 0 : i32
    %dma_wait3A_2380 = arith.constant 0 : i32
    %dma_wait3A_2381 = arith.constant 0 : i32
    %dma_wait3A_2382 = tpu.memref_slice %arg33[%dma_wait3A_2378, %dma_wait3A_2379, %dma_wait3A_2377, %dma_wait3A_2380, %dma_wait3A_2381] : memref<32x4x24x8x96xf32, #tpu.memory_space<vmem>> -> memref<32x4x1x8x96xf32, #tpu.memory_space<vmem>>
    %dma_wait3A_2383 = tpu.memref_squeeze %dma_wait3A_2382 : memref<32x4x1x8x96xf32, #tpu.memory_space<vmem>> -> memref<32x4x8x96xf32, #tpu.memory_space<vmem>>
    %dma_wait3A_2384 = arith.constant 0 : i32
    %dma_wait3A_2385 = arith.constant 0 : i32
    %dma_wait3A_2386 = arith.constant 0 : i32
    %dma_wait3A_2387 = arith.constant 0 : i32
    %dma_wait3A_2388 = tpu.memref_slice %arg1[%dma_wait3A_2384, %dma_wait3A_2385, %select_n3A_1279, %dma_wait3A_2386, %dma_wait3A_2387] : memref<32x4x48x8x96xf32, #tpu.memory_space<hbm>> -> memref<32x4x1x8x96xf32, #tpu.memory_space<hbm>>
    %dma_wait3A_2389 = tpu.memref_squeeze %dma_wait3A_2388 : memref<32x4x1x8x96xf32, #tpu.memory_space<hbm>> -> memref<32x4x8x96xf32, #tpu.memory_space<hbm>>
    tpu.wait_dma2 semaphore(%arg34 : memref<!tpu.dma_semaphore, #tpu.memory_space<semaphore_mem>>) src(%dma_wait3A_2389 : memref<32x4x8x96xf32, #tpu.memory_space<hbm>>) dst(%dma_wait3A_2383 : memref<32x4x8x96xf32, #tpu.memory_space<vmem>>)
    %broadcast_in_dim3A_2390 = vector.broadcast %sub3A_18 : i32 to vector<1x1xi32>
    %broadcast_in_dim3A_2391 = vector.broadcast %sub3A_72 : i32 to vector<1x1xi32>
    %broadcast_in_dim3A_2392 = vector.broadcast %sub3A_127 : i32 to vector<1x1xi32>
    %broadcast_in_dim3A_2393 = vector.broadcast %sub3A_182 : i32 to vector<1x1xi32>
    %broadcast_in_dim3A_2394 = vector.broadcast %sub3A_237 : i32 to vector<1x1xi32>
    %broadcast_in_dim3A_2395 = vector.broadcast %sub3A_292 : i32 to vector<1x1xi32>
    %broadcast_in_dim3A_2396 = vector.broadcast %sub3A_347 : i32 to vector<1x1xi32>
    %broadcast_in_dim3A_2397 = vector.broadcast %sub3A_402 : i32 to vector<1x1xi32>
    %broadcast_in_dim3A_2398 = vector.broadcast %sub3A_457 : i32 to vector<1x1xi32>
    %broadcast_in_dim3A_2399 = vector.broadcast %sub3A_512 : i32 to vector<1x1xi32>
    %broadcast_in_dim3A_2400 = vector.broadcast %sub3A_567 : i32 to vector<1x1xi32>
    %broadcast_in_dim3A_2401 = vector.broadcast %sub3A_622 : i32 to vector<1x1xi32>
    %broadcast_in_dim3A_2402 = vector.broadcast %sub3A_677 : i32 to vector<1x1xi32>
    %broadcast_in_dim3A_2403 = vector.broadcast %sub3A_732 : i32 to vector<1x1xi32>
    %broadcast_in_dim3A_2404 = vector.broadcast %sub3A_787 : i32 to vector<1x1xi32>
    %broadcast_in_dim3A_2405 = vector.broadcast %sub3A_842 : i32 to vector<1x1xi32>
    %broadcast_in_dim3A_2406 = vector.broadcast %sub3A_897 : i32 to vector<1x1xi32>
    %broadcast_in_dim3A_2407 = vector.broadcast %sub3A_952 : i32 to vector<1x1xi32>
    %broadcast_in_dim3A_2408 = vector.broadcast %sub3A_1007 : i32 to vector<1x1xi32>
    %broadcast_in_dim3A_2409 = vector.broadcast %sub3A_1062 : i32 to vector<1x1xi32>
    %broadcast_in_dim3A_2410 = vector.broadcast %sub3A_1117 : i32 to vector<1x1xi32>
    %broadcast_in_dim3A_2411 = vector.broadcast %sub3A_1172 : i32 to vector<1x1xi32>
    %broadcast_in_dim3A_2412 = vector.broadcast %sub3A_1227 : i32 to vector<1x1xi32>
    %broadcast_in_dim3A_2413 = vector.broadcast %sub3A_1282 : i32 to vector<1x1xi32>
    %concatenate3A_2414 = tpu.concatenate %broadcast_in_dim3A_2390, %broadcast_in_dim3A_2391, %broadcast_in_dim3A_2392, %broadcast_in_dim3A_2393, %broadcast_in_dim3A_2394, %broadcast_in_dim3A_2395, %broadcast_in_dim3A_2396, %broadcast_in_dim3A_2397, %broadcast_in_dim3A_2398, %broadcast_in_dim3A_2399, %broadcast_in_dim3A_2400, %broadcast_in_dim3A_2401, %broadcast_in_dim3A_2402, %broadcast_in_dim3A_2403, %broadcast_in_dim3A_2404, %broadcast_in_dim3A_2405, %broadcast_in_dim3A_2406, %broadcast_in_dim3A_2407, %broadcast_in_dim3A_2408, %broadcast_in_dim3A_2409, %broadcast_in_dim3A_2410, %broadcast_in_dim3A_2411, %broadcast_in_dim3A_2412, %broadcast_in_dim3A_2413 in 1 : vector<1x1xi32>, vector<1x1xi32>, vector<1x1xi32>, vector<1x1xi32>, vector<1x1xi32>, vector<1x1xi32>, vector<1x1xi32>, vector<1x1xi32>, vector<1x1xi32>, vector<1x1xi32>, vector<1x1xi32>, vector<1x1xi32>, vector<1x1xi32>, vector<1x1xi32>, vector<1x1xi32>, vector<1x1xi32>, vector<1x1xi32>, vector<1x1xi32>, vector<1x1xi32>, vector<1x1xi32>, vector<1x1xi32>, vector<1x1xi32>, vector<1x1xi32>, vector<1x1xi32> -> vector<1x24xi32>
    %iota3A_2415 = tpu.iota {dimensions = array<i32: 0>} : vector<24x24xi32>
    %iota3A_2416 = tpu.iota {dimensions = array<i32: 1>} : vector<24x24xi32>
    %eq3A_2417 = arith.cmpi eq, %iota3A_2415, %iota3A_2416 : vector<24x24xi32>
    %convert_element_type3A_2418 = arith.extui %eq3A_2417 : vector<24x24xi1> to vector<24x24xi32>
    %convert_element_type3A_2419 = arith.sitofp %convert_element_type3A_2418 : vector<24x24xi32> to vector<24x24xf32>
    %broadcast_in_dim3A_2420 = vector.shape_cast %convert_element_type3A_2419 : vector<24x24xf32> to vector<1x24x1x24xf32>
    %broadcast_in_dim3A_2421 = vector.shape_cast %broadcast_in_dim3A_2420 : vector<1x24x1x24xf32> to vector<1x24x1x24xf32>
    %broadcast_in_dim3A_2422 = vector.broadcast %broadcast_in_dim3A_2421 : vector<1x24x1x24xf32> to vector<32x24x1x24xf32>
    %reshape3A_2423 = vector.shape_cast %broadcast_in_dim3A_2422 : vector<32x24x1x24xf32> to vector<768x1x24xf32>
    %iota3A_2424 = tpu.iota {dimensions = array<i32: 0>} : vector<97x24xi32>
    %eq3A_2425 = vector.broadcast %concatenate3A_2414 : vector<1x24xi32> to vector<97x24xi32>
    %eq3A_2426 = arith.cmpi eq, %iota3A_2424, %eq3A_2425 : vector<97x24xi32>
    %convert_element_type3A_2427 = arith.extui %eq3A_2426 : vector<97x24xi1> to vector<97x24xi32>
    %convert_element_type3A_2428 = arith.sitofp %convert_element_type3A_2427 : vector<97x24xi32> to vector<97x24xf32>
    %get3A_2429 = arith.constant 0 : index
    %get3A_2430 = arith.constant 0 : index
    %get3A_2431 = arith.constant 0 : index
    %get3A_2432 = arith.constant 0 : index
    %get3A_2433 = arith.constant 0 : index
    %get3A_2434 = vector.load %arg32[%get3A_2429, %get3A_2430, %get3A_2431, %get3A_2432, %get3A_2433] : memref<32x4x24x8x97xf32, #tpu.memory_space<vmem>>, vector<32x1x24x8x97xf32>
    %get3A_2435 = vector.shape_cast %get3A_2434 : vector<32x1x24x8x97xf32> to vector<32x24x8x97xf32>
    %reshape3A_2436 = vector.shape_cast %get3A_2435 : vector<32x24x8x97xf32> to vector<6144x97xf32>
    %dot_general3A_2437 = arith.constant dense<0.000000e+00> : vector<6144x24xf32>
    %dot_general3A_2438 = tpu.matmul %reshape3A_2436, %convert_element_type3A_2428, %dot_general3A_2437 {dimension_numbers = #tpu.dot_dimension_numbers<[1], [0], [0], [1], [0, 0, 1, 1], [], []>, transpose_lhs_hint = false} : vector<6144x97xf32>, vector<97x24xf32>, vector<6144x24xf32> -> vector<6144x24xf32>
    %reshape3A_2439 = vector.shape_cast %dot_general3A_2438 : vector<6144x24xf32> to vector<768x8x24xf32>
    %mul3A_2440 = vector.broadcast %reshape3A_2423 : vector<768x1x24xf32> to vector<768x8x24xf32>
    %mul3A_2441 = arith.mulf %reshape3A_2439, %mul3A_2440 : vector<768x8x24xf32>
    %reduce_sum3A = arith.constant dense<0.000000e+00> : vector<768x8xf32>
    %reduce_sum3A_2442 = vector.multi_reduction <add>, %mul3A_2441, %reduce_sum3A [2] : vector<768x8x24xf32> to vector<768x8xf32>
    %iota3A_2443 = tpu.iota {dimensions = array<i32: 0>} : vector<97x24xi32>
    %eq3A_2444 = vector.broadcast %concatenate3A_2414 : vector<1x24xi32> to vector<97x24xi32>
    %eq3A_2445 = arith.cmpi eq, %iota3A_2443, %eq3A_2444 : vector<97x24xi32>
    %convert_element_type3A_2446 = arith.extui %eq3A_2445 : vector<97x24xi1> to vector<97x24xi32>
    %convert_element_type3A_2447 = arith.sitofp %convert_element_type3A_2446 : vector<97x24xi32> to vector<97x24xf32>
    %get3A_2448 = arith.constant 0 : index
    %get3A_2449 = arith.constant 1 : index
    %get3A_2450 = arith.constant 0 : index
    %get3A_2451 = arith.constant 0 : index
    %get3A_2452 = arith.constant 0 : index
    %get3A_2453 = vector.load %arg32[%get3A_2448, %get3A_2449, %get3A_2450, %get3A_2451, %get3A_2452] : memref<32x4x24x8x97xf32, #tpu.memory_space<vmem>>, vector<32x1x24x8x97xf32>
    %get3A_2454 = vector.shape_cast %get3A_2453 : vector<32x1x24x8x97xf32> to vector<32x24x8x97xf32>
    %reshape3A_2455 = vector.shape_cast %get3A_2454 : vector<32x24x8x97xf32> to vector<6144x97xf32>
    %dot_general3A_2456 = arith.constant dense<0.000000e+00> : vector<6144x24xf32>
    %dot_general3A_2457 = tpu.matmul %reshape3A_2455, %convert_element_type3A_2447, %dot_general3A_2456 {dimension_numbers = #tpu.dot_dimension_numbers<[1], [0], [0], [1], [0, 0, 1, 1], [], []>, transpose_lhs_hint = false} : vector<6144x97xf32>, vector<97x24xf32>, vector<6144x24xf32> -> vector<6144x24xf32>
    %reshape3A_2458 = vector.shape_cast %dot_general3A_2457 : vector<6144x24xf32> to vector<768x8x24xf32>
    %mul3A_2459 = vector.broadcast %reshape3A_2423 : vector<768x1x24xf32> to vector<768x8x24xf32>
    %mul3A_2460 = arith.mulf %reshape3A_2458, %mul3A_2459 : vector<768x8x24xf32>
    %reduce_sum3A_2461 = arith.constant dense<0.000000e+00> : vector<768x8xf32>
    %reduce_sum3A_2462 = vector.multi_reduction <add>, %mul3A_2460, %reduce_sum3A_2461 [2] : vector<768x8x24xf32> to vector<768x8xf32>
    %iota3A_2463 = tpu.iota {dimensions = array<i32: 0>} : vector<97x24xi32>
    %eq3A_2464 = vector.broadcast %concatenate3A_2414 : vector<1x24xi32> to vector<97x24xi32>
    %eq3A_2465 = arith.cmpi eq, %iota3A_2463, %eq3A_2464 : vector<97x24xi32>
    %convert_element_type3A_2466 = arith.extui %eq3A_2465 : vector<97x24xi1> to vector<97x24xi32>
    %convert_element_type3A_2467 = arith.sitofp %convert_element_type3A_2466 : vector<97x24xi32> to vector<97x24xf32>
    %get3A_2468 = arith.constant 0 : index
    %get3A_2469 = arith.constant 2 : index
    %get3A_2470 = arith.constant 0 : index
    %get3A_2471 = arith.constant 0 : index
    %get3A_2472 = arith.constant 0 : index
    %get3A_2473 = vector.load %arg32[%get3A_2468, %get3A_2469, %get3A_2470, %get3A_2471, %get3A_2472] : memref<32x4x24x8x97xf32, #tpu.memory_space<vmem>>, vector<32x1x24x8x97xf32>
    %get3A_2474 = vector.shape_cast %get3A_2473 : vector<32x1x24x8x97xf32> to vector<32x24x8x97xf32>
    %reshape3A_2475 = vector.shape_cast %get3A_2474 : vector<32x24x8x97xf32> to vector<6144x97xf32>
    %dot_general3A_2476 = arith.constant dense<0.000000e+00> : vector<6144x24xf32>
    %dot_general3A_2477 = tpu.matmul %reshape3A_2475, %convert_element_type3A_2467, %dot_general3A_2476 {dimension_numbers = #tpu.dot_dimension_numbers<[1], [0], [0], [1], [0, 0, 1, 1], [], []>, transpose_lhs_hint = false} : vector<6144x97xf32>, vector<97x24xf32>, vector<6144x24xf32> -> vector<6144x24xf32>
    %reshape3A_2478 = vector.shape_cast %dot_general3A_2477 : vector<6144x24xf32> to vector<768x8x24xf32>
    %mul3A_2479 = vector.broadcast %reshape3A_2423 : vector<768x1x24xf32> to vector<768x8x24xf32>
    %mul3A_2480 = arith.mulf %reshape3A_2478, %mul3A_2479 : vector<768x8x24xf32>
    %reduce_sum3A_2481 = arith.constant dense<0.000000e+00> : vector<768x8xf32>
    %reduce_sum3A_2482 = vector.multi_reduction <add>, %mul3A_2480, %reduce_sum3A_2481 [2] : vector<768x8x24xf32> to vector<768x8xf32>
    %iota3A_2483 = tpu.iota {dimensions = array<i32: 0>} : vector<97x24xi32>
    %eq3A_2484 = vector.broadcast %concatenate3A_2414 : vector<1x24xi32> to vector<97x24xi32>
    %eq3A_2485 = arith.cmpi eq, %iota3A_2483, %eq3A_2484 : vector<97x24xi32>
    %convert_element_type3A_2486 = arith.extui %eq3A_2485 : vector<97x24xi1> to vector<97x24xi32>
    %convert_element_type3A_2487 = arith.sitofp %convert_element_type3A_2486 : vector<97x24xi32> to vector<97x24xf32>
    %get3A_2488 = arith.constant 0 : index
    %get3A_2489 = arith.constant 3 : index
    %get3A_2490 = arith.constant 0 : index
    %get3A_2491 = arith.constant 0 : index
    %get3A_2492 = arith.constant 0 : index
    %get3A_2493 = vector.load %arg32[%get3A_2488, %get3A_2489, %get3A_2490, %get3A_2491, %get3A_2492] : memref<32x4x24x8x97xf32, #tpu.memory_space<vmem>>, vector<32x1x24x8x97xf32>
    %get3A_2494 = vector.shape_cast %get3A_2493 : vector<32x1x24x8x97xf32> to vector<32x24x8x97xf32>
    %reshape3A_2495 = vector.shape_cast %get3A_2494 : vector<32x24x8x97xf32> to vector<6144x97xf32>
    %dot_general3A_2496 = arith.constant dense<0.000000e+00> : vector<6144x24xf32>
    %dot_general3A_2497 = tpu.matmul %reshape3A_2495, %convert_element_type3A_2487, %dot_general3A_2496 {dimension_numbers = #tpu.dot_dimension_numbers<[1], [0], [0], [1], [0, 0, 1, 1], [], []>, transpose_lhs_hint = false} : vector<6144x97xf32>, vector<97x24xf32>, vector<6144x24xf32> -> vector<6144x24xf32>
    %reshape3A_2498 = vector.shape_cast %dot_general3A_2497 : vector<6144x24xf32> to vector<768x8x24xf32>
    %mul3A_2499 = vector.broadcast %reshape3A_2423 : vector<768x1x24xf32> to vector<768x8x24xf32>
    %mul3A_2500 = arith.mulf %reshape3A_2498, %mul3A_2499 : vector<768x8x24xf32>
    %reduce_sum3A_2501 = arith.constant dense<0.000000e+00> : vector<768x8xf32>
    %reduce_sum3A_2502 = vector.multi_reduction <add>, %mul3A_2500, %reduce_sum3A_2501 [2] : vector<768x8x24xf32> to vector<768x8xf32>
    %iota3A_2503 = tpu.iota {dimensions = array<i32: 0>} : vector<96x24xi32>
    %eq3A_2504 = vector.broadcast %concatenate3A_2414 : vector<1x24xi32> to vector<96x24xi32>
    %eq3A_2505 = arith.cmpi eq, %iota3A_2503, %eq3A_2504 : vector<96x24xi32>
    %convert_element_type3A_2506 = arith.extui %eq3A_2505 : vector<96x24xi1> to vector<96x24xi32>
    %convert_element_type3A_2507 = arith.sitofp %convert_element_type3A_2506 : vector<96x24xi32> to vector<96x24xf32>
    %get3A_2508 = arith.constant 0 : index
    %get3A_2509 = arith.constant 0 : index
    %get3A_2510 = arith.constant 0 : index
    %get3A_2511 = arith.constant 0 : index
    %get3A_2512 = arith.constant 0 : index
    %get3A_2513 = vector.load %arg33[%get3A_2508, %get3A_2509, %get3A_2510, %get3A_2511, %get3A_2512] : memref<32x4x24x8x96xf32, #tpu.memory_space<vmem>>, vector<32x1x24x8x96xf32>
    %get3A_2514 = vector.shape_cast %get3A_2513 : vector<32x1x24x8x96xf32> to vector<32x24x8x96xf32>
    %reshape3A_2515 = vector.shape_cast %get3A_2514 : vector<32x24x8x96xf32> to vector<6144x96xf32>
    %dot_general3A_2516 = arith.constant dense<0.000000e+00> : vector<6144x24xf32>
    %dot_general3A_2517 = tpu.matmul %reshape3A_2515, %convert_element_type3A_2507, %dot_general3A_2516 {dimension_numbers = #tpu.dot_dimension_numbers<[1], [0], [0], [1], [0, 0, 1, 1], [], []>, transpose_lhs_hint = false} : vector<6144x96xf32>, vector<96x24xf32>, vector<6144x24xf32> -> vector<6144x24xf32>
    %reshape3A_2518 = vector.shape_cast %dot_general3A_2517 : vector<6144x24xf32> to vector<768x8x24xf32>
    %mul3A_2519 = vector.broadcast %reshape3A_2423 : vector<768x1x24xf32> to vector<768x8x24xf32>
    %mul3A_2520 = arith.mulf %reshape3A_2518, %mul3A_2519 : vector<768x8x24xf32>
    %reduce_sum3A_2521 = arith.constant dense<0.000000e+00> : vector<768x8xf32>
    %reduce_sum3A_2522 = vector.multi_reduction <add>, %mul3A_2520, %reduce_sum3A_2521 [2] : vector<768x8x24xf32> to vector<768x8xf32>
    %iota3A_2523 = tpu.iota {dimensions = array<i32: 0>} : vector<96x24xi32>
    %eq3A_2524 = vector.broadcast %concatenate3A_2414 : vector<1x24xi32> to vector<96x24xi32>
    %eq3A_2525 = arith.cmpi eq, %iota3A_2523, %eq3A_2524 : vector<96x24xi32>
    %convert_element_type3A_2526 = arith.extui %eq3A_2525 : vector<96x24xi1> to vector<96x24xi32>
    %convert_element_type3A_2527 = arith.sitofp %convert_element_type3A_2526 : vector<96x24xi32> to vector<96x24xf32>
    %get3A_2528 = arith.constant 0 : index
    %get3A_2529 = arith.constant 1 : index
    %get3A_2530 = arith.constant 0 : index
    %get3A_2531 = arith.constant 0 : index
    %get3A_2532 = arith.constant 0 : index
    %get3A_2533 = vector.load %arg33[%get3A_2528, %get3A_2529, %get3A_2530, %get3A_2531, %get3A_2532] : memref<32x4x24x8x96xf32, #tpu.memory_space<vmem>>, vector<32x1x24x8x96xf32>
    %get3A_2534 = vector.shape_cast %get3A_2533 : vector<32x1x24x8x96xf32> to vector<32x24x8x96xf32>
    %reshape3A_2535 = vector.shape_cast %get3A_2534 : vector<32x24x8x96xf32> to vector<6144x96xf32>
    %dot_general3A_2536 = arith.constant dense<0.000000e+00> : vector<6144x24xf32>
    %dot_general3A_2537 = tpu.matmul %reshape3A_2535, %convert_element_type3A_2527, %dot_general3A_2536 {dimension_numbers = #tpu.dot_dimension_numbers<[1], [0], [0], [1], [0, 0, 1, 1], [], []>, transpose_lhs_hint = false} : vector<6144x96xf32>, vector<96x24xf32>, vector<6144x24xf32> -> vector<6144x24xf32>
    %reshape3A_2538 = vector.shape_cast %dot_general3A_2537 : vector<6144x24xf32> to vector<768x8x24xf32>
    %mul3A_2539 = vector.broadcast %reshape3A_2423 : vector<768x1x24xf32> to vector<768x8x24xf32>
    %mul3A_2540 = arith.mulf %reshape3A_2538, %mul3A_2539 : vector<768x8x24xf32>
    %reduce_sum3A_2541 = arith.constant dense<0.000000e+00> : vector<768x8xf32>
    %reduce_sum3A_2542 = vector.multi_reduction <add>, %mul3A_2540, %reduce_sum3A_2541 [2] : vector<768x8x24xf32> to vector<768x8xf32>
    %iota3A_2543 = tpu.iota {dimensions = array<i32: 0>} : vector<96x24xi32>
    %eq3A_2544 = vector.broadcast %concatenate3A_2414 : vector<1x24xi32> to vector<96x24xi32>
    %eq3A_2545 = arith.cmpi eq, %iota3A_2543, %eq3A_2544 : vector<96x24xi32>
    %convert_element_type3A_2546 = arith.extui %eq3A_2545 : vector<96x24xi1> to vector<96x24xi32>
    %convert_element_type3A_2547 = arith.sitofp %convert_element_type3A_2546 : vector<96x24xi32> to vector<96x24xf32>
    %get3A_2548 = arith.constant 0 : index
    %get3A_2549 = arith.constant 2 : index
    %get3A_2550 = arith.constant 0 : index
    %get3A_2551 = arith.constant 0 : index
    %get3A_2552 = arith.constant 0 : index
    %get3A_2553 = vector.load %arg33[%get3A_2548, %get3A_2549, %get3A_2550, %get3A_2551, %get3A_2552] : memref<32x4x24x8x96xf32, #tpu.memory_space<vmem>>, vector<32x1x24x8x96xf32>
    %get3A_2554 = vector.shape_cast %get3A_2553 : vector<32x1x24x8x96xf32> to vector<32x24x8x96xf32>
    %reshape3A_2555 = vector.shape_cast %get3A_2554 : vector<32x24x8x96xf32> to vector<6144x96xf32>
    %dot_general3A_2556 = arith.constant dense<0.000000e+00> : vector<6144x24xf32>
    %dot_general3A_2557 = tpu.matmul %reshape3A_2555, %convert_element_type3A_2547, %dot_general3A_2556 {dimension_numbers = #tpu.dot_dimension_numbers<[1], [0], [0], [1], [0, 0, 1, 1], [], []>, transpose_lhs_hint = false} : vector<6144x96xf32>, vector<96x24xf32>, vector<6144x24xf32> -> vector<6144x24xf32>
    %reshape3A_2558 = vector.shape_cast %dot_general3A_2557 : vector<6144x24xf32> to vector<768x8x24xf32>
    %mul3A_2559 = vector.broadcast %reshape3A_2423 : vector<768x1x24xf32> to vector<768x8x24xf32>
    %mul3A_2560 = arith.mulf %reshape3A_2558, %mul3A_2559 : vector<768x8x24xf32>
    %reduce_sum3A_2561 = arith.constant dense<0.000000e+00> : vector<768x8xf32>
    %reduce_sum3A_2562 = vector.multi_reduction <add>, %mul3A_2560, %reduce_sum3A_2561 [2] : vector<768x8x24xf32> to vector<768x8xf32>
    %iota3A_2563 = tpu.iota {dimensions = array<i32: 0>} : vector<96x24xi32>
    %eq3A_2564 = vector.broadcast %concatenate3A_2414 : vector<1x24xi32> to vector<96x24xi32>
    %eq3A_2565 = arith.cmpi eq, %iota3A_2563, %eq3A_2564 : vector<96x24xi32>
    %convert_element_type3A_2566 = arith.extui %eq3A_2565 : vector<96x24xi1> to vector<96x24xi32>
    %convert_element_type3A_2567 = arith.sitofp %convert_element_type3A_2566 : vector<96x24xi32> to vector<96x24xf32>
    %get3A_2568 = arith.constant 0 : index
    %get3A_2569 = arith.constant 3 : index
    %get3A_2570 = arith.constant 0 : index
    %get3A_2571 = arith.constant 0 : index
    %get3A_2572 = arith.constant 0 : index
    %get3A_2573 = vector.load %arg33[%get3A_2568, %get3A_2569, %get3A_2570, %get3A_2571, %get3A_2572] : memref<32x4x24x8x96xf32, #tpu.memory_space<vmem>>, vector<32x1x24x8x96xf32>
    %get3A_2574 = vector.shape_cast %get3A_2573 : vector<32x1x24x8x96xf32> to vector<32x24x8x96xf32>
    %reshape3A_2575 = vector.shape_cast %get3A_2574 : vector<32x24x8x96xf32> to vector<6144x96xf32>
    %dot_general3A_2576 = arith.constant dense<0.000000e+00> : vector<6144x24xf32>
    %dot_general3A_2577 = tpu.matmul %reshape3A_2575, %convert_element_type3A_2567, %dot_general3A_2576 {dimension_numbers = #tpu.dot_dimension_numbers<[1], [0], [0], [1], [0, 0, 1, 1], [], []>, transpose_lhs_hint = false} : vector<6144x96xf32>, vector<96x24xf32>, vector<6144x24xf32> -> vector<6144x24xf32>
    %reshape3A_2578 = vector.shape_cast %dot_general3A_2577 : vector<6144x24xf32> to vector<768x8x24xf32>
    %mul3A_2579 = vector.broadcast %reshape3A_2423 : vector<768x1x24xf32> to vector<768x8x24xf32>
    %mul3A_2580 = arith.mulf %reshape3A_2578, %mul3A_2579 : vector<768x8x24xf32>
    %reduce_sum3A_2581 = arith.constant dense<0.000000e+00> : vector<768x8xf32>
    %reduce_sum3A_2582 = vector.multi_reduction <add>, %mul3A_2580, %reduce_sum3A_2581 [2] : vector<768x8x24xf32> to vector<768x8xf32>
    %get3A_2583 = arith.constant 0 : index
    %get3A_2584 = arith.constant 0 : index
    %get3A_2585 = vector.load %arg11[%get3A_2583, %get3A_2584] : memref<194x128xf32, #tpu.memory_space<vmem>>, vector<194x128xf32>
    %slice3A_2586 = vector.extract_strided_slice %get3A_2585 {offsets = [128, 0], sizes = [32, 128], strides = [1, 1]} : vector<194x128xf32> to vector<32x128xf32>
    %slice3A_2587 = vector.extract_strided_slice %get3A_2585 {offsets = [160, 0], sizes = [32, 128], strides = [1, 1]} : vector<194x128xf32> to vector<32x128xf32>
    %slice3A_2588 = vector.extract_strided_slice %get3A_2585 {offsets = [0, 0], sizes = [128, 128], strides = [1, 1]} : vector<194x128xf32> to vector<128x128xf32>
    %dot_general3A_2589 = arith.constant dense<0.000000e+00> : vector<768x128xf32>
    %dot_general3A_2590 = tpu.matmul %tanh3A_1766, %slice3A_2588, %dot_general3A_2589 {dimension_numbers = #tpu.dot_dimension_numbers<[1], [0], [0], [1], [0, 0, 1, 1], [], []>, transpose_lhs_hint = false} : vector<768x128xf32>, vector<128x128xf32>, vector<768x128xf32> -> vector<768x128xf32>
    %iota3A_2591 = tpu.iota {dimensions = array<i32: 0>} : vector<8x32xi32>
    %iota3A_2592 = tpu.iota {dimensions = array<i32: 1>} : vector<8x32xi32>
    %mul3A_2593 = arith.constant 4 : i32
    %mul3A_2594 = vector.broadcast %mul3A_2593 : i32 to vector<8x32xi32>
    %mul3A_2595 = arith.muli %iota3A_2591, %mul3A_2594 : vector<8x32xi32>
    %add3A_2596 = arith.constant 0 : i32
    %add3A_2597 = vector.broadcast %add3A_2596 : i32 to vector<8x32xi32>
    %add3A_2598 = arith.addi %mul3A_2595, %add3A_2597 : vector<8x32xi32>
    %eq3A_2599 = arith.cmpi eq, %iota3A_2592, %add3A_2598 : vector<8x32xi32>
    %convert_element_type3A_2600 = arith.extui %eq3A_2599 : vector<8x32xi1> to vector<8x32xi32>
    %convert_element_type3A_2601 = arith.sitofp %convert_element_type3A_2600 : vector<8x32xi32> to vector<8x32xf32>
    %dot_general3A_2602 = arith.constant dense<0.000000e+00> : vector<8x128xf32>
    %dot_general3A_2603 = tpu.matmul %convert_element_type3A_2601, %slice3A_2586, %dot_general3A_2602 {dimension_numbers = #tpu.dot_dimension_numbers<[1], [0], [0], [1], [0, 0, 1, 1], [], []>, transpose_lhs_hint = false} : vector<8x32xf32>, vector<32x128xf32>, vector<8x128xf32> -> vector<8x128xf32>
    %dot_general3A_2604 = arith.constant dense<0.000000e+00> : vector<768x128xf32>
    %dot_general3A_2605 = tpu.matmul %reduce_sum3A_2442, %dot_general3A_2603, %dot_general3A_2604 {dimension_numbers = #tpu.dot_dimension_numbers<[1], [0], [0], [1], [0, 0, 1, 1], [], []>, transpose_lhs_hint = false} : vector<768x8xf32>, vector<8x128xf32>, vector<768x128xf32> -> vector<768x128xf32>
    %add3A_2606 = arith.addf %dot_general3A_2590, %dot_general3A_2605 : vector<768x128xf32>
    %iota3A_2607 = tpu.iota {dimensions = array<i32: 0>} : vector<8x32xi32>
    %iota3A_2608 = tpu.iota {dimensions = array<i32: 1>} : vector<8x32xi32>
    %mul3A_2609 = arith.constant 4 : i32
    %mul3A_2610 = vector.broadcast %mul3A_2609 : i32 to vector<8x32xi32>
    %mul3A_2611 = arith.muli %iota3A_2607, %mul3A_2610 : vector<8x32xi32>
    %add3A_2612 = arith.constant 0 : i32
    %add3A_2613 = vector.broadcast %add3A_2612 : i32 to vector<8x32xi32>
    %add3A_2614 = arith.addi %mul3A_2611, %add3A_2613 : vector<8x32xi32>
    %eq3A_2615 = arith.cmpi eq, %iota3A_2608, %add3A_2614 : vector<8x32xi32>
    %convert_element_type3A_2616 = arith.extui %eq3A_2615 : vector<8x32xi1> to vector<8x32xi32>
    %convert_element_type3A_2617 = arith.sitofp %convert_element_type3A_2616 : vector<8x32xi32> to vector<8x32xf32>
    %dot_general3A_2618 = arith.constant dense<0.000000e+00> : vector<8x128xf32>
    %dot_general3A_2619 = tpu.matmul %convert_element_type3A_2617, %slice3A_2587, %dot_general3A_2618 {dimension_numbers = #tpu.dot_dimension_numbers<[1], [0], [0], [1], [0, 0, 1, 1], [], []>, transpose_lhs_hint = false} : vector<8x32xf32>, vector<32x128xf32>, vector<8x128xf32> -> vector<8x128xf32>
    %dot_general3A_2620 = arith.constant dense<0.000000e+00> : vector<768x128xf32>
    %dot_general3A_2621 = tpu.matmul %reduce_sum3A_2522, %dot_general3A_2619, %dot_general3A_2620 {dimension_numbers = #tpu.dot_dimension_numbers<[1], [0], [0], [1], [0, 0, 1, 1], [], []>, transpose_lhs_hint = false} : vector<768x8xf32>, vector<8x128xf32>, vector<768x128xf32> -> vector<768x128xf32>
    %add3A_2622 = arith.addf %add3A_2606, %dot_general3A_2621 : vector<768x128xf32>
    %iota3A_2623 = tpu.iota {dimensions = array<i32: 0>} : vector<8x32xi32>
    %iota3A_2624 = tpu.iota {dimensions = array<i32: 1>} : vector<8x32xi32>
    %mul3A_2625 = arith.constant 4 : i32
    %mul3A_2626 = vector.broadcast %mul3A_2625 : i32 to vector<8x32xi32>
    %mul3A_2627 = arith.muli %iota3A_2623, %mul3A_2626 : vector<8x32xi32>
    %add3A_2628 = arith.constant 1 : i32
    %add3A_2629 = vector.broadcast %add3A_2628 : i32 to vector<8x32xi32>
    %add3A_2630 = arith.addi %mul3A_2627, %add3A_2629 : vector<8x32xi32>
    %eq3A_2631 = arith.cmpi eq, %iota3A_2624, %add3A_2630 : vector<8x32xi32>
    %convert_element_type3A_2632 = arith.extui %eq3A_2631 : vector<8x32xi1> to vector<8x32xi32>
    %convert_element_type3A_2633 = arith.sitofp %convert_element_type3A_2632 : vector<8x32xi32> to vector<8x32xf32>
    %dot_general3A_2634 = arith.constant dense<0.000000e+00> : vector<8x128xf32>
    %dot_general3A_2635 = tpu.matmul %convert_element_type3A_2633, %slice3A_2586, %dot_general3A_2634 {dimension_numbers = #tpu.dot_dimension_numbers<[1], [0], [0], [1], [0, 0, 1, 1], [], []>, transpose_lhs_hint = false} : vector<8x32xf32>, vector<32x128xf32>, vector<8x128xf32> -> vector<8x128xf32>
    %dot_general3A_2636 = arith.constant dense<0.000000e+00> : vector<768x128xf32>
    %dot_general3A_2637 = tpu.matmul %reduce_sum3A_2462, %dot_general3A_2635, %dot_general3A_2636 {dimension_numbers = #tpu.dot_dimension_numbers<[1], [0], [0], [1], [0, 0, 1, 1], [], []>, transpose_lhs_hint = false} : vector<768x8xf32>, vector<8x128xf32>, vector<768x128xf32> -> vector<768x128xf32>
    %add3A_2638 = arith.addf %add3A_2622, %dot_general3A_2637 : vector<768x128xf32>
    %iota3A_2639 = tpu.iota {dimensions = array<i32: 0>} : vector<8x32xi32>
    %iota3A_2640 = tpu.iota {dimensions = array<i32: 1>} : vector<8x32xi32>
    %mul3A_2641 = arith.constant 4 : i32
    %mul3A_2642 = vector.broadcast %mul3A_2641 : i32 to vector<8x32xi32>
    %mul3A_2643 = arith.muli %iota3A_2639, %mul3A_2642 : vector<8x32xi32>
    %add3A_2644 = arith.constant 1 : i32
    %add3A_2645 = vector.broadcast %add3A_2644 : i32 to vector<8x32xi32>
    %add3A_2646 = arith.addi %mul3A_2643, %add3A_2645 : vector<8x32xi32>
    %eq3A_2647 = arith.cmpi eq, %iota3A_2640, %add3A_2646 : vector<8x32xi32>
    %convert_element_type3A_2648 = arith.extui %eq3A_2647 : vector<8x32xi1> to vector<8x32xi32>
    %convert_element_type3A_2649 = arith.sitofp %convert_element_type3A_2648 : vector<8x32xi32> to vector<8x32xf32>
    %dot_general3A_2650 = arith.constant dense<0.000000e+00> : vector<8x128xf32>
    %dot_general3A_2651 = tpu.matmul %convert_element_type3A_2649, %slice3A_2587, %dot_general3A_2650 {dimension_numbers = #tpu.dot_dimension_numbers<[1], [0], [0], [1], [0, 0, 1, 1], [], []>, transpose_lhs_hint = false} : vector<8x32xf32>, vector<32x128xf32>, vector<8x128xf32> -> vector<8x128xf32>
    %dot_general3A_2652 = arith.constant dense<0.000000e+00> : vector<768x128xf32>
    %dot_general3A_2653 = tpu.matmul %reduce_sum3A_2542, %dot_general3A_2651, %dot_general3A_2652 {dimension_numbers = #tpu.dot_dimension_numbers<[1], [0], [0], [1], [0, 0, 1, 1], [], []>, transpose_lhs_hint = false} : vector<768x8xf32>, vector<8x128xf32>, vector<768x128xf32> -> vector<768x128xf32>
    %add3A_2654 = arith.addf %add3A_2638, %dot_general3A_2653 : vector<768x128xf32>
    %iota3A_2655 = tpu.iota {dimensions = array<i32: 0>} : vector<8x32xi32>
    %iota3A_2656 = tpu.iota {dimensions = array<i32: 1>} : vector<8x32xi32>
    %mul3A_2657 = arith.constant 4 : i32
    %mul3A_2658 = vector.broadcast %mul3A_2657 : i32 to vector<8x32xi32>
    %mul3A_2659 = arith.muli %iota3A_2655, %mul3A_2658 : vector<8x32xi32>
    %add3A_2660 = arith.constant 2 : i32
    %add3A_2661 = vector.broadcast %add3A_2660 : i32 to vector<8x32xi32>
    %add3A_2662 = arith.addi %mul3A_2659, %add3A_2661 : vector<8x32xi32>
    %eq3A_2663 = arith.cmpi eq, %iota3A_2656, %add3A_2662 : vector<8x32xi32>
    %convert_element_type3A_2664 = arith.extui %eq3A_2663 : vector<8x32xi1> to vector<8x32xi32>
    %convert_element_type3A_2665 = arith.sitofp %convert_element_type3A_2664 : vector<8x32xi32> to vector<8x32xf32>
    %dot_general3A_2666 = arith.constant dense<0.000000e+00> : vector<8x128xf32>
    %dot_general3A_2667 = tpu.matmul %convert_element_type3A_2665, %slice3A_2586, %dot_general3A_2666 {dimension_numbers = #tpu.dot_dimension_numbers<[1], [0], [0], [1], [0, 0, 1, 1], [], []>, transpose_lhs_hint = false} : vector<8x32xf32>, vector<32x128xf32>, vector<8x128xf32> -> vector<8x128xf32>
    %dot_general3A_2668 = arith.constant dense<0.000000e+00> : vector<768x128xf32>
    %dot_general3A_2669 = tpu.matmul %reduce_sum3A_2482, %dot_general3A_2667, %dot_general3A_2668 {dimension_numbers = #tpu.dot_dimension_numbers<[1], [0], [0], [1], [0, 0, 1, 1], [], []>, transpose_lhs_hint = false} : vector<768x8xf32>, vector<8x128xf32>, vector<768x128xf32> -> vector<768x128xf32>
    %add3A_2670 = arith.addf %add3A_2654, %dot_general3A_2669 : vector<768x128xf32>
    %iota3A_2671 = tpu.iota {dimensions = array<i32: 0>} : vector<8x32xi32>
    %iota3A_2672 = tpu.iota {dimensions = array<i32: 1>} : vector<8x32xi32>
    %mul3A_2673 = arith.constant 4 : i32
    %mul3A_2674 = vector.broadcast %mul3A_2673 : i32 to vector<8x32xi32>
    %mul3A_2675 = arith.muli %iota3A_2671, %mul3A_2674 : vector<8x32xi32>
    %add3A_2676 = arith.constant 2 : i32
    %add3A_2677 = vector.broadcast %add3A_2676 : i32 to vector<8x32xi32>
    %add3A_2678 = arith.addi %mul3A_2675, %add3A_2677 : vector<8x32xi32>
    %eq3A_2679 = arith.cmpi eq, %iota3A_2672, %add3A_2678 : vector<8x32xi32>
    %convert_element_type3A_2680 = arith.extui %eq3A_2679 : vector<8x32xi1> to vector<8x32xi32>
    %convert_element_type3A_2681 = arith.sitofp %convert_element_type3A_2680 : vector<8x32xi32> to vector<8x32xf32>
    %dot_general3A_2682 = arith.constant dense<0.000000e+00> : vector<8x128xf32>
    %dot_general3A_2683 = tpu.matmul %convert_element_type3A_2681, %slice3A_2587, %dot_general3A_2682 {dimension_numbers = #tpu.dot_dimension_numbers<[1], [0], [0], [1], [0, 0, 1, 1], [], []>, transpose_lhs_hint = false} : vector<8x32xf32>, vector<32x128xf32>, vector<8x128xf32> -> vector<8x128xf32>
    %dot_general3A_2684 = arith.constant dense<0.000000e+00> : vector<768x128xf32>
    %dot_general3A_2685 = tpu.matmul %reduce_sum3A_2562, %dot_general3A_2683, %dot_general3A_2684 {dimension_numbers = #tpu.dot_dimension_numbers<[1], [0], [0], [1], [0, 0, 1, 1], [], []>, transpose_lhs_hint = false} : vector<768x8xf32>, vector<8x128xf32>, vector<768x128xf32> -> vector<768x128xf32>
    %add3A_2686 = arith.addf %add3A_2670, %dot_general3A_2685 : vector<768x128xf32>
    %iota3A_2687 = tpu.iota {dimensions = array<i32: 0>} : vector<8x32xi32>
    %iota3A_2688 = tpu.iota {dimensions = array<i32: 1>} : vector<8x32xi32>
    %mul3A_2689 = arith.constant 4 : i32
    %mul3A_2690 = vector.broadcast %mul3A_2689 : i32 to vector<8x32xi32>
    %mul3A_2691 = arith.muli %iota3A_2687, %mul3A_2690 : vector<8x32xi32>
    %add3A_2692 = arith.constant 3 : i32
    %add3A_2693 = vector.broadcast %add3A_2692 : i32 to vector<8x32xi32>
    %add3A_2694 = arith.addi %mul3A_2691, %add3A_2693 : vector<8x32xi32>
    %eq3A_2695 = arith.cmpi eq, %iota3A_2688, %add3A_2694 : vector<8x32xi32>
    %convert_element_type3A_2696 = arith.extui %eq3A_2695 : vector<8x32xi1> to vector<8x32xi32>
    %convert_element_type3A_2697 = arith.sitofp %convert_element_type3A_2696 : vector<8x32xi32> to vector<8x32xf32>
    %dot_general3A_2698 = arith.constant dense<0.000000e+00> : vector<8x128xf32>
    %dot_general3A_2699 = tpu.matmul %convert_element_type3A_2697, %slice3A_2586, %dot_general3A_2698 {dimension_numbers = #tpu.dot_dimension_numbers<[1], [0], [0], [1], [0, 0, 1, 1], [], []>, transpose_lhs_hint = false} : vector<8x32xf32>, vector<32x128xf32>, vector<8x128xf32> -> vector<8x128xf32>
    %dot_general3A_2700 = arith.constant dense<0.000000e+00> : vector<768x128xf32>
    %dot_general3A_2701 = tpu.matmul %reduce_sum3A_2502, %dot_general3A_2699, %dot_general3A_2700 {dimension_numbers = #tpu.dot_dimension_numbers<[1], [0], [0], [1], [0, 0, 1, 1], [], []>, transpose_lhs_hint = false} : vector<768x8xf32>, vector<8x128xf32>, vector<768x128xf32> -> vector<768x128xf32>
    %add3A_2702 = arith.addf %add3A_2686, %dot_general3A_2701 : vector<768x128xf32>
    %iota3A_2703 = tpu.iota {dimensions = array<i32: 0>} : vector<8x32xi32>
    %iota3A_2704 = tpu.iota {dimensions = array<i32: 1>} : vector<8x32xi32>
    %mul3A_2705 = arith.constant 4 : i32
    %mul3A_2706 = vector.broadcast %mul3A_2705 : i32 to vector<8x32xi32>
    %mul3A_2707 = arith.muli %iota3A_2703, %mul3A_2706 : vector<8x32xi32>
    %add3A_2708 = arith.constant 3 : i32
    %add3A_2709 = vector.broadcast %add3A_2708 : i32 to vector<8x32xi32>
    %add3A_2710 = arith.addi %mul3A_2707, %add3A_2709 : vector<8x32xi32>
    %eq3A_2711 = arith.cmpi eq, %iota3A_2704, %add3A_2710 : vector<8x32xi32>
    %convert_element_type3A_2712 = arith.extui %eq3A_2711 : vector<8x32xi1> to vector<8x32xi32>
    %convert_element_type3A_2713 = arith.sitofp %convert_element_type3A_2712 : vector<8x32xi32> to vector<8x32xf32>
    %dot_general3A_2714 = arith.constant dense<0.000000e+00> : vector<8x128xf32>
    %dot_general3A_2715 = tpu.matmul %convert_element_type3A_2713, %slice3A_2587, %dot_general3A_2714 {dimension_numbers = #tpu.dot_dimension_numbers<[1], [0], [0], [1], [0, 0, 1, 1], [], []>, transpose_lhs_hint = false} : vector<8x32xf32>, vector<32x128xf32>, vector<8x128xf32> -> vector<8x128xf32>
    %dot_general3A_2716 = arith.constant dense<0.000000e+00> : vector<768x128xf32>
    %dot_general3A_2717 = tpu.matmul %reduce_sum3A_2582, %dot_general3A_2715, %dot_general3A_2716 {dimension_numbers = #tpu.dot_dimension_numbers<[1], [0], [0], [1], [0, 0, 1, 1], [], []>, transpose_lhs_hint = false} : vector<768x8xf32>, vector<8x128xf32>, vector<768x128xf32> -> vector<768x128xf32>
    %add3A_2718 = arith.addf %add3A_2702, %dot_general3A_2717 : vector<768x128xf32>
    %iota3A_2719 = tpu.iota {dimensions = array<i32: 1>} : vector<1x194xi32>
    %eq3A_2720 = arith.constant 192 : i32
    %eq3A_2721 = vector.broadcast %eq3A_2720 : i32 to vector<1x194xi32>
    %eq3A_2722 = arith.cmpi eq, %iota3A_2719, %eq3A_2721 : vector<1x194xi32>
    %convert_element_type3A_2723 = arith.extui %eq3A_2722 : vector<1x194xi1> to vector<1x194xi32>
    %convert_element_type3A_2724 = arith.sitofp %convert_element_type3A_2723 : vector<1x194xi32> to vector<1x194xf32>
    %dot_general3A_2725 = arith.constant dense<0.000000e+00> : vector<1x128xf32>
    %dot_general3A_2726 = tpu.matmul %convert_element_type3A_2724, %get3A_2585, %dot_general3A_2725 {dimension_numbers = #tpu.dot_dimension_numbers<[1], [0], [0], [1], [0, 0, 1, 1], [], []>, transpose_lhs_hint = false} : vector<1x194xf32>, vector<194x128xf32>, vector<1x128xf32> -> vector<1x128xf32>
    %mul3A_2727 = vector.broadcast %concatenate3A_1646 : vector<24x1xf32> to vector<24x128xf32>
    %mul3A_2728 = vector.broadcast %dot_general3A_2726 : vector<1x128xf32> to vector<24x128xf32>
    %mul3A_2729 = arith.mulf %mul3A_2727, %mul3A_2728 : vector<24x128xf32>
    %iota3A_2730 = tpu.iota {dimensions = array<i32: 1>} : vector<1x194xi32>
    %eq3A_2731 = arith.constant 193 : i32
    %eq3A_2732 = vector.broadcast %eq3A_2731 : i32 to vector<1x194xi32>
    %eq3A_2733 = arith.cmpi eq, %iota3A_2730, %eq3A_2732 : vector<1x194xi32>
    %convert_element_type3A_2734 = arith.extui %eq3A_2733 : vector<1x194xi1> to vector<1x194xi32>
    %convert_element_type3A_2735 = arith.sitofp %convert_element_type3A_2734 : vector<1x194xi32> to vector<1x194xf32>
    %dot_general3A_2736 = arith.constant dense<0.000000e+00> : vector<1x128xf32>
    %dot_general3A_2737 = tpu.matmul %convert_element_type3A_2735, %get3A_2585, %dot_general3A_2736 {dimension_numbers = #tpu.dot_dimension_numbers<[1], [0], [0], [1], [0, 0, 1, 1], [], []>, transpose_lhs_hint = false} : vector<1x194xf32>, vector<194x128xf32>, vector<1x128xf32> -> vector<1x128xf32>
    %mul3A_2738 = vector.broadcast %concatenate3A_1573 : vector<24x1xf32> to vector<24x128xf32>
    %mul3A_2739 = vector.broadcast %dot_general3A_2737 : vector<1x128xf32> to vector<24x128xf32>
    %mul3A_2740 = arith.mulf %mul3A_2738, %mul3A_2739 : vector<24x128xf32>
    %add3A_2741 = arith.addf %mul3A_2729, %mul3A_2740 : vector<24x128xf32>
    %broadcast_in_dim3A_2742 = vector.shape_cast %add3A_2741 : vector<24x128xf32> to vector<1x24x128xf32>
    %broadcast_in_dim3A_2743 = vector.shape_cast %broadcast_in_dim3A_2742 : vector<1x24x128xf32> to vector<1x24x128xf32>
    %broadcast_in_dim3A_2744 = vector.broadcast %broadcast_in_dim3A_2743 : vector<1x24x128xf32> to vector<32x24x128xf32>
    %reshape3A_2745 = vector.shape_cast %broadcast_in_dim3A_2744 : vector<32x24x128xf32> to vector<768x128xf32>
    %add3A_2746 = arith.addf %add3A_2718, %reshape3A_2745 : vector<768x128xf32>
    %get3A_2747 = arith.constant 0 : index
    %get3A_2748 = vector.load %arg12[%get3A_2747] : memref<128xf32, #tpu.memory_space<vmem>>, vector<128xf32>
    %reshape3A_2749 = vector.shape_cast %get3A_2748 : vector<128xf32> to vector<1x128xf32>
    %add3A_2750 = vector.broadcast %reshape3A_2749 : vector<1x128xf32> to vector<768x128xf32>
    %add3A_2751 = arith.addf %add3A_2746, %add3A_2750 : vector<768x128xf32>
    %tanh3A_2752 = math.tanh %add3A_2751 : vector<768x128xf32>
    %get3A_2753 = arith.constant 0 : index
    %get3A_2754 = arith.constant 0 : index
    %get3A_2755 = vector.load %arg13[%get3A_2753, %get3A_2754] : memref<128x128xf32, #tpu.memory_space<vmem>>, vector<128x128xf32>
    %dot_general3A_2756 = arith.constant dense<0.000000e+00> : vector<768x128xf32>
    %dot_general3A_2757 = tpu.matmul %tanh3A_2752, %get3A_2755, %dot_general3A_2756 {dimension_numbers = #tpu.dot_dimension_numbers<[1], [0], [0], [1], [0, 0, 1, 1], [], []>, transpose_lhs_hint = false} : vector<768x128xf32>, vector<128x128xf32>, vector<768x128xf32> -> vector<768x128xf32>
    %get3A_2758 = arith.constant 0 : index
    %get3A_2759 = vector.load %arg14[%get3A_2758] : memref<128xf32, #tpu.memory_space<vmem>>, vector<128xf32>
    %reshape3A_2760 = vector.shape_cast %get3A_2759 : vector<128xf32> to vector<1x128xf32>
    %add3A_2761 = vector.broadcast %reshape3A_2760 : vector<1x128xf32> to vector<768x128xf32>
    %add3A_2762 = arith.addf %dot_general3A_2757, %add3A_2761 : vector<768x128xf32>
    %tanh3A_2763 = math.tanh %add3A_2762 : vector<768x128xf32>
    %get3A_2764 = arith.constant 0 : index
    %get3A_2765 = arith.constant 0 : index
    %get3A_2766 = vector.load %arg15[%get3A_2764, %get3A_2765] : memref<256x128xf32, #tpu.memory_space<vmem>>, vector<256x128xf32>
    %slice3A_2767 = vector.extract_strided_slice %get3A_2766 {offsets = [0, 0], sizes = [128, 128], strides = [1, 1]} : vector<256x128xf32> to vector<128x128xf32>
    %dot_general3A_2768 = arith.constant dense<0.000000e+00> : vector<768x128xf32>
    %dot_general3A_2769 = tpu.matmul %tanh3A_1766, %slice3A_2767, %dot_general3A_2768 {dimension_numbers = #tpu.dot_dimension_numbers<[1], [0], [0], [1], [0, 0, 1, 1], [], []>, transpose_lhs_hint = false} : vector<768x128xf32>, vector<128x128xf32>, vector<768x128xf32> -> vector<768x128xf32>
    %slice3A_2770 = vector.extract_strided_slice %get3A_2766 {offsets = [128, 0], sizes = [128, 128], strides = [1, 1]} : vector<256x128xf32> to vector<128x128xf32>
    %dot_general3A_2771 = arith.constant dense<0.000000e+00> : vector<768x128xf32>
    %dot_general3A_2772 = tpu.matmul %tanh3A_2763, %slice3A_2770, %dot_general3A_2771 {dimension_numbers = #tpu.dot_dimension_numbers<[1], [0], [0], [1], [0, 0, 1, 1], [], []>, transpose_lhs_hint = false} : vector<768x128xf32>, vector<128x128xf32>, vector<768x128xf32> -> vector<768x128xf32>
    %add3A_2773 = arith.addf %dot_general3A_2769, %dot_general3A_2772 : vector<768x128xf32>
    %get3A_2774 = arith.constant 0 : index
    %get3A_2775 = vector.load %arg16[%get3A_2774] : memref<128xf32, #tpu.memory_space<vmem>>, vector<128xf32>
    %reshape3A_2776 = vector.shape_cast %get3A_2775 : vector<128xf32> to vector<1x128xf32>
    %add3A_2777 = vector.broadcast %reshape3A_2776 : vector<1x128xf32> to vector<768x128xf32>
    %add3A_2778 = arith.addf %add3A_2773, %add3A_2777 : vector<768x128xf32>
    %tanh3A_2779 = math.tanh %add3A_2778 : vector<768x128xf32>
    %get3A_2780 = arith.constant 0 : index
    %get3A_2781 = arith.constant 0 : index
    %get3A_2782 = vector.load %arg17[%get3A_2780, %get3A_2781] : memref<128x128xf32, #tpu.memory_space<vmem>>, vector<128x128xf32>
    %dot_general3A_2783 = arith.constant dense<0.000000e+00> : vector<768x128xf32>
    %dot_general3A_2784 = tpu.matmul %tanh3A_2779, %get3A_2782, %dot_general3A_2783 {dimension_numbers = #tpu.dot_dimension_numbers<[1], [0], [0], [1], [0, 0, 1, 1], [], []>, transpose_lhs_hint = false} : vector<768x128xf32>, vector<128x128xf32>, vector<768x128xf32> -> vector<768x128xf32>
    %get3A_2785 = arith.constant 0 : index
    %get3A_2786 = vector.load %arg18[%get3A_2785] : memref<128xf32, #tpu.memory_space<vmem>>, vector<128xf32>
    %reshape3A_2787 = vector.shape_cast %get3A_2786 : vector<128xf32> to vector<1x128xf32>
    %add3A_2788 = vector.broadcast %reshape3A_2787 : vector<1x128xf32> to vector<768x128xf32>
    %add3A_2789 = arith.addf %dot_general3A_2784, %add3A_2788 : vector<768x128xf32>
    %get3A_2790 = arith.constant 0 : index
    %get3A_2791 = arith.constant 0 : index
    %get3A_2792 = vector.load %arg19[%get3A_2790, %get3A_2791] : memref<194x128xf32, #tpu.memory_space<vmem>>, vector<194x128xf32>
    %slice3A_2793 = vector.extract_strided_slice %get3A_2792 {offsets = [128, 0], sizes = [32, 128], strides = [1, 1]} : vector<194x128xf32> to vector<32x128xf32>
    %slice3A_2794 = vector.extract_strided_slice %get3A_2792 {offsets = [160, 0], sizes = [32, 128], strides = [1, 1]} : vector<194x128xf32> to vector<32x128xf32>
    %slice3A_2795 = vector.extract_strided_slice %get3A_2792 {offsets = [0, 0], sizes = [128, 128], strides = [1, 1]} : vector<194x128xf32> to vector<128x128xf32>
    %dot_general3A_2796 = arith.constant dense<0.000000e+00> : vector<768x128xf32>
    %dot_general3A_2797 = tpu.matmul %add3A_2789, %slice3A_2795, %dot_general3A_2796 {dimension_numbers = #tpu.dot_dimension_numbers<[1], [0], [0], [1], [0, 0, 1, 1], [], []>, transpose_lhs_hint = false} : vector<768x128xf32>, vector<128x128xf32>, vector<768x128xf32> -> vector<768x128xf32>
    %iota3A_2798 = tpu.iota {dimensions = array<i32: 0>} : vector<8x32xi32>
    %iota3A_2799 = tpu.iota {dimensions = array<i32: 1>} : vector<8x32xi32>
    %mul3A_2800 = arith.constant 4 : i32
    %mul3A_2801 = vector.broadcast %mul3A_2800 : i32 to vector<8x32xi32>
    %mul3A_2802 = arith.muli %iota3A_2798, %mul3A_2801 : vector<8x32xi32>
    %add3A_2803 = arith.constant 0 : i32
    %add3A_2804 = vector.broadcast %add3A_2803 : i32 to vector<8x32xi32>
    %add3A_2805 = arith.addi %mul3A_2802, %add3A_2804 : vector<8x32xi32>
    %eq3A_2806 = arith.cmpi eq, %iota3A_2799, %add3A_2805 : vector<8x32xi32>
    %convert_element_type3A_2807 = arith.extui %eq3A_2806 : vector<8x32xi1> to vector<8x32xi32>
    %convert_element_type3A_2808 = arith.sitofp %convert_element_type3A_2807 : vector<8x32xi32> to vector<8x32xf32>
    %dot_general3A_2809 = arith.constant dense<0.000000e+00> : vector<8x128xf32>
    %dot_general3A_2810 = tpu.matmul %convert_element_type3A_2808, %slice3A_2793, %dot_general3A_2809 {dimension_numbers = #tpu.dot_dimension_numbers<[1], [0], [0], [1], [0, 0, 1, 1], [], []>, transpose_lhs_hint = false} : vector<8x32xf32>, vector<32x128xf32>, vector<8x128xf32> -> vector<8x128xf32>
    %dot_general3A_2811 = arith.constant dense<0.000000e+00> : vector<768x128xf32>
    %dot_general3A_2812 = tpu.matmul %reduce_sum3A_2442, %dot_general3A_2810, %dot_general3A_2811 {dimension_numbers = #tpu.dot_dimension_numbers<[1], [0], [0], [1], [0, 0, 1, 1], [], []>, transpose_lhs_hint = false} : vector<768x8xf32>, vector<8x128xf32>, vector<768x128xf32> -> vector<768x128xf32>
    %add3A_2813 = arith.addf %dot_general3A_2797, %dot_general3A_2812 : vector<768x128xf32>
    %iota3A_2814 = tpu.iota {dimensions = array<i32: 0>} : vector<8x32xi32>
    %iota3A_2815 = tpu.iota {dimensions = array<i32: 1>} : vector<8x32xi32>
    %mul3A_2816 = arith.constant 4 : i32
    %mul3A_2817 = vector.broadcast %mul3A_2816 : i32 to vector<8x32xi32>
    %mul3A_2818 = arith.muli %iota3A_2814, %mul3A_2817 : vector<8x32xi32>
    %add3A_2819 = arith.constant 0 : i32
    %add3A_2820 = vector.broadcast %add3A_2819 : i32 to vector<8x32xi32>
    %add3A_2821 = arith.addi %mul3A_2818, %add3A_2820 : vector<8x32xi32>
    %eq3A_2822 = arith.cmpi eq, %iota3A_2815, %add3A_2821 : vector<8x32xi32>
    %convert_element_type3A_2823 = arith.extui %eq3A_2822 : vector<8x32xi1> to vector<8x32xi32>
    %convert_element_type3A_2824 = arith.sitofp %convert_element_type3A_2823 : vector<8x32xi32> to vector<8x32xf32>
    %dot_general3A_2825 = arith.constant dense<0.000000e+00> : vector<8x128xf32>
    %dot_general3A_2826 = tpu.matmul %convert_element_type3A_2824, %slice3A_2794, %dot_general3A_2825 {dimension_numbers = #tpu.dot_dimension_numbers<[1], [0], [0], [1], [0, 0, 1, 1], [], []>, transpose_lhs_hint = false} : vector<8x32xf32>, vector<32x128xf32>, vector<8x128xf32> -> vector<8x128xf32>
    %dot_general3A_2827 = arith.constant dense<0.000000e+00> : vector<768x128xf32>
    %dot_general3A_2828 = tpu.matmul %reduce_sum3A_2522, %dot_general3A_2826, %dot_general3A_2827 {dimension_numbers = #tpu.dot_dimension_numbers<[1], [0], [0], [1], [0, 0, 1, 1], [], []>, transpose_lhs_hint = false} : vector<768x8xf32>, vector<8x128xf32>, vector<768x128xf32> -> vector<768x128xf32>
    %add3A_2829 = arith.addf %add3A_2813, %dot_general3A_2828 : vector<768x128xf32>
    %iota3A_2830 = tpu.iota {dimensions = array<i32: 0>} : vector<8x32xi32>
    %iota3A_2831 = tpu.iota {dimensions = array<i32: 1>} : vector<8x32xi32>
    %mul3A_2832 = arith.constant 4 : i32
    %mul3A_2833 = vector.broadcast %mul3A_2832 : i32 to vector<8x32xi32>
    %mul3A_2834 = arith.muli %iota3A_2830, %mul3A_2833 : vector<8x32xi32>
    %add3A_2835 = arith.constant 1 : i32
    %add3A_2836 = vector.broadcast %add3A_2835 : i32 to vector<8x32xi32>
    %add3A_2837 = arith.addi %mul3A_2834, %add3A_2836 : vector<8x32xi32>
    %eq3A_2838 = arith.cmpi eq, %iota3A_2831, %add3A_2837 : vector<8x32xi32>
    %convert_element_type3A_2839 = arith.extui %eq3A_2838 : vector<8x32xi1> to vector<8x32xi32>
    %convert_element_type3A_2840 = arith.sitofp %convert_element_type3A_2839 : vector<8x32xi32> to vector<8x32xf32>
    %dot_general3A_2841 = arith.constant dense<0.000000e+00> : vector<8x128xf32>
    %dot_general3A_2842 = tpu.matmul %convert_element_type3A_2840, %slice3A_2793, %dot_general3A_2841 {dimension_numbers = #tpu.dot_dimension_numbers<[1], [0], [0], [1], [0, 0, 1, 1], [], []>, transpose_lhs_hint = false} : vector<8x32xf32>, vector<32x128xf32>, vector<8x128xf32> -> vector<8x128xf32>
    %dot_general3A_2843 = arith.constant dense<0.000000e+00> : vector<768x128xf32>
    %dot_general3A_2844 = tpu.matmul %reduce_sum3A_2462, %dot_general3A_2842, %dot_general3A_2843 {dimension_numbers = #tpu.dot_dimension_numbers<[1], [0], [0], [1], [0, 0, 1, 1], [], []>, transpose_lhs_hint = false} : vector<768x8xf32>, vector<8x128xf32>, vector<768x128xf32> -> vector<768x128xf32>
    %add3A_2845 = arith.addf %add3A_2829, %dot_general3A_2844 : vector<768x128xf32>
    %iota3A_2846 = tpu.iota {dimensions = array<i32: 0>} : vector<8x32xi32>
    %iota3A_2847 = tpu.iota {dimensions = array<i32: 1>} : vector<8x32xi32>
    %mul3A_2848 = arith.constant 4 : i32
    %mul3A_2849 = vector.broadcast %mul3A_2848 : i32 to vector<8x32xi32>
    %mul3A_2850 = arith.muli %iota3A_2846, %mul3A_2849 : vector<8x32xi32>
    %add3A_2851 = arith.constant 1 : i32
    %add3A_2852 = vector.broadcast %add3A_2851 : i32 to vector<8x32xi32>
    %add3A_2853 = arith.addi %mul3A_2850, %add3A_2852 : vector<8x32xi32>
    %eq3A_2854 = arith.cmpi eq, %iota3A_2847, %add3A_2853 : vector<8x32xi32>
    %convert_element_type3A_2855 = arith.extui %eq3A_2854 : vector<8x32xi1> to vector<8x32xi32>
    %convert_element_type3A_2856 = arith.sitofp %convert_element_type3A_2855 : vector<8x32xi32> to vector<8x32xf32>
    %dot_general3A_2857 = arith.constant dense<0.000000e+00> : vector<8x128xf32>
    %dot_general3A_2858 = tpu.matmul %convert_element_type3A_2856, %slice3A_2794, %dot_general3A_2857 {dimension_numbers = #tpu.dot_dimension_numbers<[1], [0], [0], [1], [0, 0, 1, 1], [], []>, transpose_lhs_hint = false} : vector<8x32xf32>, vector<32x128xf32>, vector<8x128xf32> -> vector<8x128xf32>
    %dot_general3A_2859 = arith.constant dense<0.000000e+00> : vector<768x128xf32>
    %dot_general3A_2860 = tpu.matmul %reduce_sum3A_2542, %dot_general3A_2858, %dot_general3A_2859 {dimension_numbers = #tpu.dot_dimension_numbers<[1], [0], [0], [1], [0, 0, 1, 1], [], []>, transpose_lhs_hint = false} : vector<768x8xf32>, vector<8x128xf32>, vector<768x128xf32> -> vector<768x128xf32>
    %add3A_2861 = arith.addf %add3A_2845, %dot_general3A_2860 : vector<768x128xf32>
    %iota3A_2862 = tpu.iota {dimensions = array<i32: 0>} : vector<8x32xi32>
    %iota3A_2863 = tpu.iota {dimensions = array<i32: 1>} : vector<8x32xi32>
    %mul3A_2864 = arith.constant 4 : i32
    %mul3A_2865 = vector.broadcast %mul3A_2864 : i32 to vector<8x32xi32>
    %mul3A_2866 = arith.muli %iota3A_2862, %mul3A_2865 : vector<8x32xi32>
    %add3A_2867 = arith.constant 2 : i32
    %add3A_2868 = vector.broadcast %add3A_2867 : i32 to vector<8x32xi32>
    %add3A_2869 = arith.addi %mul3A_2866, %add3A_2868 : vector<8x32xi32>
    %eq3A_2870 = arith.cmpi eq, %iota3A_2863, %add3A_2869 : vector<8x32xi32>
    %convert_element_type3A_2871 = arith.extui %eq3A_2870 : vector<8x32xi1> to vector<8x32xi32>
    %convert_element_type3A_2872 = arith.sitofp %convert_element_type3A_2871 : vector<8x32xi32> to vector<8x32xf32>
    %dot_general3A_2873 = arith.constant dense<0.000000e+00> : vector<8x128xf32>
    %dot_general3A_2874 = tpu.matmul %convert_element_type3A_2872, %slice3A_2793, %dot_general3A_2873 {dimension_numbers = #tpu.dot_dimension_numbers<[1], [0], [0], [1], [0, 0, 1, 1], [], []>, transpose_lhs_hint = false} : vector<8x32xf32>, vector<32x128xf32>, vector<8x128xf32> -> vector<8x128xf32>
    %dot_general3A_2875 = arith.constant dense<0.000000e+00> : vector<768x128xf32>
    %dot_general3A_2876 = tpu.matmul %reduce_sum3A_2482, %dot_general3A_2874, %dot_general3A_2875 {dimension_numbers = #tpu.dot_dimension_numbers<[1], [0], [0], [1], [0, 0, 1, 1], [], []>, transpose_lhs_hint = false} : vector<768x8xf32>, vector<8x128xf32>, vector<768x128xf32> -> vector<768x128xf32>
    %add3A_2877 = arith.addf %add3A_2861, %dot_general3A_2876 : vector<768x128xf32>
    %iota3A_2878 = tpu.iota {dimensions = array<i32: 0>} : vector<8x32xi32>
    %iota3A_2879 = tpu.iota {dimensions = array<i32: 1>} : vector<8x32xi32>
    %mul3A_2880 = arith.constant 4 : i32
    %mul3A_2881 = vector.broadcast %mul3A_2880 : i32 to vector<8x32xi32>
    %mul3A_2882 = arith.muli %iota3A_2878, %mul3A_2881 : vector<8x32xi32>
    %add3A_2883 = arith.constant 2 : i32
    %add3A_2884 = vector.broadcast %add3A_2883 : i32 to vector<8x32xi32>
    %add3A_2885 = arith.addi %mul3A_2882, %add3A_2884 : vector<8x32xi32>
    %eq3A_2886 = arith.cmpi eq, %iota3A_2879, %add3A_2885 : vector<8x32xi32>
    %convert_element_type3A_2887 = arith.extui %eq3A_2886 : vector<8x32xi1> to vector<8x32xi32>
    %convert_element_type3A_2888 = arith.sitofp %convert_element_type3A_2887 : vector<8x32xi32> to vector<8x32xf32>
    %dot_general3A_2889 = arith.constant dense<0.000000e+00> : vector<8x128xf32>
    %dot_general3A_2890 = tpu.matmul %convert_element_type3A_2888, %slice3A_2794, %dot_general3A_2889 {dimension_numbers = #tpu.dot_dimension_numbers<[1], [0], [0], [1], [0, 0, 1, 1], [], []>, transpose_lhs_hint = false} : vector<8x32xf32>, vector<32x128xf32>, vector<8x128xf32> -> vector<8x128xf32>
    %dot_general3A_2891 = arith.constant dense<0.000000e+00> : vector<768x128xf32>
    %dot_general3A_2892 = tpu.matmul %reduce_sum3A_2562, %dot_general3A_2890, %dot_general3A_2891 {dimension_numbers = #tpu.dot_dimension_numbers<[1], [0], [0], [1], [0, 0, 1, 1], [], []>, transpose_lhs_hint = false} : vector<768x8xf32>, vector<8x128xf32>, vector<768x128xf32> -> vector<768x128xf32>
    %add3A_2893 = arith.addf %add3A_2877, %dot_general3A_2892 : vector<768x128xf32>
    %iota3A_2894 = tpu.iota {dimensions = array<i32: 0>} : vector<8x32xi32>
    %iota3A_2895 = tpu.iota {dimensions = array<i32: 1>} : vector<8x32xi32>
    %mul3A_2896 = arith.constant 4 : i32
    %mul3A_2897 = vector.broadcast %mul3A_2896 : i32 to vector<8x32xi32>
    %mul3A_2898 = arith.muli %iota3A_2894, %mul3A_2897 : vector<8x32xi32>
    %add3A_2899 = arith.constant 3 : i32
    %add3A_2900 = vector.broadcast %add3A_2899 : i32 to vector<8x32xi32>
    %add3A_2901 = arith.addi %mul3A_2898, %add3A_2900 : vector<8x32xi32>
    %eq3A_2902 = arith.cmpi eq, %iota3A_2895, %add3A_2901 : vector<8x32xi32>
    %convert_element_type3A_2903 = arith.extui %eq3A_2902 : vector<8x32xi1> to vector<8x32xi32>
    %convert_element_type3A_2904 = arith.sitofp %convert_element_type3A_2903 : vector<8x32xi32> to vector<8x32xf32>
    %dot_general3A_2905 = arith.constant dense<0.000000e+00> : vector<8x128xf32>
    %dot_general3A_2906 = tpu.matmul %convert_element_type3A_2904, %slice3A_2793, %dot_general3A_2905 {dimension_numbers = #tpu.dot_dimension_numbers<[1], [0], [0], [1], [0, 0, 1, 1], [], []>, transpose_lhs_hint = false} : vector<8x32xf32>, vector<32x128xf32>, vector<8x128xf32> -> vector<8x128xf32>
    %dot_general3A_2907 = arith.constant dense<0.000000e+00> : vector<768x128xf32>
    %dot_general3A_2908 = tpu.matmul %reduce_sum3A_2502, %dot_general3A_2906, %dot_general3A_2907 {dimension_numbers = #tpu.dot_dimension_numbers<[1], [0], [0], [1], [0, 0, 1, 1], [], []>, transpose_lhs_hint = false} : vector<768x8xf32>, vector<8x128xf32>, vector<768x128xf32> -> vector<768x128xf32>
    %add3A_2909 = arith.addf %add3A_2893, %dot_general3A_2908 : vector<768x128xf32>
    %iota3A_2910 = tpu.iota {dimensions = array<i32: 0>} : vector<8x32xi32>
    %iota3A_2911 = tpu.iota {dimensions = array<i32: 1>} : vector<8x32xi32>
    %mul3A_2912 = arith.constant 4 : i32
    %mul3A_2913 = vector.broadcast %mul3A_2912 : i32 to vector<8x32xi32>
    %mul3A_2914 = arith.muli %iota3A_2910, %mul3A_2913 : vector<8x32xi32>
    %add3A_2915 = arith.constant 3 : i32
    %add3A_2916 = vector.broadcast %add3A_2915 : i32 to vector<8x32xi32>
    %add3A_2917 = arith.addi %mul3A_2914, %add3A_2916 : vector<8x32xi32>
    %eq3A_2918 = arith.cmpi eq, %iota3A_2911, %add3A_2917 : vector<8x32xi32>
    %convert_element_type3A_2919 = arith.extui %eq3A_2918 : vector<8x32xi1> to vector<8x32xi32>
    %convert_element_type3A_2920 = arith.sitofp %convert_element_type3A_2919 : vector<8x32xi32> to vector<8x32xf32>
    %dot_general3A_2921 = arith.constant dense<0.000000e+00> : vector<8x128xf32>
    %dot_general3A_2922 = tpu.matmul %convert_element_type3A_2920, %slice3A_2794, %dot_general3A_2921 {dimension_numbers = #tpu.dot_dimension_numbers<[1], [0], [0], [1], [0, 0, 1, 1], [], []>, transpose_lhs_hint = false} : vector<8x32xf32>, vector<32x128xf32>, vector<8x128xf32> -> vector<8x128xf32>
    %dot_general3A_2923 = arith.constant dense<0.000000e+00> : vector<768x128xf32>
    %dot_general3A_2924 = tpu.matmul %reduce_sum3A_2582, %dot_general3A_2922, %dot_general3A_2923 {dimension_numbers = #tpu.dot_dimension_numbers<[1], [0], [0], [1], [0, 0, 1, 1], [], []>, transpose_lhs_hint = false} : vector<768x8xf32>, vector<8x128xf32>, vector<768x128xf32> -> vector<768x128xf32>
    %add3A_2925 = arith.addf %add3A_2909, %dot_general3A_2924 : vector<768x128xf32>
    %iota3A_2926 = tpu.iota {dimensions = array<i32: 1>} : vector<1x194xi32>
    %eq3A_2927 = arith.constant 192 : i32
    %eq3A_2928 = vector.broadcast %eq3A_2927 : i32 to vector<1x194xi32>
    %eq3A_2929 = arith.cmpi eq, %iota3A_2926, %eq3A_2928 : vector<1x194xi32>
    %convert_element_type3A_2930 = arith.extui %eq3A_2929 : vector<1x194xi1> to vector<1x194xi32>
    %convert_element_type3A_2931 = arith.sitofp %convert_element_type3A_2930 : vector<1x194xi32> to vector<1x194xf32>
    %dot_general3A_2932 = arith.constant dense<0.000000e+00> : vector<1x128xf32>
    %dot_general3A_2933 = tpu.matmul %convert_element_type3A_2931, %get3A_2792, %dot_general3A_2932 {dimension_numbers = #tpu.dot_dimension_numbers<[1], [0], [0], [1], [0, 0, 1, 1], [], []>, transpose_lhs_hint = false} : vector<1x194xf32>, vector<194x128xf32>, vector<1x128xf32> -> vector<1x128xf32>
    %mul3A_2934 = vector.broadcast %concatenate3A_1646 : vector<24x1xf32> to vector<24x128xf32>
    %mul3A_2935 = vector.broadcast %dot_general3A_2933 : vector<1x128xf32> to vector<24x128xf32>
    %mul3A_2936 = arith.mulf %mul3A_2934, %mul3A_2935 : vector<24x128xf32>
    %iota3A_2937 = tpu.iota {dimensions = array<i32: 1>} : vector<1x194xi32>
    %eq3A_2938 = arith.constant 193 : i32
    %eq3A_2939 = vector.broadcast %eq3A_2938 : i32 to vector<1x194xi32>
    %eq3A_2940 = arith.cmpi eq, %iota3A_2937, %eq3A_2939 : vector<1x194xi32>
    %convert_element_type3A_2941 = arith.extui %eq3A_2940 : vector<1x194xi1> to vector<1x194xi32>
    %convert_element_type3A_2942 = arith.sitofp %convert_element_type3A_2941 : vector<1x194xi32> to vector<1x194xf32>
    %dot_general3A_2943 = arith.constant dense<0.000000e+00> : vector<1x128xf32>
    %dot_general3A_2944 = tpu.matmul %convert_element_type3A_2942, %get3A_2792, %dot_general3A_2943 {dimension_numbers = #tpu.dot_dimension_numbers<[1], [0], [0], [1], [0, 0, 1, 1], [], []>, transpose_lhs_hint = false} : vector<1x194xf32>, vector<194x128xf32>, vector<1x128xf32> -> vector<1x128xf32>
    %mul3A_2945 = vector.broadcast %concatenate3A_1573 : vector<24x1xf32> to vector<24x128xf32>
    %mul3A_2946 = vector.broadcast %dot_general3A_2944 : vector<1x128xf32> to vector<24x128xf32>
    %mul3A_2947 = arith.mulf %mul3A_2945, %mul3A_2946 : vector<24x128xf32>
    %add3A_2948 = arith.addf %mul3A_2936, %mul3A_2947 : vector<24x128xf32>
    %broadcast_in_dim3A_2949 = vector.shape_cast %add3A_2948 : vector<24x128xf32> to vector<1x24x128xf32>
    %broadcast_in_dim3A_2950 = vector.shape_cast %broadcast_in_dim3A_2949 : vector<1x24x128xf32> to vector<1x24x128xf32>
    %broadcast_in_dim3A_2951 = vector.broadcast %broadcast_in_dim3A_2950 : vector<1x24x128xf32> to vector<32x24x128xf32>
    %reshape3A_2952 = vector.shape_cast %broadcast_in_dim3A_2951 : vector<32x24x128xf32> to vector<768x128xf32>
    %add3A_2953 = arith.addf %add3A_2925, %reshape3A_2952 : vector<768x128xf32>
    %get3A_2954 = arith.constant 0 : index
    %get3A_2955 = vector.load %arg20[%get3A_2954] : memref<128xf32, #tpu.memory_space<vmem>>, vector<128xf32>
    %reshape3A_2956 = vector.shape_cast %get3A_2955 : vector<128xf32> to vector<1x128xf32>
    %add3A_2957 = vector.broadcast %reshape3A_2956 : vector<1x128xf32> to vector<768x128xf32>
    %add3A_2958 = arith.addf %add3A_2953, %add3A_2957 : vector<768x128xf32>
    %tanh3A_2959 = math.tanh %add3A_2958 : vector<768x128xf32>
    %get3A_2960 = arith.constant 0 : index
    %get3A_2961 = arith.constant 0 : index
    %get3A_2962 = vector.load %arg21[%get3A_2960, %get3A_2961] : memref<128x128xf32, #tpu.memory_space<vmem>>, vector<128x128xf32>
    %dot_general3A_2963 = arith.constant dense<0.000000e+00> : vector<768x128xf32>
    %dot_general3A_2964 = tpu.matmul %tanh3A_2959, %get3A_2962, %dot_general3A_2963 {dimension_numbers = #tpu.dot_dimension_numbers<[1], [0], [0], [1], [0, 0, 1, 1], [], []>, transpose_lhs_hint = false} : vector<768x128xf32>, vector<128x128xf32>, vector<768x128xf32> -> vector<768x128xf32>
    %get3A_2965 = arith.constant 0 : index
    %get3A_2966 = vector.load %arg22[%get3A_2965] : memref<128xf32, #tpu.memory_space<vmem>>, vector<128xf32>
    %reshape3A_2967 = vector.shape_cast %get3A_2966 : vector<128xf32> to vector<1x128xf32>
    %add3A_2968 = vector.broadcast %reshape3A_2967 : vector<1x128xf32> to vector<768x128xf32>
    %add3A_2969 = arith.addf %dot_general3A_2964, %add3A_2968 : vector<768x128xf32>
    %tanh3A_2970 = math.tanh %add3A_2969 : vector<768x128xf32>
    %get3A_2971 = arith.constant 0 : index
    %get3A_2972 = arith.constant 0 : index
    %get3A_2973 = vector.load %arg23[%get3A_2971, %get3A_2972] : memref<256x128xf32, #tpu.memory_space<vmem>>, vector<256x128xf32>
    %slice3A_2974 = vector.extract_strided_slice %get3A_2973 {offsets = [0, 0], sizes = [128, 128], strides = [1, 1]} : vector<256x128xf32> to vector<128x128xf32>
    %dot_general3A_2975 = arith.constant dense<0.000000e+00> : vector<768x128xf32>
    %dot_general3A_2976 = tpu.matmul %add3A_2789, %slice3A_2974, %dot_general3A_2975 {dimension_numbers = #tpu.dot_dimension_numbers<[1], [0], [0], [1], [0, 0, 1, 1], [], []>, transpose_lhs_hint = false} : vector<768x128xf32>, vector<128x128xf32>, vector<768x128xf32> -> vector<768x128xf32>
    %slice3A_2977 = vector.extract_strided_slice %get3A_2973 {offsets = [128, 0], sizes = [128, 128], strides = [1, 1]} : vector<256x128xf32> to vector<128x128xf32>
    %dot_general3A_2978 = arith.constant dense<0.000000e+00> : vector<768x128xf32>
    %dot_general3A_2979 = tpu.matmul %tanh3A_2970, %slice3A_2977, %dot_general3A_2978 {dimension_numbers = #tpu.dot_dimension_numbers<[1], [0], [0], [1], [0, 0, 1, 1], [], []>, transpose_lhs_hint = false} : vector<768x128xf32>, vector<128x128xf32>, vector<768x128xf32> -> vector<768x128xf32>
    %add3A_2980 = arith.addf %dot_general3A_2976, %dot_general3A_2979 : vector<768x128xf32>
    %get3A_2981 = arith.constant 0 : index
    %get3A_2982 = vector.load %arg24[%get3A_2981] : memref<128xf32, #tpu.memory_space<vmem>>, vector<128xf32>
    %reshape3A_2983 = vector.shape_cast %get3A_2982 : vector<128xf32> to vector<1x128xf32>
    %add3A_2984 = vector.broadcast %reshape3A_2983 : vector<1x128xf32> to vector<768x128xf32>
    %add3A_2985 = arith.addf %add3A_2980, %add3A_2984 : vector<768x128xf32>
    %tanh3A_2986 = math.tanh %add3A_2985 : vector<768x128xf32>
    %get3A_2987 = arith.constant 0 : index
    %get3A_2988 = arith.constant 0 : index
    %get3A_2989 = vector.load %arg25[%get3A_2987, %get3A_2988] : memref<128x128xf32, #tpu.memory_space<vmem>>, vector<128x128xf32>
    %dot_general3A_2990 = arith.constant dense<0.000000e+00> : vector<768x128xf32>
    %dot_general3A_2991 = tpu.matmul %tanh3A_2986, %get3A_2989, %dot_general3A_2990 {dimension_numbers = #tpu.dot_dimension_numbers<[1], [0], [0], [1], [0, 0, 1, 1], [], []>, transpose_lhs_hint = false} : vector<768x128xf32>, vector<128x128xf32>, vector<768x128xf32> -> vector<768x128xf32>
    %get3A_2992 = arith.constant 0 : index
    %get3A_2993 = vector.load %arg26[%get3A_2992] : memref<128xf32, #tpu.memory_space<vmem>>, vector<128xf32>
    %reshape3A_2994 = vector.shape_cast %get3A_2993 : vector<128xf32> to vector<1x128xf32>
    %add3A_2995 = vector.broadcast %reshape3A_2994 : vector<1x128xf32> to vector<768x128xf32>
    %add3A_2996 = arith.addf %dot_general3A_2991, %add3A_2995 : vector<768x128xf32>
    %get3A_2997 = arith.constant 0 : index
    %get3A_2998 = arith.constant 0 : index
    %get3A_2999 = vector.load %arg27[%get3A_2997, %get3A_2998] : memref<128x128xf32, #tpu.memory_space<vmem>>, vector<128x128xf32>
    %dot_general3A_3000 = arith.constant dense<0.000000e+00> : vector<768x128xf32>
    %dot_general3A_3001 = tpu.matmul %add3A_2996, %get3A_2999, %dot_general3A_3000 {dimension_numbers = #tpu.dot_dimension_numbers<[1], [0], [0], [1], [0, 0, 1, 1], [], []>, transpose_lhs_hint = false} : vector<768x128xf32>, vector<128x128xf32>, vector<768x128xf32> -> vector<768x128xf32>
    %get3A_3002 = arith.constant 0 : index
    %get3A_3003 = vector.load %arg28[%get3A_3002] : memref<128xf32, #tpu.memory_space<vmem>>, vector<128xf32>
    %reshape3A_3004 = vector.shape_cast %get3A_3003 : vector<128xf32> to vector<1x128xf32>
    %add3A_3005 = vector.broadcast %reshape3A_3004 : vector<1x128xf32> to vector<768x128xf32>
    %add3A_3006 = arith.addf %dot_general3A_3001, %add3A_3005 : vector<768x128xf32>
    %tanh3A_3007 = math.tanh %add3A_3006 : vector<768x128xf32>
    %get3A_3008 = arith.constant 0 : index
    %get3A_3009 = arith.constant 0 : index
    %get3A_3010 = vector.load %arg29[%get3A_3008, %get3A_3009] : memref<24x128xf32, #tpu.memory_space<vmem>>, vector<24x128xf32>
    %dot_general3A_3011 = arith.constant dense<0.000000e+00> : vector<768x24xf32>
    %dot_general3A_3012 = tpu.matmul %tanh3A_3007, %get3A_3010, %dot_general3A_3011 {dimension_numbers = #tpu.dot_dimension_numbers<[1], [1], [0], [0], [0, 0, 1, 0], [], []>, transpose_lhs_hint = false} : vector<768x128xf32>, vector<24x128xf32>, vector<768x24xf32> -> vector<768x24xf32>
    %get3A_3013 = arith.constant 0 : index
    %get3A_3014 = vector.load %arg30[%get3A_3013] : memref<24xf32, #tpu.memory_space<vmem>>, vector<24xf32>
    %reshape3A_3015 = vector.shape_cast %get3A_3014 : vector<24xf32> to vector<1x24xf32>
    %add3A_3016 = vector.broadcast %reshape3A_3015 : vector<1x24xf32> to vector<768x24xf32>
    %add3A_3017 = arith.addf %dot_general3A_3012, %add3A_3016 : vector<768x24xf32>
    %reshape3A_3018 = vector.shape_cast %add3A_3017 : vector<768x24xf32> to vector<32x1x24x24xf32>
    %swap3A = arith.constant 0 : index
    %swap3A_3019 = arith.constant 0 : index
    %swap3A_3020 = arith.constant 0 : index
    %swap3A_3021 = arith.constant 0 : index
    %swap3A_3022 = vector.load %arg31[%swap3A, %swap3A_3019, %swap3A_3020, %swap3A_3021] : memref<32x1x24x24xf32, #tpu.memory_space<vmem>>, vector<32x1x24x24xf32>
    tpu.vector_store %arg31[%swap3A, %swap3A_3019, %swap3A_3020, %swap3A_3021], %reshape3A_3018 {strides = array<i32>} : memref<32x1x24x24xf32, #tpu.memory_space<vmem>>, vector<32x1x24x24xf32>,
    return
  }
}

</mosaic_0001>

<sc_bundles>
// kernel: kernel.4.cloned.1.call-start
scs
__scs_entry_jumppad:
0x0: {  	(pc) =	sbr.rel $0x88, $3  }
0x1: {  	(tag) =	ssettag $0x0;
	lr =	simm.s32 $0x1  }
0x2: {  	[smem:$0x3F84] =	sst lr;
	_ =	strace $0xD0000000  }
0x3: {  	_ = 	snop  }
0x4: {  	_ = 	snop  }
0x5: {  	_ = 	snop  }
0x6: {  	_ = 	snop  }
0x7: {  	_ = 	snop  }
__scs_overlays_trampoline_lowered:
0x8: {  	[smem:$0x3F93] =	sst s0  }
0x9: {  	[smem:$0x3F94] =	sst s1  }
0xa: {  	[smem:$0x3F95] =	sst s2  }
0xb: {  	[smem:$0x3F96] =	sst s3  }
0xc: {  	[smem:$0x3F97] =	sst s4  }
0xd: {  	[smem:$0x3F98] =	sst s5  }
0xe: {  	[smem:$0x3F99] =	sst s6  }
0xf: {  	[smem:$0x3F9A] =	sst s7  }
0x10: {  	[smem:$0x3F9B] =	sst s8  }
0x11: {  	[smem:$0x3F9C] =	sst s9;
	s0 =	simm.s32 @!p0 $0x0  }
0x12: {  	s1 =	sld [smem:$0x3F82];
	s0 =	simm.s32 @p0 $0x1  }
0x13: {  	[smem:$0x3F9D] =	sst s0;
	s0 =	simm.s32 @!p1 $0x0  }
0x14: {  	s2 =	sld [smem:$0x3F81];
	s0 =	simm.s32 @p1 $0x1  }
0x15: {  	[smem:$0x3F9E] =	sst s0;
	s0 =	simm.s32 @!p2 $0x0  }
0x16: {  	s3 =	sld [smem:$0x3FDB];
	s0 =	simm.s32 @p2 $0x1  }
0x17: {  	s4 =	simm.s32 $0x1BF5;
	[smem:$0x3FA0] =	sst s0  }
0x18: {  	s0 =	sld [smem:$0x3F83];
	_ =	swait.ge [sflag:s4], $0x0  }
0x19: {  	s7 =	sld [smem:$0x3F84]  }
0x1a: {  	s8 =	sadd.s32 $0xFFFFE003, lr  }
0x1b: {  	s9 =	sadd.s32 $0xFFFFFEF7, lr;
	s5 =	simm.s32 $0xFFFFFFFF;
	p2 =	slt.u32 s8, $0xFFFFF086  }
0x1c: {  	p1 =	slt.u32 s9, $0xF7A;
	s5 =	simm.s32 @!p2 $0x0  }
0x1d: {  	s5 =	simm.s32 @p1 $0x1;
	p0 =	seq.s32 s7, s2  }
0x1e: {  	s7 =	smul.u32 @!p0 $0xF7A, s2;
	p2 =	seq.s32 @!p0 s5, $0x0  }
0x1f: {  	s9 =	smul.u32 $0xF7A, s1;
	s8 =	simm.s32 @!p0 $0x1BF5;
	p2 =	por !p2, p0  }
0x20: {  	[sflag:s8] =	ssyncset.s32 @!p0 $0xFFFFF086;
	s6 =	sadd.s32 @!p0 s3, s7;
	s7 =	simm.s32 @!p0 $0x108  }
0x21: {  	s3 =	sadd.s32 s3, s9;
	s6 =	sadd.s32 @!p0 $0x88, s6;
	s7 =	simm.s32 @p2 $0x1082  }
0x22: {  	[simem:s7], [sflag:s8] =	dma.local @!p0 [hbm:s6], $0xF7A  }
0x23: {  	s9 =	sor.u32 $0xD0000000, s2;
	s6 =	simm.s32 $0x108;
	_ =	swait.ge @!p0 [sflag:s8], $0x0  }
0x24: {  	s3 =	sadd.s32 $0x88, s3;
	s6 =	simm.s32 @!p1 $0x1082;
	[sflag:s4] =	ssyncset.s32 $0xFFFFF086  }
0x25: {  	[simem:s6], [sflag:s4] =	dma.local [hbm:s3], $0xF7A  }
0x26: {  	[smem:$0x3F84] =	sst s1;
	(tag) =	ssettag s2;
	_ =	strace s9  }
0x27: {  	s1 =	sld [smem:$0x3F94]  }
0x28: {  	s2 =	sld [smem:$0x3F95]  }
0x29: {  	s4 =	sld [smem:$0x3F97]  }
0x2a: {  	p0 =	seq.s32 s5, $0x0;
	s5 =	sld [smem:$0x3F98]  }
0x2b: {  	s6 =	sld [smem:$0x3F99]  }
0x2c: {  	s7 =	sld [smem:$0x3F9A]  }
0x2d: {  	s3 =	simm.s32 $0x108;
	s8 =	sld [smem:$0x3F9B]  }
0x2e: {  	s3 =	simm.s32 @!p0 $0x1082;
	s9 =	sld [smem:$0x3F9C]  }
0x2f: {  	lr =	sadd.s32 s0, s3;
	s0 =	sld [smem:$0x3F93]  }
0x30: {  	s3 =	sld [smem:$0x3F96]  }
0x31: {  	[smem:$0x3F9F] =	sst s10  }
0x32: {  	s10 =	sld [smem:$0x3F9D];
	_ =	sdelay $0x3  }
0x33: {  	p0 =	seq.s32 s10, $0x1;
	s10 =	sld [smem:$0x3F9F];
	_ =	sdelay $0x3  }
0x34: {  	[smem:$0x3F9F] =	sst s10  }
0x35: {  	s10 =	sld [smem:$0x3F9E];
	_ =	sdelay $0x3  }
0x36: {  	p1 =	seq.s32 s10, $0x1;
	s10 =	sld [smem:$0x3F9F];
	_ =	sdelay $0x3  }
0x37: {  	[smem:$0x3F9F] =	sst s10  }
0x38: {  	s10 =	sld [smem:$0x3FA0]  }
0x39: {  	_ = 	snop;
	(pc) =	sbr.ind lr, $3  }
0x3a: {  	_ = 	snop  }
0x3b: {  	_ = 	snop  }
0x3c: {  	p2 =	seq.s32 s10, $0x1;
	s10 =	sld [smem:$0x3F9F]  }
0x3d: {  	_ =	shalt  }
0x3e: {  	_ =	shalt  }
0x3f: {  	_ =	shalt  }
0x40: {  	_ =	shalt  }
0x41: {  	_ =	shalt  }
0x42: {  	_ =	shalt  }
0x43: {  	_ =	shalt  }
0x44: {  	_ =	shalt  }
0x45: {  	_ =	shalt  }
0x46: {  	_ =	shalt  }
0x47: {  	_ =	shalt  }
0x48: {  	_ =	shalt  }
0x49: {  	_ =	shalt  }
0x4a: {  	_ =	shalt  }
0x4b: {  	_ =	shalt  }
0x4c: {  	_ =	shalt  }
0x4d: {  	_ =	shalt  }
0x4e: {  	_ =	shalt  }
0x4f: {  	_ =	shalt  }
0x50: {  	_ =	shalt  }
0x51: {  	_ =	shalt  }
0x52: {  	_ =	shalt  }
0x53: {  	_ =	shalt  }
0x54: {  	_ =	shalt  }
0x55: {  	_ =	shalt  }
0x56: {  	_ =	shalt  }
0x57: {  	_ =	shalt  }
0x58: {  	_ =	shalt  }
0x59: {  	_ =	shalt  }
0x5a: {  	_ =	shalt  }
0x5b: {  	_ =	shalt  }
0x5c: {  	_ =	shalt  }
0x5d: {  	_ =	shalt  }
0x5e: {  	_ =	shalt  }
0x5f: {  	_ =	shalt  }
0x60: {  	_ =	shalt  }
0x61: {  	_ =	shalt  }
0x62: {  	_ =	shalt  }
0x63: {  	_ =	shalt  }
0x64: {  	_ =	shalt  }
0x65: {  	_ =	shalt  }
0x66: {  	_ =	shalt  }
0x67: {  	_ =	shalt  }
0x68: {  	_ =	shalt  }
0x69: {  	_ =	shalt  }
0x6a: {  	_ =	shalt  }
0x6b: {  	_ =	shalt  }
0x6c: {  	_ =	shalt  }
0x6d: {  	_ =	shalt  }
0x6e: {  	_ =	shalt  }
0x6f: {  	_ =	shalt  }
0x70: {  	_ =	shalt  }
0x71: {  	_ =	shalt  }
0x72: {  	_ =	shalt  }
0x73: {  	_ =	shalt  }
0x74: {  	_ =	shalt  }
0x75: {  	_ =	shalt  }
0x76: {  	_ =	shalt  }
0x77: {  	_ =	shalt  }
0x78: {  	_ =	shalt  }
0x79: {  	_ =	shalt  }
0x7a: {  	_ =	shalt  }
0x7b: {  	_ =	shalt  }
0x7c: {  	_ =	shalt  }
0x7d: {  	_ =	shalt  }
0x7e: {  	_ =	shalt  }
0x7f: {  	_ =	shalt  }
0x80: {  	_ =	shalt  }
0x81: {  	_ =	shalt  }
0x82: {  	_ =	shalt  }
0x83: {  	_ =	shalt  }
0x84: {  	_ =	shalt  }
0x85: {  	_ =	shalt  }
0x86: {  	_ =	shalt  }
0x87: {  	_ =	shalt  }
.Lfunc_end0:
.L_simem_size_0:
called_computation_lowered:
.L_overlay_start_0:
0x88: {  	s2 =	sld [smem:$0x3FD9]  }
0x89: {  	s3 =	sld [smem:$0x3FFE];
	_ =	sdelay $0x1  }
0x8a: {  	s1 =	srdreg.scid  }
0x8b: {  	s0 =	sand.u32 $0x1, s1  }
0x8c: {  	s17 =	sshll.u32 s0, $0xA;
	s2 =	sadd.s32 s3, s2  }
0x8d: {  	s2 =	sadd.s32 s2, s17  }
0x8e: {  	[smem:$0x3FAB] =	sst s2  }
0x8f: {  	_ = 	snop  }
0x90: {  	s2 =	sld [smem:$0x3FD0];
	(tm) =	ssettm $0x1  }
0x91: {  	s18 =	sld [smem:$0x3FFB];
	_ =	sdelay $0x3  }
0x92: {  	_ =	strace s18  }
0x93: {  	s3 =	sld [smem:$0x3FFC];
	_ =	sdelay $0x3  }
0x94: {  	_ =	strace s3  }
0x95: {  	s3 =	sld [smem:$0x3FFD];
	_ =	sdelay $0x3  }
0x96: {  	_ =	strace s3  }
0x97: {  	_ =	strace $0x8FFFFFFF  }
0x98: {  	s19 =	sld [smem:$0x3FDB];
	_ =	sdelay $0x1  }
0x99: {  	s4 =	simm.s32 $_scs_section_size  }
0x9a: {  	s5 =	simm.s32 $_size__tile_overlayer_lowered;
	s6 =	simm.s32 $_tile_overlayer_lowered  }
0x9b: {  	s22 =	simm.s32 $0x1BFF;
	s21 =	sshll.u32 s6, $0x1;
	s3 =	sadd.s32 s4, s19  }
0x9c: {  	s7 =	simm.s32 $0x0;
	s20 =	sshll.u32 s5, $0x1;
	s5 =	sadd.s32 s21, s3  }
0x9d: {  	[timem:s7], [sflag:s22] =	dma.local [hbm:s5], s20  }
0x9e: {  	_ =	swait.ge [sflag:s22], s20  }
0x9f: {  	s4 =	ssub.s32 $0x0, s20;
	[sflag:s22] =	ssyncset.done $0x0  }
0xa0: {  	[sflag:s22] =	ssyncadd.s32 s4;
	_ =	sdelay $0x1  }
0xa1: {  	s23 =	simm.s32 $0x1B8B  }
0xa2: {  	_ =	swait.ge [sflag:s23], $0x1  }
0xa3: {  	[sflag:s23] =	ssyncset.done $0x0  }
0xa4: {  	s25 =	simm.s32 $0x1B8E;
	s24 =	sld [smem:$0x3FFE];
	[sflag:s23] =	ssyncadd.s32 $0xFFFFFFFF  }
0xa5: {  	s26 =	simm.s32 $execute0_lowered;
	[smem:$0x3FD2] =	sst s25  }
0xa6: {  	s5 =	sshll.u32 s26, $0x1;
	_ =	strace $0x80000046;
	[dreg:$0x1] =	wrdreg $0xFFFFFFFF  }
0xa7: {  	s28 =	simm.s32 $_size_execute0_lowered;
	s3 =	sadd.s32 s3, s5;
	[dreg:$0x0] =	wrdreg $0x0  }
0xa8: {  	s5 =	sshll.u32 s28, $0x1;
	[dreg:$0x2] =	wrdreg s3  }
0xa9: {  	[dreg:$0x3] =	wrdreg s5  }
0xaa: {  	[dreg:$0x4] =	wrdreg $0xC0  }
0xab: {  	_ =	task [dreg:s7], $0x5FFFF  }
0xac: {  	[dreg:$0x1] =	wrdreg $0xFFFFFFFF  }
0xad: {  	[dreg:$0x0] =	wrdreg $0x60  }
0xae: {  	[dreg:$0x2] =	wrdreg s2  }
0xaf: {  	[dreg:$0x3] =	wrdreg s24  }
0xb0: {  	[dreg:$0x4] =	wrdreg $0x9  }
0xb1: {  	_ =	task.clear_ibuf [dreg:s7], $0x5FFFF;
	_ =	strace $0x90000046  }
0xb2: {  	s29 =	simm.s32 $0x9;
	_ =	strace $0x80000048  }
0xb3: {  	_ =	swait.ge [sflag:s29], $0x1  }
0xb4: {  	[sflag:s29] =	ssyncadd.s32 $0xFFFFFFFF  }
0xb5: {  	_ =	strace $0x90000048  }
0xb6: {  	_ =	sfence  }
0xb7: {  	s30 =	sld [smem:$0x0];
	_ =	sdelay $0x2  }
0xb8: {  	s31 =	sshll.u32 s1, $0xD;
	s1 =	sshrl.u32 s1, $0x2  }
0xb9: {  	s3 =	sand.u32 $0x4000, s31;
	s1 =	sadd.s32 s1, s30  }
0xba: {  	s0 =	sor.u32 s3, s0;
	s1 =	sshll.u32 s1, $0x11  }
0xbb: {  	s0 =	sor.u32 s1, s0  }
0xbc: {  	s0 =	sadd.s32 $0x8F2B, s0  }
0xbd: {  	[sflag:s0] =	ssyncadd.remote.s32 $0x1  }
0xbe: {  	_ =	sfence.sel $0xFFFF  }
0xbf: {  	[dreg:$0x0] =	wrdreg $0xFFFFFFFF;
	(pc) =	sbr.abs _section_cstart, $3  }
0xc0: {  	[dreg:$0x1] =	wrdreg $0xFFFFFFFF  }
0xc1: {  	_ =	task.clear_ibuf [dreg:s7], $0x2FFFF;
	_ =	strace $0x9FFFFFFF  }
0xc2: {  	(tm) =	ssettm $0x7FFFFFFF  }
0xc3: {  	_ =	shalt  }
tec
execute0_lowered:
.L_overlay_start_1:
0x0: {  	(tag) =	ssettag $0x1  }
0x1: {  	s1 =	stileid.u32  }
0x2: {  	p0 =	sgt.u32 s1, $0xB  }
.Ltmp0:
0x3: {  	_ = 	snop;
	(pc) =	sbr.rel @p0 .LBB2_5-.Ltmp0, $4  }
0x4: {  	s2 =	rddreg [dreg:$0x0]  }
0x5: {  	s6 =	rddreg [dreg:$0x1];
	s3 =	simm.s32 $0x0  }
0x6: {  	[smem:$0x7FF] =	sst s3  }
0x7: {  	s0 =	rddreg [dreg:$0x2];
	_ =	strace $0x80000047  }
0x8: {  	s4 =	srdreg.scid;
	s8 =	sshll.u32 s1, $0x2  }
0x9: {  	s5 =	sadd.s32 $0x400, s6;
	s12 =	simm.s32 $0x2400;
	s7 =	sand.u32 $0x1, s4  }
0xa: {  	s13 =	simm.s32 $0x2480;
	s15 =	simm.s32 $0x2580;
	s9 =	sshll.u32 s7, $0x1  }
0xb: {  	s16 =	simm.s32 $0x0;
	s31 =	ssub.s32 $0x2, s7;
	s11 =	sor.u32 s9, s8  }
0xc: {  	s4 =	sadd.s32 $0x600, s6;
	s10 =	sshrl.u32 s31, $0x1;
	s9 =	sadd.s32 s11, s6  }
0xd: {  	s14 =	sor.u32 $0x1, s11;
	s10 =	ssub.s32 s31, s10;
	v0 =	vmov s11;
	s11 =	simm.s32 $0x1200  }
0xe: {  	s6 =	sadd.s32 $0xA00, s9;
	s7 =	sadd.s32 $0xC00, s9;
	s8 =	sadd.s32 $0xE00, s9  }
0xf: {  	v2 =	vlaneseq.u32;
	s9 =	smax.u32 s10, $0x1;
	s10 =	simm.s32 $0x1;
	v0 =	vbroadcast v0, $0x0;
	v1 =	vmov s14;
	s14 =	simm.s32 $0x2500  }
.LBB2_2:
0x10: {  	[tilespmem:s3], [sflag:$0x1] =	stream.linear.gather [hbm4b:s2+s3], $0x1200, $0x38;
	[tilespmem:$0x2600] =	vst v63  }
0x11: {  	_ =	swait.ge [sflag:s10], $0x1200  }
0x12: {  	[sflag:s10] =	ssyncset.done $0x0  }
0x13: {  	[sflag:s10] =	ssyncadd.s32 $0xFFFFEE00  }
0x14: {  	[tilespmem:s11], [sflag:$0x1] =	stream.linear.gather [hbm4b:s4+s3], $0x1200, $0x38;
	[tilespmem:$0x2600] =	vst v63  }
0x15: {  	_ =	swait.ge [sflag:s10], $0x1200  }
0x16: {  	[sflag:s10] =	ssyncset.done $0x0  }
0x17: {  	[sflag:s10] =	ssyncadd.s32 $0xFFFFEE00  }
0x18: {  	[tilespmem:s12], [sflag:$0x1] =	stream.linear.gather [hbm4b:s5+s3], $0x80, $0x38;
	[tilespmem:$0x2600] =	vst v63  }
0x19: {  	_ =	swait.ge [sflag:s10], $0x80  }
0x1a: {  	[sflag:s10] =	ssyncset.done $0x0  }
0x1b: {  	[sflag:s10] =	ssyncadd.s32 $0xFFFFFF80  }
0x1c: {  	v4 =	vld.idx.msk [tilespmem:v0+s12+$0x0], $0xffff  }
0x1d: {  	s17 =	simm.s32 $0x20;
	v3 =	vld.idx.msk [tilespmem:v1+s12+$0x0], $0xffff  }
0x1e: {  	v6 =	vld [tilespmem:s17+$0x0]  }
0x1f: {  	s18 =	simm.s32 $0x1220;
	v5 =	vld [tilespmem:s17+$0xFFFFFFE0]  }
0x20: {  	v7 =	vld [tilespmem:s18+$0xFFFFFFE0]  }
0x21: {  	v8 =	vld [tilespmem:s17+$0xFFFFFFF0]  }
0x22: {  	v9 =	vld [tilespmem:s18+$0xFFFFFFF0]  }
0x23: {  	v10 =	vld [tilespmem:s18+$0x0]  }
0x24: {  	v11 =	vld [tilespmem:s17+$0x10]  }
0x25: {  	v13 =	vimm.f32 $1.000000020e+30;
	s31 =	simm.s32 $0x0;
	v14 =	vld [tilespmem:s18+$0x10];
	v12 =	vsub.f32 v5, v4;
	v7 =	vsub.f32 v7, v3  }
0x26: {  	v16 =	vimm.s32 $0x0;
	v17 =	vor.u32 s31, v2;
	v8 =	vsub.f32 v8, v4  }
0x27: {  	s30 =	simm.s32 $0x10;
	v9 =	vsub.f32 v9, v3;
	v12 =	vmul.f32 v12, v12;
	v7 =	vmul.f32 v7, v7  }
0x28: {  	v5 =	vor.u32 s30, v2;
	v15 =	vsub.f32 v6, v4;
	v18 =	vsub.f32 v10, v3  }
0x29: {  	s19 =	simm.s32 $0x60;
	v8 =	vmul.f32 v8, v8;
	v9 =	vmul.f32 v9, v9;
	v19 =	vadd.f32 v7, v12  }
0x2a: {  	v6 =	vld [tilespmem:s19+$0x0];
	v20 =	vsub.f32 v11, v4;
	v11 =	vsub.f32 v14, v3;
	v10 =	vmul.f32 v15, v15  }
0x2b: {  	s20 =	simm.s32 $0x1260;
	v14 =	vmul.f32 v18, v18;
	v7 =	vld [tilespmem:s19+$0xFFFFFFE0];
	v12 =	vadd.f32 v9, v8;
	vm0 =	vlt.f32 v19, v13  }
0x2c: {  	s21 =	simm.s32 $0xB0;
	s18 =	simm.s32 $0x30;
	s17 =	simm.s32 $0x70;
	v9 =	vld [tilespmem:s20+$0xFFFFFFE0];
	v15 =	vsel vm0, v19, v13;
	v8 =	vsel vm0, v17, v16;
	v13 =	vmul.f32 v20, v20  }
.LBB2_3:
0x2d: {  	p0 =	sne.s32 s21, $0x11F0;
	v16 =	vld [tilespmem:s19+$0xFFFFFFF0];
	vm0 =	vlt.f32 v12, v15;
	v10 =	vadd.f32 v14, v10;
	v11 =	vmul.f32 v11, v11  }
0x2e: {  	s22 =	sadd.s32 $0xFFFFFFF0, s18;
	v14 =	vld [tilespmem:s20+$0xFFFFFFF0];
	v12 =	vsel vm0, v12, v15;
	v8 =	vsel vm0, v5, v8;
	v15 =	vor.u32 s18, v2;
	s18 =	smov.u32 s17;
	s17 =	smov.u32 s21  }
0x2f: {  	v18 =	vor.u32 s22, v2;
	s23 =	sadd.s32 $0xFFFFFFE0, s18;
	v17 =	vld [tilespmem:s20+$0x0];
	vm0 =	vlt.f32 v10, v12;
	v11 =	vadd.f32 v11, v13  }
0x30: {  	v5 =	vor.u32 s23, v2;
	v13 =	vld [tilespmem:s19+$0x10];
	v10 =	vsel vm0, v10, v12;
	v8 =	vsel vm0, v18, v8  }
0x31: {  	v7 =	vsub.f32 v7, v4;
	v9 =	vsub.f32 v9, v3;
	v12 =	vld [tilespmem:s20+$0x10];
	vm0 =	vlt.f32 v11, v10  }
0x32: {  	v16 =	vsub.f32 v16, v4;
	v18 =	vsel vm0, v11, v10;
	v8 =	vsel vm0, v15, v8  }
0x33: {  	s22 =	sadd.s32 $0xFFFFFFD0, s18;
	v7 =	vmul.f32 v7, v7;
	v9 =	vmul.f32 v9, v9;
	v10 =	vsub.f32 v14, v3  }
.Ltmp1:
0x34: {  	v19 =	vor.u32 s22, v2;
	v11 =	vsub.f32 v6, v4;
	v14 =	vsub.f32 v17, v3;
	(pc) =	sbr.rel @p0 .LBB2_3-.Ltmp1, $4  }
0x35: {  	s19 =	sadd.s32 $0x40, s19;
	v15 =	vadd.f32 v9, v7;
	v9 =	vmul.f32 v16, v16;
	v16 =	vmul.f32 v10, v10  }
0x36: {  	v10 =	vmul.f32 v11, v11;
	v13 =	vsub.f32 v13, v4;
	v6 =	vld [tilespmem:s19+$0x0];
	v11 =	vsub.f32 v12, v3  }
0x37: {  	s20 =	sadd.s32 $0x40, s20;
	v14 =	vmul.f32 v14, v14;
	v7 =	vld [tilespmem:s19+$0xFFFFFFE0];
	vm0 =	vlt.f32 v15, v18;
	v12 =	vadd.f32 v16, v9  }
0x38: {  	s21 =	sadd.s32 $0x40, s21;
	v13 =	vmul.f32 v13, v13;
	v9 =	vld [tilespmem:s20+$0xFFFFFFE0];
	v15 =	vsel vm0, v15, v18;
	v8 =	vsel vm0, v19, v8  }
0x39: {  	v16 =	vld [tilespmem:s19+$0xFFFFFFF0]  }
0x3a: {  	v11 =	vmul.f32 v11, v11;
	v45 =	vld [tilespmem:s20+$0xFFFFFFF0]  }
0x3b: {  	vm0 =	vlt.f32 v12, v15;
	v10 =	vadd.f32 v14, v10;
	v46 =	vld [tilespmem:s20+$0x0]  }
0x3c: {  	v47 =	vld [tilespmem:s19+$0x10];
	v12 =	vsel vm0, v12, v15;
	v11 =	vadd.f32 v11, v13  }
0x3d: {  	v48 =	vld [tilespmem:s20+$0x10];
	vm1 =	vlt.f32 v10, v12;
	v7 =	vsub.f32 v7, v4;
	v9 =	vsub.f32 v9, v3  }
0x3e: {  	v6 =	vsub.f32 v6, v4;
	v10 =	vsel vm1, v10, v12;
	v16 =	vsub.f32 v16, v4  }
0x3f: {  	v7 =	vmul.f32 v7, v7;
	v14 =	vsub.f32 v45, v3;
	v9 =	vmul.f32 v9, v9  }
0x40: {  	vm2 =	vlt.f32 v11, v10;
	v6 =	vmul.f32 v6, v6;
	v49 =	vsub.f32 v46, v3  }
0x41: {  	v50 =	vmul.f32 v16, v16;
	v14 =	vmul.f32 v14, v14;
	v7 =	vadd.f32 v9, v7  }
0x42: {  	v10 =	vsel vm2, v11, v10;
	v13 =	vsub.f32 v47, v4;
	v12 =	vsub.f32 v48, v3  }
0x43: {  	v11 =	vmul.f32 v49, v49;
	v9 =	vadd.f32 v14, v50;
	vm3 =	vlt.f32 v7, v10  }
0x44: {  	v51 =	vmul.f32 v13, v13;
	v7 =	vsel vm3, v7, v10  }
0x45: {  	v52 =	vmul.f32 v12, v12;
	v6 =	vadd.f32 v11, v6;
	vm4 =	vlt.f32 v9, v7  }
0x46: {  	v7 =	vsel vm4, v9, v7  }
0x47: {  	v53 =	vadd.f32 v52, v51;
	vm5 =	vlt.f32 v6, v7  }
0x48: {  	v6 =	vsel vm5, v6, v7  }
0x49: {  	vm6 =	vlt.f32 v53, v6  }
0x4a: {  	v6 =	vsel vm6, v53, v6  }
0x4b: {  	(xrf0) =	vmin.scan.msk.f32 $0xffff, v6  }
0x4c: {  	s26 =	sadd.s32 $0xFFFFFFF0, s18  }
0x4d: {  	v5 =	vsel vm0, v5, v8;
	v54 =	vor.u32 s26, v2  }
0x4e: {  	v55 =	vor.u32 s18, v2;
	s28 =	sadd.s32 $0xFFFFFFD0, s17;
	v5 =	vsel vm1, v54, v5  }
0x4f: {  	s29 =	sadd.s32 $0xFFFFFFE0, s17;
	v56 =	vor.u32 s28, v2;
	v5 =	vsel vm2, v55, v5  }
0x50: {  	s30 =	sadd.s32 $0xFFFFFFF0, s17;
	v57 =	vor.u32 s29, v2;
	v5 =	vsel vm3, v56, v5  }
0x51: {  	v58 =	vor.u32 s30, v2;
	v5 =	vsel vm4, v57, v5;
	v59, _, _ =	vpop (xrf0)  }
0x52: {  	v60 =	vor.u32 s17, v2;
	v5 =	vsel vm5, v58, v5;
	v8 =	vbroadcast v59, $0xF  }
0x53: {  	v5 =	vsel vm6, v60, v5  }
0x54: {  	v5 =	vxor.u32 $0x80000000, v5;
	vm15 =	veq.f32 v6, v8  }
0x55: {  	v5 =	vnsel vm15, $0xC0000000, v5  }
0x56: {  	(xrf0) =	vmin.scan.msk.u32 $0xffff, v5;
	_ =	sdelay $0x5  }
0x57: {  	v5, _, _ =	vpop (xrf0)  }
0x58: {  	(v2sf) =	vpush v5, $0xF;
	_ =	sdelay $0xe  }
0x59: {  	s31 =	spop (v2sf)  }
0x5a: {  	s17 =	sxor.u32 $0x80000000, s31  }
0x5b: {  	v61 =	vmov s17;
	_ =	sdelay $0x3  }
0x5c: {  	[tilespmem:$0x2480] =	vst v61  }
0x5d: {  	v62 =	vld.idx.msk [tilespmem:v61+s3+$0x0], $0xffff;
	_ =	sdelay $0x4  }
0x5e: {  	v63 =	vsub.f32 v62, v4;
	_ =	sdelay $0x1  }
0x5f: {  	[tilespmem:$0x2500] =	vst v63  }
0x60: {  	v4 =	vld.idx.msk [tilespmem:v61+s11+$0x0], $0xffff;
	_ =	sdelay $0x4  }
0x61: {  	v3 =	vsub.f32 v4, v3;
	_ =	sdelay $0x1  }
0x62: {  	[tilespmem:$0x2580] =	vst v3  }
0x63: {  	[hbm4b:s6+s3] =	stream.linear.scatter [tilespmem:s13], [sflag:$0x1], $0x10, $0x38;
	[tilespmem:$0x2600] =	vst v63  }
0x64: {  	_ =	swait.ge [sflag:s10], $0x10  }
0x65: {  	[sflag:s10] =	ssyncset.done $0x0  }
0x66: {  	[sflag:s10] =	ssyncadd.s32 $0xFFFFFFF0  }
0x67: {  	[hbm4b:s7+s3] =	stream.linear.scatter [tilespmem:s14], [sflag:$0x1], $0x10, $0x38;
	[tilespmem:$0x2600] =	vst v63  }
0x68: {  	s16 =	sadd.s32 $0x1, s16;
	_ =	swait.ge [sflag:s10], $0x10  }
0x69: {  	p0 =	sne.s32 s16, s9;
	[sflag:s10] =	ssyncset.done $0x0  }
.Ltmp2:
0x6a: {  	[sflag:s10] =	ssyncadd.s32 $0xFFFFFFF0;
	(pc) =	sbr.rel @p0 .LBB2_2-.Ltmp2, $4  }
0x6b: {  	[hbm4b:s8+s3] =	stream.linear.scatter [tilespmem:s15], [sflag:$0x1], $0x10, $0x38;
	[tilespmem:$0x2600] =	vst v63  }
0x6c: {  	_ =	swait.ge [sflag:s10], $0x10  }
0x6d: {  	[sflag:s10] =	ssyncset.done $0x0  }
0x6e: {  	[sflag:s10] =	ssyncadd.s32 $0xFFFFFFF0  }
.LBB2_5:
0x6f: {  	_ =	sfence.sel $0x180000  }
0x70: {  	[bflag:$0x0] =	sbarrier.arrive $0xFFFF  }
0x71: {  	p0 =	sne.s32 s1, $0x0;
	_ =	strace $0x90000047  }
0x72: {  	s0 =	sadd.s32 @!p0 $0x100000, s0;
	[bflag:$0x2] =	sbarrier.arrive $0xFFFF  }
0x73: {  	[sflag:s0] =	ssyncadd.tile.s32 @!p0 $0x1;
	_ =	shalt  }
.Lfunc_end2:
_tile_overlayer_lowered:
.L_overlay_start_2:
0x74: {  	(tag) =	ssettag $0x2  }
0x75: {  	s0 =	rddreg [dreg:$0x0];
	s2 =	stileid.u32  }
0x76: {  	s1 =	rddreg [dreg:$0x1];
	p0 =	sne.s32 s2, $0x0  }
0x77: {  	s3 =	rddreg [dreg:$0x2];
	[bflag:$0x3] =	sbarrier.arrive $0xFFFF;
	s2 =	simm.s32 @!p0 $0x1C01  }
0x78: {  	[timem:s3], [sflag:s2] =	dma.local @!p0 [hbm:s0], s1  }
0x79: {  	s0 =	simm.s32 @!p0 $0x1  }
0x7a: {  	_ =	swait.ge @!p0 [sflag:s0], s1  }
0x7b: {  	s1 =	ssub.s32 @!p0 $0x0, s1;
	[sflag:s0] =	ssyncset.done @!p0 $0x0  }
0x7c: {  	[sflag:s0] =	ssyncadd.s32 @!p0 s1  }
0x7d: {  	[bflag:$0x3] =	sbarrier.arrive $0xFFFF  }
0x7e: {  	_ =	shalt  }

</sc_bundles>
